<compile_context>
chip_gen: v7x
topology: tpu7x:2x2x1
jax: 0.10.2.dev20260603
libtpu: 0.0.44.dev20260713+nightly
codegen_flags: <defaults>
</compile_context>

<pallas_src>
import functools

import jax
import jax.numpy as jnp
from jax import lax
from jax.experimental import pallas as pl
from jax.experimental.pallas import tpu as pltpu
from jax.experimental.pallas import tpu_sc as plsc

N = 10000
E = 320000
D = 128

NC = 2
NS = 16
NW = NC * NS
EW = E // NW
C = 80
NCH = EW // C
NB = 25
NBLK = NCH // NB
RPT = 624
TAIL0 = NS * RPT
TAILN = N - TAIL0

_f32 = jnp.float32


def _sc_agg_body(with_cnt, *refs):
    (h_hbm, src_hbm, dst_hbm, znd_hbm, zn_hbm, acc_hbm, cnt_hbm,
     sidx, didx, rows0, rows1, rows2, ones_v, acc, cnt,
     gs0, gs1, gs2, ss0, ss1, ss2) = refs
    rows = (rows0, rows1, rows2)
    gs = (gs0, gs1, gs2)
    ss = (ss0, ss1, ss2)
    c = lax.axis_index("c")
    s = lax.axis_index("s")
    w = c * NS + s
    r0 = s * RPT

    pltpu.sync_copy(src_hbm.at[w, 0], sidx)
    pltpu.sync_copy(dst_hbm.at[w, 0], didx)
    pltpu.async_copy(h_hbm.at[sidx.at[0]], rows0, gs0)
    pltpu.async_copy(h_hbm.at[sidx.at[1]], rows1, gs1)

    pltpu.sync_copy(znd_hbm.at[pl.ds(r0, RPT)], acc.at[pl.ds(r0, RPT)])

    @pl.when(s == NS - 1)
    def _():
        pltpu.sync_copy(znd_hbm.at[pl.ds(TAIL0, TAILN)],
                        acc.at[pl.ds(TAIL0, TAILN)])

    if with_cnt:
        @pl.when(s == 0)
        def _():
            pltpu.sync_copy(zn_hbm, cnt)

        for k in range(C // 16):
            ones_v[pl.ds(k * 16, 16)] = jnp.ones((16,), _f32)

    plsc.subcore_barrier()

    def wait_scat(rowbuf, sem):
        pltpu.make_async_copy(h_hbm.at[sidx.at[0]], rowbuf, sem).wait()
        if with_cnt:
            pltpu.make_async_copy(zn_hbm.at[sidx.at[0]], ones_v, sem).wait()

    def chunk(m, buf, first):
        pltpu.make_async_copy(h_hbm.at[sidx.at[m]], rows[buf], gs[buf]).wait()
        pltpu.async_copy(rows[buf], acc.at[didx.at[m]], ss[buf], add=True)
        if with_cnt:
            pltpu.async_copy(ones_v, cnt.at[didx.at[m]], ss[buf], add=True)
        nbuf = (buf + 2) % 3
        if first:
            pltpu.async_copy(h_hbm.at[sidx.at[m + 2]], rows[nbuf], gs[nbuf])
        else:
            wait_scat(rows[nbuf], ss[nbuf])

            @pl.when(m + 2 < NB)
            def _():
                pltpu.async_copy(h_hbm.at[sidx.at[m + 2]], rows[nbuf],
                                 gs[nbuf])

    def run_block():
        chunk(0, 0, True)
        chunk(1, 1, False)

        def triple(i, carry2):
            m = 3 * i + 2
            chunk(m + 0, 2, False)
            chunk(m + 1, 0, False)
            chunk(m + 2, 1, False)
            return carry2

        lax.fori_loop(0, (NB - 4) // 3, triple, 0)
        chunk(NB - 2, (NB - 2) % 3, False)
        chunk(NB - 1, (NB - 1) % 3, False)
        wait_scat(rows[(NB - 1) % 3], ss[(NB - 1) % 3])

    run_block()

    def block(b, carry):
        pltpu.sync_copy(src_hbm.at[w, b], sidx)
        pltpu.sync_copy(dst_hbm.at[w, b], didx)
        pltpu.async_copy(h_hbm.at[sidx.at[0]], rows0, gs0)
        pltpu.async_copy(h_hbm.at[sidx.at[1]], rows1, gs1)
        run_block()
        return carry

    lax.fori_loop(1, NBLK, block, 0)

    plsc.subcore_barrier()

    pltpu.sync_copy(acc.at[pl.ds(r0, RPT)], acc_hbm.at[c, pl.ds(r0, RPT)])

    @pl.when(s == NS - 1)
    def _():
        pltpu.sync_copy(acc.at[pl.ds(TAIL0, TAILN)],
                        acc_hbm.at[c, pl.ds(TAIL0, TAILN)])

    if with_cnt:
        @pl.when(s == 0)
        def _():
            pltpu.sync_copy(cnt, cnt_hbm.at[c])


_sc_mesh = plsc.VectorSubcoreMesh(
    core_axis_name="c", subcore_axis_name="s",
    num_cores=NC, num_subcores=NS)

_sc_agg_cnt = pl.kernel(
    functools.partial(_sc_agg_body, True),
    out_type=[
        jax.ShapeDtypeStruct((NC, N, D), _f32),
        jax.ShapeDtypeStruct((NC, N), _f32),
    ],
    mesh=_sc_mesh,
    scratch_types=[
        pltpu.VMEM((NB, C), jnp.int32),
        pltpu.VMEM((NB, C), jnp.int32),
        pltpu.VMEM((C, D), _f32),
        pltpu.VMEM((C, D), _f32),
        pltpu.VMEM((C, D), _f32),
        pltpu.VMEM((C,), _f32),
        pltpu.VMEM_SHARED((N, D), _f32),
        pltpu.VMEM_SHARED((N,), _f32),
        pltpu.SemaphoreType.DMA,
        pltpu.SemaphoreType.DMA,
        pltpu.SemaphoreType.DMA,
        pltpu.SemaphoreType.DMA,
        pltpu.SemaphoreType.DMA,
        pltpu.SemaphoreType.DMA,
    ],
)



BN = 2000


def _combine_body(relu, acc_ref, cnt_ref, x_ref, wl_ref, bl_ref, wr_ref, o_ref):
    cnt = cnt_ref[:, 0] + cnt_ref[:, 1]
    denom = jnp.maximum(cnt, 1.0)
    agg = acc_ref[0] + acc_ref[1]
    mean = agg / denom[:, None]
    h = jnp.dot(mean, wl_ref[...], preferred_element_type=_f32)
    h = h + jnp.dot(x_ref[...], wr_ref[...], preferred_element_type=_f32)
    h = h + bl_ref[...]
    o_ref[...] = jnp.maximum(h, 0.0) if relu else h


def _make_combine(relu):
    return pl.pallas_call(
        functools.partial(_combine_body, relu),
        grid=(N // BN,),
        in_specs=[
            pl.BlockSpec((NC, BN, D), lambda i: (0, i, 0)),
            pl.BlockSpec((BN, NC), lambda i: (i, 0)),
            pl.BlockSpec((BN, D), lambda i: (i, 0)),
            pl.BlockSpec((D, D), lambda i: (0, 0)),
            pl.BlockSpec((1, D), lambda i: (0, 0)),
            pl.BlockSpec((D, D), lambda i: (0, 0)),
        ],
        out_specs=pl.BlockSpec((BN, D), lambda i: (i, 0)),
        out_shape=jax.ShapeDtypeStruct((N, D), _f32),
    )


_combine_relu = _make_combine(True)


def _final_body(acc_ref, cnt_ref, x_ref, wl_ref, bl_ref, wr_ref,
                w1_ref, b1_ref, w2_ref, b2_ref, lsm_ref, h3_ref):
    cnt = cnt_ref[:, 0] + cnt_ref[:, 1]
    denom = jnp.maximum(cnt, 1.0)
    agg = acc_ref[0] + acc_ref[1]
    mean = agg / denom[:, None]
    h3 = jnp.dot(mean, wl_ref[...], preferred_element_type=_f32)
    h3 = h3 + jnp.dot(x_ref[...], wr_ref[...], preferred_element_type=_f32)
    h3 = h3 + bl_ref[...]
    z = jnp.maximum(jnp.dot(h3, w1_ref[...], preferred_element_type=_f32)
                    + b1_ref[...], 0.0)
    z = jnp.dot(z, w2_ref[...], preferred_element_type=_f32) + b2_ref[...]
    m = jnp.max(z, axis=1, keepdims=True)
    lse = m + jnp.log(jnp.sum(jnp.exp(z - m), axis=1, keepdims=True))
    lsm_ref[...] = z - lse
    h3_ref[...] = h3


_final = pl.pallas_call(
    _final_body,
    grid=(N // BN,),
    in_specs=[
        pl.BlockSpec((NC, BN, D), lambda i: (0, i, 0)),
        pl.BlockSpec((BN, NC), lambda i: (i, 0)),
        pl.BlockSpec((BN, D), lambda i: (i, 0)),
        pl.BlockSpec((D, D), lambda i: (0, 0)),
        pl.BlockSpec((1, D), lambda i: (0, 0)),
        pl.BlockSpec((D, D), lambda i: (0, 0)),
        pl.BlockSpec((D, D), lambda i: (0, 0)),
        pl.BlockSpec((1, D), lambda i: (0, 0)),
        pl.BlockSpec((D, D), lambda i: (0, 0)),
        pl.BlockSpec((1, D), lambda i: (0, 0)),
    ],
    out_specs=[
        pl.BlockSpec((BN, D), lambda i: (i, 0)),
        pl.BlockSpec((BN, D), lambda i: (i, 0)),
    ],
    out_shape=[
        jax.ShapeDtypeStruct((N, D), _f32),
        jax.ShapeDtypeStruct((N, D), _f32),
    ],
)


def kernel(x, edge_index, Wl1, bl1, Wr1, Wl2, bl2, Wr2, Wl3, bl3, Wr3,
           W_fc1, b_fc1, W_fc2, b_fc2):
    src2 = edge_index[0].reshape(NW, NBLK, NB, C)
    dst2 = edge_index[1].reshape(NW, NBLK, NB, C)
    znd = jnp.zeros((N, D), _f32)
    zn = jnp.zeros((N,), _f32)

    agg1, cnt2 = _sc_agg_cnt(x, src2, dst2, znd, zn)
    cntT = cnt2.T
    h1 = _combine_relu(agg1, cntT, x, Wl1.T, bl1.reshape(1, D), Wr1.T)
    agg2, _ = _sc_agg_cnt(h1, src2, dst2, znd, zn)
    h2 = _combine_relu(agg2, cntT, h1, Wl2.T, bl2.reshape(1, D), Wr2.T)
    agg3, _ = _sc_agg_cnt(h2, src2, dst2, znd, zn)
    lsm, h3 = _final(agg3, cntT, h2, Wl3.T, bl3.reshape(1, D), Wr3.T,
                     W_fc1.T, b_fc1.reshape(1, D), W_fc2.T, b_fc2.reshape(1, D))
    return (lsm, h3)

# --- scband reference (transcript-rebuilt; emitter-appended) ---
"""Pipeline reference for scband-graph-sage-82497731821612 (READ-ONLY COPY).

The authoritative reference and input builder live on the scoring server;
editing this copy changes nothing except your own understanding.
"""

import jax, jax.numpy as jnp
import numpy as np

N = 10000
E = 320000
D_IN = 128
D_HID = 128
D_OUT = 128


def setup_inputs(seed: int = 0) -> dict:
    key = jax.random.key(seed)
    ks = jax.random.split(key, 16)
    s = 0.05
    inp = {
        "x": jax.random.normal(ks[0], (N, D_IN), dtype=jnp.float32),
        "edge_index": jax.random.randint(ks[1], (2, E), 0, N, dtype=jnp.int32),
        # SAGEConv params: lin_l (applied to aggregated neighbors, with bias), lin_r (root, no bias)
        "Wl1": jax.random.normal(ks[2], (D_HID, D_IN), dtype=jnp.float32) * s,
        "bl1": jnp.zeros((D_HID,), dtype=jnp.float32),
        "Wr1": jax.random.normal(ks[3], (D_HID, D_IN), dtype=jnp.float32) * s,
        "Wl2": jax.random.normal(ks[4], (D_HID, D_HID), dtype=jnp.float32) * s,
        "bl2": jnp.zeros((D_HID,), dtype=jnp.float32),
        "Wr2": jax.random.normal(ks[5], (D_HID, D_HID), dtype=jnp.float32) * s,
        "Wl3": jax.random.normal(ks[6], (D_HID, D_HID), dtype=jnp.float32) * s,
        "bl3": jnp.zeros((D_HID,), dtype=jnp.float32),
        "Wr3": jax.random.normal(ks[7], (D_HID, D_HID), dtype=jnp.float32) * s,
        "W_fc1": jax.random.normal(ks[8], (D_HID, D_HID), dtype=jnp.float32) * s,
        "b_fc1": jnp.zeros((D_HID,), dtype=jnp.float32),
        "W_fc2": jax.random.normal(ks[9], (D_OUT, D_HID), dtype=jnp.float32) * s,
        "b_fc2": jnp.zeros((D_OUT,), dtype=jnp.float32),
    }
    return inp


def _sage_conv(x, src, dst, Wl, bl, Wr):
    # message = x[src], mean-aggregated at dst (PyG SAGEConv default aggr='mean')
    msg = jnp.take(x, src, axis=0)
    agg = jax.ops.segment_sum(msg, dst, num_segments=N)
    cnt = jax.ops.segment_sum(jnp.ones((msg.shape[0],), dtype=x.dtype), dst, num_segments=N)
    mean = agg / jnp.clip(cnt, 1.0, None)[:, None]
    return mean @ Wl.T + bl + x @ Wr.T


def reference(x, edge_index, Wl1, bl1, Wr1, Wl2, bl2, Wr2, Wl3, bl3, Wr3, W_fc1, b_fc1, W_fc2, b_fc2):
    src = edge_index[0]
    dst = edge_index[1]
    h = _sage_conv(x, src, dst, Wl1, bl1, Wr1)
    h = jax.nn.relu(h)
    h = _sage_conv(h, src, dst, Wl2, bl2, Wr2)
    h = jax.nn.relu(h)
    h = _sage_conv(h, src, dst, Wl3, bl3, Wr3)
    z = jax.nn.relu(h @ W_fc1.T + b_fc1)
    z = z @ W_fc2.T + b_fc2
    return (jax.nn.log_softmax(z, axis=1), h)

if __name__ == "__main__":
    import jax
    _d = setup_inputs()
    print(jax.jit(kernel)(*tuple(_d.values())))

</pallas_src>

<mosaic_0001>
#map = affine_map<(d0, d1) -> (0, 0)>
#map1 = affine_map<(d0, d1) -> (0, 0, 0, 0)>
#map2 = affine_map<(d0, d1) -> (0)>
#map3 = affine_map<(d0, d1) -> (0, 0, 0)>
module attributes {stable_mosaic.version = 14 : i64} {
  func.func @_sc_agg_body(%arg0: i32, %arg1: i32, %arg2: memref<10000x128xf32, #tpu.memory_space<hbm>>, %arg3: memref<32x5x25x80xi32, #tpu.memory_space<hbm>>, %arg4: memref<32x5x25x80xi32, #tpu.memory_space<hbm>>, %arg5: memref<10000x128xf32, #tpu.memory_space<hbm>>, %arg6: memref<10000xf32, #tpu.memory_space<hbm>>, %arg7: memref<2x10000x128xf32, #tpu.memory_space<hbm>>, %arg8: memref<2x10000xf32, #tpu.memory_space<hbm>>, %arg9: memref<25x80xi32, #tpu.memory_space<vmem>>, %arg10: memref<25x80xi32, #tpu.memory_space<vmem>>, %arg11: memref<80x128xf32, #tpu.memory_space<vmem>>, %arg12: memref<80x128xf32, #tpu.memory_space<vmem>>, %arg13: memref<80x128xf32, #tpu.memory_space<vmem>>, %arg14: memref<80xf32, #tpu.memory_space<vmem>>, %arg15: memref<10000x128xf32, #tpu.memory_space<vmem_shared>>, %arg16: memref<10000xf32, #tpu.memory_space<vmem_shared>>, %arg17: memref<!tpu.dma_semaphore, #tpu.memory_space<semaphore_mem>>, %arg18: memref<!tpu.dma_semaphore, #tpu.memory_space<semaphore_mem>>, %arg19: memref<!tpu.dma_semaphore, #tpu.memory_space<semaphore_mem>>, %arg20: memref<!tpu.dma_semaphore, #tpu.memory_space<semaphore_mem>>, %arg21: memref<!tpu.dma_semaphore, #tpu.memory_space<semaphore_mem>>, %arg22: memref<!tpu.dma_semaphore, #tpu.memory_space<semaphore_mem>>) attributes {dimension_semantics = [#tpu.dimension_semantics<core_parallel>, #tpu.dimension_semantics<subcore_parallel>], iteration_bounds = array<i64: 2, 16>, scalar_prefetch = 0 : i64, scratch_operands = 14 : i64, tpu.core_type = #tpu.core_type<sc_vector_subcore>, window_params = [{transform_indices = #map}, {transform_indices = #map1}, {transform_indices = #map1}, {transform_indices = #map}, {transform_indices = #map2}, {transform_indices = #map3}, {transform_indices = #map}]} {
    %mul3A = arith.constant 16 : i32
    %mul3A_0 = arith.muli %arg0, %mul3A : i32
    %add3A = arith.addi %mul3A_0, %arg1 : i32
    %mul3A_1 = arith.constant 624 : i32
    %mul3A_2 = arith.muli %arg1, %mul3A_1 : i32
    %run_scoped3A = arith.constant 0 : i32
    "tpu.region"() ({
      %run_scoped3A_219 = tpu.sem_alloc : memref<!tpu.dma_semaphore, #tpu.memory_space<semaphore_mem>>
      %dma_start3A_220 = arith.constant 0 : i32
      %dma_start3A_221 = arith.constant 0 : i32
      %dma_start3A_222 = tpu.memref_slice %arg3[%add3A, %run_scoped3A, %dma_start3A_220, %dma_start3A_221] : memref<32x5x25x80xi32, #tpu.memory_space<hbm>> -> memref<1x1x25x80xi32, #tpu.memory_space<hbm>>
      %dma_start3A_223 = tpu.memref_squeeze %dma_start3A_222 : memref<1x1x25x80xi32, #tpu.memory_space<hbm>> -> memref<25x80xi32, #tpu.memory_space<hbm>>
      %dma_start3A_224 = arith.constant 0 : i32
      %dma_start3A_225 = arith.constant 0 : i32
      %dma_start3A_226 = tpu.memref_slice %arg3[%add3A, %run_scoped3A, %dma_start3A_224, %dma_start3A_225] : memref<32x5x25x80xi32, #tpu.memory_space<hbm>> -> memref<1x1x25x80xi32, #tpu.memory_space<hbm>>
      %dma_start3A_227 = tpu.memref_squeeze %dma_start3A_226 : memref<1x1x25x80xi32, #tpu.memory_space<hbm>> -> memref<25x80xi32, #tpu.memory_space<hbm>>
      tpu.enqueue_dma source(%dma_start3A_227 : memref<25x80xi32, #tpu.memory_space<hbm>>) target(%arg9 : memref<25x80xi32, #tpu.memory_space<vmem>>) target_semaphore(%run_scoped3A_219 : memref<!tpu.dma_semaphore, #tpu.memory_space<semaphore_mem>>)
      %dma_wait3A_228 = arith.constant 0 : i32
      %dma_wait3A_229 = arith.constant 0 : i32
      %dma_wait3A_230 = tpu.memref_slice %arg3[%add3A, %run_scoped3A, %dma_wait3A_228, %dma_wait3A_229] : memref<32x5x25x80xi32, #tpu.memory_space<hbm>> -> memref<1x1x25x80xi32, #tpu.memory_space<hbm>>
      %dma_wait3A_231 = tpu.memref_squeeze %dma_wait3A_230 : memref<1x1x25x80xi32, #tpu.memory_space<hbm>> -> memref<25x80xi32, #tpu.memory_space<hbm>>
      %dma_wait3A_232 = arith.constant 0 : i32
      %dma_wait3A_233 = arith.constant 0 : i32
      %dma_wait3A_234 = tpu.memref_slice %arg3[%add3A, %run_scoped3A, %dma_wait3A_232, %dma_wait3A_233] : memref<32x5x25x80xi32, #tpu.memory_space<hbm>> -> memref<1x1x25x80xi32, #tpu.memory_space<hbm>>
      %dma_wait3A_235 = tpu.memref_squeeze %dma_wait3A_234 : memref<1x1x25x80xi32, #tpu.memory_space<hbm>> -> memref<25x80xi32, #tpu.memory_space<hbm>>
      tpu.wait_dma2 semaphore(%run_scoped3A_219 : memref<!tpu.dma_semaphore, #tpu.memory_space<semaphore_mem>>) src(%dma_wait3A_235 : memref<25x80xi32, #tpu.memory_space<hbm>>) dst(%arg9 : memref<25x80xi32, #tpu.memory_space<vmem>>)
      tpu.yield
    }) : () -> ()
    %run_scoped3A_3 = arith.constant 0 : i32
    "tpu.region"() ({
      %run_scoped3A_219 = tpu.sem_alloc : memref<!tpu.dma_semaphore, #tpu.memory_space<semaphore_mem>>
      %dma_start3A_220 = arith.constant 0 : i32
      %dma_start3A_221 = arith.constant 0 : i32
      %dma_start3A_222 = tpu.memref_slice %arg4[%add3A, %run_scoped3A_3, %dma_start3A_220, %dma_start3A_221] : memref<32x5x25x80xi32, #tpu.memory_space<hbm>> -> memref<1x1x25x80xi32, #tpu.memory_space<hbm>>
      %dma_start3A_223 = tpu.memref_squeeze %dma_start3A_222 : memref<1x1x25x80xi32, #tpu.memory_space<hbm>> -> memref<25x80xi32, #tpu.memory_space<hbm>>
      %dma_start3A_224 = arith.constant 0 : i32
      %dma_start3A_225 = arith.constant 0 : i32
      %dma_start3A_226 = tpu.memref_slice %arg4[%add3A, %run_scoped3A_3, %dma_start3A_224, %dma_start3A_225] : memref<32x5x25x80xi32, #tpu.memory_space<hbm>> -> memref<1x1x25x80xi32, #tpu.memory_space<hbm>>
      %dma_start3A_227 = tpu.memref_squeeze %dma_start3A_226 : memref<1x1x25x80xi32, #tpu.memory_space<hbm>> -> memref<25x80xi32, #tpu.memory_space<hbm>>
      tpu.enqueue_dma source(%dma_start3A_227 : memref<25x80xi32, #tpu.memory_space<hbm>>) target(%arg10 : memref<25x80xi32, #tpu.memory_space<vmem>>) target_semaphore(%run_scoped3A_219 : memref<!tpu.dma_semaphore, #tpu.memory_space<semaphore_mem>>)
      %dma_wait3A_228 = arith.constant 0 : i32
      %dma_wait3A_229 = arith.constant 0 : i32
      %dma_wait3A_230 = tpu.memref_slice %arg4[%add3A, %run_scoped3A_3, %dma_wait3A_228, %dma_wait3A_229] : memref<32x5x25x80xi32, #tpu.memory_space<hbm>> -> memref<1x1x25x80xi32, #tpu.memory_space<hbm>>
      %dma_wait3A_231 = tpu.memref_squeeze %dma_wait3A_230 : memref<1x1x25x80xi32, #tpu.memory_space<hbm>> -> memref<25x80xi32, #tpu.memory_space<hbm>>
      %dma_wait3A_232 = arith.constant 0 : i32
      %dma_wait3A_233 = arith.constant 0 : i32
      %dma_wait3A_234 = tpu.memref_slice %arg4[%add3A, %run_scoped3A_3, %dma_wait3A_232, %dma_wait3A_233] : memref<32x5x25x80xi32, #tpu.memory_space<hbm>> -> memref<1x1x25x80xi32, #tpu.memory_space<hbm>>
      %dma_wait3A_235 = tpu.memref_squeeze %dma_wait3A_234 : memref<1x1x25x80xi32, #tpu.memory_space<hbm>> -> memref<25x80xi32, #tpu.memory_space<hbm>>
      tpu.wait_dma2 semaphore(%run_scoped3A_219 : memref<!tpu.dma_semaphore, #tpu.memory_space<semaphore_mem>>) src(%dma_wait3A_235 : memref<25x80xi32, #tpu.memory_space<hbm>>) dst(%arg10 : memref<25x80xi32, #tpu.memory_space<vmem>>)
      tpu.yield
    }) : () -> ()
    %dma_start3A = arith.constant 0 : i32
    %dma_start3A_4 = arith.constant 0 : i32
    %dma_start3A_5 = tpu.memref_slice %arg9[%dma_start3A, %dma_start3A_4] : memref<25x80xi32, #tpu.memory_space<vmem>> -> memref<1x80xi32, #tpu.memory_space<vmem>>
    %dma_start3A_6 = tpu.memref_squeeze %dma_start3A_5 : memref<1x80xi32, #tpu.memory_space<vmem>> -> memref<80xi32, #tpu.memory_space<vmem>>
    %dma_start3A_7 = arith.constant 0 : i32
    %dma_start3A_8 = arith.constant 0 : i32
    %dma_start3A_9 = tpu.memref_slice %arg2[%dma_start3A_7, %dma_start3A_8] : memref<10000x128xf32, #tpu.memory_space<hbm>> -> memref<10000x128xf32, #tpu.memory_space<hbm>>
    tpu.enqueue_indirect_dma source(%dma_start3A_9 : memref<10000x128xf32, #tpu.memory_space<hbm>>) target(%arg11 : memref<80x128xf32, #tpu.memory_space<vmem>>) offsets(%dma_start3A_6 : memref<80xi32, #tpu.memory_space<vmem>>) semaphore(%arg17 : memref<!tpu.dma_semaphore, #tpu.memory_space<semaphore_mem>>)
    %dma_start3A_10 = arith.constant 1 : i32
    %dma_start3A_11 = arith.constant 0 : i32
    %dma_start3A_12 = tpu.memref_slice %arg9[%dma_start3A_10, %dma_start3A_11] : memref<25x80xi32, #tpu.memory_space<vmem>> -> memref<1x80xi32, #tpu.memory_space<vmem>>
    %dma_start3A_13 = tpu.memref_squeeze %dma_start3A_12 : memref<1x80xi32, #tpu.memory_space<vmem>> -> memref<80xi32, #tpu.memory_space<vmem>>
    %dma_start3A_14 = arith.constant 0 : i32
    %dma_start3A_15 = arith.constant 0 : i32
    %dma_start3A_16 = tpu.memref_slice %arg2[%dma_start3A_14, %dma_start3A_15] : memref<10000x128xf32, #tpu.memory_space<hbm>> -> memref<10000x128xf32, #tpu.memory_space<hbm>>
    tpu.enqueue_indirect_dma source(%dma_start3A_16 : memref<10000x128xf32, #tpu.memory_space<hbm>>) target(%arg12 : memref<80x128xf32, #tpu.memory_space<vmem>>) offsets(%dma_start3A_13 : memref<80xi32, #tpu.memory_space<vmem>>) semaphore(%arg18 : memref<!tpu.dma_semaphore, #tpu.memory_space<semaphore_mem>>)
    "tpu.region"() ({
      %run_scoped3A_219 = tpu.sem_alloc : memref<!tpu.dma_semaphore, #tpu.memory_space<semaphore_mem>>
      %dma_start3A_220 = arith.constant 0 : i32
      %dma_start3A_221 = tpu.memref_slice %arg15[%mul3A_2, %dma_start3A_220] : memref<10000x128xf32, #tpu.memory_space<vmem_shared>> -> memref<624x128xf32, #tpu.memory_space<vmem_shared>>
      %dma_start3A_222 = arith.constant 0 : i32
      %dma_start3A_223 = tpu.memref_slice %arg5[%mul3A_2, %dma_start3A_222] : memref<10000x128xf32, #tpu.memory_space<hbm>> -> memref<624x128xf32, #tpu.memory_space<hbm>>
      tpu.enqueue_dma source(%dma_start3A_223 : memref<624x128xf32, #tpu.memory_space<hbm>>) target(%dma_start3A_221 : memref<624x128xf32, #tpu.memory_space<vmem_shared>>) target_semaphore(%run_scoped3A_219 : memref<!tpu.dma_semaphore, #tpu.memory_space<semaphore_mem>>)
      %dma_wait3A_224 = arith.constant 0 : i32
      %dma_wait3A_225 = tpu.memref_slice %arg15[%mul3A_2, %dma_wait3A_224] : memref<10000x128xf32, #tpu.memory_space<vmem_shared>> -> memref<624x128xf32, #tpu.memory_space<vmem_shared>>
      %dma_wait3A_226 = arith.constant 0 : i32
      %dma_wait3A_227 = tpu.memref_slice %arg5[%mul3A_2, %dma_wait3A_226] : memref<10000x128xf32, #tpu.memory_space<hbm>> -> memref<624x128xf32, #tpu.memory_space<hbm>>
      tpu.wait_dma2 semaphore(%run_scoped3A_219 : memref<!tpu.dma_semaphore, #tpu.memory_space<semaphore_mem>>) src(%dma_wait3A_227 : memref<624x128xf32, #tpu.memory_space<hbm>>) dst(%dma_wait3A_225 : memref<624x128xf32, #tpu.memory_space<vmem_shared>>)
      tpu.yield
    }) : () -> ()
    %eq3A = arith.constant 15 : i32
    %eq3A_17 = arith.cmpi eq, %arg1, %eq3A : i32
    %convert_element_type3A = arith.extui %eq3A_17 : i1 to i32
    %cond3A = arith.constant 0 : i32
    %cond3A_18 = arith.cmpi ne, %convert_element_type3A, %cond3A : i32
    scf.if %cond3A_18 {
      "tpu.region"() ({
        %run_scoped3A_219 = tpu.sem_alloc : memref<!tpu.dma_semaphore, #tpu.memory_space<semaphore_mem>>
        %dma_start3A_220 = arith.constant 9984 : i32
        %dma_start3A_221 = arith.constant 0 : i32
        %dma_start3A_222 = tpu.memref_slice %arg15[%dma_start3A_220, %dma_start3A_221] : memref<10000x128xf32, #tpu.memory_space<vmem_shared>> -> memref<16x128xf32, #tpu.memory_space<vmem_shared>>
        %dma_start3A_223 = arith.constant 9984 : i32
        %dma_start3A_224 = arith.constant 0 : i32
        %dma_start3A_225 = tpu.memref_slice %arg5[%dma_start3A_223, %dma_start3A_224] : memref<10000x128xf32, #tpu.memory_space<hbm>> -> memref<16x128xf32, #tpu.memory_space<hbm>>
        tpu.enqueue_dma source(%dma_start3A_225 : memref<16x128xf32, #tpu.memory_space<hbm>>) target(%dma_start3A_222 : memref<16x128xf32, #tpu.memory_space<vmem_shared>>) target_semaphore(%run_scoped3A_219 : memref<!tpu.dma_semaphore, #tpu.memory_space<semaphore_mem>>)
        %dma_wait3A_226 = arith.constant 9984 : i32
        %dma_wait3A_227 = arith.constant 0 : i32
        %dma_wait3A_228 = tpu.memref_slice %arg15[%dma_wait3A_226, %dma_wait3A_227] : memref<10000x128xf32, #tpu.memory_space<vmem_shared>> -> memref<16x128xf32, #tpu.memory_space<vmem_shared>>
        %dma_wait3A_229 = arith.constant 9984 : i32
        %dma_wait3A_230 = arith.constant 0 : i32
        %dma_wait3A_231 = tpu.memref_slice %arg5[%dma_wait3A_229, %dma_wait3A_230] : memref<10000x128xf32, #tpu.memory_space<hbm>> -> memref<16x128xf32, #tpu.memory_space<hbm>>
        tpu.wait_dma2 semaphore(%run_scoped3A_219 : memref<!tpu.dma_semaphore, #tpu.memory_space<semaphore_mem>>) src(%dma_wait3A_231 : memref<16x128xf32, #tpu.memory_space<hbm>>) dst(%dma_wait3A_228 : memref<16x128xf32, #tpu.memory_space<vmem_shared>>)
        tpu.yield
      }) : () -> ()
    } else {
    }
    %eq3A_19 = arith.constant 0 : i32
    %eq3A_20 = arith.cmpi eq, %arg1, %eq3A_19 : i32
    %convert_element_type3A_21 = arith.extui %eq3A_20 : i1 to i32
    %cond3A_22 = arith.constant 0 : i32
    %cond3A_23 = arith.cmpi ne, %convert_element_type3A_21, %cond3A_22 : i32
    scf.if %cond3A_23 {
      "tpu.region"() ({
        %run_scoped3A_219 = tpu.sem_alloc : memref<!tpu.dma_semaphore, #tpu.memory_space<semaphore_mem>>
        tpu.enqueue_dma source(%arg6 : memref<10000xf32, #tpu.memory_space<hbm>>) target(%arg16 : memref<10000xf32, #tpu.memory_space<vmem_shared>>) target_semaphore(%run_scoped3A_219 : memref<!tpu.dma_semaphore, #tpu.memory_space<semaphore_mem>>)
        tpu.wait_dma2 semaphore(%run_scoped3A_219 : memref<!tpu.dma_semaphore, #tpu.memory_space<semaphore_mem>>) src(%arg6 : memref<10000xf32, #tpu.memory_space<hbm>>) dst(%arg16 : memref<10000xf32, #tpu.memory_space<vmem_shared>>)
        tpu.yield
      }) : () -> ()
    } else {
    }
    %broadcast_in_dim3A = arith.constant 1.000000e+00 : f32
    %broadcast_in_dim3A_24 = vector.broadcast %broadcast_in_dim3A : f32 to vector<16xf32>
    %swap3A = arith.constant 0 : index
    %swap3A_25 = tpu.vector_load %arg14[%swap3A] {strides = array<i32>} : memref<80xf32, #tpu.memory_space<vmem>>, vector<16xf32>,
    %swap3A_26 = vector.shape_cast %swap3A_25 : vector<16xf32> to vector<16xf32>
    %swap3A_27 = vector.shape_cast %broadcast_in_dim3A_24 : vector<16xf32> to vector<16xf32>
    tpu.vector_store %arg14[%swap3A], %swap3A_27 {strides = array<i32>} : memref<80xf32, #tpu.memory_space<vmem>>, vector<16xf32>,
    %broadcast_in_dim3A_28 = arith.constant 1.000000e+00 : f32
    %broadcast_in_dim3A_29 = vector.broadcast %broadcast_in_dim3A_28 : f32 to vector<16xf32>
    %swap3A_30 = arith.constant 16 : index
    %swap3A_31 = tpu.vector_load %arg14[%swap3A_30] {strides = array<i32>} : memref<80xf32, #tpu.memory_space<vmem>>, vector<16xf32>,
    %swap3A_32 = vector.shape_cast %swap3A_31 : vector<16xf32> to vector<16xf32>
    %swap3A_33 = vector.shape_cast %broadcast_in_dim3A_29 : vector<16xf32> to vector<16xf32>
    tpu.vector_store %arg14[%swap3A_30], %swap3A_33 {strides = array<i32>} : memref<80xf32, #tpu.memory_space<vmem>>, vector<16xf32>,
    %broadcast_in_dim3A_34 = arith.constant 1.000000e+00 : f32
    %broadcast_in_dim3A_35 = vector.broadcast %broadcast_in_dim3A_34 : f32 to vector<16xf32>
    %swap3A_36 = arith.constant 32 : index
    %swap3A_37 = tpu.vector_load %arg14[%swap3A_36] {strides = array<i32>} : memref<80xf32, #tpu.memory_space<vmem>>, vector<16xf32>,
    %swap3A_38 = vector.shape_cast %swap3A_37 : vector<16xf32> to vector<16xf32>
    %swap3A_39 = vector.shape_cast %broadcast_in_dim3A_35 : vector<16xf32> to vector<16xf32>
    tpu.vector_store %arg14[%swap3A_36], %swap3A_39 {strides = array<i32>} : memref<80xf32, #tpu.memory_space<vmem>>, vector<16xf32>,
    %broadcast_in_dim3A_40 = arith.constant 1.000000e+00 : f32
    %broadcast_in_dim3A_41 = vector.broadcast %broadcast_in_dim3A_40 : f32 to vector<16xf32>
    %swap3A_42 = arith.constant 48 : index
    %swap3A_43 = tpu.vector_load %arg14[%swap3A_42] {strides = array<i32>} : memref<80xf32, #tpu.memory_space<vmem>>, vector<16xf32>,
    %swap3A_44 = vector.shape_cast %swap3A_43 : vector<16xf32> to vector<16xf32>
    %swap3A_45 = vector.shape_cast %broadcast_in_dim3A_41 : vector<16xf32> to vector<16xf32>
    tpu.vector_store %arg14[%swap3A_42], %swap3A_45 {strides = array<i32>} : memref<80xf32, #tpu.memory_space<vmem>>, vector<16xf32>,
    %broadcast_in_dim3A_46 = arith.constant 1.000000e+00 : f32
    %broadcast_in_dim3A_47 = vector.broadcast %broadcast_in_dim3A_46 : f32 to vector<16xf32>
    %swap3A_48 = arith.constant 64 : index
    %swap3A_49 = tpu.vector_load %arg14[%swap3A_48] {strides = array<i32>} : memref<80xf32, #tpu.memory_space<vmem>>, vector<16xf32>,
    %swap3A_50 = vector.shape_cast %swap3A_49 : vector<16xf32> to vector<16xf32>
    %swap3A_51 = vector.shape_cast %broadcast_in_dim3A_47 : vector<16xf32> to vector<16xf32>
    tpu.vector_store %arg14[%swap3A_48], %swap3A_51 {strides = array<i32>} : memref<80xf32, #tpu.memory_space<vmem>>, vector<16xf32>,
    %barrier3A = arith.constant 0 : index
    tpu.barrier barrier_id(%barrier3A)
    %dma_wait3A = arith.constant 0 : i32
    %dma_wait3A_52 = arith.constant 0 : i32
    %dma_wait3A_53 = tpu.memref_slice %arg9[%dma_wait3A, %dma_wait3A_52] : memref<25x80xi32, #tpu.memory_space<vmem>> -> memref<1x80xi32, #tpu.memory_space<vmem>>
    %dma_wait3A_54 = tpu.memref_squeeze %dma_wait3A_53 : memref<1x80xi32, #tpu.memory_space<vmem>> -> memref<80xi32, #tpu.memory_space<vmem>>
    %dma_wait3A_55 = arith.constant 0 : i32
    %dma_wait3A_56 = arith.constant 0 : i32
    %dma_wait3A_57 = tpu.memref_slice %arg2[%dma_wait3A_55, %dma_wait3A_56] : memref<10000x128xf32, #tpu.memory_space<hbm>> -> memref<10000x128xf32, #tpu.memory_space<hbm>>
    tpu.wait_indirect_dma semaphore(%arg17 : memref<!tpu.dma_semaphore, #tpu.memory_space<semaphore_mem>>) src(%dma_wait3A_57 : memref<10000x128xf32, #tpu.memory_space<hbm>>) dst(%arg11 : memref<80x128xf32, #tpu.memory_space<vmem>>)
    %dma_start3A_58 = arith.constant 0 : i32
    %dma_start3A_59 = arith.constant 0 : i32
    %dma_start3A_60 = tpu.memref_slice %arg10[%dma_start3A_58, %dma_start3A_59] : memref<25x80xi32, #tpu.memory_space<vmem>> -> memref<1x80xi32, #tpu.memory_space<vmem>>
    %dma_start3A_61 = tpu.memref_squeeze %dma_start3A_60 : memref<1x80xi32, #tpu.memory_space<vmem>> -> memref<80xi32, #tpu.memory_space<vmem>>
    %dma_start3A_62 = arith.constant 0 : i32
    %dma_start3A_63 = arith.constant 0 : i32
    %dma_start3A_64 = tpu.memref_slice %arg15[%dma_start3A_62, %dma_start3A_63] : memref<10000x128xf32, #tpu.memory_space<vmem_shared>> -> memref<10000x128xf32, #tpu.memory_space<vmem_shared>>
    tpu.enqueue_indirect_dma source(%arg11 : memref<80x128xf32, #tpu.memory_space<vmem>>) target(%dma_start3A_64 : memref<10000x128xf32, #tpu.memory_space<vmem_shared>>) offsets(%dma_start3A_61 : memref<80xi32, #tpu.memory_space<vmem>>) semaphore(%arg20 : memref<!tpu.dma_semaphore, #tpu.memory_space<semaphore_mem>>) {add = true}
    %dma_start3A_65 = arith.constant 0 : i32
    %dma_start3A_66 = arith.constant 0 : i32
    %dma_start3A_67 = tpu.memref_slice %arg10[%dma_start3A_65, %dma_start3A_66] : memref<25x80xi32, #tpu.memory_space<vmem>> -> memref<1x80xi32, #tpu.memory_space<vmem>>
    %dma_start3A_68 = tpu.memref_squeeze %dma_start3A_67 : memref<1x80xi32, #tpu.memory_space<vmem>> -> memref<80xi32, #tpu.memory_space<vmem>>
    %dma_start3A_69 = arith.constant 0 : i32
    %dma_start3A_70 = tpu.memref_slice %arg16[%dma_start3A_69] : memref<10000xf32, #tpu.memory_space<vmem_shared>> -> memref<10000xf32, #tpu.memory_space<vmem_shared>>
    tpu.enqueue_indirect_dma source(%arg14 : memref<80xf32, #tpu.memory_space<vmem>>) target(%dma_start3A_70 : memref<10000xf32, #tpu.memory_space<vmem_shared>>) offsets(%dma_start3A_68 : memref<80xi32, #tpu.memory_space<vmem>>) semaphore(%arg20 : memref<!tpu.dma_semaphore, #tpu.memory_space<semaphore_mem>>) {add = true}
    %dma_start3A_71 = arith.constant 2 : i32
    %dma_start3A_72 = arith.constant 0 : i32
    %dma_start3A_73 = tpu.memref_slice %arg9[%dma_start3A_71, %dma_start3A_72] : memref<25x80xi32, #tpu.memory_space<vmem>> -> memref<1x80xi32, #tpu.memory_space<vmem>>
    %dma_start3A_74 = tpu.memref_squeeze %dma_start3A_73 : memref<1x80xi32, #tpu.memory_space<vmem>> -> memref<80xi32, #tpu.memory_space<vmem>>
    %dma_start3A_75 = arith.constant 0 : i32
    %dma_start3A_76 = arith.constant 0 : i32
    %dma_start3A_77 = tpu.memref_slice %arg2[%dma_start3A_75, %dma_start3A_76] : memref<10000x128xf32, #tpu.memory_space<hbm>> -> memref<10000x128xf32, #tpu.memory_space<hbm>>
    tpu.enqueue_indirect_dma source(%dma_start3A_77 : memref<10000x128xf32, #tpu.memory_space<hbm>>) target(%arg13 : memref<80x128xf32, #tpu.memory_space<vmem>>) offsets(%dma_start3A_74 : memref<80xi32, #tpu.memory_space<vmem>>) semaphore(%arg19 : memref<!tpu.dma_semaphore, #tpu.memory_space<semaphore_mem>>)
    %dma_wait3A_78 = arith.constant 1 : i32
    %dma_wait3A_79 = arith.constant 0 : i32
    %dma_wait3A_80 = tpu.memref_slice %arg9[%dma_wait3A_78, %dma_wait3A_79] : memref<25x80xi32, #tpu.memory_space<vmem>> -> memref<1x80xi32, #tpu.memory_space<vmem>>
    %dma_wait3A_81 = tpu.memref_squeeze %dma_wait3A_80 : memref<1x80xi32, #tpu.memory_space<vmem>> -> memref<80xi32, #tpu.memory_space<vmem>>
    %dma_wait3A_82 = arith.constant 0 : i32
    %dma_wait3A_83 = arith.constant 0 : i32
    %dma_wait3A_84 = tpu.memref_slice %arg2[%dma_wait3A_82, %dma_wait3A_83] : memref<10000x128xf32, #tpu.memory_space<hbm>> -> memref<10000x128xf32, #tpu.memory_space<hbm>>
    tpu.wait_indirect_dma semaphore(%arg18 : memref<!tpu.dma_semaphore, #tpu.memory_space<semaphore_mem>>) src(%dma_wait3A_84 : memref<10000x128xf32, #tpu.memory_space<hbm>>) dst(%arg12 : memref<80x128xf32, #tpu.memory_space<vmem>>)
    %dma_start3A_85 = arith.constant 1 : i32
    %dma_start3A_86 = arith.constant 0 : i32
    %dma_start3A_87 = tpu.memref_slice %arg10[%dma_start3A_85, %dma_start3A_86] : memref<25x80xi32, #tpu.memory_space<vmem>> -> memref<1x80xi32, #tpu.memory_space<vmem>>
    %dma_start3A_88 = tpu.memref_squeeze %dma_start3A_87 : memref<1x80xi32, #tpu.memory_space<vmem>> -> memref<80xi32, #tpu.memory_space<vmem>>
    %dma_start3A_89 = arith.constant 0 : i32
    %dma_start3A_90 = arith.constant 0 : i32
    %dma_start3A_91 = tpu.memref_slice %arg15[%dma_start3A_89, %dma_start3A_90] : memref<10000x128xf32, #tpu.memory_space<vmem_shared>> -> memref<10000x128xf32, #tpu.memory_space<vmem_shared>>
    tpu.enqueue_indirect_dma source(%arg12 : memref<80x128xf32, #tpu.memory_space<vmem>>) target(%dma_start3A_91 : memref<10000x128xf32, #tpu.memory_space<vmem_shared>>) offsets(%dma_start3A_88 : memref<80xi32, #tpu.memory_space<vmem>>) semaphore(%arg21 : memref<!tpu.dma_semaphore, #tpu.memory_space<semaphore_mem>>) {add = true}
    %dma_start3A_92 = arith.constant 1 : i32
    %dma_start3A_93 = arith.constant 0 : i32
    %dma_start3A_94 = tpu.memref_slice %arg10[%dma_start3A_92, %dma_start3A_93] : memref<25x80xi32, #tpu.memory_space<vmem>> -> memref<1x80xi32, #tpu.memory_space<vmem>>
    %dma_start3A_95 = tpu.memref_squeeze %dma_start3A_94 : memref<1x80xi32, #tpu.memory_space<vmem>> -> memref<80xi32, #tpu.memory_space<vmem>>
    %dma_start3A_96 = arith.constant 0 : i32
    %dma_start3A_97 = tpu.memref_slice %arg16[%dma_start3A_96] : memref<10000xf32, #tpu.memory_space<vmem_shared>> -> memref<10000xf32, #tpu.memory_space<vmem_shared>>
    tpu.enqueue_indirect_dma source(%arg14 : memref<80xf32, #tpu.memory_space<vmem>>) target(%dma_start3A_97 : memref<10000xf32, #tpu.memory_space<vmem_shared>>) offsets(%dma_start3A_95 : memref<80xi32, #tpu.memory_space<vmem>>) semaphore(%arg21 : memref<!tpu.dma_semaphore, #tpu.memory_space<semaphore_mem>>) {add = true}
    %dma_wait3A_98 = arith.constant 0 : i32
    %dma_wait3A_99 = arith.constant 0 : i32
    %dma_wait3A_100 = tpu.memref_slice %arg9[%dma_wait3A_98, %dma_wait3A_99] : memref<25x80xi32, #tpu.memory_space<vmem>> -> memref<1x80xi32, #tpu.memory_space<vmem>>
    %dma_wait3A_101 = tpu.memref_squeeze %dma_wait3A_100 : memref<1x80xi32, #tpu.memory_space<vmem>> -> memref<80xi32, #tpu.memory_space<vmem>>
    %dma_wait3A_102 = arith.constant 0 : i32
    %dma_wait3A_103 = arith.constant 0 : i32
    %dma_wait3A_104 = tpu.memref_slice %arg2[%dma_wait3A_102, %dma_wait3A_103] : memref<10000x128xf32, #tpu.memory_space<hbm>> -> memref<10000x128xf32, #tpu.memory_space<hbm>>
    tpu.wait_indirect_dma semaphore(%arg20 : memref<!tpu.dma_semaphore, #tpu.memory_space<semaphore_mem>>) src(%dma_wait3A_104 : memref<10000x128xf32, #tpu.memory_space<hbm>>) dst(%arg11 : memref<80x128xf32, #tpu.memory_space<vmem>>)
    %dma_wait3A_105 = arith.constant 0 : i32
    %dma_wait3A_106 = arith.constant 0 : i32
    %dma_wait3A_107 = tpu.memref_slice %arg9[%dma_wait3A_105, %dma_wait3A_106] : memref<25x80xi32, #tpu.memory_space<vmem>> -> memref<1x80xi32, #tpu.memory_space<vmem>>
    %dma_wait3A_108 = tpu.memref_squeeze %dma_wait3A_107 : memref<1x80xi32, #tpu.memory_space<vmem>> -> memref<80xi32, #tpu.memory_space<vmem>>
    %dma_wait3A_109 = arith.constant 0 : i32
    %dma_wait3A_110 = tpu.memref_slice %arg6[%dma_wait3A_109] : memref<10000xf32, #tpu.memory_space<hbm>> -> memref<10000xf32, #tpu.memory_space<hbm>>
    tpu.wait_indirect_dma semaphore(%arg20 : memref<!tpu.dma_semaphore, #tpu.memory_space<semaphore_mem>>) src(%dma_wait3A_110 : memref<10000xf32, #tpu.memory_space<hbm>>) dst(%arg14 : memref<80xf32, #tpu.memory_space<vmem>>)
    %dma_start3A_111 = arith.constant 3 : i32
    %dma_start3A_112 = arith.constant 0 : i32
    %dma_start3A_113 = tpu.memref_slice %arg9[%dma_start3A_111, %dma_start3A_112] : memref<25x80xi32, #tpu.memory_space<vmem>> -> memref<1x80xi32, #tpu.memory_space<vmem>>
    %dma_start3A_114 = tpu.memref_squeeze %dma_start3A_113 : memref<1x80xi32, #tpu.memory_space<vmem>> -> memref<80xi32, #tpu.memory_space<vmem>>
    %dma_start3A_115 = arith.constant 0 : i32
    %dma_start3A_116 = arith.constant 0 : i32
    %dma_start3A_117 = tpu.memref_slice %arg2[%dma_start3A_115, %dma_start3A_116] : memref<10000x128xf32, #tpu.memory_space<hbm>> -> memref<10000x128xf32, #tpu.memory_space<hbm>>
    tpu.enqueue_indirect_dma source(%dma_start3A_117 : memref<10000x128xf32, #tpu.memory_space<hbm>>) target(%arg11 : memref<80x128xf32, #tpu.memory_space<vmem>>) offsets(%dma_start3A_114 : memref<80xi32, #tpu.memory_space<vmem>>) semaphore(%arg17 : memref<!tpu.dma_semaphore, #tpu.memory_space<semaphore_mem>>)
    %scan3A = arith.constant 0 : i32
    %scan3A_118 = arith.constant 0 : i32
    %scan3A_119 = arith.constant 7 : i32
    %scan3A_120 = arith.addi %scan3A_118, %scan3A_119 : i32
    %scan3A_121 = arith.constant 1 : i32
    scf.for %scan3A_219 = %scan3A_118 to %scan3A_120 step %scan3A_121  : i32 {
      %mul3A_220 = arith.constant 3 : i32
      %mul3A_221 = arith.muli %mul3A_220, %scan3A_219 : i32
      %add3A_222 = arith.constant 2 : i32
      %add3A_223 = arith.addi %mul3A_221, %add3A_222 : i32
      %add3A_224 = arith.constant 0 : i32
      %add3A_225 = arith.addi %add3A_223, %add3A_224 : i32
      %dma_wait3A_226 = arith.constant 0 : i32
      %dma_wait3A_227 = tpu.memref_slice %arg9[%add3A_225, %dma_wait3A_226] : memref<25x80xi32, #tpu.memory_space<vmem>> -> memref<1x80xi32, #tpu.memory_space<vmem>>
      %dma_wait3A_228 = tpu.memref_squeeze %dma_wait3A_227 : memref<1x80xi32, #tpu.memory_space<vmem>> -> memref<80xi32, #tpu.memory_space<vmem>>
      %dma_wait3A_229 = arith.constant 0 : i32
      %dma_wait3A_230 = arith.constant 0 : i32
      %dma_wait3A_231 = tpu.memref_slice %arg2[%dma_wait3A_229, %dma_wait3A_230] : memref<10000x128xf32, #tpu.memory_space<hbm>> -> memref<10000x128xf32, #tpu.memory_space<hbm>>
      tpu.wait_indirect_dma semaphore(%arg19 : memref<!tpu.dma_semaphore, #tpu.memory_space<semaphore_mem>>) src(%dma_wait3A_231 : memref<10000x128xf32, #tpu.memory_space<hbm>>) dst(%arg13 : memref<80x128xf32, #tpu.memory_space<vmem>>)
      %dma_start3A_232 = arith.constant 0 : i32
      %dma_start3A_233 = tpu.memref_slice %arg10[%add3A_225, %dma_start3A_232] : memref<25x80xi32, #tpu.memory_space<vmem>> -> memref<1x80xi32, #tpu.memory_space<vmem>>
      %dma_start3A_234 = tpu.memref_squeeze %dma_start3A_233 : memref<1x80xi32, #tpu.memory_space<vmem>> -> memref<80xi32, #tpu.memory_space<vmem>>
      %dma_start3A_235 = arith.constant 0 : i32
      %dma_start3A_236 = arith.constant 0 : i32
      %dma_start3A_237 = tpu.memref_slice %arg15[%dma_start3A_235, %dma_start3A_236] : memref<10000x128xf32, #tpu.memory_space<vmem_shared>> -> memref<10000x128xf32, #tpu.memory_space<vmem_shared>>
      tpu.enqueue_indirect_dma source(%arg13 : memref<80x128xf32, #tpu.memory_space<vmem>>) target(%dma_start3A_237 : memref<10000x128xf32, #tpu.memory_space<vmem_shared>>) offsets(%dma_start3A_234 : memref<80xi32, #tpu.memory_space<vmem>>) semaphore(%arg22 : memref<!tpu.dma_semaphore, #tpu.memory_space<semaphore_mem>>) {add = true}
      %dma_start3A_238 = arith.constant 0 : i32
      %dma_start3A_239 = tpu.memref_slice %arg10[%add3A_225, %dma_start3A_238] : memref<25x80xi32, #tpu.memory_space<vmem>> -> memref<1x80xi32, #tpu.memory_space<vmem>>
      %dma_start3A_240 = tpu.memref_squeeze %dma_start3A_239 : memref<1x80xi32, #tpu.memory_space<vmem>> -> memref<80xi32, #tpu.memory_space<vmem>>
      %dma_start3A_241 = arith.constant 0 : i32
      %dma_start3A_242 = tpu.memref_slice %arg16[%dma_start3A_241] : memref<10000xf32, #tpu.memory_space<vmem_shared>> -> memref<10000xf32, #tpu.memory_space<vmem_shared>>
      tpu.enqueue_indirect_dma source(%arg14 : memref<80xf32, #tpu.memory_space<vmem>>) target(%dma_start3A_242 : memref<10000xf32, #tpu.memory_space<vmem_shared>>) offsets(%dma_start3A_240 : memref<80xi32, #tpu.memory_space<vmem>>) semaphore(%arg22 : memref<!tpu.dma_semaphore, #tpu.memory_space<semaphore_mem>>) {add = true}
      %dma_wait3A_243 = arith.constant 0 : i32
      %dma_wait3A_244 = arith.constant 0 : i32
      %dma_wait3A_245 = tpu.memref_slice %arg9[%dma_wait3A_243, %dma_wait3A_244] : memref<25x80xi32, #tpu.memory_space<vmem>> -> memref<1x80xi32, #tpu.memory_space<vmem>>
      %dma_wait3A_246 = tpu.memref_squeeze %dma_wait3A_245 : memref<1x80xi32, #tpu.memory_space<vmem>> -> memref<80xi32, #tpu.memory_space<vmem>>
      %dma_wait3A_247 = arith.constant 0 : i32
      %dma_wait3A_248 = arith.constant 0 : i32
      %dma_wait3A_249 = tpu.memref_slice %arg2[%dma_wait3A_247, %dma_wait3A_248] : memref<10000x128xf32, #tpu.memory_space<hbm>> -> memref<10000x128xf32, #tpu.memory_space<hbm>>
      tpu.wait_indirect_dma semaphore(%arg21 : memref<!tpu.dma_semaphore, #tpu.memory_space<semaphore_mem>>) src(%dma_wait3A_249 : memref<10000x128xf32, #tpu.memory_space<hbm>>) dst(%arg12 : memref<80x128xf32, #tpu.memory_space<vmem>>)
      %dma_wait3A_250 = arith.constant 0 : i32
      %dma_wait3A_251 = arith.constant 0 : i32
      %dma_wait3A_252 = tpu.memref_slice %arg9[%dma_wait3A_250, %dma_wait3A_251] : memref<25x80xi32, #tpu.memory_space<vmem>> -> memref<1x80xi32, #tpu.memory_space<vmem>>
      %dma_wait3A_253 = tpu.memref_squeeze %dma_wait3A_252 : memref<1x80xi32, #tpu.memory_space<vmem>> -> memref<80xi32, #tpu.memory_space<vmem>>
      %dma_wait3A_254 = arith.constant 0 : i32
      %dma_wait3A_255 = tpu.memref_slice %arg6[%dma_wait3A_254] : memref<10000xf32, #tpu.memory_space<hbm>> -> memref<10000xf32, #tpu.memory_space<hbm>>
      tpu.wait_indirect_dma semaphore(%arg21 : memref<!tpu.dma_semaphore, #tpu.memory_space<semaphore_mem>>) src(%dma_wait3A_255 : memref<10000xf32, #tpu.memory_space<hbm>>) dst(%arg14 : memref<80xf32, #tpu.memory_space<vmem>>)
      %add3A_256 = arith.constant 2 : i32
      %add3A_257 = arith.addi %add3A_225, %add3A_256 : i32
      %lt3A = arith.constant 25 : i32
      %lt3A_258 = arith.cmpi slt, %add3A_257, %lt3A : i32
      %convert_element_type3A_259 = arith.extui %lt3A_258 : i1 to i32
      %cond3A_260 = arith.constant 0 : i32
      %cond3A_261 = arith.cmpi ne, %convert_element_type3A_259, %cond3A_260 : i32
      scf.if %cond3A_261 {
        %add3A_340 = arith.constant 2 : i32
        %add3A_341 = arith.addi %add3A_225, %add3A_340 : i32
        %dma_start3A_342 = arith.constant 0 : i32
        %dma_start3A_343 = tpu.memref_slice %arg9[%add3A_341, %dma_start3A_342] : memref<25x80xi32, #tpu.memory_space<vmem>> -> memref<1x80xi32, #tpu.memory_space<vmem>>
        %dma_start3A_344 = tpu.memref_squeeze %dma_start3A_343 : memref<1x80xi32, #tpu.memory_space<vmem>> -> memref<80xi32, #tpu.memory_space<vmem>>
        %dma_start3A_345 = arith.constant 0 : i32
        %dma_start3A_346 = arith.constant 0 : i32
        %dma_start3A_347 = tpu.memref_slice %arg2[%dma_start3A_345, %dma_start3A_346] : memref<10000x128xf32, #tpu.memory_space<hbm>> -> memref<10000x128xf32, #tpu.memory_space<hbm>>
        tpu.enqueue_indirect_dma source(%dma_start3A_347 : memref<10000x128xf32, #tpu.memory_space<hbm>>) target(%arg12 : memref<80x128xf32, #tpu.memory_space<vmem>>) offsets(%dma_start3A_344 : memref<80xi32, #tpu.memory_space<vmem>>) semaphore(%arg18 : memref<!tpu.dma_semaphore, #tpu.memory_space<semaphore_mem>>)
      } else {
      }
      %add3A_262 = arith.constant 1 : i32
      %add3A_263 = arith.addi %add3A_223, %add3A_262 : i32
      %dma_wait3A_264 = arith.constant 0 : i32
      %dma_wait3A_265 = tpu.memref_slice %arg9[%add3A_263, %dma_wait3A_264] : memref<25x80xi32, #tpu.memory_space<vmem>> -> memref<1x80xi32, #tpu.memory_space<vmem>>
      %dma_wait3A_266 = tpu.memref_squeeze %dma_wait3A_265 : memref<1x80xi32, #tpu.memory_space<vmem>> -> memref<80xi32, #tpu.memory_space<vmem>>
      %dma_wait3A_267 = arith.constant 0 : i32
      %dma_wait3A_268 = arith.constant 0 : i32
      %dma_wait3A_269 = tpu.memref_slice %arg2[%dma_wait3A_267, %dma_wait3A_268] : memref<10000x128xf32, #tpu.memory_space<hbm>> -> memref<10000x128xf32, #tpu.memory_space<hbm>>
      tpu.wait_indirect_dma semaphore(%arg17 : memref<!tpu.dma_semaphore, #tpu.memory_space<semaphore_mem>>) src(%dma_wait3A_269 : memref<10000x128xf32, #tpu.memory_space<hbm>>) dst(%arg11 : memref<80x128xf32, #tpu.memory_space<vmem>>)
      %dma_start3A_270 = arith.constant 0 : i32
      %dma_start3A_271 = tpu.memref_slice %arg10[%add3A_263, %dma_start3A_270] : memref<25x80xi32, #tpu.memory_space<vmem>> -> memref<1x80xi32, #tpu.memory_space<vmem>>
      %dma_start3A_272 = tpu.memref_squeeze %dma_start3A_271 : memref<1x80xi32, #tpu.memory_space<vmem>> -> memref<80xi32, #tpu.memory_space<vmem>>
      %dma_start3A_273 = arith.constant 0 : i32
      %dma_start3A_274 = arith.constant 0 : i32
      %dma_start3A_275 = tpu.memref_slice %arg15[%dma_start3A_273, %dma_start3A_274] : memref<10000x128xf32, #tpu.memory_space<vmem_shared>> -> memref<10000x128xf32, #tpu.memory_space<vmem_shared>>
      tpu.enqueue_indirect_dma source(%arg11 : memref<80x128xf32, #tpu.memory_space<vmem>>) target(%dma_start3A_275 : memref<10000x128xf32, #tpu.memory_space<vmem_shared>>) offsets(%dma_start3A_272 : memref<80xi32, #tpu.memory_space<vmem>>) semaphore(%arg20 : memref<!tpu.dma_semaphore, #tpu.memory_space<semaphore_mem>>) {add = true}
      %dma_start3A_276 = arith.constant 0 : i32
      %dma_start3A_277 = tpu.memref_slice %arg10[%add3A_263, %dma_start3A_276] : memref<25x80xi32, #tpu.memory_space<vmem>> -> memref<1x80xi32, #tpu.memory_space<vmem>>
      %dma_start3A_278 = tpu.memref_squeeze %dma_start3A_277 : memref<1x80xi32, #tpu.memory_space<vmem>> -> memref<80xi32, #tpu.memory_space<vmem>>
      %dma_start3A_279 = arith.constant 0 : i32
      %dma_start3A_280 = tpu.memref_slice %arg16[%dma_start3A_279] : memref<10000xf32, #tpu.memory_space<vmem_shared>> -> memref<10000xf32, #tpu.memory_space<vmem_shared>>
      tpu.enqueue_indirect_dma source(%arg14 : memref<80xf32, #tpu.memory_space<vmem>>) target(%dma_start3A_280 : memref<10000xf32, #tpu.memory_space<vmem_shared>>) offsets(%dma_start3A_278 : memref<80xi32, #tpu.memory_space<vmem>>) semaphore(%arg20 : memref<!tpu.dma_semaphore, #tpu.memory_space<semaphore_mem>>) {add = true}
      %dma_wait3A_281 = arith.constant 0 : i32
      %dma_wait3A_282 = arith.constant 0 : i32
      %dma_wait3A_283 = tpu.memref_slice %arg9[%dma_wait3A_281, %dma_wait3A_282] : memref<25x80xi32, #tpu.memory_space<vmem>> -> memref<1x80xi32, #tpu.memory_space<vmem>>
      %dma_wait3A_284 = tpu.memref_squeeze %dma_wait3A_283 : memref<1x80xi32, #tpu.memory_space<vmem>> -> memref<80xi32, #tpu.memory_space<vmem>>
      %dma_wait3A_285 = arith.constant 0 : i32
      %dma_wait3A_286 = arith.constant 0 : i32
      %dma_wait3A_287 = tpu.memref_slice %arg2[%dma_wait3A_285, %dma_wait3A_286] : memref<10000x128xf32, #tpu.memory_space<hbm>> -> memref<10000x128xf32, #tpu.memory_space<hbm>>
      tpu.wait_indirect_dma semaphore(%arg22 : memref<!tpu.dma_semaphore, #tpu.memory_space<semaphore_mem>>) src(%dma_wait3A_287 : memref<10000x128xf32, #tpu.memory_space<hbm>>) dst(%arg13 : memref<80x128xf32, #tpu.memory_space<vmem>>)
      %dma_wait3A_288 = arith.constant 0 : i32
      %dma_wait3A_289 = arith.constant 0 : i32
      %dma_wait3A_290 = tpu.memref_slice %arg9[%dma_wait3A_288, %dma_wait3A_289] : memref<25x80xi32, #tpu.memory_space<vmem>> -> memref<1x80xi32, #tpu.memory_space<vmem>>
      %dma_wait3A_291 = tpu.memref_squeeze %dma_wait3A_290 : memref<1x80xi32, #tpu.memory_space<vmem>> -> memref<80xi32, #tpu.memory_space<vmem>>
      %dma_wait3A_292 = arith.constant 0 : i32
      %dma_wait3A_293 = tpu.memref_slice %arg6[%dma_wait3A_292] : memref<10000xf32, #tpu.memory_space<hbm>> -> memref<10000xf32, #tpu.memory_space<hbm>>
      tpu.wait_indirect_dma semaphore(%arg22 : memref<!tpu.dma_semaphore, #tpu.memory_space<semaphore_mem>>) src(%dma_wait3A_293 : memref<10000xf32, #tpu.memory_space<hbm>>) dst(%arg14 : memref<80xf32, #tpu.memory_space<vmem>>)
      %add3A_294 = arith.constant 2 : i32
      %add3A_295 = arith.addi %add3A_263, %add3A_294 : i32
      %lt3A_296 = arith.constant 25 : i32
      %lt3A_297 = arith.cmpi slt, %add3A_295, %lt3A_296 : i32
      %convert_element_type3A_298 = arith.extui %lt3A_297 : i1 to i32
      %cond3A_299 = arith.constant 0 : i32
      %cond3A_300 = arith.cmpi ne, %convert_element_type3A_298, %cond3A_299 : i32
      scf.if %cond3A_300 {
        %add3A_340 = arith.constant 2 : i32
        %add3A_341 = arith.addi %add3A_263, %add3A_340 : i32
        %dma_start3A_342 = arith.constant 0 : i32
        %dma_start3A_343 = tpu.memref_slice %arg9[%add3A_341, %dma_start3A_342] : memref<25x80xi32, #tpu.memory_space<vmem>> -> memref<1x80xi32, #tpu.memory_space<vmem>>
        %dma_start3A_344 = tpu.memref_squeeze %dma_start3A_343 : memref<1x80xi32, #tpu.memory_space<vmem>> -> memref<80xi32, #tpu.memory_space<vmem>>
        %dma_start3A_345 = arith.constant 0 : i32
        %dma_start3A_346 = arith.constant 0 : i32
        %dma_start3A_347 = tpu.memref_slice %arg2[%dma_start3A_345, %dma_start3A_346] : memref<10000x128xf32, #tpu.memory_space<hbm>> -> memref<10000x128xf32, #tpu.memory_space<hbm>>
        tpu.enqueue_indirect_dma source(%dma_start3A_347 : memref<10000x128xf32, #tpu.memory_space<hbm>>) target(%arg13 : memref<80x128xf32, #tpu.memory_space<vmem>>) offsets(%dma_start3A_344 : memref<80xi32, #tpu.memory_space<vmem>>) semaphore(%arg19 : memref<!tpu.dma_semaphore, #tpu.memory_space<semaphore_mem>>)
      } else {
      }
      %add3A_301 = arith.constant 2 : i32
      %add3A_302 = arith.addi %add3A_223, %add3A_301 : i32
      %dma_wait3A_303 = arith.constant 0 : i32
      %dma_wait3A_304 = tpu.memref_slice %arg9[%add3A_302, %dma_wait3A_303] : memref<25x80xi32, #tpu.memory_space<vmem>> -> memref<1x80xi32, #tpu.memory_space<vmem>>
      %dma_wait3A_305 = tpu.memref_squeeze %dma_wait3A_304 : memref<1x80xi32, #tpu.memory_space<vmem>> -> memref<80xi32, #tpu.memory_space<vmem>>
      %dma_wait3A_306 = arith.constant 0 : i32
      %dma_wait3A_307 = arith.constant 0 : i32
      %dma_wait3A_308 = tpu.memref_slice %arg2[%dma_wait3A_306, %dma_wait3A_307] : memref<10000x128xf32, #tpu.memory_space<hbm>> -> memref<10000x128xf32, #tpu.memory_space<hbm>>
      tpu.wait_indirect_dma semaphore(%arg18 : memref<!tpu.dma_semaphore, #tpu.memory_space<semaphore_mem>>) src(%dma_wait3A_308 : memref<10000x128xf32, #tpu.memory_space<hbm>>) dst(%arg12 : memref<80x128xf32, #tpu.memory_space<vmem>>)
      %dma_start3A_309 = arith.constant 0 : i32
      %dma_start3A_310 = tpu.memref_slice %arg10[%add3A_302, %dma_start3A_309] : memref<25x80xi32, #tpu.memory_space<vmem>> -> memref<1x80xi32, #tpu.memory_space<vmem>>
      %dma_start3A_311 = tpu.memref_squeeze %dma_start3A_310 : memref<1x80xi32, #tpu.memory_space<vmem>> -> memref<80xi32, #tpu.memory_space<vmem>>
      %dma_start3A_312 = arith.constant 0 : i32
      %dma_start3A_313 = arith.constant 0 : i32
      %dma_start3A_314 = tpu.memref_slice %arg15[%dma_start3A_312, %dma_start3A_313] : memref<10000x128xf32, #tpu.memory_space<vmem_shared>> -> memref<10000x128xf32, #tpu.memory_space<vmem_shared>>
      tpu.enqueue_indirect_dma source(%arg12 : memref<80x128xf32, #tpu.memory_space<vmem>>) target(%dma_start3A_314 : memref<10000x128xf32, #tpu.memory_space<vmem_shared>>) offsets(%dma_start3A_311 : memref<80xi32, #tpu.memory_space<vmem>>) semaphore(%arg21 : memref<!tpu.dma_semaphore, #tpu.memory_space<semaphore_mem>>) {add = true}
      %dma_start3A_315 = arith.constant 0 : i32
      %dma_start3A_316 = tpu.memref_slice %arg10[%add3A_302, %dma_start3A_315] : memref<25x80xi32, #tpu.memory_space<vmem>> -> memref<1x80xi32, #tpu.memory_space<vmem>>
      %dma_start3A_317 = tpu.memref_squeeze %dma_start3A_316 : memref<1x80xi32, #tpu.memory_space<vmem>> -> memref<80xi32, #tpu.memory_space<vmem>>
      %dma_start3A_318 = arith.constant 0 : i32
      %dma_start3A_319 = tpu.memref_slice %arg16[%dma_start3A_318] : memref<10000xf32, #tpu.memory_space<vmem_shared>> -> memref<10000xf32, #tpu.memory_space<vmem_shared>>
      tpu.enqueue_indirect_dma source(%arg14 : memref<80xf32, #tpu.memory_space<vmem>>) target(%dma_start3A_319 : memref<10000xf32, #tpu.memory_space<vmem_shared>>) offsets(%dma_start3A_317 : memref<80xi32, #tpu.memory_space<vmem>>) semaphore(%arg21 : memref<!tpu.dma_semaphore, #tpu.memory_space<semaphore_mem>>) {add = true}
      %dma_wait3A_320 = arith.constant 0 : i32
      %dma_wait3A_321 = arith.constant 0 : i32
      %dma_wait3A_322 = tpu.memref_slice %arg9[%dma_wait3A_320, %dma_wait3A_321] : memref<25x80xi32, #tpu.memory_space<vmem>> -> memref<1x80xi32, #tpu.memory_space<vmem>>
      %dma_wait3A_323 = tpu.memref_squeeze %dma_wait3A_322 : memref<1x80xi32, #tpu.memory_space<vmem>> -> memref<80xi32, #tpu.memory_space<vmem>>
      %dma_wait3A_324 = arith.constant 0 : i32
      %dma_wait3A_325 = arith.constant 0 : i32
      %dma_wait3A_326 = tpu.memref_slice %arg2[%dma_wait3A_324, %dma_wait3A_325] : memref<10000x128xf32, #tpu.memory_space<hbm>> -> memref<10000x128xf32, #tpu.memory_space<hbm>>
      tpu.wait_indirect_dma semaphore(%arg20 : memref<!tpu.dma_semaphore, #tpu.memory_space<semaphore_mem>>) src(%dma_wait3A_326 : memref<10000x128xf32, #tpu.memory_space<hbm>>) dst(%arg11 : memref<80x128xf32, #tpu.memory_space<vmem>>)
      %dma_wait3A_327 = arith.constant 0 : i32
      %dma_wait3A_328 = arith.constant 0 : i32
      %dma_wait3A_329 = tpu.memref_slice %arg9[%dma_wait3A_327, %dma_wait3A_328] : memref<25x80xi32, #tpu.memory_space<vmem>> -> memref<1x80xi32, #tpu.memory_space<vmem>>
      %dma_wait3A_330 = tpu.memref_squeeze %dma_wait3A_329 : memref<1x80xi32, #tpu.memory_space<vmem>> -> memref<80xi32, #tpu.memory_space<vmem>>
      %dma_wait3A_331 = arith.constant 0 : i32
      %dma_wait3A_332 = tpu.memref_slice %arg6[%dma_wait3A_331] : memref<10000xf32, #tpu.memory_space<hbm>> -> memref<10000xf32, #tpu.memory_space<hbm>>
      tpu.wait_indirect_dma semaphore(%arg20 : memref<!tpu.dma_semaphore, #tpu.memory_space<semaphore_mem>>) src(%dma_wait3A_332 : memref<10000xf32, #tpu.memory_space<hbm>>) dst(%arg14 : memref<80xf32, #tpu.memory_space<vmem>>)
      %add3A_333 = arith.constant 2 : i32
      %add3A_334 = arith.addi %add3A_302, %add3A_333 : i32
      %lt3A_335 = arith.constant 25 : i32
      %lt3A_336 = arith.cmpi slt, %add3A_334, %lt3A_335 : i32
      %convert_element_type3A_337 = arith.extui %lt3A_336 : i1 to i32
      %cond3A_338 = arith.constant 0 : i32
      %cond3A_339 = arith.cmpi ne, %convert_element_type3A_337, %cond3A_338 : i32
      scf.if %cond3A_339 {
        %add3A_340 = arith.constant 2 : i32
        %add3A_341 = arith.addi %add3A_302, %add3A_340 : i32
        %dma_start3A_342 = arith.constant 0 : i32
        %dma_start3A_343 = tpu.memref_slice %arg9[%add3A_341, %dma_start3A_342] : memref<25x80xi32, #tpu.memory_space<vmem>> -> memref<1x80xi32, #tpu.memory_space<vmem>>
        %dma_start3A_344 = tpu.memref_squeeze %dma_start3A_343 : memref<1x80xi32, #tpu.memory_space<vmem>> -> memref<80xi32, #tpu.memory_space<vmem>>
        %dma_start3A_345 = arith.constant 0 : i32
        %dma_start3A_346 = arith.constant 0 : i32
        %dma_start3A_347 = tpu.memref_slice %arg2[%dma_start3A_345, %dma_start3A_346] : memref<10000x128xf32, #tpu.memory_space<hbm>> -> memref<10000x128xf32, #tpu.memory_space<hbm>>
        tpu.enqueue_indirect_dma source(%dma_start3A_347 : memref<10000x128xf32, #tpu.memory_space<hbm>>) target(%arg11 : memref<80x128xf32, #tpu.memory_space<vmem>>) offsets(%dma_start3A_344 : memref<80xi32, #tpu.memory_space<vmem>>) semaphore(%arg17 : memref<!tpu.dma_semaphore, #tpu.memory_space<semaphore_mem>>)
      } else {
      }
    }
    %scan3A_122 = arith.constant 7 : i32
    %dma_wait3A_123 = arith.constant 23 : i32
    %dma_wait3A_124 = arith.constant 0 : i32
    %dma_wait3A_125 = tpu.memref_slice %arg9[%dma_wait3A_123, %dma_wait3A_124] : memref<25x80xi32, #tpu.memory_space<vmem>> -> memref<1x80xi32, #tpu.memory_space<vmem>>
    %dma_wait3A_126 = tpu.memref_squeeze %dma_wait3A_125 : memref<1x80xi32, #tpu.memory_space<vmem>> -> memref<80xi32, #tpu.memory_space<vmem>>
    %dma_wait3A_127 = arith.constant 0 : i32
    %dma_wait3A_128 = arith.constant 0 : i32
    %dma_wait3A_129 = tpu.memref_slice %arg2[%dma_wait3A_127, %dma_wait3A_128] : memref<10000x128xf32, #tpu.memory_space<hbm>> -> memref<10000x128xf32, #tpu.memory_space<hbm>>
    tpu.wait_indirect_dma semaphore(%arg19 : memref<!tpu.dma_semaphore, #tpu.memory_space<semaphore_mem>>) src(%dma_wait3A_129 : memref<10000x128xf32, #tpu.memory_space<hbm>>) dst(%arg13 : memref<80x128xf32, #tpu.memory_space<vmem>>)
    %dma_start3A_130 = arith.constant 23 : i32
    %dma_start3A_131 = arith.constant 0 : i32
    %dma_start3A_132 = tpu.memref_slice %arg10[%dma_start3A_130, %dma_start3A_131] : memref<25x80xi32, #tpu.memory_space<vmem>> -> memref<1x80xi32, #tpu.memory_space<vmem>>
    %dma_start3A_133 = tpu.memref_squeeze %dma_start3A_132 : memref<1x80xi32, #tpu.memory_space<vmem>> -> memref<80xi32, #tpu.memory_space<vmem>>
    %dma_start3A_134 = arith.constant 0 : i32
    %dma_start3A_135 = arith.constant 0 : i32
    %dma_start3A_136 = tpu.memref_slice %arg15[%dma_start3A_134, %dma_start3A_135] : memref<10000x128xf32, #tpu.memory_space<vmem_shared>> -> memref<10000x128xf32, #tpu.memory_space<vmem_shared>>
    tpu.enqueue_indirect_dma source(%arg13 : memref<80x128xf32, #tpu.memory_space<vmem>>) target(%dma_start3A_136 : memref<10000x128xf32, #tpu.memory_space<vmem_shared>>) offsets(%dma_start3A_133 : memref<80xi32, #tpu.memory_space<vmem>>) semaphore(%arg22 : memref<!tpu.dma_semaphore, #tpu.memory_space<semaphore_mem>>) {add = true}
    %dma_start3A_137 = arith.constant 23 : i32
    %dma_start3A_138 = arith.constant 0 : i32
    %dma_start3A_139 = tpu.memref_slice %arg10[%dma_start3A_137, %dma_start3A_138] : memref<25x80xi32, #tpu.memory_space<vmem>> -> memref<1x80xi32, #tpu.memory_space<vmem>>
    %dma_start3A_140 = tpu.memref_squeeze %dma_start3A_139 : memref<1x80xi32, #tpu.memory_space<vmem>> -> memref<80xi32, #tpu.memory_space<vmem>>
    %dma_start3A_141 = arith.constant 0 : i32
    %dma_start3A_142 = tpu.memref_slice %arg16[%dma_start3A_141] : memref<10000xf32, #tpu.memory_space<vmem_shared>> -> memref<10000xf32, #tpu.memory_space<vmem_shared>>
    tpu.enqueue_indirect_dma source(%arg14 : memref<80xf32, #tpu.memory_space<vmem>>) target(%dma_start3A_142 : memref<10000xf32, #tpu.memory_space<vmem_shared>>) offsets(%dma_start3A_140 : memref<80xi32, #tpu.memory_space<vmem>>) semaphore(%arg22 : memref<!tpu.dma_semaphore, #tpu.memory_space<semaphore_mem>>) {add = true}
    %dma_wait3A_143 = arith.constant 0 : i32
    %dma_wait3A_144 = arith.constant 0 : i32
    %dma_wait3A_145 = tpu.memref_slice %arg9[%dma_wait3A_143, %dma_wait3A_144] : memref<25x80xi32, #tpu.memory_space<vmem>> -> memref<1x80xi32, #tpu.memory_space<vmem>>
    %dma_wait3A_146 = tpu.memref_squeeze %dma_wait3A_145 : memref<1x80xi32, #tpu.memory_space<vmem>> -> memref<80xi32, #tpu.memory_space<vmem>>
    %dma_wait3A_147 = arith.constant 0 : i32
    %dma_wait3A_148 = arith.constant 0 : i32
    %dma_wait3A_149 = tpu.memref_slice %arg2[%dma_wait3A_147, %dma_wait3A_148] : memref<10000x128xf32, #tpu.memory_space<hbm>> -> memref<10000x128xf32, #tpu.memory_space<hbm>>
    tpu.wait_indirect_dma semaphore(%arg21 : memref<!tpu.dma_semaphore, #tpu.memory_space<semaphore_mem>>) src(%dma_wait3A_149 : memref<10000x128xf32, #tpu.memory_space<hbm>>) dst(%arg12 : memref<80x128xf32, #tpu.memory_space<vmem>>)
    %dma_wait3A_150 = arith.constant 0 : i32
    %dma_wait3A_151 = arith.constant 0 : i32
    %dma_wait3A_152 = tpu.memref_slice %arg9[%dma_wait3A_150, %dma_wait3A_151] : memref<25x80xi32, #tpu.memory_space<vmem>> -> memref<1x80xi32, #tpu.memory_space<vmem>>
    %dma_wait3A_153 = tpu.memref_squeeze %dma_wait3A_152 : memref<1x80xi32, #tpu.memory_space<vmem>> -> memref<80xi32, #tpu.memory_space<vmem>>
    %dma_wait3A_154 = arith.constant 0 : i32
    %dma_wait3A_155 = tpu.memref_slice %arg6[%dma_wait3A_154] : memref<10000xf32, #tpu.memory_space<hbm>> -> memref<10000xf32, #tpu.memory_space<hbm>>
    tpu.wait_indirect_dma semaphore(%arg21 : memref<!tpu.dma_semaphore, #tpu.memory_space<semaphore_mem>>) src(%dma_wait3A_155 : memref<10000xf32, #tpu.memory_space<hbm>>) dst(%arg14 : memref<80xf32, #tpu.memory_space<vmem>>)
    %dma_wait3A_156 = arith.constant 24 : i32
    %dma_wait3A_157 = arith.constant 0 : i32
    %dma_wait3A_158 = tpu.memref_slice %arg9[%dma_wait3A_156, %dma_wait3A_157] : memref<25x80xi32, #tpu.memory_space<vmem>> -> memref<1x80xi32, #tpu.memory_space<vmem>>
    %dma_wait3A_159 = tpu.memref_squeeze %dma_wait3A_158 : memref<1x80xi32, #tpu.memory_space<vmem>> -> memref<80xi32, #tpu.memory_space<vmem>>
    %dma_wait3A_160 = arith.constant 0 : i32
    %dma_wait3A_161 = arith.constant 0 : i32
    %dma_wait3A_162 = tpu.memref_slice %arg2[%dma_wait3A_160, %dma_wait3A_161] : memref<10000x128xf32, #tpu.memory_space<hbm>> -> memref<10000x128xf32, #tpu.memory_space<hbm>>
    tpu.wait_indirect_dma semaphore(%arg17 : memref<!tpu.dma_semaphore, #tpu.memory_space<semaphore_mem>>) src(%dma_wait3A_162 : memref<10000x128xf32, #tpu.memory_space<hbm>>) dst(%arg11 : memref<80x128xf32, #tpu.memory_space<vmem>>)
    %dma_start3A_163 = arith.constant 24 : i32
    %dma_start3A_164 = arith.constant 0 : i32
    %dma_start3A_165 = tpu.memref_slice %arg10[%dma_start3A_163, %dma_start3A_164] : memref<25x80xi32, #tpu.memory_space<vmem>> -> memref<1x80xi32, #tpu.memory_space<vmem>>
    %dma_start3A_166 = tpu.memref_squeeze %dma_start3A_165 : memref<1x80xi32, #tpu.memory_space<vmem>> -> memref<80xi32, #tpu.memory_space<vmem>>
    %dma_start3A_167 = arith.constant 0 : i32
    %dma_start3A_168 = arith.constant 0 : i32
    %dma_start3A_169 = tpu.memref_slice %arg15[%dma_start3A_167, %dma_start3A_168] : memref<10000x128xf32, #tpu.memory_space<vmem_shared>> -> memref<10000x128xf32, #tpu.memory_space<vmem_shared>>
    tpu.enqueue_indirect_dma source(%arg11 : memref<80x128xf32, #tpu.memory_space<vmem>>) target(%dma_start3A_169 : memref<10000x128xf32, #tpu.memory_space<vmem_shared>>) offsets(%dma_start3A_166 : memref<80xi32, #tpu.memory_space<vmem>>) semaphore(%arg20 : memref<!tpu.dma_semaphore, #tpu.memory_space<semaphore_mem>>) {add = true}
    %dma_start3A_170 = arith.constant 24 : i32
    %dma_start3A_171 = arith.constant 0 : i32
    %dma_start3A_172 = tpu.memref_slice %arg10[%dma_start3A_170, %dma_start3A_171] : memref<25x80xi32, #tpu.memory_space<vmem>> -> memref<1x80xi32, #tpu.memory_space<vmem>>
    %dma_start3A_173 = tpu.memref_squeeze %dma_start3A_172 : memref<1x80xi32, #tpu.memory_space<vmem>> -> memref<80xi32, #tpu.memory_space<vmem>>
    %dma_start3A_174 = arith.constant 0 : i32
    %dma_start3A_175 = tpu.memref_slice %arg16[%dma_start3A_174] : memref<10000xf32, #tpu.memory_space<vmem_shared>> -> memref<10000xf32, #tpu.memory_space<vmem_shared>>
    tpu.enqueue_indirect_dma source(%arg14 : memref<80xf32, #tpu.memory_space<vmem>>) target(%dma_start3A_175 : memref<10000xf32, #tpu.memory_space<vmem_shared>>) offsets(%dma_start3A_173 : memref<80xi32, #tpu.memory_space<vmem>>) semaphore(%arg20 : memref<!tpu.dma_semaphore, #tpu.memory_space<semaphore_mem>>) {add = true}
    %dma_wait3A_176 = arith.constant 0 : i32
    %dma_wait3A_177 = arith.constant 0 : i32
    %dma_wait3A_178 = tpu.memref_slice %arg9[%dma_wait3A_176, %dma_wait3A_177] : memref<25x80xi32, #tpu.memory_space<vmem>> -> memref<1x80xi32, #tpu.memory_space<vmem>>
    %dma_wait3A_179 = tpu.memref_squeeze %dma_wait3A_178 : memref<1x80xi32, #tpu.memory_space<vmem>> -> memref<80xi32, #tpu.memory_space<vmem>>
    %dma_wait3A_180 = arith.constant 0 : i32
    %dma_wait3A_181 = arith.constant 0 : i32
    %dma_wait3A_182 = tpu.memref_slice %arg2[%dma_wait3A_180, %dma_wait3A_181] : memref<10000x128xf32, #tpu.memory_space<hbm>> -> memref<10000x128xf32, #tpu.memory_space<hbm>>
    tpu.wait_indirect_dma semaphore(%arg22 : memref<!tpu.dma_semaphore, #tpu.memory_space<semaphore_mem>>) src(%dma_wait3A_182 : memref<10000x128xf32, #tpu.memory_space<hbm>>) dst(%arg13 : memref<80x128xf32, #tpu.memory_space<vmem>>)
    %dma_wait3A_183 = arith.constant 0 : i32
    %dma_wait3A_184 = arith.constant 0 : i32
    %dma_wait3A_185 = tpu.memref_slice %arg9[%dma_wait3A_183, %dma_wait3A_184] : memref<25x80xi32, #tpu.memory_space<vmem>> -> memref<1x80xi32, #tpu.memory_space<vmem>>
    %dma_wait3A_186 = tpu.memref_squeeze %dma_wait3A_185 : memref<1x80xi32, #tpu.memory_space<vmem>> -> memref<80xi32, #tpu.memory_space<vmem>>
    %dma_wait3A_187 = arith.constant 0 : i32
    %dma_wait3A_188 = tpu.memref_slice %arg6[%dma_wait3A_187] : memref<10000xf32, #tpu.memory_space<hbm>> -> memref<10000xf32, #tpu.memory_space<hbm>>
    tpu.wait_indirect_dma semaphore(%arg22 : memref<!tpu.dma_semaphore, #tpu.memory_space<semaphore_mem>>) src(%dma_wait3A_188 : memref<10000xf32, #tpu.memory_space<hbm>>) dst(%arg14 : memref<80xf32, #tpu.memory_space<vmem>>)
    %dma_wait3A_189 = arith.constant 0 : i32
    %dma_wait3A_190 = arith.constant 0 : i32
    %dma_wait3A_191 = tpu.memref_slice %arg9[%dma_wait3A_189, %dma_wait3A_190] : memref<25x80xi32, #tpu.memory_space<vmem>> -> memref<1x80xi32, #tpu.memory_space<vmem>>
    %dma_wait3A_192 = tpu.memref_squeeze %dma_wait3A_191 : memref<1x80xi32, #tpu.memory_space<vmem>> -> memref<80xi32, #tpu.memory_space<vmem>>
    %dma_wait3A_193 = arith.constant 0 : i32
    %dma_wait3A_194 = arith.constant 0 : i32
    %dma_wait3A_195 = tpu.memref_slice %arg2[%dma_wait3A_193, %dma_wait3A_194] : memref<10000x128xf32, #tpu.memory_space<hbm>> -> memref<10000x128xf32, #tpu.memory_space<hbm>>
    tpu.wait_indirect_dma semaphore(%arg20 : memref<!tpu.dma_semaphore, #tpu.memory_space<semaphore_mem>>) src(%dma_wait3A_195 : memref<10000x128xf32, #tpu.memory_space<hbm>>) dst(%arg11 : memref<80x128xf32, #tpu.memory_space<vmem>>)
    %dma_wait3A_196 = arith.constant 0 : i32
    %dma_wait3A_197 = arith.constant 0 : i32
    %dma_wait3A_198 = tpu.memref_slice %arg9[%dma_wait3A_196, %dma_wait3A_197] : memref<25x80xi32, #tpu.memory_space<vmem>> -> memref<1x80xi32, #tpu.memory_space<vmem>>
    %dma_wait3A_199 = tpu.memref_squeeze %dma_wait3A_198 : memref<1x80xi32, #tpu.memory_space<vmem>> -> memref<80xi32, #tpu.memory_space<vmem>>
    %dma_wait3A_200 = arith.constant 0 : i32
    %dma_wait3A_201 = tpu.memref_slice %arg6[%dma_wait3A_200] : memref<10000xf32, #tpu.memory_space<hbm>> -> memref<10000xf32, #tpu.memory_space<hbm>>
    tpu.wait_indirect_dma semaphore(%arg20 : memref<!tpu.dma_semaphore, #tpu.memory_space<semaphore_mem>>) src(%dma_wait3A_201 : memref<10000xf32, #tpu.memory_space<hbm>>) dst(%arg14 : memref<80xf32, #tpu.memory_space<vmem>>)
    %scan3A_202 = arith.constant 0 : i32
    %scan3A_203 = arith.constant 1 : i32
    %scan3A_204 = arith.constant 4 : i32
    %scan3A_205 = arith.addi %scan3A_203, %scan3A_204 : i32
    %scan3A_206 = arith.constant 1 : i32
    scf.for %scan3A_219 = %scan3A_203 to %scan3A_205 step %scan3A_206  : i32 {
      "tpu.region"() ({
        %run_scoped3A_386 = tpu.sem_alloc : memref<!tpu.dma_semaphore, #tpu.memory_space<semaphore_mem>>
        %dma_start3A_387 = arith.constant 0 : i32
        %dma_start3A_388 = arith.constant 0 : i32
        %dma_start3A_389 = tpu.memref_slice %arg3[%add3A, %scan3A_219, %dma_start3A_387, %dma_start3A_388] : memref<32x5x25x80xi32, #tpu.memory_space<hbm>> -> memref<1x1x25x80xi32, #tpu.memory_space<hbm>>
        %dma_start3A_390 = tpu.memref_squeeze %dma_start3A_389 : memref<1x1x25x80xi32, #tpu.memory_space<hbm>> -> memref<25x80xi32, #tpu.memory_space<hbm>>
        %dma_start3A_391 = arith.constant 0 : i32
        %dma_start3A_392 = arith.constant 0 : i32
        %dma_start3A_393 = tpu.memref_slice %arg3[%add3A, %scan3A_219, %dma_start3A_391, %dma_start3A_392] : memref<32x5x25x80xi32, #tpu.memory_space<hbm>> -> memref<1x1x25x80xi32, #tpu.memory_space<hbm>>
        %dma_start3A_394 = tpu.memref_squeeze %dma_start3A_393 : memref<1x1x25x80xi32, #tpu.memory_space<hbm>> -> memref<25x80xi32, #tpu.memory_space<hbm>>
        tpu.enqueue_dma source(%dma_start3A_394 : memref<25x80xi32, #tpu.memory_space<hbm>>) target(%arg9 : memref<25x80xi32, #tpu.memory_space<vmem>>) target_semaphore(%run_scoped3A_386 : memref<!tpu.dma_semaphore, #tpu.memory_space<semaphore_mem>>)
        %dma_wait3A_395 = arith.constant 0 : i32
        %dma_wait3A_396 = arith.constant 0 : i32
        %dma_wait3A_397 = tpu.memref_slice %arg3[%add3A, %scan3A_219, %dma_wait3A_395, %dma_wait3A_396] : memref<32x5x25x80xi32, #tpu.memory_space<hbm>> -> memref<1x1x25x80xi32, #tpu.memory_space<hbm>>
        %dma_wait3A_398 = tpu.memref_squeeze %dma_wait3A_397 : memref<1x1x25x80xi32, #tpu.memory_space<hbm>> -> memref<25x80xi32, #tpu.memory_space<hbm>>
        %dma_wait3A_399 = arith.constant 0 : i32
        %dma_wait3A_400 = arith.constant 0 : i32
        %dma_wait3A_401 = tpu.memref_slice %arg3[%add3A, %scan3A_219, %dma_wait3A_399, %dma_wait3A_400] : memref<32x5x25x80xi32, #tpu.memory_space<hbm>> -> memref<1x1x25x80xi32, #tpu.memory_space<hbm>>
        %dma_wait3A_402 = tpu.memref_squeeze %dma_wait3A_401 : memref<1x1x25x80xi32, #tpu.memory_space<hbm>> -> memref<25x80xi32, #tpu.memory_space<hbm>>
        tpu.wait_dma2 semaphore(%run_scoped3A_386 : memref<!tpu.dma_semaphore, #tpu.memory_space<semaphore_mem>>) src(%dma_wait3A_402 : memref<25x80xi32, #tpu.memory_space<hbm>>) dst(%arg9 : memref<25x80xi32, #tpu.memory_space<vmem>>)
        tpu.yield
      }) : () -> ()
      "tpu.region"() ({
        %run_scoped3A_386 = tpu.sem_alloc : memref<!tpu.dma_semaphore, #tpu.memory_space<semaphore_mem>>
        %dma_start3A_387 = arith.constant 0 : i32
        %dma_start3A_388 = arith.constant 0 : i32
        %dma_start3A_389 = tpu.memref_slice %arg4[%add3A, %scan3A_219, %dma_start3A_387, %dma_start3A_388] : memref<32x5x25x80xi32, #tpu.memory_space<hbm>> -> memref<1x1x25x80xi32, #tpu.memory_space<hbm>>
        %dma_start3A_390 = tpu.memref_squeeze %dma_start3A_389 : memref<1x1x25x80xi32, #tpu.memory_space<hbm>> -> memref<25x80xi32, #tpu.memory_space<hbm>>
        %dma_start3A_391 = arith.constant 0 : i32
        %dma_start3A_392 = arith.constant 0 : i32
        %dma_start3A_393 = tpu.memref_slice %arg4[%add3A, %scan3A_219, %dma_start3A_391, %dma_start3A_392] : memref<32x5x25x80xi32, #tpu.memory_space<hbm>> -> memref<1x1x25x80xi32, #tpu.memory_space<hbm>>
        %dma_start3A_394 = tpu.memref_squeeze %dma_start3A_393 : memref<1x1x25x80xi32, #tpu.memory_space<hbm>> -> memref<25x80xi32, #tpu.memory_space<hbm>>
        tpu.enqueue_dma source(%dma_start3A_394 : memref<25x80xi32, #tpu.memory_space<hbm>>) target(%arg10 : memref<25x80xi32, #tpu.memory_space<vmem>>) target_semaphore(%run_scoped3A_386 : memref<!tpu.dma_semaphore, #tpu.memory_space<semaphore_mem>>)
        %dma_wait3A_395 = arith.constant 0 : i32
        %dma_wait3A_396 = arith.constant 0 : i32
        %dma_wait3A_397 = tpu.memref_slice %arg4[%add3A, %scan3A_219, %dma_wait3A_395, %dma_wait3A_396] : memref<32x5x25x80xi32, #tpu.memory_space<hbm>> -> memref<1x1x25x80xi32, #tpu.memory_space<hbm>>
        %dma_wait3A_398 = tpu.memref_squeeze %dma_wait3A_397 : memref<1x1x25x80xi32, #tpu.memory_space<hbm>> -> memref<25x80xi32, #tpu.memory_space<hbm>>
        %dma_wait3A_399 = arith.constant 0 : i32
        %dma_wait3A_400 = arith.constant 0 : i32
        %dma_wait3A_401 = tpu.memref_slice %arg4[%add3A, %scan3A_219, %dma_wait3A_399, %dma_wait3A_400] : memref<32x5x25x80xi32, #tpu.memory_space<hbm>> -> memref<1x1x25x80xi32, #tpu.memory_space<hbm>>
        %dma_wait3A_402 = tpu.memref_squeeze %dma_wait3A_401 : memref<1x1x25x80xi32, #tpu.memory_space<hbm>> -> memref<25x80xi32, #tpu.memory_space<hbm>>
        tpu.wait_dma2 semaphore(%run_scoped3A_386 : memref<!tpu.dma_semaphore, #tpu.memory_space<semaphore_mem>>) src(%dma_wait3A_402 : memref<25x80xi32, #tpu.memory_space<hbm>>) dst(%arg10 : memref<25x80xi32, #tpu.memory_space<vmem>>)
        tpu.yield
      }) : () -> ()
      %dma_start3A_220 = arith.constant 0 : i32
      %dma_start3A_221 = arith.constant 0 : i32
      %dma_start3A_222 = tpu.memref_slice %arg9[%dma_start3A_220, %dma_start3A_221] : memref<25x80xi32, #tpu.memory_space<vmem>> -> memref<1x80xi32, #tpu.memory_space<vmem>>
      %dma_start3A_223 = tpu.memref_squeeze %dma_start3A_222 : memref<1x80xi32, #tpu.memory_space<vmem>> -> memref<80xi32, #tpu.memory_space<vmem>>
      %dma_start3A_224 = arith.constant 0 : i32
      %dma_start3A_225 = arith.constant 0 : i32
      %dma_start3A_226 = tpu.memref_slice %arg2[%dma_start3A_224, %dma_start3A_225] : memref<10000x128xf32, #tpu.memory_space<hbm>> -> memref<10000x128xf32, #tpu.memory_space<hbm>>
      tpu.enqueue_indirect_dma source(%dma_start3A_226 : memref<10000x128xf32, #tpu.memory_space<hbm>>) target(%arg11 : memref<80x128xf32, #tpu.memory_space<vmem>>) offsets(%dma_start3A_223 : memref<80xi32, #tpu.memory_space<vmem>>) semaphore(%arg17 : memref<!tpu.dma_semaphore, #tpu.memory_space<semaphore_mem>>)
      %dma_start3A_227 = arith.constant 1 : i32
      %dma_start3A_228 = arith.constant 0 : i32
      %dma_start3A_229 = tpu.memref_slice %arg9[%dma_start3A_227, %dma_start3A_228] : memref<25x80xi32, #tpu.memory_space<vmem>> -> memref<1x80xi32, #tpu.memory_space<vmem>>
      %dma_start3A_230 = tpu.memref_squeeze %dma_start3A_229 : memref<1x80xi32, #tpu.memory_space<vmem>> -> memref<80xi32, #tpu.memory_space<vmem>>
      %dma_start3A_231 = arith.constant 0 : i32
      %dma_start3A_232 = arith.constant 0 : i32
      %dma_start3A_233 = tpu.memref_slice %arg2[%dma_start3A_231, %dma_start3A_232] : memref<10000x128xf32, #tpu.memory_space<hbm>> -> memref<10000x128xf32, #tpu.memory_space<hbm>>
      tpu.enqueue_indirect_dma source(%dma_start3A_233 : memref<10000x128xf32, #tpu.memory_space<hbm>>) target(%arg12 : memref<80x128xf32, #tpu.memory_space<vmem>>) offsets(%dma_start3A_230 : memref<80xi32, #tpu.memory_space<vmem>>) semaphore(%arg18 : memref<!tpu.dma_semaphore, #tpu.memory_space<semaphore_mem>>)
      %dma_wait3A_234 = arith.constant 0 : i32
      %dma_wait3A_235 = arith.constant 0 : i32
      %dma_wait3A_236 = tpu.memref_slice %arg9[%dma_wait3A_234, %dma_wait3A_235] : memref<25x80xi32, #tpu.memory_space<vmem>> -> memref<1x80xi32, #tpu.memory_space<vmem>>
      %dma_wait3A_237 = tpu.memref_squeeze %dma_wait3A_236 : memref<1x80xi32, #tpu.memory_space<vmem>> -> memref<80xi32, #tpu.memory_space<vmem>>
      %dma_wait3A_238 = arith.constant 0 : i32
      %dma_wait3A_239 = arith.constant 0 : i32
      %dma_wait3A_240 = tpu.memref_slice %arg2[%dma_wait3A_238, %dma_wait3A_239] : memref<10000x128xf32, #tpu.memory_space<hbm>> -> memref<10000x128xf32, #tpu.memory_space<hbm>>
      tpu.wait_indirect_dma semaphore(%arg17 : memref<!tpu.dma_semaphore, #tpu.memory_space<semaphore_mem>>) src(%dma_wait3A_240 : memref<10000x128xf32, #tpu.memory_space<hbm>>) dst(%arg11 : memref<80x128xf32, #tpu.memory_space<vmem>>)
      %dma_start3A_241 = arith.constant 0 : i32
      %dma_start3A_242 = arith.constant 0 : i32
      %dma_start3A_243 = tpu.memref_slice %arg10[%dma_start3A_241, %dma_start3A_242] : memref<25x80xi32, #tpu.memory_space<vmem>> -> memref<1x80xi32, #tpu.memory_space<vmem>>
      %dma_start3A_244 = tpu.memref_squeeze %dma_start3A_243 : memref<1x80xi32, #tpu.memory_space<vmem>> -> memref<80xi32, #tpu.memory_space<vmem>>
      %dma_start3A_245 = arith.constant 0 : i32
      %dma_start3A_246 = arith.constant 0 : i32
      %dma_start3A_247 = tpu.memref_slice %arg15[%dma_start3A_245, %dma_start3A_246] : memref<10000x128xf32, #tpu.memory_space<vmem_shared>> -> memref<10000x128xf32, #tpu.memory_space<vmem_shared>>
      tpu.enqueue_indirect_dma source(%arg11 : memref<80x128xf32, #tpu.memory_space<vmem>>) target(%dma_start3A_247 : memref<10000x128xf32, #tpu.memory_space<vmem_shared>>) offsets(%dma_start3A_244 : memref<80xi32, #tpu.memory_space<vmem>>) semaphore(%arg20 : memref<!tpu.dma_semaphore, #tpu.memory_space<semaphore_mem>>) {add = true}
      %dma_start3A_248 = arith.constant 0 : i32
      %dma_start3A_249 = arith.constant 0 : i32
      %dma_start3A_250 = tpu.memref_slice %arg10[%dma_start3A_248, %dma_start3A_249] : memref<25x80xi32, #tpu.memory_space<vmem>> -> memref<1x80xi32, #tpu.memory_space<vmem>>
      %dma_start3A_251 = tpu.memref_squeeze %dma_start3A_250 : memref<1x80xi32, #tpu.memory_space<vmem>> -> memref<80xi32, #tpu.memory_space<vmem>>
      %dma_start3A_252 = arith.constant 0 : i32
      %dma_start3A_253 = tpu.memref_slice %arg16[%dma_start3A_252] : memref<10000xf32, #tpu.memory_space<vmem_shared>> -> memref<10000xf32, #tpu.memory_space<vmem_shared>>
      tpu.enqueue_indirect_dma source(%arg14 : memref<80xf32, #tpu.memory_space<vmem>>) target(%dma_start3A_253 : memref<10000xf32, #tpu.memory_space<vmem_shared>>) offsets(%dma_start3A_251 : memref<80xi32, #tpu.memory_space<vmem>>) semaphore(%arg20 : memref<!tpu.dma_semaphore, #tpu.memory_space<semaphore_mem>>) {add = true}
      %dma_start3A_254 = arith.constant 2 : i32
      %dma_start3A_255 = arith.constant 0 : i32
      %dma_start3A_256 = tpu.memref_slice %arg9[%dma_start3A_254, %dma_start3A_255] : memref<25x80xi32, #tpu.memory_space<vmem>> -> memref<1x80xi32, #tpu.memory_space<vmem>>
      %dma_start3A_257 = tpu.memref_squeeze %dma_start3A_256 : memref<1x80xi32, #tpu.memory_space<vmem>> -> memref<80xi32, #tpu.memory_space<vmem>>
      %dma_start3A_258 = arith.constant 0 : i32
      %dma_start3A_259 = arith.constant 0 : i32
      %dma_start3A_260 = tpu.memref_slice %arg2[%dma_start3A_258, %dma_start3A_259] : memref<10000x128xf32, #tpu.memory_space<hbm>> -> memref<10000x128xf32, #tpu.memory_space<hbm>>
      tpu.enqueue_indirect_dma source(%dma_start3A_260 : memref<10000x128xf32, #tpu.memory_space<hbm>>) target(%arg13 : memref<80x128xf32, #tpu.memory_space<vmem>>) offsets(%dma_start3A_257 : memref<80xi32, #tpu.memory_space<vmem>>) semaphore(%arg19 : memref<!tpu.dma_semaphore, #tpu.memory_space<semaphore_mem>>)
      %dma_wait3A_261 = arith.constant 1 : i32
      %dma_wait3A_262 = arith.constant 0 : i32
      %dma_wait3A_263 = tpu.memref_slice %arg9[%dma_wait3A_261, %dma_wait3A_262] : memref<25x80xi32, #tpu.memory_space<vmem>> -> memref<1x80xi32, #tpu.memory_space<vmem>>
      %dma_wait3A_264 = tpu.memref_squeeze %dma_wait3A_263 : memref<1x80xi32, #tpu.memory_space<vmem>> -> memref<80xi32, #tpu.memory_space<vmem>>
      %dma_wait3A_265 = arith.constant 0 : i32
      %dma_wait3A_266 = arith.constant 0 : i32
      %dma_wait3A_267 = tpu.memref_slice %arg2[%dma_wait3A_265, %dma_wait3A_266] : memref<10000x128xf32, #tpu.memory_space<hbm>> -> memref<10000x128xf32, #tpu.memory_space<hbm>>
      tpu.wait_indirect_dma semaphore(%arg18 : memref<!tpu.dma_semaphore, #tpu.memory_space<semaphore_mem>>) src(%dma_wait3A_267 : memref<10000x128xf32, #tpu.memory_space<hbm>>) dst(%arg12 : memref<80x128xf32, #tpu.memory_space<vmem>>)
      %dma_start3A_268 = arith.constant 1 : i32
      %dma_start3A_269 = arith.constant 0 : i32
      %dma_start3A_270 = tpu.memref_slice %arg10[%dma_start3A_268, %dma_start3A_269] : memref<25x80xi32, #tpu.memory_space<vmem>> -> memref<1x80xi32, #tpu.memory_space<vmem>>
      %dma_start3A_271 = tpu.memref_squeeze %dma_start3A_270 : memref<1x80xi32, #tpu.memory_space<vmem>> -> memref<80xi32, #tpu.memory_space<vmem>>
      %dma_start3A_272 = arith.constant 0 : i32
      %dma_start3A_273 = arith.constant 0 : i32
      %dma_start3A_274 = tpu.memref_slice %arg15[%dma_start3A_272, %dma_start3A_273] : memref<10000x128xf32, #tpu.memory_space<vmem_shared>> -> memref<10000x128xf32, #tpu.memory_space<vmem_shared>>
      tpu.enqueue_indirect_dma source(%arg12 : memref<80x128xf32, #tpu.memory_space<vmem>>) target(%dma_start3A_274 : memref<10000x128xf32, #tpu.memory_space<vmem_shared>>) offsets(%dma_start3A_271 : memref<80xi32, #tpu.memory_space<vmem>>) semaphore(%arg21 : memref<!tpu.dma_semaphore, #tpu.memory_space<semaphore_mem>>) {add = true}
      %dma_start3A_275 = arith.constant 1 : i32
      %dma_start3A_276 = arith.constant 0 : i32
      %dma_start3A_277 = tpu.memref_slice %arg10[%dma_start3A_275, %dma_start3A_276] : memref<25x80xi32, #tpu.memory_space<vmem>> -> memref<1x80xi32, #tpu.memory_space<vmem>>
      %dma_start3A_278 = tpu.memref_squeeze %dma_start3A_277 : memref<1x80xi32, #tpu.memory_space<vmem>> -> memref<80xi32, #tpu.memory_space<vmem>>
      %dma_start3A_279 = arith.constant 0 : i32
      %dma_start3A_280 = tpu.memref_slice %arg16[%dma_start3A_279] : memref<10000xf32, #tpu.memory_space<vmem_shared>> -> memref<10000xf32, #tpu.memory_space<vmem_shared>>
      tpu.enqueue_indirect_dma source(%arg14 : memref<80xf32, #tpu.memory_space<vmem>>) target(%dma_start3A_280 : memref<10000xf32, #tpu.memory_space<vmem_shared>>) offsets(%dma_start3A_278 : memref<80xi32, #tpu.memory_space<vmem>>) semaphore(%arg21 : memref<!tpu.dma_semaphore, #tpu.memory_space<semaphore_mem>>) {add = true}
      %dma_wait3A_281 = arith.constant 0 : i32
      %dma_wait3A_282 = arith.constant 0 : i32
      %dma_wait3A_283 = tpu.memref_slice %arg9[%dma_wait3A_281, %dma_wait3A_282] : memref<25x80xi32, #tpu.memory_space<vmem>> -> memref<1x80xi32, #tpu.memory_space<vmem>>
      %dma_wait3A_284 = tpu.memref_squeeze %dma_wait3A_283 : memref<1x80xi32, #tpu.memory_space<vmem>> -> memref<80xi32, #tpu.memory_space<vmem>>
      %dma_wait3A_285 = arith.constant 0 : i32
      %dma_wait3A_286 = arith.constant 0 : i32
      %dma_wait3A_287 = tpu.memref_slice %arg2[%dma_wait3A_285, %dma_wait3A_286] : memref<10000x128xf32, #tpu.memory_space<hbm>> -> memref<10000x128xf32, #tpu.memory_space<hbm>>
      tpu.wait_indirect_dma semaphore(%arg20 : memref<!tpu.dma_semaphore, #tpu.memory_space<semaphore_mem>>) src(%dma_wait3A_287 : memref<10000x128xf32, #tpu.memory_space<hbm>>) dst(%arg11 : memref<80x128xf32, #tpu.memory_space<vmem>>)
      %dma_wait3A_288 = arith.constant 0 : i32
      %dma_wait3A_289 = arith.constant 0 : i32
      %dma_wait3A_290 = tpu.memref_slice %arg9[%dma_wait3A_288, %dma_wait3A_289] : memref<25x80xi32, #tpu.memory_space<vmem>> -> memref<1x80xi32, #tpu.memory_space<vmem>>
      %dma_wait3A_291 = tpu.memref_squeeze %dma_wait3A_290 : memref<1x80xi32, #tpu.memory_space<vmem>> -> memref<80xi32, #tpu.memory_space<vmem>>
      %dma_wait3A_292 = arith.constant 0 : i32
      %dma_wait3A_293 = tpu.memref_slice %arg6[%dma_wait3A_292] : memref<10000xf32, #tpu.memory_space<hbm>> -> memref<10000xf32, #tpu.memory_space<hbm>>
      tpu.wait_indirect_dma semaphore(%arg20 : memref<!tpu.dma_semaphore, #tpu.memory_space<semaphore_mem>>) src(%dma_wait3A_293 : memref<10000xf32, #tpu.memory_space<hbm>>) dst(%arg14 : memref<80xf32, #tpu.memory_space<vmem>>)
      %dma_start3A_294 = arith.constant 3 : i32
      %dma_start3A_295 = arith.constant 0 : i32
      %dma_start3A_296 = tpu.memref_slice %arg9[%dma_start3A_294, %dma_start3A_295] : memref<25x80xi32, #tpu.memory_space<vmem>> -> memref<1x80xi32, #tpu.memory_space<vmem>>
      %dma_start3A_297 = tpu.memref_squeeze %dma_start3A_296 : memref<1x80xi32, #tpu.memory_space<vmem>> -> memref<80xi32, #tpu.memory_space<vmem>>
      %dma_start3A_298 = arith.constant 0 : i32
      %dma_start3A_299 = arith.constant 0 : i32
      %dma_start3A_300 = tpu.memref_slice %arg2[%dma_start3A_298, %dma_start3A_299] : memref<10000x128xf32, #tpu.memory_space<hbm>> -> memref<10000x128xf32, #tpu.memory_space<hbm>>
      tpu.enqueue_indirect_dma source(%dma_start3A_300 : memref<10000x128xf32, #tpu.memory_space<hbm>>) target(%arg11 : memref<80x128xf32, #tpu.memory_space<vmem>>) offsets(%dma_start3A_297 : memref<80xi32, #tpu.memory_space<vmem>>) semaphore(%arg17 : memref<!tpu.dma_semaphore, #tpu.memory_space<semaphore_mem>>)
      %scan3A_301 = arith.constant 0 : i32
      %scan3A_302 = arith.constant 0 : i32
      %scan3A_303 = arith.constant 7 : i32
      %scan3A_304 = arith.addi %scan3A_302, %scan3A_303 : i32
      %scan3A_305 = arith.constant 1 : i32
      scf.for %scan3A_386 = %scan3A_302 to %scan3A_304 step %scan3A_305  : i32 {
        %mul3A_387 = arith.constant 3 : i32
        %mul3A_388 = arith.muli %mul3A_387, %scan3A_386 : i32
        %add3A_389 = arith.constant 2 : i32
        %add3A_390 = arith.addi %mul3A_388, %add3A_389 : i32
        %add3A_391 = arith.constant 0 : i32
        %add3A_392 = arith.addi %add3A_390, %add3A_391 : i32
        %dma_wait3A_393 = arith.constant 0 : i32
        %dma_wait3A_394 = tpu.memref_slice %arg9[%add3A_392, %dma_wait3A_393] : memref<25x80xi32, #tpu.memory_space<vmem>> -> memref<1x80xi32, #tpu.memory_space<vmem>>
        %dma_wait3A_395 = tpu.memref_squeeze %dma_wait3A_394 : memref<1x80xi32, #tpu.memory_space<vmem>> -> memref<80xi32, #tpu.memory_space<vmem>>
        %dma_wait3A_396 = arith.constant 0 : i32
        %dma_wait3A_397 = arith.constant 0 : i32
        %dma_wait3A_398 = tpu.memref_slice %arg2[%dma_wait3A_396, %dma_wait3A_397] : memref<10000x128xf32, #tpu.memory_space<hbm>> -> memref<10000x128xf32, #tpu.memory_space<hbm>>
        tpu.wait_indirect_dma semaphore(%arg19 : memref<!tpu.dma_semaphore, #tpu.memory_space<semaphore_mem>>) src(%dma_wait3A_398 : memref<10000x128xf32, #tpu.memory_space<hbm>>) dst(%arg13 : memref<80x128xf32, #tpu.memory_space<vmem>>)
        %dma_start3A_399 = arith.constant 0 : i32
        %dma_start3A_400 = tpu.memref_slice %arg10[%add3A_392, %dma_start3A_399] : memref<25x80xi32, #tpu.memory_space<vmem>> -> memref<1x80xi32, #tpu.memory_space<vmem>>
        %dma_start3A_401 = tpu.memref_squeeze %dma_start3A_400 : memref<1x80xi32, #tpu.memory_space<vmem>> -> memref<80xi32, #tpu.memory_space<vmem>>
        %dma_start3A_402 = arith.constant 0 : i32
        %dma_start3A_403 = arith.constant 0 : i32
        %dma_start3A_404 = tpu.memref_slice %arg15[%dma_start3A_402, %dma_start3A_403] : memref<10000x128xf32, #tpu.memory_space<vmem_shared>> -> memref<10000x128xf32, #tpu.memory_space<vmem_shared>>
        tpu.enqueue_indirect_dma source(%arg13 : memref<80x128xf32, #tpu.memory_space<vmem>>) target(%dma_start3A_404 : memref<10000x128xf32, #tpu.memory_space<vmem_shared>>) offsets(%dma_start3A_401 : memref<80xi32, #tpu.memory_space<vmem>>) semaphore(%arg22 : memref<!tpu.dma_semaphore, #tpu.memory_space<semaphore_mem>>) {add = true}
        %dma_start3A_405 = arith.constant 0 : i32
        %dma_start3A_406 = tpu.memref_slice %arg10[%add3A_392, %dma_start3A_405] : memref<25x80xi32, #tpu.memory_space<vmem>> -> memref<1x80xi32, #tpu.memory_space<vmem>>
        %dma_start3A_407 = tpu.memref_squeeze %dma_start3A_406 : memref<1x80xi32, #tpu.memory_space<vmem>> -> memref<80xi32, #tpu.memory_space<vmem>>
        %dma_start3A_408 = arith.constant 0 : i32
        %dma_start3A_409 = tpu.memref_slice %arg16[%dma_start3A_408] : memref<10000xf32, #tpu.memory_space<vmem_shared>> -> memref<10000xf32, #tpu.memory_space<vmem_shared>>
        tpu.enqueue_indirect_dma source(%arg14 : memref<80xf32, #tpu.memory_space<vmem>>) target(%dma_start3A_409 : memref<10000xf32, #tpu.memory_space<vmem_shared>>) offsets(%dma_start3A_407 : memref<80xi32, #tpu.memory_space<vmem>>) semaphore(%arg22 : memref<!tpu.dma_semaphore, #tpu.memory_space<semaphore_mem>>) {add = true}
        %dma_wait3A_410 = arith.constant 0 : i32
        %dma_wait3A_411 = arith.constant 0 : i32
        %dma_wait3A_412 = tpu.memref_slice %arg9[%dma_wait3A_410, %dma_wait3A_411] : memref<25x80xi32, #tpu.memory_space<vmem>> -> memref<1x80xi32, #tpu.memory_space<vmem>>
        %dma_wait3A_413 = tpu.memref_squeeze %dma_wait3A_412 : memref<1x80xi32, #tpu.memory_space<vmem>> -> memref<80xi32, #tpu.memory_space<vmem>>
        %dma_wait3A_414 = arith.constant 0 : i32
        %dma_wait3A_415 = arith.constant 0 : i32
        %dma_wait3A_416 = tpu.memref_slice %arg2[%dma_wait3A_414, %dma_wait3A_415] : memref<10000x128xf32, #tpu.memory_space<hbm>> -> memref<10000x128xf32, #tpu.memory_space<hbm>>
        tpu.wait_indirect_dma semaphore(%arg21 : memref<!tpu.dma_semaphore, #tpu.memory_space<semaphore_mem>>) src(%dma_wait3A_416 : memref<10000x128xf32, #tpu.memory_space<hbm>>) dst(%arg12 : memref<80x128xf32, #tpu.memory_space<vmem>>)
        %dma_wait3A_417 = arith.constant 0 : i32
        %dma_wait3A_418 = arith.constant 0 : i32
        %dma_wait3A_419 = tpu.memref_slice %arg9[%dma_wait3A_417, %dma_wait3A_418] : memref<25x80xi32, #tpu.memory_space<vmem>> -> memref<1x80xi32, #tpu.memory_space<vmem>>
        %dma_wait3A_420 = tpu.memref_squeeze %dma_wait3A_419 : memref<1x80xi32, #tpu.memory_space<vmem>> -> memref<80xi32, #tpu.memory_space<vmem>>
        %dma_wait3A_421 = arith.constant 0 : i32
        %dma_wait3A_422 = tpu.memref_slice %arg6[%dma_wait3A_421] : memref<10000xf32, #tpu.memory_space<hbm>> -> memref<10000xf32, #tpu.memory_space<hbm>>
        tpu.wait_indirect_dma semaphore(%arg21 : memref<!tpu.dma_semaphore, #tpu.memory_space<semaphore_mem>>) src(%dma_wait3A_422 : memref<10000xf32, #tpu.memory_space<hbm>>) dst(%arg14 : memref<80xf32, #tpu.memory_space<vmem>>)
        %add3A_423 = arith.constant 2 : i32
        %add3A_424 = arith.addi %add3A_392, %add3A_423 : i32
        %lt3A = arith.constant 25 : i32
        %lt3A_425 = arith.cmpi slt, %add3A_424, %lt3A : i32
        %convert_element_type3A_426 = arith.extui %lt3A_425 : i1 to i32
        %cond3A_427 = arith.constant 0 : i32
        %cond3A_428 = arith.cmpi ne, %convert_element_type3A_426, %cond3A_427 : i32
        scf.if %cond3A_428 {
          %add3A_507 = arith.constant 2 : i32
          %add3A_508 = arith.addi %add3A_392, %add3A_507 : i32
          %dma_start3A_509 = arith.constant 0 : i32
          %dma_start3A_510 = tpu.memref_slice %arg9[%add3A_508, %dma_start3A_509] : memref<25x80xi32, #tpu.memory_space<vmem>> -> memref<1x80xi32, #tpu.memory_space<vmem>>
          %dma_start3A_511 = tpu.memref_squeeze %dma_start3A_510 : memref<1x80xi32, #tpu.memory_space<vmem>> -> memref<80xi32, #tpu.memory_space<vmem>>
          %dma_start3A_512 = arith.constant 0 : i32
          %dma_start3A_513 = arith.constant 0 : i32
          %dma_start3A_514 = tpu.memref_slice %arg2[%dma_start3A_512, %dma_start3A_513] : memref<10000x128xf32, #tpu.memory_space<hbm>> -> memref<10000x128xf32, #tpu.memory_space<hbm>>
          tpu.enqueue_indirect_dma source(%dma_start3A_514 : memref<10000x128xf32, #tpu.memory_space<hbm>>) target(%arg12 : memref<80x128xf32, #tpu.memory_space<vmem>>) offsets(%dma_start3A_511 : memref<80xi32, #tpu.memory_space<vmem>>) semaphore(%arg18 : memref<!tpu.dma_semaphore, #tpu.memory_space<semaphore_mem>>)
        } else {
        }
        %add3A_429 = arith.constant 1 : i32
        %add3A_430 = arith.addi %add3A_390, %add3A_429 : i32
        %dma_wait3A_431 = arith.constant 0 : i32
        %dma_wait3A_432 = tpu.memref_slice %arg9[%add3A_430, %dma_wait3A_431] : memref<25x80xi32, #tpu.memory_space<vmem>> -> memref<1x80xi32, #tpu.memory_space<vmem>>
        %dma_wait3A_433 = tpu.memref_squeeze %dma_wait3A_432 : memref<1x80xi32, #tpu.memory_space<vmem>> -> memref<80xi32, #tpu.memory_space<vmem>>
        %dma_wait3A_434 = arith.constant 0 : i32
        %dma_wait3A_435 = arith.constant 0 : i32
        %dma_wait3A_436 = tpu.memref_slice %arg2[%dma_wait3A_434, %dma_wait3A_435] : memref<10000x128xf32, #tpu.memory_space<hbm>> -> memref<10000x128xf32, #tpu.memory_space<hbm>>
        tpu.wait_indirect_dma semaphore(%arg17 : memref<!tpu.dma_semaphore, #tpu.memory_space<semaphore_mem>>) src(%dma_wait3A_436 : memref<10000x128xf32, #tpu.memory_space<hbm>>) dst(%arg11 : memref<80x128xf32, #tpu.memory_space<vmem>>)
        %dma_start3A_437 = arith.constant 0 : i32
        %dma_start3A_438 = tpu.memref_slice %arg10[%add3A_430, %dma_start3A_437] : memref<25x80xi32, #tpu.memory_space<vmem>> -> memref<1x80xi32, #tpu.memory_space<vmem>>
        %dma_start3A_439 = tpu.memref_squeeze %dma_start3A_438 : memref<1x80xi32, #tpu.memory_space<vmem>> -> memref<80xi32, #tpu.memory_space<vmem>>
        %dma_start3A_440 = arith.constant 0 : i32
        %dma_start3A_441 = arith.constant 0 : i32
        %dma_start3A_442 = tpu.memref_slice %arg15[%dma_start3A_440, %dma_start3A_441] : memref<10000x128xf32, #tpu.memory_space<vmem_shared>> -> memref<10000x128xf32, #tpu.memory_space<vmem_shared>>
        tpu.enqueue_indirect_dma source(%arg11 : memref<80x128xf32, #tpu.memory_space<vmem>>) target(%dma_start3A_442 : memref<10000x128xf32, #tpu.memory_space<vmem_shared>>) offsets(%dma_start3A_439 : memref<80xi32, #tpu.memory_space<vmem>>) semaphore(%arg20 : memref<!tpu.dma_semaphore, #tpu.memory_space<semaphore_mem>>) {add = true}
        %dma_start3A_443 = arith.constant 0 : i32
        %dma_start3A_444 = tpu.memref_slice %arg10[%add3A_430, %dma_start3A_443] : memref<25x80xi32, #tpu.memory_space<vmem>> -> memref<1x80xi32, #tpu.memory_space<vmem>>
        %dma_start3A_445 = tpu.memref_squeeze %dma_start3A_444 : memref<1x80xi32, #tpu.memory_space<vmem>> -> memref<80xi32, #tpu.memory_space<vmem>>
        %dma_start3A_446 = arith.constant 0 : i32
        %dma_start3A_447 = tpu.memref_slice %arg16[%dma_start3A_446] : memref<10000xf32, #tpu.memory_space<vmem_shared>> -> memref<10000xf32, #tpu.memory_space<vmem_shared>>
        tpu.enqueue_indirect_dma source(%arg14 : memref<80xf32, #tpu.memory_space<vmem>>) target(%dma_start3A_447 : memref<10000xf32, #tpu.memory_space<vmem_shared>>) offsets(%dma_start3A_445 : memref<80xi32, #tpu.memory_space<vmem>>) semaphore(%arg20 : memref<!tpu.dma_semaphore, #tpu.memory_space<semaphore_mem>>) {add = true}
        %dma_wait3A_448 = arith.constant 0 : i32
        %dma_wait3A_449 = arith.constant 0 : i32
        %dma_wait3A_450 = tpu.memref_slice %arg9[%dma_wait3A_448, %dma_wait3A_449] : memref<25x80xi32, #tpu.memory_space<vmem>> -> memref<1x80xi32, #tpu.memory_space<vmem>>
        %dma_wait3A_451 = tpu.memref_squeeze %dma_wait3A_450 : memref<1x80xi32, #tpu.memory_space<vmem>> -> memref<80xi32, #tpu.memory_space<vmem>>
        %dma_wait3A_452 = arith.constant 0 : i32
        %dma_wait3A_453 = arith.constant 0 : i32
        %dma_wait3A_454 = tpu.memref_slice %arg2[%dma_wait3A_452, %dma_wait3A_453] : memref<10000x128xf32, #tpu.memory_space<hbm>> -> memref<10000x128xf32, #tpu.memory_space<hbm>>
        tpu.wait_indirect_dma semaphore(%arg22 : memref<!tpu.dma_semaphore, #tpu.memory_space<semaphore_mem>>) src(%dma_wait3A_454 : memref<10000x128xf32, #tpu.memory_space<hbm>>) dst(%arg13 : memref<80x128xf32, #tpu.memory_space<vmem>>)
        %dma_wait3A_455 = arith.constant 0 : i32
        %dma_wait3A_456 = arith.constant 0 : i32
        %dma_wait3A_457 = tpu.memref_slice %arg9[%dma_wait3A_455, %dma_wait3A_456] : memref<25x80xi32, #tpu.memory_space<vmem>> -> memref<1x80xi32, #tpu.memory_space<vmem>>
        %dma_wait3A_458 = tpu.memref_squeeze %dma_wait3A_457 : memref<1x80xi32, #tpu.memory_space<vmem>> -> memref<80xi32, #tpu.memory_space<vmem>>
        %dma_wait3A_459 = arith.constant 0 : i32
        %dma_wait3A_460 = tpu.memref_slice %arg6[%dma_wait3A_459] : memref<10000xf32, #tpu.memory_space<hbm>> -> memref<10000xf32, #tpu.memory_space<hbm>>
        tpu.wait_indirect_dma semaphore(%arg22 : memref<!tpu.dma_semaphore, #tpu.memory_space<semaphore_mem>>) src(%dma_wait3A_460 : memref<10000xf32, #tpu.memory_space<hbm>>) dst(%arg14 : memref<80xf32, #tpu.memory_space<vmem>>)
        %add3A_461 = arith.constant 2 : i32
        %add3A_462 = arith.addi %add3A_430, %add3A_461 : i32
        %lt3A_463 = arith.constant 25 : i32
        %lt3A_464 = arith.cmpi slt, %add3A_462, %lt3A_463 : i32
        %convert_element_type3A_465 = arith.extui %lt3A_464 : i1 to i32
        %cond3A_466 = arith.constant 0 : i32
        %cond3A_467 = arith.cmpi ne, %convert_element_type3A_465, %cond3A_466 : i32
        scf.if %cond3A_467 {
          %add3A_507 = arith.constant 2 : i32
          %add3A_508 = arith.addi %add3A_430, %add3A_507 : i32
          %dma_start3A_509 = arith.constant 0 : i32
          %dma_start3A_510 = tpu.memref_slice %arg9[%add3A_508, %dma_start3A_509] : memref<25x80xi32, #tpu.memory_space<vmem>> -> memref<1x80xi32, #tpu.memory_space<vmem>>
          %dma_start3A_511 = tpu.memref_squeeze %dma_start3A_510 : memref<1x80xi32, #tpu.memory_space<vmem>> -> memref<80xi32, #tpu.memory_space<vmem>>
          %dma_start3A_512 = arith.constant 0 : i32
          %dma_start3A_513 = arith.constant 0 : i32
          %dma_start3A_514 = tpu.memref_slice %arg2[%dma_start3A_512, %dma_start3A_513] : memref<10000x128xf32, #tpu.memory_space<hbm>> -> memref<10000x128xf32, #tpu.memory_space<hbm>>
          tpu.enqueue_indirect_dma source(%dma_start3A_514 : memref<10000x128xf32, #tpu.memory_space<hbm>>) target(%arg13 : memref<80x128xf32, #tpu.memory_space<vmem>>) offsets(%dma_start3A_511 : memref<80xi32, #tpu.memory_space<vmem>>) semaphore(%arg19 : memref<!tpu.dma_semaphore, #tpu.memory_space<semaphore_mem>>)
        } else {
        }
        %add3A_468 = arith.constant 2 : i32
        %add3A_469 = arith.addi %add3A_390, %add3A_468 : i32
        %dma_wait3A_470 = arith.constant 0 : i32
        %dma_wait3A_471 = tpu.memref_slice %arg9[%add3A_469, %dma_wait3A_470] : memref<25x80xi32, #tpu.memory_space<vmem>> -> memref<1x80xi32, #tpu.memory_space<vmem>>
        %dma_wait3A_472 = tpu.memref_squeeze %dma_wait3A_471 : memref<1x80xi32, #tpu.memory_space<vmem>> -> memref<80xi32, #tpu.memory_space<vmem>>
        %dma_wait3A_473 = arith.constant 0 : i32
        %dma_wait3A_474 = arith.constant 0 : i32
        %dma_wait3A_475 = tpu.memref_slice %arg2[%dma_wait3A_473, %dma_wait3A_474] : memref<10000x128xf32, #tpu.memory_space<hbm>> -> memref<10000x128xf32, #tpu.memory_space<hbm>>
        tpu.wait_indirect_dma semaphore(%arg18 : memref<!tpu.dma_semaphore, #tpu.memory_space<semaphore_mem>>) src(%dma_wait3A_475 : memref<10000x128xf32, #tpu.memory_space<hbm>>) dst(%arg12 : memref<80x128xf32, #tpu.memory_space<vmem>>)
        %dma_start3A_476 = arith.constant 0 : i32
        %dma_start3A_477 = tpu.memref_slice %arg10[%add3A_469, %dma_start3A_476] : memref<25x80xi32, #tpu.memory_space<vmem>> -> memref<1x80xi32, #tpu.memory_space<vmem>>
        %dma_start3A_478 = tpu.memref_squeeze %dma_start3A_477 : memref<1x80xi32, #tpu.memory_space<vmem>> -> memref<80xi32, #tpu.memory_space<vmem>>
        %dma_start3A_479 = arith.constant 0 : i32
        %dma_start3A_480 = arith.constant 0 : i32
        %dma_start3A_481 = tpu.memref_slice %arg15[%dma_start3A_479, %dma_start3A_480] : memref<10000x128xf32, #tpu.memory_space<vmem_shared>> -> memref<10000x128xf32, #tpu.memory_space<vmem_shared>>
        tpu.enqueue_indirect_dma source(%arg12 : memref<80x128xf32, #tpu.memory_space<vmem>>) target(%dma_start3A_481 : memref<10000x128xf32, #tpu.memory_space<vmem_shared>>) offsets(%dma_start3A_478 : memref<80xi32, #tpu.memory_space<vmem>>) semaphore(%arg21 : memref<!tpu.dma_semaphore, #tpu.memory_space<semaphore_mem>>) {add = true}
        %dma_start3A_482 = arith.constant 0 : i32
        %dma_start3A_483 = tpu.memref_slice %arg10[%add3A_469, %dma_start3A_482] : memref<25x80xi32, #tpu.memory_space<vmem>> -> memref<1x80xi32, #tpu.memory_space<vmem>>
        %dma_start3A_484 = tpu.memref_squeeze %dma_start3A_483 : memref<1x80xi32, #tpu.memory_space<vmem>> -> memref<80xi32, #tpu.memory_space<vmem>>
        %dma_start3A_485 = arith.constant 0 : i32
        %dma_start3A_486 = tpu.memref_slice %arg16[%dma_start3A_485] : memref<10000xf32, #tpu.memory_space<vmem_shared>> -> memref<10000xf32, #tpu.memory_space<vmem_shared>>
        tpu.enqueue_indirect_dma source(%arg14 : memref<80xf32, #tpu.memory_space<vmem>>) target(%dma_start3A_486 : memref<10000xf32, #tpu.memory_space<vmem_shared>>) offsets(%dma_start3A_484 : memref<80xi32, #tpu.memory_space<vmem>>) semaphore(%arg21 : memref<!tpu.dma_semaphore, #tpu.memory_space<semaphore_mem>>) {add = true}
        %dma_wait3A_487 = arith.constant 0 : i32
        %dma_wait3A_488 = arith.constant 0 : i32
        %dma_wait3A_489 = tpu.memref_slice %arg9[%dma_wait3A_487, %dma_wait3A_488] : memref<25x80xi32, #tpu.memory_space<vmem>> -> memref<1x80xi32, #tpu.memory_space<vmem>>
        %dma_wait3A_490 = tpu.memref_squeeze %dma_wait3A_489 : memref<1x80xi32, #tpu.memory_space<vmem>> -> memref<80xi32, #tpu.memory_space<vmem>>
        %dma_wait3A_491 = arith.constant 0 : i32
        %dma_wait3A_492 = arith.constant 0 : i32
        %dma_wait3A_493 = tpu.memref_slice %arg2[%dma_wait3A_491, %dma_wait3A_492] : memref<10000x128xf32, #tpu.memory_space<hbm>> -> memref<10000x128xf32, #tpu.memory_space<hbm>>
        tpu.wait_indirect_dma semaphore(%arg20 : memref<!tpu.dma_semaphore, #tpu.memory_space<semaphore_mem>>) src(%dma_wait3A_493 : memref<10000x128xf32, #tpu.memory_space<hbm>>) dst(%arg11 : memref<80x128xf32, #tpu.memory_space<vmem>>)
        %dma_wait3A_494 = arith.constant 0 : i32
        %dma_wait3A_495 = arith.constant 0 : i32
        %dma_wait3A_496 = tpu.memref_slice %arg9[%dma_wait3A_494, %dma_wait3A_495] : memref<25x80xi32, #tpu.memory_space<vmem>> -> memref<1x80xi32, #tpu.memory_space<vmem>>
        %dma_wait3A_497 = tpu.memref_squeeze %dma_wait3A_496 : memref<1x80xi32, #tpu.memory_space<vmem>> -> memref<80xi32, #tpu.memory_space<vmem>>
        %dma_wait3A_498 = arith.constant 0 : i32
        %dma_wait3A_499 = tpu.memref_slice %arg6[%dma_wait3A_498] : memref<10000xf32, #tpu.memory_space<hbm>> -> memref<10000xf32, #tpu.memory_space<hbm>>
        tpu.wait_indirect_dma semaphore(%arg20 : memref<!tpu.dma_semaphore, #tpu.memory_space<semaphore_mem>>) src(%dma_wait3A_499 : memref<10000xf32, #tpu.memory_space<hbm>>) dst(%arg14 : memref<80xf32, #tpu.memory_space<vmem>>)
        %add3A_500 = arith.constant 2 : i32
        %add3A_501 = arith.addi %add3A_469, %add3A_500 : i32
        %lt3A_502 = arith.constant 25 : i32
        %lt3A_503 = arith.cmpi slt, %add3A_501, %lt3A_502 : i32
        %convert_element_type3A_504 = arith.extui %lt3A_503 : i1 to i32
        %cond3A_505 = arith.constant 0 : i32
        %cond3A_506 = arith.cmpi ne, %convert_element_type3A_504, %cond3A_505 : i32
        scf.if %cond3A_506 {
          %add3A_507 = arith.constant 2 : i32
          %add3A_508 = arith.addi %add3A_469, %add3A_507 : i32
          %dma_start3A_509 = arith.constant 0 : i32
          %dma_start3A_510 = tpu.memref_slice %arg9[%add3A_508, %dma_start3A_509] : memref<25x80xi32, #tpu.memory_space<vmem>> -> memref<1x80xi32, #tpu.memory_space<vmem>>
          %dma_start3A_511 = tpu.memref_squeeze %dma_start3A_510 : memref<1x80xi32, #tpu.memory_space<vmem>> -> memref<80xi32, #tpu.memory_space<vmem>>
          %dma_start3A_512 = arith.constant 0 : i32
          %dma_start3A_513 = arith.constant 0 : i32
          %dma_start3A_514 = tpu.memref_slice %arg2[%dma_start3A_512, %dma_start3A_513] : memref<10000x128xf32, #tpu.memory_space<hbm>> -> memref<10000x128xf32, #tpu.memory_space<hbm>>
          tpu.enqueue_indirect_dma source(%dma_start3A_514 : memref<10000x128xf32, #tpu.memory_space<hbm>>) target(%arg11 : memref<80x128xf32, #tpu.memory_space<vmem>>) offsets(%dma_start3A_511 : memref<80xi32, #tpu.memory_space<vmem>>) semaphore(%arg17 : memref<!tpu.dma_semaphore, #tpu.memory_space<semaphore_mem>>)
        } else {
        }
      }
      %scan3A_306 = arith.constant 7 : i32
      %dma_wait3A_307 = arith.constant 23 : i32
      %dma_wait3A_308 = arith.constant 0 : i32
      %dma_wait3A_309 = tpu.memref_slice %arg9[%dma_wait3A_307, %dma_wait3A_308] : memref<25x80xi32, #tpu.memory_space<vmem>> -> memref<1x80xi32, #tpu.memory_space<vmem>>
      %dma_wait3A_310 = tpu.memref_squeeze %dma_wait3A_309 : memref<1x80xi32, #tpu.memory_space<vmem>> -> memref<80xi32, #tpu.memory_space<vmem>>
      %dma_wait3A_311 = arith.constant 0 : i32
      %dma_wait3A_312 = arith.constant 0 : i32
      %dma_wait3A_313 = tpu.memref_slice %arg2[%dma_wait3A_311, %dma_wait3A_312] : memref<10000x128xf32, #tpu.memory_space<hbm>> -> memref<10000x128xf32, #tpu.memory_space<hbm>>
      tpu.wait_indirect_dma semaphore(%arg19 : memref<!tpu.dma_semaphore, #tpu.memory_space<semaphore_mem>>) src(%dma_wait3A_313 : memref<10000x128xf32, #tpu.memory_space<hbm>>) dst(%arg13 : memref<80x128xf32, #tpu.memory_space<vmem>>)
      %dma_start3A_314 = arith.constant 23 : i32
      %dma_start3A_315 = arith.constant 0 : i32
      %dma_start3A_316 = tpu.memref_slice %arg10[%dma_start3A_314, %dma_start3A_315] : memref<25x80xi32, #tpu.memory_space<vmem>> -> memref<1x80xi32, #tpu.memory_space<vmem>>
      %dma_start3A_317 = tpu.memref_squeeze %dma_start3A_316 : memref<1x80xi32, #tpu.memory_space<vmem>> -> memref<80xi32, #tpu.memory_space<vmem>>
      %dma_start3A_318 = arith.constant 0 : i32
      %dma_start3A_319 = arith.constant 0 : i32
      %dma_start3A_320 = tpu.memref_slice %arg15[%dma_start3A_318, %dma_start3A_319] : memref<10000x128xf32, #tpu.memory_space<vmem_shared>> -> memref<10000x128xf32, #tpu.memory_space<vmem_shared>>
      tpu.enqueue_indirect_dma source(%arg13 : memref<80x128xf32, #tpu.memory_space<vmem>>) target(%dma_start3A_320 : memref<10000x128xf32, #tpu.memory_space<vmem_shared>>) offsets(%dma_start3A_317 : memref<80xi32, #tpu.memory_space<vmem>>) semaphore(%arg22 : memref<!tpu.dma_semaphore, #tpu.memory_space<semaphore_mem>>) {add = true}
      %dma_start3A_321 = arith.constant 23 : i32
      %dma_start3A_322 = arith.constant 0 : i32
      %dma_start3A_323 = tpu.memref_slice %arg10[%dma_start3A_321, %dma_start3A_322] : memref<25x80xi32, #tpu.memory_space<vmem>> -> memref<1x80xi32, #tpu.memory_space<vmem>>
      %dma_start3A_324 = tpu.memref_squeeze %dma_start3A_323 : memref<1x80xi32, #tpu.memory_space<vmem>> -> memref<80xi32, #tpu.memory_space<vmem>>
      %dma_start3A_325 = arith.constant 0 : i32
      %dma_start3A_326 = tpu.memref_slice %arg16[%dma_start3A_325] : memref<10000xf32, #tpu.memory_space<vmem_shared>> -> memref<10000xf32, #tpu.memory_space<vmem_shared>>
      tpu.enqueue_indirect_dma source(%arg14 : memref<80xf32, #tpu.memory_space<vmem>>) target(%dma_start3A_326 : memref<10000xf32, #tpu.memory_space<vmem_shared>>) offsets(%dma_start3A_324 : memref<80xi32, #tpu.memory_space<vmem>>) semaphore(%arg22 : memref<!tpu.dma_semaphore, #tpu.memory_space<semaphore_mem>>) {add = true}
      %dma_wait3A_327 = arith.constant 0 : i32
      %dma_wait3A_328 = arith.constant 0 : i32
      %dma_wait3A_329 = tpu.memref_slice %arg9[%dma_wait3A_327, %dma_wait3A_328] : memref<25x80xi32, #tpu.memory_space<vmem>> -> memref<1x80xi32, #tpu.memory_space<vmem>>
      %dma_wait3A_330 = tpu.memref_squeeze %dma_wait3A_329 : memref<1x80xi32, #tpu.memory_space<vmem>> -> memref<80xi32, #tpu.memory_space<vmem>>
      %dma_wait3A_331 = arith.constant 0 : i32
      %dma_wait3A_332 = arith.constant 0 : i32
      %dma_wait3A_333 = tpu.memref_slice %arg2[%dma_wait3A_331, %dma_wait3A_332] : memref<10000x128xf32, #tpu.memory_space<hbm>> -> memref<10000x128xf32, #tpu.memory_space<hbm>>
      tpu.wait_indirect_dma semaphore(%arg21 : memref<!tpu.dma_semaphore, #tpu.memory_space<semaphore_mem>>) src(%dma_wait3A_333 : memref<10000x128xf32, #tpu.memory_space<hbm>>) dst(%arg12 : memref<80x128xf32, #tpu.memory_space<vmem>>)
      %dma_wait3A_334 = arith.constant 0 : i32
      %dma_wait3A_335 = arith.constant 0 : i32
      %dma_wait3A_336 = tpu.memref_slice %arg9[%dma_wait3A_334, %dma_wait3A_335] : memref<25x80xi32, #tpu.memory_space<vmem>> -> memref<1x80xi32, #tpu.memory_space<vmem>>
      %dma_wait3A_337 = tpu.memref_squeeze %dma_wait3A_336 : memref<1x80xi32, #tpu.memory_space<vmem>> -> memref<80xi32, #tpu.memory_space<vmem>>
      %dma_wait3A_338 = arith.constant 0 : i32
      %dma_wait3A_339 = tpu.memref_slice %arg6[%dma_wait3A_338] : memref<10000xf32, #tpu.memory_space<hbm>> -> memref<10000xf32, #tpu.memory_space<hbm>>
      tpu.wait_indirect_dma semaphore(%arg21 : memref<!tpu.dma_semaphore, #tpu.memory_space<semaphore_mem>>) src(%dma_wait3A_339 : memref<10000xf32, #tpu.memory_space<hbm>>) dst(%arg14 : memref<80xf32, #tpu.memory_space<vmem>>)
      %dma_wait3A_340 = arith.constant 24 : i32
      %dma_wait3A_341 = arith.constant 0 : i32
      %dma_wait3A_342 = tpu.memref_slice %arg9[%dma_wait3A_340, %dma_wait3A_341] : memref<25x80xi32, #tpu.memory_space<vmem>> -> memref<1x80xi32, #tpu.memory_space<vmem>>
      %dma_wait3A_343 = tpu.memref_squeeze %dma_wait3A_342 : memref<1x80xi32, #tpu.memory_space<vmem>> -> memref<80xi32, #tpu.memory_space<vmem>>
      %dma_wait3A_344 = arith.constant 0 : i32
      %dma_wait3A_345 = arith.constant 0 : i32
      %dma_wait3A_346 = tpu.memref_slice %arg2[%dma_wait3A_344, %dma_wait3A_345] : memref<10000x128xf32, #tpu.memory_space<hbm>> -> memref<10000x128xf32, #tpu.memory_space<hbm>>
      tpu.wait_indirect_dma semaphore(%arg17 : memref<!tpu.dma_semaphore, #tpu.memory_space<semaphore_mem>>) src(%dma_wait3A_346 : memref<10000x128xf32, #tpu.memory_space<hbm>>) dst(%arg11 : memref<80x128xf32, #tpu.memory_space<vmem>>)
      %dma_start3A_347 = arith.constant 24 : i32
      %dma_start3A_348 = arith.constant 0 : i32
      %dma_start3A_349 = tpu.memref_slice %arg10[%dma_start3A_347, %dma_start3A_348] : memref<25x80xi32, #tpu.memory_space<vmem>> -> memref<1x80xi32, #tpu.memory_space<vmem>>
      %dma_start3A_350 = tpu.memref_squeeze %dma_start3A_349 : memref<1x80xi32, #tpu.memory_space<vmem>> -> memref<80xi32, #tpu.memory_space<vmem>>
      %dma_start3A_351 = arith.constant 0 : i32
      %dma_start3A_352 = arith.constant 0 : i32
      %dma_start3A_353 = tpu.memref_slice %arg15[%dma_start3A_351, %dma_start3A_352] : memref<10000x128xf32, #tpu.memory_space<vmem_shared>> -> memref<10000x128xf32, #tpu.memory_space<vmem_shared>>
      tpu.enqueue_indirect_dma source(%arg11 : memref<80x128xf32, #tpu.memory_space<vmem>>) target(%dma_start3A_353 : memref<10000x128xf32, #tpu.memory_space<vmem_shared>>) offsets(%dma_start3A_350 : memref<80xi32, #tpu.memory_space<vmem>>) semaphore(%arg20 : memref<!tpu.dma_semaphore, #tpu.memory_space<semaphore_mem>>) {add = true}
      %dma_start3A_354 = arith.constant 24 : i32
      %dma_start3A_355 = arith.constant 0 : i32
      %dma_start3A_356 = tpu.memref_slice %arg10[%dma_start3A_354, %dma_start3A_355] : memref<25x80xi32, #tpu.memory_space<vmem>> -> memref<1x80xi32, #tpu.memory_space<vmem>>
      %dma_start3A_357 = tpu.memref_squeeze %dma_start3A_356 : memref<1x80xi32, #tpu.memory_space<vmem>> -> memref<80xi32, #tpu.memory_space<vmem>>
      %dma_start3A_358 = arith.constant 0 : i32
      %dma_start3A_359 = tpu.memref_slice %arg16[%dma_start3A_358] : memref<10000xf32, #tpu.memory_space<vmem_shared>> -> memref<10000xf32, #tpu.memory_space<vmem_shared>>
      tpu.enqueue_indirect_dma source(%arg14 : memref<80xf32, #tpu.memory_space<vmem>>) target(%dma_start3A_359 : memref<10000xf32, #tpu.memory_space<vmem_shared>>) offsets(%dma_start3A_357 : memref<80xi32, #tpu.memory_space<vmem>>) semaphore(%arg20 : memref<!tpu.dma_semaphore, #tpu.memory_space<semaphore_mem>>) {add = true}
      %dma_wait3A_360 = arith.constant 0 : i32
      %dma_wait3A_361 = arith.constant 0 : i32
      %dma_wait3A_362 = tpu.memref_slice %arg9[%dma_wait3A_360, %dma_wait3A_361] : memref<25x80xi32, #tpu.memory_space<vmem>> -> memref<1x80xi32, #tpu.memory_space<vmem>>
      %dma_wait3A_363 = tpu.memref_squeeze %dma_wait3A_362 : memref<1x80xi32, #tpu.memory_space<vmem>> -> memref<80xi32, #tpu.memory_space<vmem>>
      %dma_wait3A_364 = arith.constant 0 : i32
      %dma_wait3A_365 = arith.constant 0 : i32
      %dma_wait3A_366 = tpu.memref_slice %arg2[%dma_wait3A_364, %dma_wait3A_365] : memref<10000x128xf32, #tpu.memory_space<hbm>> -> memref<10000x128xf32, #tpu.memory_space<hbm>>
      tpu.wait_indirect_dma semaphore(%arg22 : memref<!tpu.dma_semaphore, #tpu.memory_space<semaphore_mem>>) src(%dma_wait3A_366 : memref<10000x128xf32, #tpu.memory_space<hbm>>) dst(%arg13 : memref<80x128xf32, #tpu.memory_space<vmem>>)
      %dma_wait3A_367 = arith.constant 0 : i32
      %dma_wait3A_368 = arith.constant 0 : i32
      %dma_wait3A_369 = tpu.memref_slice %arg9[%dma_wait3A_367, %dma_wait3A_368] : memref<25x80xi32, #tpu.memory_space<vmem>> -> memref<1x80xi32, #tpu.memory_space<vmem>>
      %dma_wait3A_370 = tpu.memref_squeeze %dma_wait3A_369 : memref<1x80xi32, #tpu.memory_space<vmem>> -> memref<80xi32, #tpu.memory_space<vmem>>
      %dma_wait3A_371 = arith.constant 0 : i32
      %dma_wait3A_372 = tpu.memref_slice %arg6[%dma_wait3A_371] : memref<10000xf32, #tpu.memory_space<hbm>> -> memref<10000xf32, #tpu.memory_space<hbm>>
      tpu.wait_indirect_dma semaphore(%arg22 : memref<!tpu.dma_semaphore, #tpu.memory_space<semaphore_mem>>) src(%dma_wait3A_372 : memref<10000xf32, #tpu.memory_space<hbm>>) dst(%arg14 : memref<80xf32, #tpu.memory_space<vmem>>)
      %dma_wait3A_373 = arith.constant 0 : i32
      %dma_wait3A_374 = arith.constant 0 : i32
      %dma_wait3A_375 = tpu.memref_slice %arg9[%dma_wait3A_373, %dma_wait3A_374] : memref<25x80xi32, #tpu.memory_space<vmem>> -> memref<1x80xi32, #tpu.memory_space<vmem>>
      %dma_wait3A_376 = tpu.memref_squeeze %dma_wait3A_375 : memref<1x80xi32, #tpu.memory_space<vmem>> -> memref<80xi32, #tpu.memory_space<vmem>>
      %dma_wait3A_377 = arith.constant 0 : i32
      %dma_wait3A_378 = arith.constant 0 : i32
      %dma_wait3A_379 = tpu.memref_slice %arg2[%dma_wait3A_377, %dma_wait3A_378] : memref<10000x128xf32, #tpu.memory_space<hbm>> -> memref<10000x128xf32, #tpu.memory_space<hbm>>
      tpu.wait_indirect_dma semaphore(%arg20 : memref<!tpu.dma_semaphore, #tpu.memory_space<semaphore_mem>>) src(%dma_wait3A_379 : memref<10000x128xf32, #tpu.memory_space<hbm>>) dst(%arg11 : memref<80x128xf32, #tpu.memory_space<vmem>>)
      %dma_wait3A_380 = arith.constant 0 : i32
      %dma_wait3A_381 = arith.constant 0 : i32
      %dma_wait3A_382 = tpu.memref_slice %arg9[%dma_wait3A_380, %dma_wait3A_381] : memref<25x80xi32, #tpu.memory_space<vmem>> -> memref<1x80xi32, #tpu.memory_space<vmem>>
      %dma_wait3A_383 = tpu.memref_squeeze %dma_wait3A_382 : memref<1x80xi32, #tpu.memory_space<vmem>> -> memref<80xi32, #tpu.memory_space<vmem>>
      %dma_wait3A_384 = arith.constant 0 : i32
      %dma_wait3A_385 = tpu.memref_slice %arg6[%dma_wait3A_384] : memref<10000xf32, #tpu.memory_space<hbm>> -> memref<10000xf32, #tpu.memory_space<hbm>>
      tpu.wait_indirect_dma semaphore(%arg20 : memref<!tpu.dma_semaphore, #tpu.memory_space<semaphore_mem>>) src(%dma_wait3A_385 : memref<10000xf32, #tpu.memory_space<hbm>>) dst(%arg14 : memref<80xf32, #tpu.memory_space<vmem>>)
    }
    %scan3A_207 = arith.constant 4 : i32
    %barrier3A_208 = arith.constant 0 : index
    tpu.barrier barrier_id(%barrier3A_208)
    "tpu.region"() ({
      %run_scoped3A_219 = tpu.sem_alloc : memref<!tpu.dma_semaphore, #tpu.memory_space<semaphore_mem>>
      %dma_start3A_220 = arith.constant 0 : i32
      %dma_start3A_221 = tpu.memref_slice %arg7[%arg0, %mul3A_2, %dma_start3A_220] : memref<2x10000x128xf32, #tpu.memory_space<hbm>> -> memref<1x624x128xf32, #tpu.memory_space<hbm>>
      %dma_start3A_222 = tpu.memref_squeeze %dma_start3A_221 : memref<1x624x128xf32, #tpu.memory_space<hbm>> -> memref<624x128xf32, #tpu.memory_space<hbm>>
      %dma_start3A_223 = arith.constant 0 : i32
      %dma_start3A_224 = tpu.memref_slice %arg15[%mul3A_2, %dma_start3A_223] : memref<10000x128xf32, #tpu.memory_space<vmem_shared>> -> memref<624x128xf32, #tpu.memory_space<vmem_shared>>
      tpu.enqueue_dma source(%dma_start3A_224 : memref<624x128xf32, #tpu.memory_space<vmem_shared>>) target(%dma_start3A_222 : memref<624x128xf32, #tpu.memory_space<hbm>>) target_semaphore(%run_scoped3A_219 : memref<!tpu.dma_semaphore, #tpu.memory_space<semaphore_mem>>)
      %dma_wait3A_225 = arith.constant 0 : i32
      %dma_wait3A_226 = tpu.memref_slice %arg7[%arg0, %mul3A_2, %dma_wait3A_225] : memref<2x10000x128xf32, #tpu.memory_space<hbm>> -> memref<1x624x128xf32, #tpu.memory_space<hbm>>
      %dma_wait3A_227 = tpu.memref_squeeze %dma_wait3A_226 : memref<1x624x128xf32, #tpu.memory_space<hbm>> -> memref<624x128xf32, #tpu.memory_space<hbm>>
      %dma_wait3A_228 = arith.constant 0 : i32
      %dma_wait3A_229 = tpu.memref_slice %arg15[%mul3A_2, %dma_wait3A_228] : memref<10000x128xf32, #tpu.memory_space<vmem_shared>> -> memref<624x128xf32, #tpu.memory_space<vmem_shared>>
      tpu.wait_dma2 semaphore(%run_scoped3A_219 : memref<!tpu.dma_semaphore, #tpu.memory_space<semaphore_mem>>) src(%dma_wait3A_229 : memref<624x128xf32, #tpu.memory_space<vmem_shared>>) dst(%dma_wait3A_227 : memref<624x128xf32, #tpu.memory_space<hbm>>)
      tpu.yield
    }) : () -> ()
    %eq3A_209 = arith.constant 15 : i32
    %eq3A_210 = arith.cmpi eq, %arg1, %eq3A_209 : i32
    %convert_element_type3A_211 = arith.extui %eq3A_210 : i1 to i32
    %cond3A_212 = arith.constant 0 : i32
    %cond3A_213 = arith.cmpi ne, %convert_element_type3A_211, %cond3A_212 : i32
    scf.if %cond3A_213 {
      "tpu.region"() ({
        %run_scoped3A_219 = tpu.sem_alloc : memref<!tpu.dma_semaphore, #tpu.memory_space<semaphore_mem>>
        %dma_start3A_220 = arith.constant 9984 : i32
        %dma_start3A_221 = arith.constant 0 : i32
        %dma_start3A_222 = tpu.memref_slice %arg7[%arg0, %dma_start3A_220, %dma_start3A_221] : memref<2x10000x128xf32, #tpu.memory_space<hbm>> -> memref<1x16x128xf32, #tpu.memory_space<hbm>>
        %dma_start3A_223 = tpu.memref_squeeze %dma_start3A_222 : memref<1x16x128xf32, #tpu.memory_space<hbm>> -> memref<16x128xf32, #tpu.memory_space<hbm>>
        %dma_start3A_224 = arith.constant 9984 : i32
        %dma_start3A_225 = arith.constant 0 : i32
        %dma_start3A_226 = tpu.memref_slice %arg15[%dma_start3A_224, %dma_start3A_225] : memref<10000x128xf32, #tpu.memory_space<vmem_shared>> -> memref<16x128xf32, #tpu.memory_space<vmem_shared>>
        tpu.enqueue_dma source(%dma_start3A_226 : memref<16x128xf32, #tpu.memory_space<vmem_shared>>) target(%dma_start3A_223 : memref<16x128xf32, #tpu.memory_space<hbm>>) target_semaphore(%run_scoped3A_219 : memref<!tpu.dma_semaphore, #tpu.memory_space<semaphore_mem>>)
        %dma_wait3A_227 = arith.constant 9984 : i32
        %dma_wait3A_228 = arith.constant 0 : i32
        %dma_wait3A_229 = tpu.memref_slice %arg7[%arg0, %dma_wait3A_227, %dma_wait3A_228] : memref<2x10000x128xf32, #tpu.memory_space<hbm>> -> memref<1x16x128xf32, #tpu.memory_space<hbm>>
        %dma_wait3A_230 = tpu.memref_squeeze %dma_wait3A_229 : memref<1x16x128xf32, #tpu.memory_space<hbm>> -> memref<16x128xf32, #tpu.memory_space<hbm>>
        %dma_wait3A_231 = arith.constant 9984 : i32
        %dma_wait3A_232 = arith.constant 0 : i32
        %dma_wait3A_233 = tpu.memref_slice %arg15[%dma_wait3A_231, %dma_wait3A_232] : memref<10000x128xf32, #tpu.memory_space<vmem_shared>> -> memref<16x128xf32, #tpu.memory_space<vmem_shared>>
        tpu.wait_dma2 semaphore(%run_scoped3A_219 : memref<!tpu.dma_semaphore, #tpu.memory_space<semaphore_mem>>) src(%dma_wait3A_233 : memref<16x128xf32, #tpu.memory_space<vmem_shared>>) dst(%dma_wait3A_230 : memref<16x128xf32, #tpu.memory_space<hbm>>)
        tpu.yield
      }) : () -> ()
    } else {
    }
    %eq3A_214 = arith.constant 0 : i32
    %eq3A_215 = arith.cmpi eq, %arg1, %eq3A_214 : i32
    %convert_element_type3A_216 = arith.extui %eq3A_215 : i1 to i32
    %cond3A_217 = arith.constant 0 : i32
    %cond3A_218 = arith.cmpi ne, %convert_element_type3A_216, %cond3A_217 : i32
    scf.if %cond3A_218 {
      "tpu.region"() ({
        %run_scoped3A_219 = tpu.sem_alloc : memref<!tpu.dma_semaphore, #tpu.memory_space<semaphore_mem>>
        %dma_start3A_220 = arith.constant 0 : i32
        %dma_start3A_221 = tpu.memref_slice %arg8[%arg0, %dma_start3A_220] : memref<2x10000xf32, #tpu.memory_space<hbm>> -> memref<1x10000xf32, #tpu.memory_space<hbm>>
        %dma_start3A_222 = tpu.memref_squeeze %dma_start3A_221 : memref<1x10000xf32, #tpu.memory_space<hbm>> -> memref<10000xf32, #tpu.memory_space<hbm>>
        tpu.enqueue_dma source(%arg16 : memref<10000xf32, #tpu.memory_space<vmem_shared>>) target(%dma_start3A_222 : memref<10000xf32, #tpu.memory_space<hbm>>) target_semaphore(%run_scoped3A_219 : memref<!tpu.dma_semaphore, #tpu.memory_space<semaphore_mem>>)
        %dma_wait3A_223 = arith.constant 0 : i32
        %dma_wait3A_224 = tpu.memref_slice %arg8[%arg0, %dma_wait3A_223] : memref<2x10000xf32, #tpu.memory_space<hbm>> -> memref<1x10000xf32, #tpu.memory_space<hbm>>
        %dma_wait3A_225 = tpu.memref_squeeze %dma_wait3A_224 : memref<1x10000xf32, #tpu.memory_space<hbm>> -> memref<10000xf32, #tpu.memory_space<hbm>>
        tpu.wait_dma2 semaphore(%run_scoped3A_219 : memref<!tpu.dma_semaphore, #tpu.memory_space<semaphore_mem>>) src(%arg16 : memref<10000xf32, #tpu.memory_space<vmem_shared>>) dst(%dma_wait3A_225 : memref<10000xf32, #tpu.memory_space<hbm>>)
        tpu.yield
      }) : () -> ()
    } else {
    }
    return
  }
}

#map = affine_map<(d0, d1) -> (0, 0)>
#map1 = affine_map<(d0, d1) -> (0, 0, 0, 0)>
#map2 = affine_map<(d0, d1) -> (0)>
#map3 = affine_map<(d0, d1) -> (0, 0, 0)>
module attributes {stable_mosaic.version = 14 : i64} {
  func.func @_sc_agg_body(%arg0: i32, %arg1: i32, %arg2: memref<10000x128xf32, #tpu.memory_space<hbm>>, %arg3: memref<32x5x25x80xi32, #tpu.memory_space<hbm>>, %arg4: memref<32x5x25x80xi32, #tpu.memory_space<hbm>>, %arg5: memref<10000x128xf32, #tpu.memory_space<hbm>>, %arg6: memref<10000xf32, #tpu.memory_space<hbm>>, %arg7: memref<2x10000x128xf32, #tpu.memory_space<hbm>>, %arg8: memref<2x10000xf32, #tpu.memory_space<hbm>>, %arg9: memref<25x80xi32, #tpu.memory_space<vmem>>, %arg10: memref<25x80xi32, #tpu.memory_space<vmem>>, %arg11: memref<80x128xf32, #tpu.memory_space<vmem>>, %arg12: memref<80x128xf32, #tpu.memory_space<vmem>>, %arg13: memref<80x128xf32, #tpu.memory_space<vmem>>, %arg14: memref<80xf32, #tpu.memory_space<vmem>>, %arg15: memref<10000x128xf32, #tpu.memory_space<vmem_shared>>, %arg16: memref<10000xf32, #tpu.memory_space<vmem_shared>>, %arg17: memref<!tpu.dma_semaphore, #tpu.memory_space<semaphore_mem>>, %arg18: memref<!tpu.dma_semaphore, #tpu.memory_space<semaphore_mem>>, %arg19: memref<!tpu.dma_semaphore, #tpu.memory_space<semaphore_mem>>, %arg20: memref<!tpu.dma_semaphore, #tpu.memory_space<semaphore_mem>>, %arg21: memref<!tpu.dma_semaphore, #tpu.memory_space<semaphore_mem>>, %arg22: memref<!tpu.dma_semaphore, #tpu.memory_space<semaphore_mem>>) attributes {dimension_semantics = [#tpu.dimension_semantics<core_parallel>, #tpu.dimension_semantics<subcore_parallel>], iteration_bounds = array<i64: 2, 16>, scalar_prefetch = 0 : i64, scratch_operands = 14 : i64, tpu.core_type = #tpu.core_type<sc_vector_subcore>, window_params = [{transform_indices = #map}, {transform_indices = #map1}, {transform_indices = #map1}, {transform_indices = #map}, {transform_indices = #map2}, {transform_indices = #map3}, {transform_indices = #map}]} {
    %mul3A = arith.constant 16 : i32
    %mul3A_0 = arith.muli %arg0, %mul3A : i32
    %add3A = arith.addi %mul3A_0, %arg1 : i32
    %mul3A_1 = arith.constant 624 : i32
    %mul3A_2 = arith.muli %arg1, %mul3A_1 : i32
    %run_scoped3A = arith.constant 0 : i32
    "tpu.region"() ({
      %run_scoped3A_219 = tpu.sem_alloc : memref<!tpu.dma_semaphore, #tpu.memory_space<semaphore_mem>>
      %dma_start3A_220 = arith.constant 0 : i32
      %dma_start3A_221 = arith.constant 0 : i32
      %dma_start3A_222 = tpu.memref_slice %arg3[%add3A, %run_scoped3A, %dma_start3A_220, %dma_start3A_221] : memref<32x5x25x80xi32, #tpu.memory_space<hbm>> -> memref<1x1x25x80xi32, #tpu.memory_space<hbm>>
      %dma_start3A_223 = tpu.memref_squeeze %dma_start3A_222 : memref<1x1x25x80xi32, #tpu.memory_space<hbm>> -> memref<25x80xi32, #tpu.memory_space<hbm>>
      %dma_start3A_224 = arith.constant 0 : i32
      %dma_start3A_225 = arith.constant 0 : i32
      %dma_start3A_226 = tpu.memref_slice %arg3[%add3A, %run_scoped3A, %dma_start3A_224, %dma_start3A_225] : memref<32x5x25x80xi32, #tpu.memory_space<hbm>> -> memref<1x1x25x80xi32, #tpu.memory_space<hbm>>
      %dma_start3A_227 = tpu.memref_squeeze %dma_start3A_226 : memref<1x1x25x80xi32, #tpu.memory_space<hbm>> -> memref<25x80xi32, #tpu.memory_space<hbm>>
      tpu.enqueue_dma source(%dma_start3A_227 : memref<25x80xi32, #tpu.memory_space<hbm>>) target(%arg9 : memref<25x80xi32, #tpu.memory_space<vmem>>) target_semaphore(%run_scoped3A_219 : memref<!tpu.dma_semaphore, #tpu.memory_space<semaphore_mem>>)
      %dma_wait3A_228 = arith.constant 0 : i32
      %dma_wait3A_229 = arith.constant 0 : i32
      %dma_wait3A_230 = tpu.memref_slice %arg3[%add3A, %run_scoped3A, %dma_wait3A_228, %dma_wait3A_229] : memref<32x5x25x80xi32, #tpu.memory_space<hbm>> -> memref<1x1x25x80xi32, #tpu.memory_space<hbm>>
      %dma_wait3A_231 = tpu.memref_squeeze %dma_wait3A_230 : memref<1x1x25x80xi32, #tpu.memory_space<hbm>> -> memref<25x80xi32, #tpu.memory_space<hbm>>
      %dma_wait3A_232 = arith.constant 0 : i32
      %dma_wait3A_233 = arith.constant 0 : i32
      %dma_wait3A_234 = tpu.memref_slice %arg3[%add3A, %run_scoped3A, %dma_wait3A_232, %dma_wait3A_233] : memref<32x5x25x80xi32, #tpu.memory_space<hbm>> -> memref<1x1x25x80xi32, #tpu.memory_space<hbm>>
      %dma_wait3A_235 = tpu.memref_squeeze %dma_wait3A_234 : memref<1x1x25x80xi32, #tpu.memory_space<hbm>> -> memref<25x80xi32, #tpu.memory_space<hbm>>
      tpu.wait_dma2 semaphore(%run_scoped3A_219 : memref<!tpu.dma_semaphore, #tpu.memory_space<semaphore_mem>>) src(%dma_wait3A_235 : memref<25x80xi32, #tpu.memory_space<hbm>>) dst(%arg9 : memref<25x80xi32, #tpu.memory_space<vmem>>)
      tpu.yield
    }) : () -> ()
    %run_scoped3A_3 = arith.constant 0 : i32
    "tpu.region"() ({
      %run_scoped3A_219 = tpu.sem_alloc : memref<!tpu.dma_semaphore, #tpu.memory_space<semaphore_mem>>
      %dma_start3A_220 = arith.constant 0 : i32
      %dma_start3A_221 = arith.constant 0 : i32
      %dma_start3A_222 = tpu.memref_slice %arg4[%add3A, %run_scoped3A_3, %dma_start3A_220, %dma_start3A_221] : memref<32x5x25x80xi32, #tpu.memory_space<hbm>> -> memref<1x1x25x80xi32, #tpu.memory_space<hbm>>
      %dma_start3A_223 = tpu.memref_squeeze %dma_start3A_222 : memref<1x1x25x80xi32, #tpu.memory_space<hbm>> -> memref<25x80xi32, #tpu.memory_space<hbm>>
      %dma_start3A_224 = arith.constant 0 : i32
      %dma_start3A_225 = arith.constant 0 : i32
      %dma_start3A_226 = tpu.memref_slice %arg4[%add3A, %run_scoped3A_3, %dma_start3A_224, %dma_start3A_225] : memref<32x5x25x80xi32, #tpu.memory_space<hbm>> -> memref<1x1x25x80xi32, #tpu.memory_space<hbm>>
      %dma_start3A_227 = tpu.memref_squeeze %dma_start3A_226 : memref<1x1x25x80xi32, #tpu.memory_space<hbm>> -> memref<25x80xi32, #tpu.memory_space<hbm>>
      tpu.enqueue_dma source(%dma_start3A_227 : memref<25x80xi32, #tpu.memory_space<hbm>>) target(%arg10 : memref<25x80xi32, #tpu.memory_space<vmem>>) target_semaphore(%run_scoped3A_219 : memref<!tpu.dma_semaphore, #tpu.memory_space<semaphore_mem>>)
      %dma_wait3A_228 = arith.constant 0 : i32
      %dma_wait3A_229 = arith.constant 0 : i32
      %dma_wait3A_230 = tpu.memref_slice %arg4[%add3A, %run_scoped3A_3, %dma_wait3A_228, %dma_wait3A_229] : memref<32x5x25x80xi32, #tpu.memory_space<hbm>> -> memref<1x1x25x80xi32, #tpu.memory_space<hbm>>
      %dma_wait3A_231 = tpu.memref_squeeze %dma_wait3A_230 : memref<1x1x25x80xi32, #tpu.memory_space<hbm>> -> memref<25x80xi32, #tpu.memory_space<hbm>>
      %dma_wait3A_232 = arith.constant 0 : i32
      %dma_wait3A_233 = arith.constant 0 : i32
      %dma_wait3A_234 = tpu.memref_slice %arg4[%add3A, %run_scoped3A_3, %dma_wait3A_232, %dma_wait3A_233] : memref<32x5x25x80xi32, #tpu.memory_space<hbm>> -> memref<1x1x25x80xi32, #tpu.memory_space<hbm>>
      %dma_wait3A_235 = tpu.memref_squeeze %dma_wait3A_234 : memref<1x1x25x80xi32, #tpu.memory_space<hbm>> -> memref<25x80xi32, #tpu.memory_space<hbm>>
      tpu.wait_dma2 semaphore(%run_scoped3A_219 : memref<!tpu.dma_semaphore, #tpu.memory_space<semaphore_mem>>) src(%dma_wait3A_235 : memref<25x80xi32, #tpu.memory_space<hbm>>) dst(%arg10 : memref<25x80xi32, #tpu.memory_space<vmem>>)
      tpu.yield
    }) : () -> ()
    %dma_start3A = arith.constant 0 : i32
    %dma_start3A_4 = arith.constant 0 : i32
    %dma_start3A_5 = tpu.memref_slice %arg9[%dma_start3A, %dma_start3A_4] : memref<25x80xi32, #tpu.memory_space<vmem>> -> memref<1x80xi32, #tpu.memory_space<vmem>>
    %dma_start3A_6 = tpu.memref_squeeze %dma_start3A_5 : memref<1x80xi32, #tpu.memory_space<vmem>> -> memref<80xi32, #tpu.memory_space<vmem>>
    %dma_start3A_7 = arith.constant 0 : i32
    %dma_start3A_8 = arith.constant 0 : i32
    %dma_start3A_9 = tpu.memref_slice %arg2[%dma_start3A_7, %dma_start3A_8] : memref<10000x128xf32, #tpu.memory_space<hbm>> -> memref<10000x128xf32, #tpu.memory_space<hbm>>
    tpu.enqueue_indirect_dma source(%dma_start3A_9 : memref<10000x128xf32, #tpu.memory_space<hbm>>) target(%arg11 : memref<80x128xf32, #tpu.memory_space<vmem>>) offsets(%dma_start3A_6 : memref<80xi32, #tpu.memory_space<vmem>>) semaphore(%arg17 : memref<!tpu.dma_semaphore, #tpu.memory_space<semaphore_mem>>)
    %dma_start3A_10 = arith.constant 1 : i32
    %dma_start3A_11 = arith.constant 0 : i32
    %dma_start3A_12 = tpu.memref_slice %arg9[%dma_start3A_10, %dma_start3A_11] : memref<25x80xi32, #tpu.memory_space<vmem>> -> memref<1x80xi32, #tpu.memory_space<vmem>>
    %dma_start3A_13 = tpu.memref_squeeze %dma_start3A_12 : memref<1x80xi32, #tpu.memory_space<vmem>> -> memref<80xi32, #tpu.memory_space<vmem>>
    %dma_start3A_14 = arith.constant 0 : i32
    %dma_start3A_15 = arith.constant 0 : i32
    %dma_start3A_16 = tpu.memref_slice %arg2[%dma_start3A_14, %dma_start3A_15] : memref<10000x128xf32, #tpu.memory_space<hbm>> -> memref<10000x128xf32, #tpu.memory_space<hbm>>
    tpu.enqueue_indirect_dma source(%dma_start3A_16 : memref<10000x128xf32, #tpu.memory_space<hbm>>) target(%arg12 : memref<80x128xf32, #tpu.memory_space<vmem>>) offsets(%dma_start3A_13 : memref<80xi32, #tpu.memory_space<vmem>>) semaphore(%arg18 : memref<!tpu.dma_semaphore, #tpu.memory_space<semaphore_mem>>)
    "tpu.region"() ({
      %run_scoped3A_219 = tpu.sem_alloc : memref<!tpu.dma_semaphore, #tpu.memory_space<semaphore_mem>>
      %dma_start3A_220 = arith.constant 0 : i32
      %dma_start3A_221 = tpu.memref_slice %arg15[%mul3A_2, %dma_start3A_220] : memref<10000x128xf32, #tpu.memory_space<vmem_shared>> -> memref<624x128xf32, #tpu.memory_space<vmem_shared>>
      %dma_start3A_222 = arith.constant 0 : i32
      %dma_start3A_223 = tpu.memref_slice %arg5[%mul3A_2, %dma_start3A_222] : memref<10000x128xf32, #tpu.memory_space<hbm>> -> memref<624x128xf32, #tpu.memory_space<hbm>>
      tpu.enqueue_dma source(%dma_start3A_223 : memref<624x128xf32, #tpu.memory_space<hbm>>) target(%dma_start3A_221 : memref<624x128xf32, #tpu.memory_space<vmem_shared>>) target_semaphore(%run_scoped3A_219 : memref<!tpu.dma_semaphore, #tpu.memory_space<semaphore_mem>>)
      %dma_wait3A_224 = arith.constant 0 : i32
      %dma_wait3A_225 = tpu.memref_slice %arg15[%mul3A_2, %dma_wait3A_224] : memref<10000x128xf32, #tpu.memory_space<vmem_shared>> -> memref<624x128xf32, #tpu.memory_space<vmem_shared>>
      %dma_wait3A_226 = arith.constant 0 : i32
      %dma_wait3A_227 = tpu.memref_slice %arg5[%mul3A_2, %dma_wait3A_226] : memref<10000x128xf32, #tpu.memory_space<hbm>> -> memref<624x128xf32, #tpu.memory_space<hbm>>
      tpu.wait_dma2 semaphore(%run_scoped3A_219 : memref<!tpu.dma_semaphore, #tpu.memory_space<semaphore_mem>>) src(%dma_wait3A_227 : memref<624x128xf32, #tpu.memory_space<hbm>>) dst(%dma_wait3A_225 : memref<624x128xf32, #tpu.memory_space<vmem_shared>>)
      tpu.yield
    }) : () -> ()
    %eq3A = arith.constant 15 : i32
    %eq3A_17 = arith.cmpi eq, %arg1, %eq3A : i32
    %convert_element_type3A = arith.extui %eq3A_17 : i1 to i32
    %cond3A = arith.constant 0 : i32
    %cond3A_18 = arith.cmpi ne, %convert_element_type3A, %cond3A : i32
    scf.if %cond3A_18 {
      "tpu.region"() ({
        %run_scoped3A_219 = tpu.sem_alloc : memref<!tpu.dma_semaphore, #tpu.memory_space<semaphore_mem>>
        %dma_start3A_220 = arith.constant 9984 : i32
        %dma_start3A_221 = arith.constant 0 : i32
        %dma_start3A_222 = tpu.memref_slice %arg15[%dma_start3A_220, %dma_start3A_221] : memref<10000x128xf32, #tpu.memory_space<vmem_shared>> -> memref<16x128xf32, #tpu.memory_space<vmem_shared>>
        %dma_start3A_223 = arith.constant 9984 : i32
        %dma_start3A_224 = arith.constant 0 : i32
        %dma_start3A_225 = tpu.memref_slice %arg5[%dma_start3A_223, %dma_start3A_224] : memref<10000x128xf32, #tpu.memory_space<hbm>> -> memref<16x128xf32, #tpu.memory_space<hbm>>
        tpu.enqueue_dma source(%dma_start3A_225 : memref<16x128xf32, #tpu.memory_space<hbm>>) target(%dma_start3A_222 : memref<16x128xf32, #tpu.memory_space<vmem_shared>>) target_semaphore(%run_scoped3A_219 : memref<!tpu.dma_semaphore, #tpu.memory_space<semaphore_mem>>)
        %dma_wait3A_226 = arith.constant 9984 : i32
        %dma_wait3A_227 = arith.constant 0 : i32
        %dma_wait3A_228 = tpu.memref_slice %arg15[%dma_wait3A_226, %dma_wait3A_227] : memref<10000x128xf32, #tpu.memory_space<vmem_shared>> -> memref<16x128xf32, #tpu.memory_space<vmem_shared>>
        %dma_wait3A_229 = arith.constant 9984 : i32
        %dma_wait3A_230 = arith.constant 0 : i32
        %dma_wait3A_231 = tpu.memref_slice %arg5[%dma_wait3A_229, %dma_wait3A_230] : memref<10000x128xf32, #tpu.memory_space<hbm>> -> memref<16x128xf32, #tpu.memory_space<hbm>>
        tpu.wait_dma2 semaphore(%run_scoped3A_219 : memref<!tpu.dma_semaphore, #tpu.memory_space<semaphore_mem>>) src(%dma_wait3A_231 : memref<16x128xf32, #tpu.memory_space<hbm>>) dst(%dma_wait3A_228 : memref<16x128xf32, #tpu.memory_space<vmem_shared>>)
        tpu.yield
      }) : () -> ()
    } else {
    }
    %eq3A_19 = arith.constant 0 : i32
    %eq3A_20 = arith.cmpi eq, %arg1, %eq3A_19 : i32
    %convert_element_type3A_21 = arith.extui %eq3A_20 : i1 to i32
    %cond3A_22 = arith.constant 0 : i32
    %cond3A_23 = arith.cmpi ne, %convert_element_type3A_21, %cond3A_22 : i32
    scf.if %cond3A_23 {
      "tpu.region"() ({
        %run_scoped3A_219 = tpu.sem_alloc : memref<!tpu.dma_semaphore, #tpu.memory_space<semaphore_mem>>
        tpu.enqueue_dma source(%arg6 : memref<10000xf32, #tpu.memory_space<hbm>>) target(%arg16 : memref<10000xf32, #tpu.memory_space<vmem_shared>>) target_semaphore(%run_scoped3A_219 : memref<!tpu.dma_semaphore, #tpu.memory_space<semaphore_mem>>)
        tpu.wait_dma2 semaphore(%run_scoped3A_219 : memref<!tpu.dma_semaphore, #tpu.memory_space<semaphore_mem>>) src(%arg6 : memref<10000xf32, #tpu.memory_space<hbm>>) dst(%arg16 : memref<10000xf32, #tpu.memory_space<vmem_shared>>)
        tpu.yield
      }) : () -> ()
    } else {
    }
    %broadcast_in_dim3A = arith.constant 1.000000e+00 : f32
    %broadcast_in_dim3A_24 = vector.broadcast %broadcast_in_dim3A : f32 to vector<16xf32>
    %swap3A = arith.constant 0 : index
    %swap3A_25 = tpu.vector_load %arg14[%swap3A] {strides = array<i32>} : memref<80xf32, #tpu.memory_space<vmem>>, vector<16xf32>,
    %swap3A_26 = vector.shape_cast %swap3A_25 : vector<16xf32> to vector<16xf32>
    %swap3A_27 = vector.shape_cast %broadcast_in_dim3A_24 : vector<16xf32> to vector<16xf32>
    tpu.vector_store %arg14[%swap3A], %swap3A_27 {strides = array<i32>} : memref<80xf32, #tpu.memory_space<vmem>>, vector<16xf32>,
    %broadcast_in_dim3A_28 = arith.constant 1.000000e+00 : f32
    %broadcast_in_dim3A_29 = vector.broadcast %broadcast_in_dim3A_28 : f32 to vector<16xf32>
    %swap3A_30 = arith.constant 16 : index
    %swap3A_31 = tpu.vector_load %arg14[%swap3A_30] {strides = array<i32>} : memref<80xf32, #tpu.memory_space<vmem>>, vector<16xf32>,
    %swap3A_32 = vector.shape_cast %swap3A_31 : vector<16xf32> to vector<16xf32>
    %swap3A_33 = vector.shape_cast %broadcast_in_dim3A_29 : vector<16xf32> to vector<16xf32>
    tpu.vector_store %arg14[%swap3A_30], %swap3A_33 {strides = array<i32>} : memref<80xf32, #tpu.memory_space<vmem>>, vector<16xf32>,
    %broadcast_in_dim3A_34 = arith.constant 1.000000e+00 : f32
    %broadcast_in_dim3A_35 = vector.broadcast %broadcast_in_dim3A_34 : f32 to vector<16xf32>
    %swap3A_36 = arith.constant 32 : index
    %swap3A_37 = tpu.vector_load %arg14[%swap3A_36] {strides = array<i32>} : memref<80xf32, #tpu.memory_space<vmem>>, vector<16xf32>,
    %swap3A_38 = vector.shape_cast %swap3A_37 : vector<16xf32> to vector<16xf32>
    %swap3A_39 = vector.shape_cast %broadcast_in_dim3A_35 : vector<16xf32> to vector<16xf32>
    tpu.vector_store %arg14[%swap3A_36], %swap3A_39 {strides = array<i32>} : memref<80xf32, #tpu.memory_space<vmem>>, vector<16xf32>,
    %broadcast_in_dim3A_40 = arith.constant 1.000000e+00 : f32
    %broadcast_in_dim3A_41 = vector.broadcast %broadcast_in_dim3A_40 : f32 to vector<16xf32>
    %swap3A_42 = arith.constant 48 : index
    %swap3A_43 = tpu.vector_load %arg14[%swap3A_42] {strides = array<i32>} : memref<80xf32, #tpu.memory_space<vmem>>, vector<16xf32>,
    %swap3A_44 = vector.shape_cast %swap3A_43 : vector<16xf32> to vector<16xf32>
    %swap3A_45 = vector.shape_cast %broadcast_in_dim3A_41 : vector<16xf32> to vector<16xf32>
    tpu.vector_store %arg14[%swap3A_42], %swap3A_45 {strides = array<i32>} : memref<80xf32, #tpu.memory_space<vmem>>, vector<16xf32>,
    %broadcast_in_dim3A_46 = arith.constant 1.000000e+00 : f32
    %broadcast_in_dim3A_47 = vector.broadcast %broadcast_in_dim3A_46 : f32 to vector<16xf32>
    %swap3A_48 = arith.constant 64 : index
    %swap3A_49 = tpu.vector_load %arg14[%swap3A_48] {strides = array<i32>} : memref<80xf32, #tpu.memory_space<vmem>>, vector<16xf32>,
    %swap3A_50 = vector.shape_cast %swap3A_49 : vector<16xf32> to vector<16xf32>
    %swap3A_51 = vector.shape_cast %broadcast_in_dim3A_47 : vector<16xf32> to vector<16xf32>
    tpu.vector_store %arg14[%swap3A_48], %swap3A_51 {strides = array<i32>} : memref<80xf32, #tpu.memory_space<vmem>>, vector<16xf32>,
    %barrier3A = arith.constant 0 : index
    tpu.barrier barrier_id(%barrier3A)
    %dma_wait3A = arith.constant 0 : i32
    %dma_wait3A_52 = arith.constant 0 : i32
    %dma_wait3A_53 = tpu.memref_slice %arg9[%dma_wait3A, %dma_wait3A_52] : memref<25x80xi32, #tpu.memory_space<vmem>> -> memref<1x80xi32, #tpu.memory_space<vmem>>
    %dma_wait3A_54 = tpu.memref_squeeze %dma_wait3A_53 : memref<1x80xi32, #tpu.memory_space<vmem>> -> memref<80xi32, #tpu.memory_space<vmem>>
    %dma_wait3A_55 = arith.constant 0 : i32
    %dma_wait3A_56 = arith.constant 0 : i32
    %dma_wait3A_57 = tpu.memref_slice %arg2[%dma_wait3A_55, %dma_wait3A_56] : memref<10000x128xf32, #tpu.memory_space<hbm>> -> memref<10000x128xf32, #tpu.memory_space<hbm>>
    tpu.wait_indirect_dma semaphore(%arg17 : memref<!tpu.dma_semaphore, #tpu.memory_space<semaphore_mem>>) src(%dma_wait3A_57 : memref<10000x128xf32, #tpu.memory_space<hbm>>) dst(%arg11 : memref<80x128xf32, #tpu.memory_space<vmem>>)
    %dma_start3A_58 = arith.constant 0 : i32
    %dma_start3A_59 = arith.constant 0 : i32
    %dma_start3A_60 = tpu.memref_slice %arg10[%dma_start3A_58, %dma_start3A_59] : memref<25x80xi32, #tpu.memory_space<vmem>> -> memref<1x80xi32, #tpu.memory_space<vmem>>
    %dma_start3A_61 = tpu.memref_squeeze %dma_start3A_60 : memref<1x80xi32, #tpu.memory_space<vmem>> -> memref<80xi32, #tpu.memory_space<vmem>>
    %dma_start3A_62 = arith.constant 0 : i32
    %dma_start3A_63 = arith.constant 0 : i32
    %dma_start3A_64 = tpu.memref_slice %arg15[%dma_start3A_62, %dma_start3A_63] : memref<10000x128xf32, #tpu.memory_space<vmem_shared>> -> memref<10000x128xf32, #tpu.memory_space<vmem_shared>>
    tpu.enqueue_indirect_dma source(%arg11 : memref<80x128xf32, #tpu.memory_space<vmem>>) target(%dma_start3A_64 : memref<10000x128xf32, #tpu.memory_space<vmem_shared>>) offsets(%dma_start3A_61 : memref<80xi32, #tpu.memory_space<vmem>>) semaphore(%arg20 : memref<!tpu.dma_semaphore, #tpu.memory_space<semaphore_mem>>) {add = true}
    %dma_start3A_65 = arith.constant 0 : i32
    %dma_start3A_66 = arith.constant 0 : i32
    %dma_start3A_67 = tpu.memref_slice %arg10[%dma_start3A_65, %dma_start3A_66] : memref<25x80xi32, #tpu.memory_space<vmem>> -> memref<1x80xi32, #tpu.memory_space<vmem>>
    %dma_start3A_68 = tpu.memref_squeeze %dma_start3A_67 : memref<1x80xi32, #tpu.memory_space<vmem>> -> memref<80xi32, #tpu.memory_space<vmem>>
    %dma_start3A_69 = arith.constant 0 : i32
    %dma_start3A_70 = tpu.memref_slice %arg16[%dma_start3A_69] : memref<10000xf32, #tpu.memory_space<vmem_shared>> -> memref<10000xf32, #tpu.memory_space<vmem_shared>>
    tpu.enqueue_indirect_dma source(%arg14 : memref<80xf32, #tpu.memory_space<vmem>>) target(%dma_start3A_70 : memref<10000xf32, #tpu.memory_space<vmem_shared>>) offsets(%dma_start3A_68 : memref<80xi32, #tpu.memory_space<vmem>>) semaphore(%arg20 : memref<!tpu.dma_semaphore, #tpu.memory_space<semaphore_mem>>) {add = true}
    %dma_start3A_71 = arith.constant 2 : i32
    %dma_start3A_72 = arith.constant 0 : i32
    %dma_start3A_73 = tpu.memref_slice %arg9[%dma_start3A_71, %dma_start3A_72] : memref<25x80xi32, #tpu.memory_space<vmem>> -> memref<1x80xi32, #tpu.memory_space<vmem>>
    %dma_start3A_74 = tpu.memref_squeeze %dma_start3A_73 : memref<1x80xi32, #tpu.memory_space<vmem>> -> memref<80xi32, #tpu.memory_space<vmem>>
    %dma_start3A_75 = arith.constant 0 : i32
    %dma_start3A_76 = arith.constant 0 : i32
    %dma_start3A_77 = tpu.memref_slice %arg2[%dma_start3A_75, %dma_start3A_76] : memref<10000x128xf32, #tpu.memory_space<hbm>> -> memref<10000x128xf32, #tpu.memory_space<hbm>>
    tpu.enqueue_indirect_dma source(%dma_start3A_77 : memref<10000x128xf32, #tpu.memory_space<hbm>>) target(%arg13 : memref<80x128xf32, #tpu.memory_space<vmem>>) offsets(%dma_start3A_74 : memref<80xi32, #tpu.memory_space<vmem>>) semaphore(%arg19 : memref<!tpu.dma_semaphore, #tpu.memory_space<semaphore_mem>>)
    %dma_wait3A_78 = arith.constant 1 : i32
    %dma_wait3A_79 = arith.constant 0 : i32
    %dma_wait3A_80 = tpu.memref_slice %arg9[%dma_wait3A_78, %dma_wait3A_79] : memref<25x80xi32, #tpu.memory_space<vmem>> -> memref<1x80xi32, #tpu.memory_space<vmem>>
    %dma_wait3A_81 = tpu.memref_squeeze %dma_wait3A_80 : memref<1x80xi32, #tpu.memory_space<vmem>> -> memref<80xi32, #tpu.memory_space<vmem>>
    %dma_wait3A_82 = arith.constant 0 : i32
    %dma_wait3A_83 = arith.constant 0 : i32
    %dma_wait3A_84 = tpu.memref_slice %arg2[%dma_wait3A_82, %dma_wait3A_83] : memref<10000x128xf32, #tpu.memory_space<hbm>> -> memref<10000x128xf32, #tpu.memory_space<hbm>>
    tpu.wait_indirect_dma semaphore(%arg18 : memref<!tpu.dma_semaphore, #tpu.memory_space<semaphore_mem>>) src(%dma_wait3A_84 : memref<10000x128xf32, #tpu.memory_space<hbm>>) dst(%arg12 : memref<80x128xf32, #tpu.memory_space<vmem>>)
    %dma_start3A_85 = arith.constant 1 : i32
    %dma_start3A_86 = arith.constant 0 : i32
    %dma_start3A_87 = tpu.memref_slice %arg10[%dma_start3A_85, %dma_start3A_86] : memref<25x80xi32, #tpu.memory_space<vmem>> -> memref<1x80xi32, #tpu.memory_space<vmem>>
    %dma_start3A_88 = tpu.memref_squeeze %dma_start3A_87 : memref<1x80xi32, #tpu.memory_space<vmem>> -> memref<80xi32, #tpu.memory_space<vmem>>
    %dma_start3A_89 = arith.constant 0 : i32
    %dma_start3A_90 = arith.constant 0 : i32
    %dma_start3A_91 = tpu.memref_slice %arg15[%dma_start3A_89, %dma_start3A_90] : memref<10000x128xf32, #tpu.memory_space<vmem_shared>> -> memref<10000x128xf32, #tpu.memory_space<vmem_shared>>
    tpu.enqueue_indirect_dma source(%arg12 : memref<80x128xf32, #tpu.memory_space<vmem>>) target(%dma_start3A_91 : memref<10000x128xf32, #tpu.memory_space<vmem_shared>>) offsets(%dma_start3A_88 : memref<80xi32, #tpu.memory_space<vmem>>) semaphore(%arg21 : memref<!tpu.dma_semaphore, #tpu.memory_space<semaphore_mem>>) {add = true}
    %dma_start3A_92 = arith.constant 1 : i32
    %dma_start3A_93 = arith.constant 0 : i32
    %dma_start3A_94 = tpu.memref_slice %arg10[%dma_start3A_92, %dma_start3A_93] : memref<25x80xi32, #tpu.memory_space<vmem>> -> memref<1x80xi32, #tpu.memory_space<vmem>>
    %dma_start3A_95 = tpu.memref_squeeze %dma_start3A_94 : memref<1x80xi32, #tpu.memory_space<vmem>> -> memref<80xi32, #tpu.memory_space<vmem>>
    %dma_start3A_96 = arith.constant 0 : i32
    %dma_start3A_97 = tpu.memref_slice %arg16[%dma_start3A_96] : memref<10000xf32, #tpu.memory_space<vmem_shared>> -> memref<10000xf32, #tpu.memory_space<vmem_shared>>
    tpu.enqueue_indirect_dma source(%arg14 : memref<80xf32, #tpu.memory_space<vmem>>) target(%dma_start3A_97 : memref<10000xf32, #tpu.memory_space<vmem_shared>>) offsets(%dma_start3A_95 : memref<80xi32, #tpu.memory_space<vmem>>) semaphore(%arg21 : memref<!tpu.dma_semaphore, #tpu.memory_space<semaphore_mem>>) {add = true}
    %dma_wait3A_98 = arith.constant 0 : i32
    %dma_wait3A_99 = arith.constant 0 : i32
    %dma_wait3A_100 = tpu.memref_slice %arg9[%dma_wait3A_98, %dma_wait3A_99] : memref<25x80xi32, #tpu.memory_space<vmem>> -> memref<1x80xi32, #tpu.memory_space<vmem>>
    %dma_wait3A_101 = tpu.memref_squeeze %dma_wait3A_100 : memref<1x80xi32, #tpu.memory_space<vmem>> -> memref<80xi32, #tpu.memory_space<vmem>>
    %dma_wait3A_102 = arith.constant 0 : i32
    %dma_wait3A_103 = arith.constant 0 : i32
    %dma_wait3A_104 = tpu.memref_slice %arg2[%dma_wait3A_102, %dma_wait3A_103] : memref<10000x128xf32, #tpu.memory_space<hbm>> -> memref<10000x128xf32, #tpu.memory_space<hbm>>
    tpu.wait_indirect_dma semaphore(%arg20 : memref<!tpu.dma_semaphore, #tpu.memory_space<semaphore_mem>>) src(%dma_wait3A_104 : memref<10000x128xf32, #tpu.memory_space<hbm>>) dst(%arg11 : memref<80x128xf32, #tpu.memory_space<vmem>>)
    %dma_wait3A_105 = arith.constant 0 : i32
    %dma_wait3A_106 = arith.constant 0 : i32
    %dma_wait3A_107 = tpu.memref_slice %arg9[%dma_wait3A_105, %dma_wait3A_106] : memref<25x80xi32, #tpu.memory_space<vmem>> -> memref<1x80xi32, #tpu.memory_space<vmem>>
    %dma_wait3A_108 = tpu.memref_squeeze %dma_wait3A_107 : memref<1x80xi32, #tpu.memory_space<vmem>> -> memref<80xi32, #tpu.memory_space<vmem>>
    %dma_wait3A_109 = arith.constant 0 : i32
    %dma_wait3A_110 = tpu.memref_slice %arg6[%dma_wait3A_109] : memref<10000xf32, #tpu.memory_space<hbm>> -> memref<10000xf32, #tpu.memory_space<hbm>>
    tpu.wait_indirect_dma semaphore(%arg20 : memref<!tpu.dma_semaphore, #tpu.memory_space<semaphore_mem>>) src(%dma_wait3A_110 : memref<10000xf32, #tpu.memory_space<hbm>>) dst(%arg14 : memref<80xf32, #tpu.memory_space<vmem>>)
    %dma_start3A_111 = arith.constant 3 : i32
    %dma_start3A_112 = arith.constant 0 : i32
    %dma_start3A_113 = tpu.memref_slice %arg9[%dma_start3A_111, %dma_start3A_112] : memref<25x80xi32, #tpu.memory_space<vmem>> -> memref<1x80xi32, #tpu.memory_space<vmem>>
    %dma_start3A_114 = tpu.memref_squeeze %dma_start3A_113 : memref<1x80xi32, #tpu.memory_space<vmem>> -> memref<80xi32, #tpu.memory_space<vmem>>
    %dma_start3A_115 = arith.constant 0 : i32
    %dma_start3A_116 = arith.constant 0 : i32
    %dma_start3A_117 = tpu.memref_slice %arg2[%dma_start3A_115, %dma_start3A_116] : memref<10000x128xf32, #tpu.memory_space<hbm>> -> memref<10000x128xf32, #tpu.memory_space<hbm>>
    tpu.enqueue_indirect_dma source(%dma_start3A_117 : memref<10000x128xf32, #tpu.memory_space<hbm>>) target(%arg11 : memref<80x128xf32, #tpu.memory_space<vmem>>) offsets(%dma_start3A_114 : memref<80xi32, #tpu.memory_space<vmem>>) semaphore(%arg17 : memref<!tpu.dma_semaphore, #tpu.memory_space<semaphore_mem>>)
    %scan3A = arith.constant 0 : i32
    %scan3A_118 = arith.constant 0 : i32
    %scan3A_119 = arith.constant 7 : i32
    %scan3A_120 = arith.addi %scan3A_118, %scan3A_119 : i32
    %scan3A_121 = arith.constant 1 : i32
    scf.for %scan3A_219 = %scan3A_118 to %scan3A_120 step %scan3A_121  : i32 {
      %mul3A_220 = arith.constant 3 : i32
      %mul3A_221 = arith.muli %mul3A_220, %scan3A_219 : i32
      %add3A_222 = arith.constant 2 : i32
      %add3A_223 = arith.addi %mul3A_221, %add3A_222 : i32
      %add3A_224 = arith.constant 0 : i32
      %add3A_225 = arith.addi %add3A_223, %add3A_224 : i32
      %dma_wait3A_226 = arith.constant 0 : i32
      %dma_wait3A_227 = tpu.memref_slice %arg9[%add3A_225, %dma_wait3A_226] : memref<25x80xi32, #tpu.memory_space<vmem>> -> memref<1x80xi32, #tpu.memory_space<vmem>>
      %dma_wait3A_228 = tpu.memref_squeeze %dma_wait3A_227 : memref<1x80xi32, #tpu.memory_space<vmem>> -> memref<80xi32, #tpu.memory_space<vmem>>
      %dma_wait3A_229 = arith.constant 0 : i32
      %dma_wait3A_230 = arith.constant 0 : i32
      %dma_wait3A_231 = tpu.memref_slice %arg2[%dma_wait3A_229, %dma_wait3A_230] : memref<10000x128xf32, #tpu.memory_space<hbm>> -> memref<10000x128xf32, #tpu.memory_space<hbm>>
      tpu.wait_indirect_dma semaphore(%arg19 : memref<!tpu.dma_semaphore, #tpu.memory_space<semaphore_mem>>) src(%dma_wait3A_231 : memref<10000x128xf32, #tpu.memory_space<hbm>>) dst(%arg13 : memref<80x128xf32, #tpu.memory_space<vmem>>)
      %dma_start3A_232 = arith.constant 0 : i32
      %dma_start3A_233 = tpu.memref_slice %arg10[%add3A_225, %dma_start3A_232] : memref<25x80xi32, #tpu.memory_space<vmem>> -> memref<1x80xi32, #tpu.memory_space<vmem>>
      %dma_start3A_234 = tpu.memref_squeeze %dma_start3A_233 : memref<1x80xi32, #tpu.memory_space<vmem>> -> memref<80xi32, #tpu.memory_space<vmem>>
      %dma_start3A_235 = arith.constant 0 : i32
      %dma_start3A_236 = arith.constant 0 : i32
      %dma_start3A_237 = tpu.memref_slice %arg15[%dma_start3A_235, %dma_start3A_236] : memref<10000x128xf32, #tpu.memory_space<vmem_shared>> -> memref<10000x128xf32, #tpu.memory_space<vmem_shared>>
      tpu.enqueue_indirect_dma source(%arg13 : memref<80x128xf32, #tpu.memory_space<vmem>>) target(%dma_start3A_237 : memref<10000x128xf32, #tpu.memory_space<vmem_shared>>) offsets(%dma_start3A_234 : memref<80xi32, #tpu.memory_space<vmem>>) semaphore(%arg22 : memref<!tpu.dma_semaphore, #tpu.memory_space<semaphore_mem>>) {add = true}
      %dma_start3A_238 = arith.constant 0 : i32
      %dma_start3A_239 = tpu.memref_slice %arg10[%add3A_225, %dma_start3A_238] : memref<25x80xi32, #tpu.memory_space<vmem>> -> memref<1x80xi32, #tpu.memory_space<vmem>>
      %dma_start3A_240 = tpu.memref_squeeze %dma_start3A_239 : memref<1x80xi32, #tpu.memory_space<vmem>> -> memref<80xi32, #tpu.memory_space<vmem>>
      %dma_start3A_241 = arith.constant 0 : i32
      %dma_start3A_242 = tpu.memref_slice %arg16[%dma_start3A_241] : memref<10000xf32, #tpu.memory_space<vmem_shared>> -> memref<10000xf32, #tpu.memory_space<vmem_shared>>
      tpu.enqueue_indirect_dma source(%arg14 : memref<80xf32, #tpu.memory_space<vmem>>) target(%dma_start3A_242 : memref<10000xf32, #tpu.memory_space<vmem_shared>>) offsets(%dma_start3A_240 : memref<80xi32, #tpu.memory_space<vmem>>) semaphore(%arg22 : memref<!tpu.dma_semaphore, #tpu.memory_space<semaphore_mem>>) {add = true}
      %dma_wait3A_243 = arith.constant 0 : i32
      %dma_wait3A_244 = arith.constant 0 : i32
      %dma_wait3A_245 = tpu.memref_slice %arg9[%dma_wait3A_243, %dma_wait3A_244] : memref<25x80xi32, #tpu.memory_space<vmem>> -> memref<1x80xi32, #tpu.memory_space<vmem>>
      %dma_wait3A_246 = tpu.memref_squeeze %dma_wait3A_245 : memref<1x80xi32, #tpu.memory_space<vmem>> -> memref<80xi32, #tpu.memory_space<vmem>>
      %dma_wait3A_247 = arith.constant 0 : i32
      %dma_wait3A_248 = arith.constant 0 : i32
      %dma_wait3A_249 = tpu.memref_slice %arg2[%dma_wait3A_247, %dma_wait3A_248] : memref<10000x128xf32, #tpu.memory_space<hbm>> -> memref<10000x128xf32, #tpu.memory_space<hbm>>
      tpu.wait_indirect_dma semaphore(%arg21 : memref<!tpu.dma_semaphore, #tpu.memory_space<semaphore_mem>>) src(%dma_wait3A_249 : memref<10000x128xf32, #tpu.memory_space<hbm>>) dst(%arg12 : memref<80x128xf32, #tpu.memory_space<vmem>>)
      %dma_wait3A_250 = arith.constant 0 : i32
      %dma_wait3A_251 = arith.constant 0 : i32
      %dma_wait3A_252 = tpu.memref_slice %arg9[%dma_wait3A_250, %dma_wait3A_251] : memref<25x80xi32, #tpu.memory_space<vmem>> -> memref<1x80xi32, #tpu.memory_space<vmem>>
      %dma_wait3A_253 = tpu.memref_squeeze %dma_wait3A_252 : memref<1x80xi32, #tpu.memory_space<vmem>> -> memref<80xi32, #tpu.memory_space<vmem>>
      %dma_wait3A_254 = arith.constant 0 : i32
      %dma_wait3A_255 = tpu.memref_slice %arg6[%dma_wait3A_254] : memref<10000xf32, #tpu.memory_space<hbm>> -> memref<10000xf32, #tpu.memory_space<hbm>>
      tpu.wait_indirect_dma semaphore(%arg21 : memref<!tpu.dma_semaphore, #tpu.memory_space<semaphore_mem>>) src(%dma_wait3A_255 : memref<10000xf32, #tpu.memory_space<hbm>>) dst(%arg14 : memref<80xf32, #tpu.memory_space<vmem>>)
      %add3A_256 = arith.constant 2 : i32
      %add3A_257 = arith.addi %add3A_225, %add3A_256 : i32
      %lt3A = arith.constant 25 : i32
      %lt3A_258 = arith.cmpi slt, %add3A_257, %lt3A : i32
      %convert_element_type3A_259 = arith.extui %lt3A_258 : i1 to i32
      %cond3A_260 = arith.constant 0 : i32
      %cond3A_261 = arith.cmpi ne, %convert_element_type3A_259, %cond3A_260 : i32
      scf.if %cond3A_261 {
        %add3A_340 = arith.constant 2 : i32
        %add3A_341 = arith.addi %add3A_225, %add3A_340 : i32
        %dma_start3A_342 = arith.constant 0 : i32
        %dma_start3A_343 = tpu.memref_slice %arg9[%add3A_341, %dma_start3A_342] : memref<25x80xi32, #tpu.memory_space<vmem>> -> memref<1x80xi32, #tpu.memory_space<vmem>>
        %dma_start3A_344 = tpu.memref_squeeze %dma_start3A_343 : memref<1x80xi32, #tpu.memory_space<vmem>> -> memref<80xi32, #tpu.memory_space<vmem>>
        %dma_start3A_345 = arith.constant 0 : i32
        %dma_start3A_346 = arith.constant 0 : i32
        %dma_start3A_347 = tpu.memref_slice %arg2[%dma_start3A_345, %dma_start3A_346] : memref<10000x128xf32, #tpu.memory_space<hbm>> -> memref<10000x128xf32, #tpu.memory_space<hbm>>
        tpu.enqueue_indirect_dma source(%dma_start3A_347 : memref<10000x128xf32, #tpu.memory_space<hbm>>) target(%arg12 : memref<80x128xf32, #tpu.memory_space<vmem>>) offsets(%dma_start3A_344 : memref<80xi32, #tpu.memory_space<vmem>>) semaphore(%arg18 : memref<!tpu.dma_semaphore, #tpu.memory_space<semaphore_mem>>)
      } else {
      }
      %add3A_262 = arith.constant 1 : i32
      %add3A_263 = arith.addi %add3A_223, %add3A_262 : i32
      %dma_wait3A_264 = arith.constant 0 : i32
      %dma_wait3A_265 = tpu.memref_slice %arg9[%add3A_263, %dma_wait3A_264] : memref<25x80xi32, #tpu.memory_space<vmem>> -> memref<1x80xi32, #tpu.memory_space<vmem>>
      %dma_wait3A_266 = tpu.memref_squeeze %dma_wait3A_265 : memref<1x80xi32, #tpu.memory_space<vmem>> -> memref<80xi32, #tpu.memory_space<vmem>>
      %dma_wait3A_267 = arith.constant 0 : i32
      %dma_wait3A_268 = arith.constant 0 : i32
      %dma_wait3A_269 = tpu.memref_slice %arg2[%dma_wait3A_267, %dma_wait3A_268] : memref<10000x128xf32, #tpu.memory_space<hbm>> -> memref<10000x128xf32, #tpu.memory_space<hbm>>
      tpu.wait_indirect_dma semaphore(%arg17 : memref<!tpu.dma_semaphore, #tpu.memory_space<semaphore_mem>>) src(%dma_wait3A_269 : memref<10000x128xf32, #tpu.memory_space<hbm>>) dst(%arg11 : memref<80x128xf32, #tpu.memory_space<vmem>>)
      %dma_start3A_270 = arith.constant 0 : i32
      %dma_start3A_271 = tpu.memref_slice %arg10[%add3A_263, %dma_start3A_270] : memref<25x80xi32, #tpu.memory_space<vmem>> -> memref<1x80xi32, #tpu.memory_space<vmem>>
      %dma_start3A_272 = tpu.memref_squeeze %dma_start3A_271 : memref<1x80xi32, #tpu.memory_space<vmem>> -> memref<80xi32, #tpu.memory_space<vmem>>
      %dma_start3A_273 = arith.constant 0 : i32
      %dma_start3A_274 = arith.constant 0 : i32
      %dma_start3A_275 = tpu.memref_slice %arg15[%dma_start3A_273, %dma_start3A_274] : memref<10000x128xf32, #tpu.memory_space<vmem_shared>> -> memref<10000x128xf32, #tpu.memory_space<vmem_shared>>
      tpu.enqueue_indirect_dma source(%arg11 : memref<80x128xf32, #tpu.memory_space<vmem>>) target(%dma_start3A_275 : memref<10000x128xf32, #tpu.memory_space<vmem_shared>>) offsets(%dma_start3A_272 : memref<80xi32, #tpu.memory_space<vmem>>) semaphore(%arg20 : memref<!tpu.dma_semaphore, #tpu.memory_space<semaphore_mem>>) {add = true}
      %dma_start3A_276 = arith.constant 0 : i32
      %dma_start3A_277 = tpu.memref_slice %arg10[%add3A_263, %dma_start3A_276] : memref<25x80xi32, #tpu.memory_space<vmem>> -> memref<1x80xi32, #tpu.memory_space<vmem>>
      %dma_start3A_278 = tpu.memref_squeeze %dma_start3A_277 : memref<1x80xi32, #tpu.memory_space<vmem>> -> memref<80xi32, #tpu.memory_space<vmem>>
      %dma_start3A_279 = arith.constant 0 : i32
      %dma_start3A_280 = tpu.memref_slice %arg16[%dma_start3A_279] : memref<10000xf32, #tpu.memory_space<vmem_shared>> -> memref<10000xf32, #tpu.memory_space<vmem_shared>>
      tpu.enqueue_indirect_dma source(%arg14 : memref<80xf32, #tpu.memory_space<vmem>>) target(%dma_start3A_280 : memref<10000xf32, #tpu.memory_space<vmem_shared>>) offsets(%dma_start3A_278 : memref<80xi32, #tpu.memory_space<vmem>>) semaphore(%arg20 : memref<!tpu.dma_semaphore, #tpu.memory_space<semaphore_mem>>) {add = true}
      %dma_wait3A_281 = arith.constant 0 : i32
      %dma_wait3A_282 = arith.constant 0 : i32
      %dma_wait3A_283 = tpu.memref_slice %arg9[%dma_wait3A_281, %dma_wait3A_282] : memref<25x80xi32, #tpu.memory_space<vmem>> -> memref<1x80xi32, #tpu.memory_space<vmem>>
      %dma_wait3A_284 = tpu.memref_squeeze %dma_wait3A_283 : memref<1x80xi32, #tpu.memory_space<vmem>> -> memref<80xi32, #tpu.memory_space<vmem>>
      %dma_wait3A_285 = arith.constant 0 : i32
      %dma_wait3A_286 = arith.constant 0 : i32
      %dma_wait3A_287 = tpu.memref_slice %arg2[%dma_wait3A_285, %dma_wait3A_286] : memref<10000x128xf32, #tpu.memory_space<hbm>> -> memref<10000x128xf32, #tpu.memory_space<hbm>>
      tpu.wait_indirect_dma semaphore(%arg22 : memref<!tpu.dma_semaphore, #tpu.memory_space<semaphore_mem>>) src(%dma_wait3A_287 : memref<10000x128xf32, #tpu.memory_space<hbm>>) dst(%arg13 : memref<80x128xf32, #tpu.memory_space<vmem>>)
      %dma_wait3A_288 = arith.constant 0 : i32
      %dma_wait3A_289 = arith.constant 0 : i32
      %dma_wait3A_290 = tpu.memref_slice %arg9[%dma_wait3A_288, %dma_wait3A_289] : memref<25x80xi32, #tpu.memory_space<vmem>> -> memref<1x80xi32, #tpu.memory_space<vmem>>
      %dma_wait3A_291 = tpu.memref_squeeze %dma_wait3A_290 : memref<1x80xi32, #tpu.memory_space<vmem>> -> memref<80xi32, #tpu.memory_space<vmem>>
      %dma_wait3A_292 = arith.constant 0 : i32
      %dma_wait3A_293 = tpu.memref_slice %arg6[%dma_wait3A_292] : memref<10000xf32, #tpu.memory_space<hbm>> -> memref<10000xf32, #tpu.memory_space<hbm>>
      tpu.wait_indirect_dma semaphore(%arg22 : memref<!tpu.dma_semaphore, #tpu.memory_space<semaphore_mem>>) src(%dma_wait3A_293 : memref<10000xf32, #tpu.memory_space<hbm>>) dst(%arg14 : memref<80xf32, #tpu.memory_space<vmem>>)
      %add3A_294 = arith.constant 2 : i32
      %add3A_295 = arith.addi %add3A_263, %add3A_294 : i32
      %lt3A_296 = arith.constant 25 : i32
      %lt3A_297 = arith.cmpi slt, %add3A_295, %lt3A_296 : i32
      %convert_element_type3A_298 = arith.extui %lt3A_297 : i1 to i32
      %cond3A_299 = arith.constant 0 : i32
      %cond3A_300 = arith.cmpi ne, %convert_element_type3A_298, %cond3A_299 : i32
      scf.if %cond3A_300 {
        %add3A_340 = arith.constant 2 : i32
        %add3A_341 = arith.addi %add3A_263, %add3A_340 : i32
        %dma_start3A_342 = arith.constant 0 : i32
        %dma_start3A_343 = tpu.memref_slice %arg9[%add3A_341, %dma_start3A_342] : memref<25x80xi32, #tpu.memory_space<vmem>> -> memref<1x80xi32, #tpu.memory_space<vmem>>
        %dma_start3A_344 = tpu.memref_squeeze %dma_start3A_343 : memref<1x80xi32, #tpu.memory_space<vmem>> -> memref<80xi32, #tpu.memory_space<vmem>>
        %dma_start3A_345 = arith.constant 0 : i32
        %dma_start3A_346 = arith.constant 0 : i32
        %dma_start3A_347 = tpu.memref_slice %arg2[%dma_start3A_345, %dma_start3A_346] : memref<10000x128xf32, #tpu.memory_space<hbm>> -> memref<10000x128xf32, #tpu.memory_space<hbm>>
        tpu.enqueue_indirect_dma source(%dma_start3A_347 : memref<10000x128xf32, #tpu.memory_space<hbm>>) target(%arg13 : memref<80x128xf32, #tpu.memory_space<vmem>>) offsets(%dma_start3A_344 : memref<80xi32, #tpu.memory_space<vmem>>) semaphore(%arg19 : memref<!tpu.dma_semaphore, #tpu.memory_space<semaphore_mem>>)
      } else {
      }
      %add3A_301 = arith.constant 2 : i32
      %add3A_302 = arith.addi %add3A_223, %add3A_301 : i32
      %dma_wait3A_303 = arith.constant 0 : i32
      %dma_wait3A_304 = tpu.memref_slice %arg9[%add3A_302, %dma_wait3A_303] : memref<25x80xi32, #tpu.memory_space<vmem>> -> memref<1x80xi32, #tpu.memory_space<vmem>>
      %dma_wait3A_305 = tpu.memref_squeeze %dma_wait3A_304 : memref<1x80xi32, #tpu.memory_space<vmem>> -> memref<80xi32, #tpu.memory_space<vmem>>
      %dma_wait3A_306 = arith.constant 0 : i32
      %dma_wait3A_307 = arith.constant 0 : i32
      %dma_wait3A_308 = tpu.memref_slice %arg2[%dma_wait3A_306, %dma_wait3A_307] : memref<10000x128xf32, #tpu.memory_space<hbm>> -> memref<10000x128xf32, #tpu.memory_space<hbm>>
      tpu.wait_indirect_dma semaphore(%arg18 : memref<!tpu.dma_semaphore, #tpu.memory_space<semaphore_mem>>) src(%dma_wait3A_308 : memref<10000x128xf32, #tpu.memory_space<hbm>>) dst(%arg12 : memref<80x128xf32, #tpu.memory_space<vmem>>)
      %dma_start3A_309 = arith.constant 0 : i32
      %dma_start3A_310 = tpu.memref_slice %arg10[%add3A_302, %dma_start3A_309] : memref<25x80xi32, #tpu.memory_space<vmem>> -> memref<1x80xi32, #tpu.memory_space<vmem>>
      %dma_start3A_311 = tpu.memref_squeeze %dma_start3A_310 : memref<1x80xi32, #tpu.memory_space<vmem>> -> memref<80xi32, #tpu.memory_space<vmem>>
      %dma_start3A_312 = arith.constant 0 : i32
      %dma_start3A_313 = arith.constant 0 : i32
      %dma_start3A_314 = tpu.memref_slice %arg15[%dma_start3A_312, %dma_start3A_313] : memref<10000x128xf32, #tpu.memory_space<vmem_shared>> -> memref<10000x128xf32, #tpu.memory_space<vmem_shared>>
      tpu.enqueue_indirect_dma source(%arg12 : memref<80x128xf32, #tpu.memory_space<vmem>>) target(%dma_start3A_314 : memref<10000x128xf32, #tpu.memory_space<vmem_shared>>) offsets(%dma_start3A_311 : memref<80xi32, #tpu.memory_space<vmem>>) semaphore(%arg21 : memref<!tpu.dma_semaphore, #tpu.memory_space<semaphore_mem>>) {add = true}
      %dma_start3A_315 = arith.constant 0 : i32
      %dma_start3A_316 = tpu.memref_slice %arg10[%add3A_302, %dma_start3A_315] : memref<25x80xi32, #tpu.memory_space<vmem>> -> memref<1x80xi32, #tpu.memory_space<vmem>>
      %dma_start3A_317 = tpu.memref_squeeze %dma_start3A_316 : memref<1x80xi32, #tpu.memory_space<vmem>> -> memref<80xi32, #tpu.memory_space<vmem>>
      %dma_start3A_318 = arith.constant 0 : i32
      %dma_start3A_319 = tpu.memref_slice %arg16[%dma_start3A_318] : memref<10000xf32, #tpu.memory_space<vmem_shared>> -> memref<10000xf32, #tpu.memory_space<vmem_shared>>
      tpu.enqueue_indirect_dma source(%arg14 : memref<80xf32, #tpu.memory_space<vmem>>) target(%dma_start3A_319 : memref<10000xf32, #tpu.memory_space<vmem_shared>>) offsets(%dma_start3A_317 : memref<80xi32, #tpu.memory_space<vmem>>) semaphore(%arg21 : memref<!tpu.dma_semaphore, #tpu.memory_space<semaphore_mem>>) {add = true}
      %dma_wait3A_320 = arith.constant 0 : i32
      %dma_wait3A_321 = arith.constant 0 : i32
      %dma_wait3A_322 = tpu.memref_slice %arg9[%dma_wait3A_320, %dma_wait3A_321] : memref<25x80xi32, #tpu.memory_space<vmem>> -> memref<1x80xi32, #tpu.memory_space<vmem>>
      %dma_wait3A_323 = tpu.memref_squeeze %dma_wait3A_322 : memref<1x80xi32, #tpu.memory_space<vmem>> -> memref<80xi32, #tpu.memory_space<vmem>>
      %dma_wait3A_324 = arith.constant 0 : i32
      %dma_wait3A_325 = arith.constant 0 : i32
      %dma_wait3A_326 = tpu.memref_slice %arg2[%dma_wait3A_324, %dma_wait3A_325] : memref<10000x128xf32, #tpu.memory_space<hbm>> -> memref<10000x128xf32, #tpu.memory_space<hbm>>
      tpu.wait_indirect_dma semaphore(%arg20 : memref<!tpu.dma_semaphore, #tpu.memory_space<semaphore_mem>>) src(%dma_wait3A_326 : memref<10000x128xf32, #tpu.memory_space<hbm>>) dst(%arg11 : memref<80x128xf32, #tpu.memory_space<vmem>>)
      %dma_wait3A_327 = arith.constant 0 : i32
      %dma_wait3A_328 = arith.constant 0 : i32
      %dma_wait3A_329 = tpu.memref_slice %arg9[%dma_wait3A_327, %dma_wait3A_328] : memref<25x80xi32, #tpu.memory_space<vmem>> -> memref<1x80xi32, #tpu.memory_space<vmem>>
      %dma_wait3A_330 = tpu.memref_squeeze %dma_wait3A_329 : memref<1x80xi32, #tpu.memory_space<vmem>> -> memref<80xi32, #tpu.memory_space<vmem>>
      %dma_wait3A_331 = arith.constant 0 : i32
      %dma_wait3A_332 = tpu.memref_slice %arg6[%dma_wait3A_331] : memref<10000xf32, #tpu.memory_space<hbm>> -> memref<10000xf32, #tpu.memory_space<hbm>>
      tpu.wait_indirect_dma semaphore(%arg20 : memref<!tpu.dma_semaphore, #tpu.memory_space<semaphore_mem>>) src(%dma_wait3A_332 : memref<10000xf32, #tpu.memory_space<hbm>>) dst(%arg14 : memref<80xf32, #tpu.memory_space<vmem>>)
      %add3A_333 = arith.constant 2 : i32
      %add3A_334 = arith.addi %add3A_302, %add3A_333 : i32
      %lt3A_335 = arith.constant 25 : i32
      %lt3A_336 = arith.cmpi slt, %add3A_334, %lt3A_335 : i32
      %convert_element_type3A_337 = arith.extui %lt3A_336 : i1 to i32
      %cond3A_338 = arith.constant 0 : i32
      %cond3A_339 = arith.cmpi ne, %convert_element_type3A_337, %cond3A_338 : i32
      scf.if %cond3A_339 {
        %add3A_340 = arith.constant 2 : i32
        %add3A_341 = arith.addi %add3A_302, %add3A_340 : i32
        %dma_start3A_342 = arith.constant 0 : i32
        %dma_start3A_343 = tpu.memref_slice %arg9[%add3A_341, %dma_start3A_342] : memref<25x80xi32, #tpu.memory_space<vmem>> -> memref<1x80xi32, #tpu.memory_space<vmem>>
        %dma_start3A_344 = tpu.memref_squeeze %dma_start3A_343 : memref<1x80xi32, #tpu.memory_space<vmem>> -> memref<80xi32, #tpu.memory_space<vmem>>
        %dma_start3A_345 = arith.constant 0 : i32
        %dma_start3A_346 = arith.constant 0 : i32
        %dma_start3A_347 = tpu.memref_slice %arg2[%dma_start3A_345, %dma_start3A_346] : memref<10000x128xf32, #tpu.memory_space<hbm>> -> memref<10000x128xf32, #tpu.memory_space<hbm>>
        tpu.enqueue_indirect_dma source(%dma_start3A_347 : memref<10000x128xf32, #tpu.memory_space<hbm>>) target(%arg11 : memref<80x128xf32, #tpu.memory_space<vmem>>) offsets(%dma_start3A_344 : memref<80xi32, #tpu.memory_space<vmem>>) semaphore(%arg17 : memref<!tpu.dma_semaphore, #tpu.memory_space<semaphore_mem>>)
      } else {
      }
    }
    %scan3A_122 = arith.constant 7 : i32
    %dma_wait3A_123 = arith.constant 23 : i32
    %dma_wait3A_124 = arith.constant 0 : i32
    %dma_wait3A_125 = tpu.memref_slice %arg9[%dma_wait3A_123, %dma_wait3A_124] : memref<25x80xi32, #tpu.memory_space<vmem>> -> memref<1x80xi32, #tpu.memory_space<vmem>>
    %dma_wait3A_126 = tpu.memref_squeeze %dma_wait3A_125 : memref<1x80xi32, #tpu.memory_space<vmem>> -> memref<80xi32, #tpu.memory_space<vmem>>
    %dma_wait3A_127 = arith.constant 0 : i32
    %dma_wait3A_128 = arith.constant 0 : i32
    %dma_wait3A_129 = tpu.memref_slice %arg2[%dma_wait3A_127, %dma_wait3A_128] : memref<10000x128xf32, #tpu.memory_space<hbm>> -> memref<10000x128xf32, #tpu.memory_space<hbm>>
    tpu.wait_indirect_dma semaphore(%arg19 : memref<!tpu.dma_semaphore, #tpu.memory_space<semaphore_mem>>) src(%dma_wait3A_129 : memref<10000x128xf32, #tpu.memory_space<hbm>>) dst(%arg13 : memref<80x128xf32, #tpu.memory_space<vmem>>)
    %dma_start3A_130 = arith.constant 23 : i32
    %dma_start3A_131 = arith.constant 0 : i32
    %dma_start3A_132 = tpu.memref_slice %arg10[%dma_start3A_130, %dma_start3A_131] : memref<25x80xi32, #tpu.memory_space<vmem>> -> memref<1x80xi32, #tpu.memory_space<vmem>>
    %dma_start3A_133 = tpu.memref_squeeze %dma_start3A_132 : memref<1x80xi32, #tpu.memory_space<vmem>> -> memref<80xi32, #tpu.memory_space<vmem>>
    %dma_start3A_134 = arith.constant 0 : i32
    %dma_start3A_135 = arith.constant 0 : i32
    %dma_start3A_136 = tpu.memref_slice %arg15[%dma_start3A_134, %dma_start3A_135] : memref<10000x128xf32, #tpu.memory_space<vmem_shared>> -> memref<10000x128xf32, #tpu.memory_space<vmem_shared>>
    tpu.enqueue_indirect_dma source(%arg13 : memref<80x128xf32, #tpu.memory_space<vmem>>) target(%dma_start3A_136 : memref<10000x128xf32, #tpu.memory_space<vmem_shared>>) offsets(%dma_start3A_133 : memref<80xi32, #tpu.memory_space<vmem>>) semaphore(%arg22 : memref<!tpu.dma_semaphore, #tpu.memory_space<semaphore_mem>>) {add = true}
    %dma_start3A_137 = arith.constant 23 : i32
    %dma_start3A_138 = arith.constant 0 : i32
    %dma_start3A_139 = tpu.memref_slice %arg10[%dma_start3A_137, %dma_start3A_138] : memref<25x80xi32, #tpu.memory_space<vmem>> -> memref<1x80xi32, #tpu.memory_space<vmem>>
    %dma_start3A_140 = tpu.memref_squeeze %dma_start3A_139 : memref<1x80xi32, #tpu.memory_space<vmem>> -> memref<80xi32, #tpu.memory_space<vmem>>
    %dma_start3A_141 = arith.constant 0 : i32
    %dma_start3A_142 = tpu.memref_slice %arg16[%dma_start3A_141] : memref<10000xf32, #tpu.memory_space<vmem_shared>> -> memref<10000xf32, #tpu.memory_space<vmem_shared>>
    tpu.enqueue_indirect_dma source(%arg14 : memref<80xf32, #tpu.memory_space<vmem>>) target(%dma_start3A_142 : memref<10000xf32, #tpu.memory_space<vmem_shared>>) offsets(%dma_start3A_140 : memref<80xi32, #tpu.memory_space<vmem>>) semaphore(%arg22 : memref<!tpu.dma_semaphore, #tpu.memory_space<semaphore_mem>>) {add = true}
    %dma_wait3A_143 = arith.constant 0 : i32
    %dma_wait3A_144 = arith.constant 0 : i32
    %dma_wait3A_145 = tpu.memref_slice %arg9[%dma_wait3A_143, %dma_wait3A_144] : memref<25x80xi32, #tpu.memory_space<vmem>> -> memref<1x80xi32, #tpu.memory_space<vmem>>
    %dma_wait3A_146 = tpu.memref_squeeze %dma_wait3A_145 : memref<1x80xi32, #tpu.memory_space<vmem>> -> memref<80xi32, #tpu.memory_space<vmem>>
    %dma_wait3A_147 = arith.constant 0 : i32
    %dma_wait3A_148 = arith.constant 0 : i32
    %dma_wait3A_149 = tpu.memref_slice %arg2[%dma_wait3A_147, %dma_wait3A_148] : memref<10000x128xf32, #tpu.memory_space<hbm>> -> memref<10000x128xf32, #tpu.memory_space<hbm>>
    tpu.wait_indirect_dma semaphore(%arg21 : memref<!tpu.dma_semaphore, #tpu.memory_space<semaphore_mem>>) src(%dma_wait3A_149 : memref<10000x128xf32, #tpu.memory_space<hbm>>) dst(%arg12 : memref<80x128xf32, #tpu.memory_space<vmem>>)
    %dma_wait3A_150 = arith.constant 0 : i32
    %dma_wait3A_151 = arith.constant 0 : i32
    %dma_wait3A_152 = tpu.memref_slice %arg9[%dma_wait3A_150, %dma_wait3A_151] : memref<25x80xi32, #tpu.memory_space<vmem>> -> memref<1x80xi32, #tpu.memory_space<vmem>>
    %dma_wait3A_153 = tpu.memref_squeeze %dma_wait3A_152 : memref<1x80xi32, #tpu.memory_space<vmem>> -> memref<80xi32, #tpu.memory_space<vmem>>
    %dma_wait3A_154 = arith.constant 0 : i32
    %dma_wait3A_155 = tpu.memref_slice %arg6[%dma_wait3A_154] : memref<10000xf32, #tpu.memory_space<hbm>> -> memref<10000xf32, #tpu.memory_space<hbm>>
    tpu.wait_indirect_dma semaphore(%arg21 : memref<!tpu.dma_semaphore, #tpu.memory_space<semaphore_mem>>) src(%dma_wait3A_155 : memref<10000xf32, #tpu.memory_space<hbm>>) dst(%arg14 : memref<80xf32, #tpu.memory_space<vmem>>)
    %dma_wait3A_156 = arith.constant 24 : i32
    %dma_wait3A_157 = arith.constant 0 : i32
    %dma_wait3A_158 = tpu.memref_slice %arg9[%dma_wait3A_156, %dma_wait3A_157] : memref<25x80xi32, #tpu.memory_space<vmem>> -> memref<1x80xi32, #tpu.memory_space<vmem>>
    %dma_wait3A_159 = tpu.memref_squeeze %dma_wait3A_158 : memref<1x80xi32, #tpu.memory_space<vmem>> -> memref<80xi32, #tpu.memory_space<vmem>>
    %dma_wait3A_160 = arith.constant 0 : i32
    %dma_wait3A_161 = arith.constant 0 : i32
    %dma_wait3A_162 = tpu.memref_slice %arg2[%dma_wait3A_160, %dma_wait3A_161] : memref<10000x128xf32, #tpu.memory_space<hbm>> -> memref<10000x128xf32, #tpu.memory_space<hbm>>
    tpu.wait_indirect_dma semaphore(%arg17 : memref<!tpu.dma_semaphore, #tpu.memory_space<semaphore_mem>>) src(%dma_wait3A_162 : memref<10000x128xf32, #tpu.memory_space<hbm>>) dst(%arg11 : memref<80x128xf32, #tpu.memory_space<vmem>>)
    %dma_start3A_163 = arith.constant 24 : i32
    %dma_start3A_164 = arith.constant 0 : i32
    %dma_start3A_165 = tpu.memref_slice %arg10[%dma_start3A_163, %dma_start3A_164] : memref<25x80xi32, #tpu.memory_space<vmem>> -> memref<1x80xi32, #tpu.memory_space<vmem>>
    %dma_start3A_166 = tpu.memref_squeeze %dma_start3A_165 : memref<1x80xi32, #tpu.memory_space<vmem>> -> memref<80xi32, #tpu.memory_space<vmem>>
    %dma_start3A_167 = arith.constant 0 : i32
    %dma_start3A_168 = arith.constant 0 : i32
    %dma_start3A_169 = tpu.memref_slice %arg15[%dma_start3A_167, %dma_start3A_168] : memref<10000x128xf32, #tpu.memory_space<vmem_shared>> -> memref<10000x128xf32, #tpu.memory_space<vmem_shared>>
    tpu.enqueue_indirect_dma source(%arg11 : memref<80x128xf32, #tpu.memory_space<vmem>>) target(%dma_start3A_169 : memref<10000x128xf32, #tpu.memory_space<vmem_shared>>) offsets(%dma_start3A_166 : memref<80xi32, #tpu.memory_space<vmem>>) semaphore(%arg20 : memref<!tpu.dma_semaphore, #tpu.memory_space<semaphore_mem>>) {add = true}
    %dma_start3A_170 = arith.constant 24 : i32
    %dma_start3A_171 = arith.constant 0 : i32
    %dma_start3A_172 = tpu.memref_slice %arg10[%dma_start3A_170, %dma_start3A_171] : memref<25x80xi32, #tpu.memory_space<vmem>> -> memref<1x80xi32, #tpu.memory_space<vmem>>
    %dma_start3A_173 = tpu.memref_squeeze %dma_start3A_172 : memref<1x80xi32, #tpu.memory_space<vmem>> -> memref<80xi32, #tpu.memory_space<vmem>>
    %dma_start3A_174 = arith.constant 0 : i32
    %dma_start3A_175 = tpu.memref_slice %arg16[%dma_start3A_174] : memref<10000xf32, #tpu.memory_space<vmem_shared>> -> memref<10000xf32, #tpu.memory_space<vmem_shared>>
    tpu.enqueue_indirect_dma source(%arg14 : memref<80xf32, #tpu.memory_space<vmem>>) target(%dma_start3A_175 : memref<10000xf32, #tpu.memory_space<vmem_shared>>) offsets(%dma_start3A_173 : memref<80xi32, #tpu.memory_space<vmem>>) semaphore(%arg20 : memref<!tpu.dma_semaphore, #tpu.memory_space<semaphore_mem>>) {add = true}
    %dma_wait3A_176 = arith.constant 0 : i32
    %dma_wait3A_177 = arith.constant 0 : i32
    %dma_wait3A_178 = tpu.memref_slice %arg9[%dma_wait3A_176, %dma_wait3A_177] : memref<25x80xi32, #tpu.memory_space<vmem>> -> memref<1x80xi32, #tpu.memory_space<vmem>>
    %dma_wait3A_179 = tpu.memref_squeeze %dma_wait3A_178 : memref<1x80xi32, #tpu.memory_space<vmem>> -> memref<80xi32, #tpu.memory_space<vmem>>
    %dma_wait3A_180 = arith.constant 0 : i32
    %dma_wait3A_181 = arith.constant 0 : i32
    %dma_wait3A_182 = tpu.memref_slice %arg2[%dma_wait3A_180, %dma_wait3A_181] : memref<10000x128xf32, #tpu.memory_space<hbm>> -> memref<10000x128xf32, #tpu.memory_space<hbm>>
    tpu.wait_indirect_dma semaphore(%arg22 : memref<!tpu.dma_semaphore, #tpu.memory_space<semaphore_mem>>) src(%dma_wait3A_182 : memref<10000x128xf32, #tpu.memory_space<hbm>>) dst(%arg13 : memref<80x128xf32, #tpu.memory_space<vmem>>)
    %dma_wait3A_183 = arith.constant 0 : i32
    %dma_wait3A_184 = arith.constant 0 : i32
    %dma_wait3A_185 = tpu.memref_slice %arg9[%dma_wait3A_183, %dma_wait3A_184] : memref<25x80xi32, #tpu.memory_space<vmem>> -> memref<1x80xi32, #tpu.memory_space<vmem>>
    %dma_wait3A_186 = tpu.memref_squeeze %dma_wait3A_185 : memref<1x80xi32, #tpu.memory_space<vmem>> -> memref<80xi32, #tpu.memory_space<vmem>>
    %dma_wait3A_187 = arith.constant 0 : i32
    %dma_wait3A_188 = tpu.memref_slice %arg6[%dma_wait3A_187] : memref<10000xf32, #tpu.memory_space<hbm>> -> memref<10000xf32, #tpu.memory_space<hbm>>
    tpu.wait_indirect_dma semaphore(%arg22 : memref<!tpu.dma_semaphore, #tpu.memory_space<semaphore_mem>>) src(%dma_wait3A_188 : memref<10000xf32, #tpu.memory_space<hbm>>) dst(%arg14 : memref<80xf32, #tpu.memory_space<vmem>>)
    %dma_wait3A_189 = arith.constant 0 : i32
    %dma_wait3A_190 = arith.constant 0 : i32
    %dma_wait3A_191 = tpu.memref_slice %arg9[%dma_wait3A_189, %dma_wait3A_190] : memref<25x80xi32, #tpu.memory_space<vmem>> -> memref<1x80xi32, #tpu.memory_space<vmem>>
    %dma_wait3A_192 = tpu.memref_squeeze %dma_wait3A_191 : memref<1x80xi32, #tpu.memory_space<vmem>> -> memref<80xi32, #tpu.memory_space<vmem>>
    %dma_wait3A_193 = arith.constant 0 : i32
    %dma_wait3A_194 = arith.constant 0 : i32
    %dma_wait3A_195 = tpu.memref_slice %arg2[%dma_wait3A_193, %dma_wait3A_194] : memref<10000x128xf32, #tpu.memory_space<hbm>> -> memref<10000x128xf32, #tpu.memory_space<hbm>>
    tpu.wait_indirect_dma semaphore(%arg20 : memref<!tpu.dma_semaphore, #tpu.memory_space<semaphore_mem>>) src(%dma_wait3A_195 : memref<10000x128xf32, #tpu.memory_space<hbm>>) dst(%arg11 : memref<80x128xf32, #tpu.memory_space<vmem>>)
    %dma_wait3A_196 = arith.constant 0 : i32
    %dma_wait3A_197 = arith.constant 0 : i32
    %dma_wait3A_198 = tpu.memref_slice %arg9[%dma_wait3A_196, %dma_wait3A_197] : memref<25x80xi32, #tpu.memory_space<vmem>> -> memref<1x80xi32, #tpu.memory_space<vmem>>
    %dma_wait3A_199 = tpu.memref_squeeze %dma_wait3A_198 : memref<1x80xi32, #tpu.memory_space<vmem>> -> memref<80xi32, #tpu.memory_space<vmem>>
    %dma_wait3A_200 = arith.constant 0 : i32
    %dma_wait3A_201 = tpu.memref_slice %arg6[%dma_wait3A_200] : memref<10000xf32, #tpu.memory_space<hbm>> -> memref<10000xf32, #tpu.memory_space<hbm>>
    tpu.wait_indirect_dma semaphore(%arg20 : memref<!tpu.dma_semaphore, #tpu.memory_space<semaphore_mem>>) src(%dma_wait3A_201 : memref<10000xf32, #tpu.memory_space<hbm>>) dst(%arg14 : memref<80xf32, #tpu.memory_space<vmem>>)
    %scan3A_202 = arith.constant 0 : i32
    %scan3A_203 = arith.constant 1 : i32
    %scan3A_204 = arith.constant 4 : i32
    %scan3A_205 = arith.addi %scan3A_203, %scan3A_204 : i32
    %scan3A_206 = arith.constant 1 : i32
    scf.for %scan3A_219 = %scan3A_203 to %scan3A_205 step %scan3A_206  : i32 {
      "tpu.region"() ({
        %run_scoped3A_386 = tpu.sem_alloc : memref<!tpu.dma_semaphore, #tpu.memory_space<semaphore_mem>>
        %dma_start3A_387 = arith.constant 0 : i32
        %dma_start3A_388 = arith.constant 0 : i32
        %dma_start3A_389 = tpu.memref_slice %arg3[%add3A, %scan3A_219, %dma_start3A_387, %dma_start3A_388] : memref<32x5x25x80xi32, #tpu.memory_space<hbm>> -> memref<1x1x25x80xi32, #tpu.memory_space<hbm>>
        %dma_start3A_390 = tpu.memref_squeeze %dma_start3A_389 : memref<1x1x25x80xi32, #tpu.memory_space<hbm>> -> memref<25x80xi32, #tpu.memory_space<hbm>>
        %dma_start3A_391 = arith.constant 0 : i32
        %dma_start3A_392 = arith.constant 0 : i32
        %dma_start3A_393 = tpu.memref_slice %arg3[%add3A, %scan3A_219, %dma_start3A_391, %dma_start3A_392] : memref<32x5x25x80xi32, #tpu.memory_space<hbm>> -> memref<1x1x25x80xi32, #tpu.memory_space<hbm>>
        %dma_start3A_394 = tpu.memref_squeeze %dma_start3A_393 : memref<1x1x25x80xi32, #tpu.memory_space<hbm>> -> memref<25x80xi32, #tpu.memory_space<hbm>>
        tpu.enqueue_dma source(%dma_start3A_394 : memref<25x80xi32, #tpu.memory_space<hbm>>) target(%arg9 : memref<25x80xi32, #tpu.memory_space<vmem>>) target_semaphore(%run_scoped3A_386 : memref<!tpu.dma_semaphore, #tpu.memory_space<semaphore_mem>>)
        %dma_wait3A_395 = arith.constant 0 : i32
        %dma_wait3A_396 = arith.constant 0 : i32
        %dma_wait3A_397 = tpu.memref_slice %arg3[%add3A, %scan3A_219, %dma_wait3A_395, %dma_wait3A_396] : memref<32x5x25x80xi32, #tpu.memory_space<hbm>> -> memref<1x1x25x80xi32, #tpu.memory_space<hbm>>
        %dma_wait3A_398 = tpu.memref_squeeze %dma_wait3A_397 : memref<1x1x25x80xi32, #tpu.memory_space<hbm>> -> memref<25x80xi32, #tpu.memory_space<hbm>>
        %dma_wait3A_399 = arith.constant 0 : i32
        %dma_wait3A_400 = arith.constant 0 : i32
        %dma_wait3A_401 = tpu.memref_slice %arg3[%add3A, %scan3A_219, %dma_wait3A_399, %dma_wait3A_400] : memref<32x5x25x80xi32, #tpu.memory_space<hbm>> -> memref<1x1x25x80xi32, #tpu.memory_space<hbm>>
        %dma_wait3A_402 = tpu.memref_squeeze %dma_wait3A_401 : memref<1x1x25x80xi32, #tpu.memory_space<hbm>> -> memref<25x80xi32, #tpu.memory_space<hbm>>
        tpu.wait_dma2 semaphore(%run_scoped3A_386 : memref<!tpu.dma_semaphore, #tpu.memory_space<semaphore_mem>>) src(%dma_wait3A_402 : memref<25x80xi32, #tpu.memory_space<hbm>>) dst(%arg9 : memref<25x80xi32, #tpu.memory_space<vmem>>)
        tpu.yield
      }) : () -> ()
      "tpu.region"() ({
        %run_scoped3A_386 = tpu.sem_alloc : memref<!tpu.dma_semaphore, #tpu.memory_space<semaphore_mem>>
        %dma_start3A_387 = arith.constant 0 : i32
        %dma_start3A_388 = arith.constant 0 : i32
        %dma_start3A_389 = tpu.memref_slice %arg4[%add3A, %scan3A_219, %dma_start3A_387, %dma_start3A_388] : memref<32x5x25x80xi32, #tpu.memory_space<hbm>> -> memref<1x1x25x80xi32, #tpu.memory_space<hbm>>
        %dma_start3A_390 = tpu.memref_squeeze %dma_start3A_389 : memref<1x1x25x80xi32, #tpu.memory_space<hbm>> -> memref<25x80xi32, #tpu.memory_space<hbm>>
        %dma_start3A_391 = arith.constant 0 : i32
        %dma_start3A_392 = arith.constant 0 : i32
        %dma_start3A_393 = tpu.memref_slice %arg4[%add3A, %scan3A_219, %dma_start3A_391, %dma_start3A_392] : memref<32x5x25x80xi32, #tpu.memory_space<hbm>> -> memref<1x1x25x80xi32, #tpu.memory_space<hbm>>
        %dma_start3A_394 = tpu.memref_squeeze %dma_start3A_393 : memref<1x1x25x80xi32, #tpu.memory_space<hbm>> -> memref<25x80xi32, #tpu.memory_space<hbm>>
        tpu.enqueue_dma source(%dma_start3A_394 : memref<25x80xi32, #tpu.memory_space<hbm>>) target(%arg10 : memref<25x80xi32, #tpu.memory_space<vmem>>) target_semaphore(%run_scoped3A_386 : memref<!tpu.dma_semaphore, #tpu.memory_space<semaphore_mem>>)
        %dma_wait3A_395 = arith.constant 0 : i32
        %dma_wait3A_396 = arith.constant 0 : i32
        %dma_wait3A_397 = tpu.memref_slice %arg4[%add3A, %scan3A_219, %dma_wait3A_395, %dma_wait3A_396] : memref<32x5x25x80xi32, #tpu.memory_space<hbm>> -> memref<1x1x25x80xi32, #tpu.memory_space<hbm>>
        %dma_wait3A_398 = tpu.memref_squeeze %dma_wait3A_397 : memref<1x1x25x80xi32, #tpu.memory_space<hbm>> -> memref<25x80xi32, #tpu.memory_space<hbm>>
        %dma_wait3A_399 = arith.constant 0 : i32
        %dma_wait3A_400 = arith.constant 0 : i32
        %dma_wait3A_401 = tpu.memref_slice %arg4[%add3A, %scan3A_219, %dma_wait3A_399, %dma_wait3A_400] : memref<32x5x25x80xi32, #tpu.memory_space<hbm>> -> memref<1x1x25x80xi32, #tpu.memory_space<hbm>>
        %dma_wait3A_402 = tpu.memref_squeeze %dma_wait3A_401 : memref<1x1x25x80xi32, #tpu.memory_space<hbm>> -> memref<25x80xi32, #tpu.memory_space<hbm>>
        tpu.wait_dma2 semaphore(%run_scoped3A_386 : memref<!tpu.dma_semaphore, #tpu.memory_space<semaphore_mem>>) src(%dma_wait3A_402 : memref<25x80xi32, #tpu.memory_space<hbm>>) dst(%arg10 : memref<25x80xi32, #tpu.memory_space<vmem>>)
        tpu.yield
      }) : () -> ()
      %dma_start3A_220 = arith.constant 0 : i32
      %dma_start3A_221 = arith.constant 0 : i32
      %dma_start3A_222 = tpu.memref_slice %arg9[%dma_start3A_220, %dma_start3A_221] : memref<25x80xi32, #tpu.memory_space<vmem>> -> memref<1x80xi32, #tpu.memory_space<vmem>>
      %dma_start3A_223 = tpu.memref_squeeze %dma_start3A_222 : memref<1x80xi32, #tpu.memory_space<vmem>> -> memref<80xi32, #tpu.memory_space<vmem>>
      %dma_start3A_224 = arith.constant 0 : i32
      %dma_start3A_225 = arith.constant 0 : i32
      %dma_start3A_226 = tpu.memref_slice %arg2[%dma_start3A_224, %dma_start3A_225] : memref<10000x128xf32, #tpu.memory_space<hbm>> -> memref<10000x128xf32, #tpu.memory_space<hbm>>
      tpu.enqueue_indirect_dma source(%dma_start3A_226 : memref<10000x128xf32, #tpu.memory_space<hbm>>) target(%arg11 : memref<80x128xf32, #tpu.memory_space<vmem>>) offsets(%dma_start3A_223 : memref<80xi32, #tpu.memory_space<vmem>>) semaphore(%arg17 : memref<!tpu.dma_semaphore, #tpu.memory_space<semaphore_mem>>)
      %dma_start3A_227 = arith.constant 1 : i32
      %dma_start3A_228 = arith.constant 0 : i32
      %dma_start3A_229 = tpu.memref_slice %arg9[%dma_start3A_227, %dma_start3A_228] : memref<25x80xi32, #tpu.memory_space<vmem>> -> memref<1x80xi32, #tpu.memory_space<vmem>>
      %dma_start3A_230 = tpu.memref_squeeze %dma_start3A_229 : memref<1x80xi32, #tpu.memory_space<vmem>> -> memref<80xi32, #tpu.memory_space<vmem>>
      %dma_start3A_231 = arith.constant 0 : i32
      %dma_start3A_232 = arith.constant 0 : i32
      %dma_start3A_233 = tpu.memref_slice %arg2[%dma_start3A_231, %dma_start3A_232] : memref<10000x128xf32, #tpu.memory_space<hbm>> -> memref<10000x128xf32, #tpu.memory_space<hbm>>
      tpu.enqueue_indirect_dma source(%dma_start3A_233 : memref<10000x128xf32, #tpu.memory_space<hbm>>) target(%arg12 : memref<80x128xf32, #tpu.memory_space<vmem>>) offsets(%dma_start3A_230 : memref<80xi32, #tpu.memory_space<vmem>>) semaphore(%arg18 : memref<!tpu.dma_semaphore, #tpu.memory_space<semaphore_mem>>)
      %dma_wait3A_234 = arith.constant 0 : i32
      %dma_wait3A_235 = arith.constant 0 : i32
      %dma_wait3A_236 = tpu.memref_slice %arg9[%dma_wait3A_234, %dma_wait3A_235] : memref<25x80xi32, #tpu.memory_space<vmem>> -> memref<1x80xi32, #tpu.memory_space<vmem>>
      %dma_wait3A_237 = tpu.memref_squeeze %dma_wait3A_236 : memref<1x80xi32, #tpu.memory_space<vmem>> -> memref<80xi32, #tpu.memory_space<vmem>>
      %dma_wait3A_238 = arith.constant 0 : i32
      %dma_wait3A_239 = arith.constant 0 : i32
      %dma_wait3A_240 = tpu.memref_slice %arg2[%dma_wait3A_238, %dma_wait3A_239] : memref<10000x128xf32, #tpu.memory_space<hbm>> -> memref<10000x128xf32, #tpu.memory_space<hbm>>
      tpu.wait_indirect_dma semaphore(%arg17 : memref<!tpu.dma_semaphore, #tpu.memory_space<semaphore_mem>>) src(%dma_wait3A_240 : memref<10000x128xf32, #tpu.memory_space<hbm>>) dst(%arg11 : memref<80x128xf32, #tpu.memory_space<vmem>>)
      %dma_start3A_241 = arith.constant 0 : i32
      %dma_start3A_242 = arith.constant 0 : i32
      %dma_start3A_243 = tpu.memref_slice %arg10[%dma_start3A_241, %dma_start3A_242] : memref<25x80xi32, #tpu.memory_space<vmem>> -> memref<1x80xi32, #tpu.memory_space<vmem>>
      %dma_start3A_244 = tpu.memref_squeeze %dma_start3A_243 : memref<1x80xi32, #tpu.memory_space<vmem>> -> memref<80xi32, #tpu.memory_space<vmem>>
      %dma_start3A_245 = arith.constant 0 : i32
      %dma_start3A_246 = arith.constant 0 : i32
      %dma_start3A_247 = tpu.memref_slice %arg15[%dma_start3A_245, %dma_start3A_246] : memref<10000x128xf32, #tpu.memory_space<vmem_shared>> -> memref<10000x128xf32, #tpu.memory_space<vmem_shared>>
      tpu.enqueue_indirect_dma source(%arg11 : memref<80x128xf32, #tpu.memory_space<vmem>>) target(%dma_start3A_247 : memref<10000x128xf32, #tpu.memory_space<vmem_shared>>) offsets(%dma_start3A_244 : memref<80xi32, #tpu.memory_space<vmem>>) semaphore(%arg20 : memref<!tpu.dma_semaphore, #tpu.memory_space<semaphore_mem>>) {add = true}
      %dma_start3A_248 = arith.constant 0 : i32
      %dma_start3A_249 = arith.constant 0 : i32
      %dma_start3A_250 = tpu.memref_slice %arg10[%dma_start3A_248, %dma_start3A_249] : memref<25x80xi32, #tpu.memory_space<vmem>> -> memref<1x80xi32, #tpu.memory_space<vmem>>
      %dma_start3A_251 = tpu.memref_squeeze %dma_start3A_250 : memref<1x80xi32, #tpu.memory_space<vmem>> -> memref<80xi32, #tpu.memory_space<vmem>>
      %dma_start3A_252 = arith.constant 0 : i32
      %dma_start3A_253 = tpu.memref_slice %arg16[%dma_start3A_252] : memref<10000xf32, #tpu.memory_space<vmem_shared>> -> memref<10000xf32, #tpu.memory_space<vmem_shared>>
      tpu.enqueue_indirect_dma source(%arg14 : memref<80xf32, #tpu.memory_space<vmem>>) target(%dma_start3A_253 : memref<10000xf32, #tpu.memory_space<vmem_shared>>) offsets(%dma_start3A_251 : memref<80xi32, #tpu.memory_space<vmem>>) semaphore(%arg20 : memref<!tpu.dma_semaphore, #tpu.memory_space<semaphore_mem>>) {add = true}
      %dma_start3A_254 = arith.constant 2 : i32
      %dma_start3A_255 = arith.constant 0 : i32
      %dma_start3A_256 = tpu.memref_slice %arg9[%dma_start3A_254, %dma_start3A_255] : memref<25x80xi32, #tpu.memory_space<vmem>> -> memref<1x80xi32, #tpu.memory_space<vmem>>
      %dma_start3A_257 = tpu.memref_squeeze %dma_start3A_256 : memref<1x80xi32, #tpu.memory_space<vmem>> -> memref<80xi32, #tpu.memory_space<vmem>>
      %dma_start3A_258 = arith.constant 0 : i32
      %dma_start3A_259 = arith.constant 0 : i32
      %dma_start3A_260 = tpu.memref_slice %arg2[%dma_start3A_258, %dma_start3A_259] : memref<10000x128xf32, #tpu.memory_space<hbm>> -> memref<10000x128xf32, #tpu.memory_space<hbm>>
      tpu.enqueue_indirect_dma source(%dma_start3A_260 : memref<10000x128xf32, #tpu.memory_space<hbm>>) target(%arg13 : memref<80x128xf32, #tpu.memory_space<vmem>>) offsets(%dma_start3A_257 : memref<80xi32, #tpu.memory_space<vmem>>) semaphore(%arg19 : memref<!tpu.dma_semaphore, #tpu.memory_space<semaphore_mem>>)
      %dma_wait3A_261 = arith.constant 1 : i32
      %dma_wait3A_262 = arith.constant 0 : i32
      %dma_wait3A_263 = tpu.memref_slice %arg9[%dma_wait3A_261, %dma_wait3A_262] : memref<25x80xi32, #tpu.memory_space<vmem>> -> memref<1x80xi32, #tpu.memory_space<vmem>>
      %dma_wait3A_264 = tpu.memref_squeeze %dma_wait3A_263 : memref<1x80xi32, #tpu.memory_space<vmem>> -> memref<80xi32, #tpu.memory_space<vmem>>
      %dma_wait3A_265 = arith.constant 0 : i32
      %dma_wait3A_266 = arith.constant 0 : i32
      %dma_wait3A_267 = tpu.memref_slice %arg2[%dma_wait3A_265, %dma_wait3A_266] : memref<10000x128xf32, #tpu.memory_space<hbm>> -> memref<10000x128xf32, #tpu.memory_space<hbm>>
      tpu.wait_indirect_dma semaphore(%arg18 : memref<!tpu.dma_semaphore, #tpu.memory_space<semaphore_mem>>) src(%dma_wait3A_267 : memref<10000x128xf32, #tpu.memory_space<hbm>>) dst(%arg12 : memref<80x128xf32, #tpu.memory_space<vmem>>)
      %dma_start3A_268 = arith.constant 1 : i32
      %dma_start3A_269 = arith.constant 0 : i32
      %dma_start3A_270 = tpu.memref_slice %arg10[%dma_start3A_268, %dma_start3A_269] : memref<25x80xi32, #tpu.memory_space<vmem>> -> memref<1x80xi32, #tpu.memory_space<vmem>>
      %dma_start3A_271 = tpu.memref_squeeze %dma_start3A_270 : memref<1x80xi32, #tpu.memory_space<vmem>> -> memref<80xi32, #tpu.memory_space<vmem>>
      %dma_start3A_272 = arith.constant 0 : i32
      %dma_start3A_273 = arith.constant 0 : i32
      %dma_start3A_274 = tpu.memref_slice %arg15[%dma_start3A_272, %dma_start3A_273] : memref<10000x128xf32, #tpu.memory_space<vmem_shared>> -> memref<10000x128xf32, #tpu.memory_space<vmem_shared>>
      tpu.enqueue_indirect_dma source(%arg12 : memref<80x128xf32, #tpu.memory_space<vmem>>) target(%dma_start3A_274 : memref<10000x128xf32, #tpu.memory_space<vmem_shared>>) offsets(%dma_start3A_271 : memref<80xi32, #tpu.memory_space<vmem>>) semaphore(%arg21 : memref<!tpu.dma_semaphore, #tpu.memory_space<semaphore_mem>>) {add = true}
      %dma_start3A_275 = arith.constant 1 : i32
      %dma_start3A_276 = arith.constant 0 : i32
      %dma_start3A_277 = tpu.memref_slice %arg10[%dma_start3A_275, %dma_start3A_276] : memref<25x80xi32, #tpu.memory_space<vmem>> -> memref<1x80xi32, #tpu.memory_space<vmem>>
      %dma_start3A_278 = tpu.memref_squeeze %dma_start3A_277 : memref<1x80xi32, #tpu.memory_space<vmem>> -> memref<80xi32, #tpu.memory_space<vmem>>
      %dma_start3A_279 = arith.constant 0 : i32
      %dma_start3A_280 = tpu.memref_slice %arg16[%dma_start3A_279] : memref<10000xf32, #tpu.memory_space<vmem_shared>> -> memref<10000xf32, #tpu.memory_space<vmem_shared>>
      tpu.enqueue_indirect_dma source(%arg14 : memref<80xf32, #tpu.memory_space<vmem>>) target(%dma_start3A_280 : memref<10000xf32, #tpu.memory_space<vmem_shared>>) offsets(%dma_start3A_278 : memref<80xi32, #tpu.memory_space<vmem>>) semaphore(%arg21 : memref<!tpu.dma_semaphore, #tpu.memory_space<semaphore_mem>>) {add = true}
      %dma_wait3A_281 = arith.constant 0 : i32
      %dma_wait3A_282 = arith.constant 0 : i32
      %dma_wait3A_283 = tpu.memref_slice %arg9[%dma_wait3A_281, %dma_wait3A_282] : memref<25x80xi32, #tpu.memory_space<vmem>> -> memref<1x80xi32, #tpu.memory_space<vmem>>
      %dma_wait3A_284 = tpu.memref_squeeze %dma_wait3A_283 : memref<1x80xi32, #tpu.memory_space<vmem>> -> memref<80xi32, #tpu.memory_space<vmem>>
      %dma_wait3A_285 = arith.constant 0 : i32
      %dma_wait3A_286 = arith.constant 0 : i32
      %dma_wait3A_287 = tpu.memref_slice %arg2[%dma_wait3A_285, %dma_wait3A_286] : memref<10000x128xf32, #tpu.memory_space<hbm>> -> memref<10000x128xf32, #tpu.memory_space<hbm>>
      tpu.wait_indirect_dma semaphore(%arg20 : memref<!tpu.dma_semaphore, #tpu.memory_space<semaphore_mem>>) src(%dma_wait3A_287 : memref<10000x128xf32, #tpu.memory_space<hbm>>) dst(%arg11 : memref<80x128xf32, #tpu.memory_space<vmem>>)
      %dma_wait3A_288 = arith.constant 0 : i32
      %dma_wait3A_289 = arith.constant 0 : i32
      %dma_wait3A_290 = tpu.memref_slice %arg9[%dma_wait3A_288, %dma_wait3A_289] : memref<25x80xi32, #tpu.memory_space<vmem>> -> memref<1x80xi32, #tpu.memory_space<vmem>>
      %dma_wait3A_291 = tpu.memref_squeeze %dma_wait3A_290 : memref<1x80xi32, #tpu.memory_space<vmem>> -> memref<80xi32, #tpu.memory_space<vmem>>
      %dma_wait3A_292 = arith.constant 0 : i32
      %dma_wait3A_293 = tpu.memref_slice %arg6[%dma_wait3A_292] : memref<10000xf32, #tpu.memory_space<hbm>> -> memref<10000xf32, #tpu.memory_space<hbm>>
      tpu.wait_indirect_dma semaphore(%arg20 : memref<!tpu.dma_semaphore, #tpu.memory_space<semaphore_mem>>) src(%dma_wait3A_293 : memref<10000xf32, #tpu.memory_space<hbm>>) dst(%arg14 : memref<80xf32, #tpu.memory_space<vmem>>)
      %dma_start3A_294 = arith.constant 3 : i32
      %dma_start3A_295 = arith.constant 0 : i32
      %dma_start3A_296 = tpu.memref_slice %arg9[%dma_start3A_294, %dma_start3A_295] : memref<25x80xi32, #tpu.memory_space<vmem>> -> memref<1x80xi32, #tpu.memory_space<vmem>>
      %dma_start3A_297 = tpu.memref_squeeze %dma_start3A_296 : memref<1x80xi32, #tpu.memory_space<vmem>> -> memref<80xi32, #tpu.memory_space<vmem>>
      %dma_start3A_298 = arith.constant 0 : i32
      %dma_start3A_299 = arith.constant 0 : i32
      %dma_start3A_300 = tpu.memref_slice %arg2[%dma_start3A_298, %dma_start3A_299] : memref<10000x128xf32, #tpu.memory_space<hbm>> -> memref<10000x128xf32, #tpu.memory_space<hbm>>
      tpu.enqueue_indirect_dma source(%dma_start3A_300 : memref<10000x128xf32, #tpu.memory_space<hbm>>) target(%arg11 : memref<80x128xf32, #tpu.memory_space<vmem>>) offsets(%dma_start3A_297 : memref<80xi32, #tpu.memory_space<vmem>>) semaphore(%arg17 : memref<!tpu.dma_semaphore, #tpu.memory_space<semaphore_mem>>)
      %scan3A_301 = arith.constant 0 : i32
      %scan3A_302 = arith.constant 0 : i32
      %scan3A_303 = arith.constant 7 : i32
      %scan3A_304 = arith.addi %scan3A_302, %scan3A_303 : i32
      %scan3A_305 = arith.constant 1 : i32
      scf.for %scan3A_386 = %scan3A_302 to %scan3A_304 step %scan3A_305  : i32 {
        %mul3A_387 = arith.constant 3 : i32
        %mul3A_388 = arith.muli %mul3A_387, %scan3A_386 : i32
        %add3A_389 = arith.constant 2 : i32
        %add3A_390 = arith.addi %mul3A_388, %add3A_389 : i32
        %add3A_391 = arith.constant 0 : i32
        %add3A_392 = arith.addi %add3A_390, %add3A_391 : i32
        %dma_wait3A_393 = arith.constant 0 : i32
        %dma_wait3A_394 = tpu.memref_slice %arg9[%add3A_392, %dma_wait3A_393] : memref<25x80xi32, #tpu.memory_space<vmem>> -> memref<1x80xi32, #tpu.memory_space<vmem>>
        %dma_wait3A_395 = tpu.memref_squeeze %dma_wait3A_394 : memref<1x80xi32, #tpu.memory_space<vmem>> -> memref<80xi32, #tpu.memory_space<vmem>>
        %dma_wait3A_396 = arith.constant 0 : i32
        %dma_wait3A_397 = arith.constant 0 : i32
        %dma_wait3A_398 = tpu.memref_slice %arg2[%dma_wait3A_396, %dma_wait3A_397] : memref<10000x128xf32, #tpu.memory_space<hbm>> -> memref<10000x128xf32, #tpu.memory_space<hbm>>
        tpu.wait_indirect_dma semaphore(%arg19 : memref<!tpu.dma_semaphore, #tpu.memory_space<semaphore_mem>>) src(%dma_wait3A_398 : memref<10000x128xf32, #tpu.memory_space<hbm>>) dst(%arg13 : memref<80x128xf32, #tpu.memory_space<vmem>>)
        %dma_start3A_399 = arith.constant 0 : i32
        %dma_start3A_400 = tpu.memref_slice %arg10[%add3A_392, %dma_start3A_399] : memref<25x80xi32, #tpu.memory_space<vmem>> -> memref<1x80xi32, #tpu.memory_space<vmem>>
        %dma_start3A_401 = tpu.memref_squeeze %dma_start3A_400 : memref<1x80xi32, #tpu.memory_space<vmem>> -> memref<80xi32, #tpu.memory_space<vmem>>
        %dma_start3A_402 = arith.constant 0 : i32
        %dma_start3A_403 = arith.constant 0 : i32
        %dma_start3A_404 = tpu.memref_slice %arg15[%dma_start3A_402, %dma_start3A_403] : memref<10000x128xf32, #tpu.memory_space<vmem_shared>> -> memref<10000x128xf32, #tpu.memory_space<vmem_shared>>
        tpu.enqueue_indirect_dma source(%arg13 : memref<80x128xf32, #tpu.memory_space<vmem>>) target(%dma_start3A_404 : memref<10000x128xf32, #tpu.memory_space<vmem_shared>>) offsets(%dma_start3A_401 : memref<80xi32, #tpu.memory_space<vmem>>) semaphore(%arg22 : memref<!tpu.dma_semaphore, #tpu.memory_space<semaphore_mem>>) {add = true}
        %dma_start3A_405 = arith.constant 0 : i32
        %dma_start3A_406 = tpu.memref_slice %arg10[%add3A_392, %dma_start3A_405] : memref<25x80xi32, #tpu.memory_space<vmem>> -> memref<1x80xi32, #tpu.memory_space<vmem>>
        %dma_start3A_407 = tpu.memref_squeeze %dma_start3A_406 : memref<1x80xi32, #tpu.memory_space<vmem>> -> memref<80xi32, #tpu.memory_space<vmem>>
        %dma_start3A_408 = arith.constant 0 : i32
        %dma_start3A_409 = tpu.memref_slice %arg16[%dma_start3A_408] : memref<10000xf32, #tpu.memory_space<vmem_shared>> -> memref<10000xf32, #tpu.memory_space<vmem_shared>>
        tpu.enqueue_indirect_dma source(%arg14 : memref<80xf32, #tpu.memory_space<vmem>>) target(%dma_start3A_409 : memref<10000xf32, #tpu.memory_space<vmem_shared>>) offsets(%dma_start3A_407 : memref<80xi32, #tpu.memory_space<vmem>>) semaphore(%arg22 : memref<!tpu.dma_semaphore, #tpu.memory_space<semaphore_mem>>) {add = true}
        %dma_wait3A_410 = arith.constant 0 : i32
        %dma_wait3A_411 = arith.constant 0 : i32
        %dma_wait3A_412 = tpu.memref_slice %arg9[%dma_wait3A_410, %dma_wait3A_411] : memref<25x80xi32, #tpu.memory_space<vmem>> -> memref<1x80xi32, #tpu.memory_space<vmem>>
        %dma_wait3A_413 = tpu.memref_squeeze %dma_wait3A_412 : memref<1x80xi32, #tpu.memory_space<vmem>> -> memref<80xi32, #tpu.memory_space<vmem>>
        %dma_wait3A_414 = arith.constant 0 : i32
        %dma_wait3A_415 = arith.constant 0 : i32
        %dma_wait3A_416 = tpu.memref_slice %arg2[%dma_wait3A_414, %dma_wait3A_415] : memref<10000x128xf32, #tpu.memory_space<hbm>> -> memref<10000x128xf32, #tpu.memory_space<hbm>>
        tpu.wait_indirect_dma semaphore(%arg21 : memref<!tpu.dma_semaphore, #tpu.memory_space<semaphore_mem>>) src(%dma_wait3A_416 : memref<10000x128xf32, #tpu.memory_space<hbm>>) dst(%arg12 : memref<80x128xf32, #tpu.memory_space<vmem>>)
        %dma_wait3A_417 = arith.constant 0 : i32
        %dma_wait3A_418 = arith.constant 0 : i32
        %dma_wait3A_419 = tpu.memref_slice %arg9[%dma_wait3A_417, %dma_wait3A_418] : memref<25x80xi32, #tpu.memory_space<vmem>> -> memref<1x80xi32, #tpu.memory_space<vmem>>
        %dma_wait3A_420 = tpu.memref_squeeze %dma_wait3A_419 : memref<1x80xi32, #tpu.memory_space<vmem>> -> memref<80xi32, #tpu.memory_space<vmem>>
        %dma_wait3A_421 = arith.constant 0 : i32
        %dma_wait3A_422 = tpu.memref_slice %arg6[%dma_wait3A_421] : memref<10000xf32, #tpu.memory_space<hbm>> -> memref<10000xf32, #tpu.memory_space<hbm>>
        tpu.wait_indirect_dma semaphore(%arg21 : memref<!tpu.dma_semaphore, #tpu.memory_space<semaphore_mem>>) src(%dma_wait3A_422 : memref<10000xf32, #tpu.memory_space<hbm>>) dst(%arg14 : memref<80xf32, #tpu.memory_space<vmem>>)
        %add3A_423 = arith.constant 2 : i32
        %add3A_424 = arith.addi %add3A_392, %add3A_423 : i32
        %lt3A = arith.constant 25 : i32
        %lt3A_425 = arith.cmpi slt, %add3A_424, %lt3A : i32
        %convert_element_type3A_426 = arith.extui %lt3A_425 : i1 to i32
        %cond3A_427 = arith.constant 0 : i32
        %cond3A_428 = arith.cmpi ne, %convert_element_type3A_426, %cond3A_427 : i32
        scf.if %cond3A_428 {
          %add3A_507 = arith.constant 2 : i32
          %add3A_508 = arith.addi %add3A_392, %add3A_507 : i32
          %dma_start3A_509 = arith.constant 0 : i32
          %dma_start3A_510 = tpu.memref_slice %arg9[%add3A_508, %dma_start3A_509] : memref<25x80xi32, #tpu.memory_space<vmem>> -> memref<1x80xi32, #tpu.memory_space<vmem>>
          %dma_start3A_511 = tpu.memref_squeeze %dma_start3A_510 : memref<1x80xi32, #tpu.memory_space<vmem>> -> memref<80xi32, #tpu.memory_space<vmem>>
          %dma_start3A_512 = arith.constant 0 : i32
          %dma_start3A_513 = arith.constant 0 : i32
          %dma_start3A_514 = tpu.memref_slice %arg2[%dma_start3A_512, %dma_start3A_513] : memref<10000x128xf32, #tpu.memory_space<hbm>> -> memref<10000x128xf32, #tpu.memory_space<hbm>>
          tpu.enqueue_indirect_dma source(%dma_start3A_514 : memref<10000x128xf32, #tpu.memory_space<hbm>>) target(%arg12 : memref<80x128xf32, #tpu.memory_space<vmem>>) offsets(%dma_start3A_511 : memref<80xi32, #tpu.memory_space<vmem>>) semaphore(%arg18 : memref<!tpu.dma_semaphore, #tpu.memory_space<semaphore_mem>>)
        } else {
        }
        %add3A_429 = arith.constant 1 : i32
        %add3A_430 = arith.addi %add3A_390, %add3A_429 : i32
        %dma_wait3A_431 = arith.constant 0 : i32
        %dma_wait3A_432 = tpu.memref_slice %arg9[%add3A_430, %dma_wait3A_431] : memref<25x80xi32, #tpu.memory_space<vmem>> -> memref<1x80xi32, #tpu.memory_space<vmem>>
        %dma_wait3A_433 = tpu.memref_squeeze %dma_wait3A_432 : memref<1x80xi32, #tpu.memory_space<vmem>> -> memref<80xi32, #tpu.memory_space<vmem>>
        %dma_wait3A_434 = arith.constant 0 : i32
        %dma_wait3A_435 = arith.constant 0 : i32
        %dma_wait3A_436 = tpu.memref_slice %arg2[%dma_wait3A_434, %dma_wait3A_435] : memref<10000x128xf32, #tpu.memory_space<hbm>> -> memref<10000x128xf32, #tpu.memory_space<hbm>>
        tpu.wait_indirect_dma semaphore(%arg17 : memref<!tpu.dma_semaphore, #tpu.memory_space<semaphore_mem>>) src(%dma_wait3A_436 : memref<10000x128xf32, #tpu.memory_space<hbm>>) dst(%arg11 : memref<80x128xf32, #tpu.memory_space<vmem>>)
        %dma_start3A_437 = arith.constant 0 : i32
        %dma_start3A_438 = tpu.memref_slice %arg10[%add3A_430, %dma_start3A_437] : memref<25x80xi32, #tpu.memory_space<vmem>> -> memref<1x80xi32, #tpu.memory_space<vmem>>
        %dma_start3A_439 = tpu.memref_squeeze %dma_start3A_438 : memref<1x80xi32, #tpu.memory_space<vmem>> -> memref<80xi32, #tpu.memory_space<vmem>>
        %dma_start3A_440 = arith.constant 0 : i32
        %dma_start3A_441 = arith.constant 0 : i32
        %dma_start3A_442 = tpu.memref_slice %arg15[%dma_start3A_440, %dma_start3A_441] : memref<10000x128xf32, #tpu.memory_space<vmem_shared>> -> memref<10000x128xf32, #tpu.memory_space<vmem_shared>>
        tpu.enqueue_indirect_dma source(%arg11 : memref<80x128xf32, #tpu.memory_space<vmem>>) target(%dma_start3A_442 : memref<10000x128xf32, #tpu.memory_space<vmem_shared>>) offsets(%dma_start3A_439 : memref<80xi32, #tpu.memory_space<vmem>>) semaphore(%arg20 : memref<!tpu.dma_semaphore, #tpu.memory_space<semaphore_mem>>) {add = true}
        %dma_start3A_443 = arith.constant 0 : i32
        %dma_start3A_444 = tpu.memref_slice %arg10[%add3A_430, %dma_start3A_443] : memref<25x80xi32, #tpu.memory_space<vmem>> -> memref<1x80xi32, #tpu.memory_space<vmem>>
        %dma_start3A_445 = tpu.memref_squeeze %dma_start3A_444 : memref<1x80xi32, #tpu.memory_space<vmem>> -> memref<80xi32, #tpu.memory_space<vmem>>
        %dma_start3A_446 = arith.constant 0 : i32
        %dma_start3A_447 = tpu.memref_slice %arg16[%dma_start3A_446] : memref<10000xf32, #tpu.memory_space<vmem_shared>> -> memref<10000xf32, #tpu.memory_space<vmem_shared>>
        tpu.enqueue_indirect_dma source(%arg14 : memref<80xf32, #tpu.memory_space<vmem>>) target(%dma_start3A_447 : memref<10000xf32, #tpu.memory_space<vmem_shared>>) offsets(%dma_start3A_445 : memref<80xi32, #tpu.memory_space<vmem>>) semaphore(%arg20 : memref<!tpu.dma_semaphore, #tpu.memory_space<semaphore_mem>>) {add = true}
        %dma_wait3A_448 = arith.constant 0 : i32
        %dma_wait3A_449 = arith.constant 0 : i32
        %dma_wait3A_450 = tpu.memref_slice %arg9[%dma_wait3A_448, %dma_wait3A_449] : memref<25x80xi32, #tpu.memory_space<vmem>> -> memref<1x80xi32, #tpu.memory_space<vmem>>
        %dma_wait3A_451 = tpu.memref_squeeze %dma_wait3A_450 : memref<1x80xi32, #tpu.memory_space<vmem>> -> memref<80xi32, #tpu.memory_space<vmem>>
        %dma_wait3A_452 = arith.constant 0 : i32
        %dma_wait3A_453 = arith.constant 0 : i32
        %dma_wait3A_454 = tpu.memref_slice %arg2[%dma_wait3A_452, %dma_wait3A_453] : memref<10000x128xf32, #tpu.memory_space<hbm>> -> memref<10000x128xf32, #tpu.memory_space<hbm>>
        tpu.wait_indirect_dma semaphore(%arg22 : memref<!tpu.dma_semaphore, #tpu.memory_space<semaphore_mem>>) src(%dma_wait3A_454 : memref<10000x128xf32, #tpu.memory_space<hbm>>) dst(%arg13 : memref<80x128xf32, #tpu.memory_space<vmem>>)
        %dma_wait3A_455 = arith.constant 0 : i32
        %dma_wait3A_456 = arith.constant 0 : i32
        %dma_wait3A_457 = tpu.memref_slice %arg9[%dma_wait3A_455, %dma_wait3A_456] : memref<25x80xi32, #tpu.memory_space<vmem>> -> memref<1x80xi32, #tpu.memory_space<vmem>>
        %dma_wait3A_458 = tpu.memref_squeeze %dma_wait3A_457 : memref<1x80xi32, #tpu.memory_space<vmem>> -> memref<80xi32, #tpu.memory_space<vmem>>
        %dma_wait3A_459 = arith.constant 0 : i32
        %dma_wait3A_460 = tpu.memref_slice %arg6[%dma_wait3A_459] : memref<10000xf32, #tpu.memory_space<hbm>> -> memref<10000xf32, #tpu.memory_space<hbm>>
        tpu.wait_indirect_dma semaphore(%arg22 : memref<!tpu.dma_semaphore, #tpu.memory_space<semaphore_mem>>) src(%dma_wait3A_460 : memref<10000xf32, #tpu.memory_space<hbm>>) dst(%arg14 : memref<80xf32, #tpu.memory_space<vmem>>)
        %add3A_461 = arith.constant 2 : i32
        %add3A_462 = arith.addi %add3A_430, %add3A_461 : i32
        %lt3A_463 = arith.constant 25 : i32
        %lt3A_464 = arith.cmpi slt, %add3A_462, %lt3A_463 : i32
        %convert_element_type3A_465 = arith.extui %lt3A_464 : i1 to i32
        %cond3A_466 = arith.constant 0 : i32
        %cond3A_467 = arith.cmpi ne, %convert_element_type3A_465, %cond3A_466 : i32
        scf.if %cond3A_467 {
          %add3A_507 = arith.constant 2 : i32
          %add3A_508 = arith.addi %add3A_430, %add3A_507 : i32
          %dma_start3A_509 = arith.constant 0 : i32
          %dma_start3A_510 = tpu.memref_slice %arg9[%add3A_508, %dma_start3A_509] : memref<25x80xi32, #tpu.memory_space<vmem>> -> memref<1x80xi32, #tpu.memory_space<vmem>>
          %dma_start3A_511 = tpu.memref_squeeze %dma_start3A_510 : memref<1x80xi32, #tpu.memory_space<vmem>> -> memref<80xi32, #tpu.memory_space<vmem>>
          %dma_start3A_512 = arith.constant 0 : i32
          %dma_start3A_513 = arith.constant 0 : i32
          %dma_start3A_514 = tpu.memref_slice %arg2[%dma_start3A_512, %dma_start3A_513] : memref<10000x128xf32, #tpu.memory_space<hbm>> -> memref<10000x128xf32, #tpu.memory_space<hbm>>
          tpu.enqueue_indirect_dma source(%dma_start3A_514 : memref<10000x128xf32, #tpu.memory_space<hbm>>) target(%arg13 : memref<80x128xf32, #tpu.memory_space<vmem>>) offsets(%dma_start3A_511 : memref<80xi32, #tpu.memory_space<vmem>>) semaphore(%arg19 : memref<!tpu.dma_semaphore, #tpu.memory_space<semaphore_mem>>)
        } else {
        }
        %add3A_468 = arith.constant 2 : i32
        %add3A_469 = arith.addi %add3A_390, %add3A_468 : i32
        %dma_wait3A_470 = arith.constant 0 : i32
        %dma_wait3A_471 = tpu.memref_slice %arg9[%add3A_469, %dma_wait3A_470] : memref<25x80xi32, #tpu.memory_space<vmem>> -> memref<1x80xi32, #tpu.memory_space<vmem>>
        %dma_wait3A_472 = tpu.memref_squeeze %dma_wait3A_471 : memref<1x80xi32, #tpu.memory_space<vmem>> -> memref<80xi32, #tpu.memory_space<vmem>>
        %dma_wait3A_473 = arith.constant 0 : i32
        %dma_wait3A_474 = arith.constant 0 : i32
        %dma_wait3A_475 = tpu.memref_slice %arg2[%dma_wait3A_473, %dma_wait3A_474] : memref<10000x128xf32, #tpu.memory_space<hbm>> -> memref<10000x128xf32, #tpu.memory_space<hbm>>
        tpu.wait_indirect_dma semaphore(%arg18 : memref<!tpu.dma_semaphore, #tpu.memory_space<semaphore_mem>>) src(%dma_wait3A_475 : memref<10000x128xf32, #tpu.memory_space<hbm>>) dst(%arg12 : memref<80x128xf32, #tpu.memory_space<vmem>>)
        %dma_start3A_476 = arith.constant 0 : i32
        %dma_start3A_477 = tpu.memref_slice %arg10[%add3A_469, %dma_start3A_476] : memref<25x80xi32, #tpu.memory_space<vmem>> -> memref<1x80xi32, #tpu.memory_space<vmem>>
        %dma_start3A_478 = tpu.memref_squeeze %dma_start3A_477 : memref<1x80xi32, #tpu.memory_space<vmem>> -> memref<80xi32, #tpu.memory_space<vmem>>
        %dma_start3A_479 = arith.constant 0 : i32
        %dma_start3A_480 = arith.constant 0 : i32
        %dma_start3A_481 = tpu.memref_slice %arg15[%dma_start3A_479, %dma_start3A_480] : memref<10000x128xf32, #tpu.memory_space<vmem_shared>> -> memref<10000x128xf32, #tpu.memory_space<vmem_shared>>
        tpu.enqueue_indirect_dma source(%arg12 : memref<80x128xf32, #tpu.memory_space<vmem>>) target(%dma_start3A_481 : memref<10000x128xf32, #tpu.memory_space<vmem_shared>>) offsets(%dma_start3A_478 : memref<80xi32, #tpu.memory_space<vmem>>) semaphore(%arg21 : memref<!tpu.dma_semaphore, #tpu.memory_space<semaphore_mem>>) {add = true}
        %dma_start3A_482 = arith.constant 0 : i32
        %dma_start3A_483 = tpu.memref_slice %arg10[%add3A_469, %dma_start3A_482] : memref<25x80xi32, #tpu.memory_space<vmem>> -> memref<1x80xi32, #tpu.memory_space<vmem>>
        %dma_start3A_484 = tpu.memref_squeeze %dma_start3A_483 : memref<1x80xi32, #tpu.memory_space<vmem>> -> memref<80xi32, #tpu.memory_space<vmem>>
        %dma_start3A_485 = arith.constant 0 : i32
        %dma_start3A_486 = tpu.memref_slice %arg16[%dma_start3A_485] : memref<10000xf32, #tpu.memory_space<vmem_shared>> -> memref<10000xf32, #tpu.memory_space<vmem_shared>>
        tpu.enqueue_indirect_dma source(%arg14 : memref<80xf32, #tpu.memory_space<vmem>>) target(%dma_start3A_486 : memref<10000xf32, #tpu.memory_space<vmem_shared>>) offsets(%dma_start3A_484 : memref<80xi32, #tpu.memory_space<vmem>>) semaphore(%arg21 : memref<!tpu.dma_semaphore, #tpu.memory_space<semaphore_mem>>) {add = true}
        %dma_wait3A_487 = arith.constant 0 : i32
        %dma_wait3A_488 = arith.constant 0 : i32
        %dma_wait3A_489 = tpu.memref_slice %arg9[%dma_wait3A_487, %dma_wait3A_488] : memref<25x80xi32, #tpu.memory_space<vmem>> -> memref<1x80xi32, #tpu.memory_space<vmem>>
        %dma_wait3A_490 = tpu.memref_squeeze %dma_wait3A_489 : memref<1x80xi32, #tpu.memory_space<vmem>> -> memref<80xi32, #tpu.memory_space<vmem>>
        %dma_wait3A_491 = arith.constant 0 : i32
        %dma_wait3A_492 = arith.constant 0 : i32
        %dma_wait3A_493 = tpu.memref_slice %arg2[%dma_wait3A_491, %dma_wait3A_492] : memref<10000x128xf32, #tpu.memory_space<hbm>> -> memref<10000x128xf32, #tpu.memory_space<hbm>>
        tpu.wait_indirect_dma semaphore(%arg20 : memref<!tpu.dma_semaphore, #tpu.memory_space<semaphore_mem>>) src(%dma_wait3A_493 : memref<10000x128xf32, #tpu.memory_space<hbm>>) dst(%arg11 : memref<80x128xf32, #tpu.memory_space<vmem>>)
        %dma_wait3A_494 = arith.constant 0 : i32
        %dma_wait3A_495 = arith.constant 0 : i32
        %dma_wait3A_496 = tpu.memref_slice %arg9[%dma_wait3A_494, %dma_wait3A_495] : memref<25x80xi32, #tpu.memory_space<vmem>> -> memref<1x80xi32, #tpu.memory_space<vmem>>
        %dma_wait3A_497 = tpu.memref_squeeze %dma_wait3A_496 : memref<1x80xi32, #tpu.memory_space<vmem>> -> memref<80xi32, #tpu.memory_space<vmem>>
        %dma_wait3A_498 = arith.constant 0 : i32
        %dma_wait3A_499 = tpu.memref_slice %arg6[%dma_wait3A_498] : memref<10000xf32, #tpu.memory_space<hbm>> -> memref<10000xf32, #tpu.memory_space<hbm>>
        tpu.wait_indirect_dma semaphore(%arg20 : memref<!tpu.dma_semaphore, #tpu.memory_space<semaphore_mem>>) src(%dma_wait3A_499 : memref<10000xf32, #tpu.memory_space<hbm>>) dst(%arg14 : memref<80xf32, #tpu.memory_space<vmem>>)
        %add3A_500 = arith.constant 2 : i32
        %add3A_501 = arith.addi %add3A_469, %add3A_500 : i32
        %lt3A_502 = arith.constant 25 : i32
        %lt3A_503 = arith.cmpi slt, %add3A_501, %lt3A_502 : i32
        %convert_element_type3A_504 = arith.extui %lt3A_503 : i1 to i32
        %cond3A_505 = arith.constant 0 : i32
        %cond3A_506 = arith.cmpi ne, %convert_element_type3A_504, %cond3A_505 : i32
        scf.if %cond3A_506 {
          %add3A_507 = arith.constant 2 : i32
          %add3A_508 = arith.addi %add3A_469, %add3A_507 : i32
          %dma_start3A_509 = arith.constant 0 : i32
          %dma_start3A_510 = tpu.memref_slice %arg9[%add3A_508, %dma_start3A_509] : memref<25x80xi32, #tpu.memory_space<vmem>> -> memref<1x80xi32, #tpu.memory_space<vmem>>
          %dma_start3A_511 = tpu.memref_squeeze %dma_start3A_510 : memref<1x80xi32, #tpu.memory_space<vmem>> -> memref<80xi32, #tpu.memory_space<vmem>>
          %dma_start3A_512 = arith.constant 0 : i32
          %dma_start3A_513 = arith.constant 0 : i32
          %dma_start3A_514 = tpu.memref_slice %arg2[%dma_start3A_512, %dma_start3A_513] : memref<10000x128xf32, #tpu.memory_space<hbm>> -> memref<10000x128xf32, #tpu.memory_space<hbm>>
          tpu.enqueue_indirect_dma source(%dma_start3A_514 : memref<10000x128xf32, #tpu.memory_space<hbm>>) target(%arg11 : memref<80x128xf32, #tpu.memory_space<vmem>>) offsets(%dma_start3A_511 : memref<80xi32, #tpu.memory_space<vmem>>) semaphore(%arg17 : memref<!tpu.dma_semaphore, #tpu.memory_space<semaphore_mem>>)
        } else {
        }
      }
      %scan3A_306 = arith.constant 7 : i32
      %dma_wait3A_307 = arith.constant 23 : i32
      %dma_wait3A_308 = arith.constant 0 : i32
      %dma_wait3A_309 = tpu.memref_slice %arg9[%dma_wait3A_307, %dma_wait3A_308] : memref<25x80xi32, #tpu.memory_space<vmem>> -> memref<1x80xi32, #tpu.memory_space<vmem>>
      %dma_wait3A_310 = tpu.memref_squeeze %dma_wait3A_309 : memref<1x80xi32, #tpu.memory_space<vmem>> -> memref<80xi32, #tpu.memory_space<vmem>>
      %dma_wait3A_311 = arith.constant 0 : i32
      %dma_wait3A_312 = arith.constant 0 : i32
      %dma_wait3A_313 = tpu.memref_slice %arg2[%dma_wait3A_311, %dma_wait3A_312] : memref<10000x128xf32, #tpu.memory_space<hbm>> -> memref<10000x128xf32, #tpu.memory_space<hbm>>
      tpu.wait_indirect_dma semaphore(%arg19 : memref<!tpu.dma_semaphore, #tpu.memory_space<semaphore_mem>>) src(%dma_wait3A_313 : memref<10000x128xf32, #tpu.memory_space<hbm>>) dst(%arg13 : memref<80x128xf32, #tpu.memory_space<vmem>>)
      %dma_start3A_314 = arith.constant 23 : i32
      %dma_start3A_315 = arith.constant 0 : i32
      %dma_start3A_316 = tpu.memref_slice %arg10[%dma_start3A_314, %dma_start3A_315] : memref<25x80xi32, #tpu.memory_space<vmem>> -> memref<1x80xi32, #tpu.memory_space<vmem>>
      %dma_start3A_317 = tpu.memref_squeeze %dma_start3A_316 : memref<1x80xi32, #tpu.memory_space<vmem>> -> memref<80xi32, #tpu.memory_space<vmem>>
      %dma_start3A_318 = arith.constant 0 : i32
      %dma_start3A_319 = arith.constant 0 : i32
      %dma_start3A_320 = tpu.memref_slice %arg15[%dma_start3A_318, %dma_start3A_319] : memref<10000x128xf32, #tpu.memory_space<vmem_shared>> -> memref<10000x128xf32, #tpu.memory_space<vmem_shared>>
      tpu.enqueue_indirect_dma source(%arg13 : memref<80x128xf32, #tpu.memory_space<vmem>>) target(%dma_start3A_320 : memref<10000x128xf32, #tpu.memory_space<vmem_shared>>) offsets(%dma_start3A_317 : memref<80xi32, #tpu.memory_space<vmem>>) semaphore(%arg22 : memref<!tpu.dma_semaphore, #tpu.memory_space<semaphore_mem>>) {add = true}
      %dma_start3A_321 = arith.constant 23 : i32
      %dma_start3A_322 = arith.constant 0 : i32
      %dma_start3A_323 = tpu.memref_slice %arg10[%dma_start3A_321, %dma_start3A_322] : memref<25x80xi32, #tpu.memory_space<vmem>> -> memref<1x80xi32, #tpu.memory_space<vmem>>
      %dma_start3A_324 = tpu.memref_squeeze %dma_start3A_323 : memref<1x80xi32, #tpu.memory_space<vmem>> -> memref<80xi32, #tpu.memory_space<vmem>>
      %dma_start3A_325 = arith.constant 0 : i32
      %dma_start3A_326 = tpu.memref_slice %arg16[%dma_start3A_325] : memref<10000xf32, #tpu.memory_space<vmem_shared>> -> memref<10000xf32, #tpu.memory_space<vmem_shared>>
      tpu.enqueue_indirect_dma source(%arg14 : memref<80xf32, #tpu.memory_space<vmem>>) target(%dma_start3A_326 : memref<10000xf32, #tpu.memory_space<vmem_shared>>) offsets(%dma_start3A_324 : memref<80xi32, #tpu.memory_space<vmem>>) semaphore(%arg22 : memref<!tpu.dma_semaphore, #tpu.memory_space<semaphore_mem>>) {add = true}
      %dma_wait3A_327 = arith.constant 0 : i32
      %dma_wait3A_328 = arith.constant 0 : i32
      %dma_wait3A_329 = tpu.memref_slice %arg9[%dma_wait3A_327, %dma_wait3A_328] : memref<25x80xi32, #tpu.memory_space<vmem>> -> memref<1x80xi32, #tpu.memory_space<vmem>>
      %dma_wait3A_330 = tpu.memref_squeeze %dma_wait3A_329 : memref<1x80xi32, #tpu.memory_space<vmem>> -> memref<80xi32, #tpu.memory_space<vmem>>
      %dma_wait3A_331 = arith.constant 0 : i32
      %dma_wait3A_332 = arith.constant 0 : i32
      %dma_wait3A_333 = tpu.memref_slice %arg2[%dma_wait3A_331, %dma_wait3A_332] : memref<10000x128xf32, #tpu.memory_space<hbm>> -> memref<10000x128xf32, #tpu.memory_space<hbm>>
      tpu.wait_indirect_dma semaphore(%arg21 : memref<!tpu.dma_semaphore, #tpu.memory_space<semaphore_mem>>) src(%dma_wait3A_333 : memref<10000x128xf32, #tpu.memory_space<hbm>>) dst(%arg12 : memref<80x128xf32, #tpu.memory_space<vmem>>)
      %dma_wait3A_334 = arith.constant 0 : i32
      %dma_wait3A_335 = arith.constant 0 : i32
      %dma_wait3A_336 = tpu.memref_slice %arg9[%dma_wait3A_334, %dma_wait3A_335] : memref<25x80xi32, #tpu.memory_space<vmem>> -> memref<1x80xi32, #tpu.memory_space<vmem>>
      %dma_wait3A_337 = tpu.memref_squeeze %dma_wait3A_336 : memref<1x80xi32, #tpu.memory_space<vmem>> -> memref<80xi32, #tpu.memory_space<vmem>>
      %dma_wait3A_338 = arith.constant 0 : i32
      %dma_wait3A_339 = tpu.memref_slice %arg6[%dma_wait3A_338] : memref<10000xf32, #tpu.memory_space<hbm>> -> memref<10000xf32, #tpu.memory_space<hbm>>
      tpu.wait_indirect_dma semaphore(%arg21 : memref<!tpu.dma_semaphore, #tpu.memory_space<semaphore_mem>>) src(%dma_wait3A_339 : memref<10000xf32, #tpu.memory_space<hbm>>) dst(%arg14 : memref<80xf32, #tpu.memory_space<vmem>>)
      %dma_wait3A_340 = arith.constant 24 : i32
      %dma_wait3A_341 = arith.constant 0 : i32
      %dma_wait3A_342 = tpu.memref_slice %arg9[%dma_wait3A_340, %dma_wait3A_341] : memref<25x80xi32, #tpu.memory_space<vmem>> -> memref<1x80xi32, #tpu.memory_space<vmem>>
      %dma_wait3A_343 = tpu.memref_squeeze %dma_wait3A_342 : memref<1x80xi32, #tpu.memory_space<vmem>> -> memref<80xi32, #tpu.memory_space<vmem>>
      %dma_wait3A_344 = arith.constant 0 : i32
      %dma_wait3A_345 = arith.constant 0 : i32
      %dma_wait3A_346 = tpu.memref_slice %arg2[%dma_wait3A_344, %dma_wait3A_345] : memref<10000x128xf32, #tpu.memory_space<hbm>> -> memref<10000x128xf32, #tpu.memory_space<hbm>>
      tpu.wait_indirect_dma semaphore(%arg17 : memref<!tpu.dma_semaphore, #tpu.memory_space<semaphore_mem>>) src(%dma_wait3A_346 : memref<10000x128xf32, #tpu.memory_space<hbm>>) dst(%arg11 : memref<80x128xf32, #tpu.memory_space<vmem>>)
      %dma_start3A_347 = arith.constant 24 : i32
      %dma_start3A_348 = arith.constant 0 : i32
      %dma_start3A_349 = tpu.memref_slice %arg10[%dma_start3A_347, %dma_start3A_348] : memref<25x80xi32, #tpu.memory_space<vmem>> -> memref<1x80xi32, #tpu.memory_space<vmem>>
      %dma_start3A_350 = tpu.memref_squeeze %dma_start3A_349 : memref<1x80xi32, #tpu.memory_space<vmem>> -> memref<80xi32, #tpu.memory_space<vmem>>
      %dma_start3A_351 = arith.constant 0 : i32
      %dma_start3A_352 = arith.constant 0 : i32
      %dma_start3A_353 = tpu.memref_slice %arg15[%dma_start3A_351, %dma_start3A_352] : memref<10000x128xf32, #tpu.memory_space<vmem_shared>> -> memref<10000x128xf32, #tpu.memory_space<vmem_shared>>
      tpu.enqueue_indirect_dma source(%arg11 : memref<80x128xf32, #tpu.memory_space<vmem>>) target(%dma_start3A_353 : memref<10000x128xf32, #tpu.memory_space<vmem_shared>>) offsets(%dma_start3A_350 : memref<80xi32, #tpu.memory_space<vmem>>) semaphore(%arg20 : memref<!tpu.dma_semaphore, #tpu.memory_space<semaphore_mem>>) {add = true}
      %dma_start3A_354 = arith.constant 24 : i32
      %dma_start3A_355 = arith.constant 0 : i32
      %dma_start3A_356 = tpu.memref_slice %arg10[%dma_start3A_354, %dma_start3A_355] : memref<25x80xi32, #tpu.memory_space<vmem>> -> memref<1x80xi32, #tpu.memory_space<vmem>>
      %dma_start3A_357 = tpu.memref_squeeze %dma_start3A_356 : memref<1x80xi32, #tpu.memory_space<vmem>> -> memref<80xi32, #tpu.memory_space<vmem>>
      %dma_start3A_358 = arith.constant 0 : i32
      %dma_start3A_359 = tpu.memref_slice %arg16[%dma_start3A_358] : memref<10000xf32, #tpu.memory_space<vmem_shared>> -> memref<10000xf32, #tpu.memory_space<vmem_shared>>
      tpu.enqueue_indirect_dma source(%arg14 : memref<80xf32, #tpu.memory_space<vmem>>) target(%dma_start3A_359 : memref<10000xf32, #tpu.memory_space<vmem_shared>>) offsets(%dma_start3A_357 : memref<80xi32, #tpu.memory_space<vmem>>) semaphore(%arg20 : memref<!tpu.dma_semaphore, #tpu.memory_space<semaphore_mem>>) {add = true}
      %dma_wait3A_360 = arith.constant 0 : i32
      %dma_wait3A_361 = arith.constant 0 : i32
      %dma_wait3A_362 = tpu.memref_slice %arg9[%dma_wait3A_360, %dma_wait3A_361] : memref<25x80xi32, #tpu.memory_space<vmem>> -> memref<1x80xi32, #tpu.memory_space<vmem>>
      %dma_wait3A_363 = tpu.memref_squeeze %dma_wait3A_362 : memref<1x80xi32, #tpu.memory_space<vmem>> -> memref<80xi32, #tpu.memory_space<vmem>>
      %dma_wait3A_364 = arith.constant 0 : i32
      %dma_wait3A_365 = arith.constant 0 : i32
      %dma_wait3A_366 = tpu.memref_slice %arg2[%dma_wait3A_364, %dma_wait3A_365] : memref<10000x128xf32, #tpu.memory_space<hbm>> -> memref<10000x128xf32, #tpu.memory_space<hbm>>
      tpu.wait_indirect_dma semaphore(%arg22 : memref<!tpu.dma_semaphore, #tpu.memory_space<semaphore_mem>>) src(%dma_wait3A_366 : memref<10000x128xf32, #tpu.memory_space<hbm>>) dst(%arg13 : memref<80x128xf32, #tpu.memory_space<vmem>>)
      %dma_wait3A_367 = arith.constant 0 : i32
      %dma_wait3A_368 = arith.constant 0 : i32
      %dma_wait3A_369 = tpu.memref_slice %arg9[%dma_wait3A_367, %dma_wait3A_368] : memref<25x80xi32, #tpu.memory_space<vmem>> -> memref<1x80xi32, #tpu.memory_space<vmem>>
      %dma_wait3A_370 = tpu.memref_squeeze %dma_wait3A_369 : memref<1x80xi32, #tpu.memory_space<vmem>> -> memref<80xi32, #tpu.memory_space<vmem>>
      %dma_wait3A_371 = arith.constant 0 : i32
      %dma_wait3A_372 = tpu.memref_slice %arg6[%dma_wait3A_371] : memref<10000xf32, #tpu.memory_space<hbm>> -> memref<10000xf32, #tpu.memory_space<hbm>>
      tpu.wait_indirect_dma semaphore(%arg22 : memref<!tpu.dma_semaphore, #tpu.memory_space<semaphore_mem>>) src(%dma_wait3A_372 : memref<10000xf32, #tpu.memory_space<hbm>>) dst(%arg14 : memref<80xf32, #tpu.memory_space<vmem>>)
      %dma_wait3A_373 = arith.constant 0 : i32
      %dma_wait3A_374 = arith.constant 0 : i32
      %dma_wait3A_375 = tpu.memref_slice %arg9[%dma_wait3A_373, %dma_wait3A_374] : memref<25x80xi32, #tpu.memory_space<vmem>> -> memref<1x80xi32, #tpu.memory_space<vmem>>
      %dma_wait3A_376 = tpu.memref_squeeze %dma_wait3A_375 : memref<1x80xi32, #tpu.memory_space<vmem>> -> memref<80xi32, #tpu.memory_space<vmem>>
      %dma_wait3A_377 = arith.constant 0 : i32
      %dma_wait3A_378 = arith.constant 0 : i32
      %dma_wait3A_379 = tpu.memref_slice %arg2[%dma_wait3A_377, %dma_wait3A_378] : memref<10000x128xf32, #tpu.memory_space<hbm>> -> memref<10000x128xf32, #tpu.memory_space<hbm>>
      tpu.wait_indirect_dma semaphore(%arg20 : memref<!tpu.dma_semaphore, #tpu.memory_space<semaphore_mem>>) src(%dma_wait3A_379 : memref<10000x128xf32, #tpu.memory_space<hbm>>) dst(%arg11 : memref<80x128xf32, #tpu.memory_space<vmem>>)
      %dma_wait3A_380 = arith.constant 0 : i32
      %dma_wait3A_381 = arith.constant 0 : i32
      %dma_wait3A_382 = tpu.memref_slice %arg9[%dma_wait3A_380, %dma_wait3A_381] : memref<25x80xi32, #tpu.memory_space<vmem>> -> memref<1x80xi32, #tpu.memory_space<vmem>>
      %dma_wait3A_383 = tpu.memref_squeeze %dma_wait3A_382 : memref<1x80xi32, #tpu.memory_space<vmem>> -> memref<80xi32, #tpu.memory_space<vmem>>
      %dma_wait3A_384 = arith.constant 0 : i32
      %dma_wait3A_385 = tpu.memref_slice %arg6[%dma_wait3A_384] : memref<10000xf32, #tpu.memory_space<hbm>> -> memref<10000xf32, #tpu.memory_space<hbm>>
      tpu.wait_indirect_dma semaphore(%arg20 : memref<!tpu.dma_semaphore, #tpu.memory_space<semaphore_mem>>) src(%dma_wait3A_385 : memref<10000xf32, #tpu.memory_space<hbm>>) dst(%arg14 : memref<80xf32, #tpu.memory_space<vmem>>)
    }
    %scan3A_207 = arith.constant 4 : i32
    %barrier3A_208 = arith.constant 0 : index
    tpu.barrier barrier_id(%barrier3A_208)
    "tpu.region"() ({
      %run_scoped3A_219 = tpu.sem_alloc : memref<!tpu.dma_semaphore, #tpu.memory_space<semaphore_mem>>
      %dma_start3A_220 = arith.constant 0 : i32
      %dma_start3A_221 = tpu.memref_slice %arg7[%arg0, %mul3A_2, %dma_start3A_220] : memref<2x10000x128xf32, #tpu.memory_space<hbm>> -> memref<1x624x128xf32, #tpu.memory_space<hbm>>
      %dma_start3A_222 = tpu.memref_squeeze %dma_start3A_221 : memref<1x624x128xf32, #tpu.memory_space<hbm>> -> memref<624x128xf32, #tpu.memory_space<hbm>>
      %dma_start3A_223 = arith.constant 0 : i32
      %dma_start3A_224 = tpu.memref_slice %arg15[%mul3A_2, %dma_start3A_223] : memref<10000x128xf32, #tpu.memory_space<vmem_shared>> -> memref<624x128xf32, #tpu.memory_space<vmem_shared>>
      tpu.enqueue_dma source(%dma_start3A_224 : memref<624x128xf32, #tpu.memory_space<vmem_shared>>) target(%dma_start3A_222 : memref<624x128xf32, #tpu.memory_space<hbm>>) target_semaphore(%run_scoped3A_219 : memref<!tpu.dma_semaphore, #tpu.memory_space<semaphore_mem>>)
      %dma_wait3A_225 = arith.constant 0 : i32
      %dma_wait3A_226 = tpu.memref_slice %arg7[%arg0, %mul3A_2, %dma_wait3A_225] : memref<2x10000x128xf32, #tpu.memory_space<hbm>> -> memref<1x624x128xf32, #tpu.memory_space<hbm>>
      %dma_wait3A_227 = tpu.memref_squeeze %dma_wait3A_226 : memref<1x624x128xf32, #tpu.memory_space<hbm>> -> memref<624x128xf32, #tpu.memory_space<hbm>>
      %dma_wait3A_228 = arith.constant 0 : i32
      %dma_wait3A_229 = tpu.memref_slice %arg15[%mul3A_2, %dma_wait3A_228] : memref<10000x128xf32, #tpu.memory_space<vmem_shared>> -> memref<624x128xf32, #tpu.memory_space<vmem_shared>>
      tpu.wait_dma2 semaphore(%run_scoped3A_219 : memref<!tpu.dma_semaphore, #tpu.memory_space<semaphore_mem>>) src(%dma_wait3A_229 : memref<624x128xf32, #tpu.memory_space<vmem_shared>>) dst(%dma_wait3A_227 : memref<624x128xf32, #tpu.memory_space<hbm>>)
      tpu.yield
    }) : () -> ()
    %eq3A_209 = arith.constant 15 : i32
    %eq3A_210 = arith.cmpi eq, %arg1, %eq3A_209 : i32
    %convert_element_type3A_211 = arith.extui %eq3A_210 : i1 to i32
    %cond3A_212 = arith.constant 0 : i32
    %cond3A_213 = arith.cmpi ne, %convert_element_type3A_211, %cond3A_212 : i32
    scf.if %cond3A_213 {
      "tpu.region"() ({
        %run_scoped3A_219 = tpu.sem_alloc : memref<!tpu.dma_semaphore, #tpu.memory_space<semaphore_mem>>
        %dma_start3A_220 = arith.constant 9984 : i32
        %dma_start3A_221 = arith.constant 0 : i32
        %dma_start3A_222 = tpu.memref_slice %arg7[%arg0, %dma_start3A_220, %dma_start3A_221] : memref<2x10000x128xf32, #tpu.memory_space<hbm>> -> memref<1x16x128xf32, #tpu.memory_space<hbm>>
        %dma_start3A_223 = tpu.memref_squeeze %dma_start3A_222 : memref<1x16x128xf32, #tpu.memory_space<hbm>> -> memref<16x128xf32, #tpu.memory_space<hbm>>
        %dma_start3A_224 = arith.constant 9984 : i32
        %dma_start3A_225 = arith.constant 0 : i32
        %dma_start3A_226 = tpu.memref_slice %arg15[%dma_start3A_224, %dma_start3A_225] : memref<10000x128xf32, #tpu.memory_space<vmem_shared>> -> memref<16x128xf32, #tpu.memory_space<vmem_shared>>
        tpu.enqueue_dma source(%dma_start3A_226 : memref<16x128xf32, #tpu.memory_space<vmem_shared>>) target(%dma_start3A_223 : memref<16x128xf32, #tpu.memory_space<hbm>>) target_semaphore(%run_scoped3A_219 : memref<!tpu.dma_semaphore, #tpu.memory_space<semaphore_mem>>)
        %dma_wait3A_227 = arith.constant 9984 : i32
        %dma_wait3A_228 = arith.constant 0 : i32
        %dma_wait3A_229 = tpu.memref_slice %arg7[%arg0, %dma_wait3A_227, %dma_wait3A_228] : memref<2x10000x128xf32, #tpu.memory_space<hbm>> -> memref<1x16x128xf32, #tpu.memory_space<hbm>>
        %dma_wait3A_230 = tpu.memref_squeeze %dma_wait3A_229 : memref<1x16x128xf32, #tpu.memory_space<hbm>> -> memref<16x128xf32, #tpu.memory_space<hbm>>
        %dma_wait3A_231 = arith.constant 9984 : i32
        %dma_wait3A_232 = arith.constant 0 : i32
        %dma_wait3A_233 = tpu.memref_slice %arg15[%dma_wait3A_231, %dma_wait3A_232] : memref<10000x128xf32, #tpu.memory_space<vmem_shared>> -> memref<16x128xf32, #tpu.memory_space<vmem_shared>>
        tpu.wait_dma2 semaphore(%run_scoped3A_219 : memref<!tpu.dma_semaphore, #tpu.memory_space<semaphore_mem>>) src(%dma_wait3A_233 : memref<16x128xf32, #tpu.memory_space<vmem_shared>>) dst(%dma_wait3A_230 : memref<16x128xf32, #tpu.memory_space<hbm>>)
        tpu.yield
      }) : () -> ()
    } else {
    }
    %eq3A_214 = arith.constant 0 : i32
    %eq3A_215 = arith.cmpi eq, %arg1, %eq3A_214 : i32
    %convert_element_type3A_216 = arith.extui %eq3A_215 : i1 to i32
    %cond3A_217 = arith.constant 0 : i32
    %cond3A_218 = arith.cmpi ne, %convert_element_type3A_216, %cond3A_217 : i32
    scf.if %cond3A_218 {
      "tpu.region"() ({
        %run_scoped3A_219 = tpu.sem_alloc : memref<!tpu.dma_semaphore, #tpu.memory_space<semaphore_mem>>
        %dma_start3A_220 = arith.constant 0 : i32
        %dma_start3A_221 = tpu.memref_slice %arg8[%arg0, %dma_start3A_220] : memref<2x10000xf32, #tpu.memory_space<hbm>> -> memref<1x10000xf32, #tpu.memory_space<hbm>>
        %dma_start3A_222 = tpu.memref_squeeze %dma_start3A_221 : memref<1x10000xf32, #tpu.memory_space<hbm>> -> memref<10000xf32, #tpu.memory_space<hbm>>
        tpu.enqueue_dma source(%arg16 : memref<10000xf32, #tpu.memory_space<vmem_shared>>) target(%dma_start3A_222 : memref<10000xf32, #tpu.memory_space<hbm>>) target_semaphore(%run_scoped3A_219 : memref<!tpu.dma_semaphore, #tpu.memory_space<semaphore_mem>>)
        %dma_wait3A_223 = arith.constant 0 : i32
        %dma_wait3A_224 = tpu.memref_slice %arg8[%arg0, %dma_wait3A_223] : memref<2x10000xf32, #tpu.memory_space<hbm>> -> memref<1x10000xf32, #tpu.memory_space<hbm>>
        %dma_wait3A_225 = tpu.memref_squeeze %dma_wait3A_224 : memref<1x10000xf32, #tpu.memory_space<hbm>> -> memref<10000xf32, #tpu.memory_space<hbm>>
        tpu.wait_dma2 semaphore(%run_scoped3A_219 : memref<!tpu.dma_semaphore, #tpu.memory_space<semaphore_mem>>) src(%arg16 : memref<10000xf32, #tpu.memory_space<vmem_shared>>) dst(%dma_wait3A_225 : memref<10000xf32, #tpu.memory_space<hbm>>)
        tpu.yield
      }) : () -> ()
    } else {
    }
    return
  }
}

#map = affine_map<(d0, d1) -> (0, 0)>
#map1 = affine_map<(d0, d1) -> (0, 0, 0, 0)>
#map2 = affine_map<(d0, d1) -> (0)>
#map3 = affine_map<(d0, d1) -> (0, 0, 0)>
module attributes {stable_mosaic.version = 14 : i64} {
  func.func @_sc_agg_body(%arg0: i32, %arg1: i32, %arg2: memref<10000x128xf32, #tpu.memory_space<hbm>>, %arg3: memref<32x5x25x80xi32, #tpu.memory_space<hbm>>, %arg4: memref<32x5x25x80xi32, #tpu.memory_space<hbm>>, %arg5: memref<10000x128xf32, #tpu.memory_space<hbm>>, %arg6: memref<10000xf32, #tpu.memory_space<hbm>>, %arg7: memref<2x10000x128xf32, #tpu.memory_space<hbm>>, %arg8: memref<2x10000xf32, #tpu.memory_space<hbm>>, %arg9: memref<25x80xi32, #tpu.memory_space<vmem>>, %arg10: memref<25x80xi32, #tpu.memory_space<vmem>>, %arg11: memref<80x128xf32, #tpu.memory_space<vmem>>, %arg12: memref<80x128xf32, #tpu.memory_space<vmem>>, %arg13: memref<80x128xf32, #tpu.memory_space<vmem>>, %arg14: memref<80xf32, #tpu.memory_space<vmem>>, %arg15: memref<10000x128xf32, #tpu.memory_space<vmem_shared>>, %arg16: memref<10000xf32, #tpu.memory_space<vmem_shared>>, %arg17: memref<!tpu.dma_semaphore, #tpu.memory_space<semaphore_mem>>, %arg18: memref<!tpu.dma_semaphore, #tpu.memory_space<semaphore_mem>>, %arg19: memref<!tpu.dma_semaphore, #tpu.memory_space<semaphore_mem>>, %arg20: memref<!tpu.dma_semaphore, #tpu.memory_space<semaphore_mem>>, %arg21: memref<!tpu.dma_semaphore, #tpu.memory_space<semaphore_mem>>, %arg22: memref<!tpu.dma_semaphore, #tpu.memory_space<semaphore_mem>>) attributes {dimension_semantics = [#tpu.dimension_semantics<core_parallel>, #tpu.dimension_semantics<subcore_parallel>], iteration_bounds = array<i64: 2, 16>, scalar_prefetch = 0 : i64, scratch_operands = 14 : i64, tpu.core_type = #tpu.core_type<sc_vector_subcore>, window_params = [{transform_indices = #map}, {transform_indices = #map1}, {transform_indices = #map1}, {transform_indices = #map}, {transform_indices = #map2}, {transform_indices = #map3}, {transform_indices = #map}]} {
    %mul3A = arith.constant 16 : i32
    %mul3A_0 = arith.muli %arg0, %mul3A : i32
    %add3A = arith.addi %mul3A_0, %arg1 : i32
    %mul3A_1 = arith.constant 624 : i32
    %mul3A_2 = arith.muli %arg1, %mul3A_1 : i32
    %run_scoped3A = arith.constant 0 : i32
    "tpu.region"() ({
      %run_scoped3A_219 = tpu.sem_alloc : memref<!tpu.dma_semaphore, #tpu.memory_space<semaphore_mem>>
      %dma_start3A_220 = arith.constant 0 : i32
      %dma_start3A_221 = arith.constant 0 : i32
      %dma_start3A_222 = tpu.memref_slice %arg3[%add3A, %run_scoped3A, %dma_start3A_220, %dma_start3A_221] : memref<32x5x25x80xi32, #tpu.memory_space<hbm>> -> memref<1x1x25x80xi32, #tpu.memory_space<hbm>>
      %dma_start3A_223 = tpu.memref_squeeze %dma_start3A_222 : memref<1x1x25x80xi32, #tpu.memory_space<hbm>> -> memref<25x80xi32, #tpu.memory_space<hbm>>
      %dma_start3A_224 = arith.constant 0 : i32
      %dma_start3A_225 = arith.constant 0 : i32
      %dma_start3A_226 = tpu.memref_slice %arg3[%add3A, %run_scoped3A, %dma_start3A_224, %dma_start3A_225] : memref<32x5x25x80xi32, #tpu.memory_space<hbm>> -> memref<1x1x25x80xi32, #tpu.memory_space<hbm>>
      %dma_start3A_227 = tpu.memref_squeeze %dma_start3A_226 : memref<1x1x25x80xi32, #tpu.memory_space<hbm>> -> memref<25x80xi32, #tpu.memory_space<hbm>>
      tpu.enqueue_dma source(%dma_start3A_227 : memref<25x80xi32, #tpu.memory_space<hbm>>) target(%arg9 : memref<25x80xi32, #tpu.memory_space<vmem>>) target_semaphore(%run_scoped3A_219 : memref<!tpu.dma_semaphore, #tpu.memory_space<semaphore_mem>>)
      %dma_wait3A_228 = arith.constant 0 : i32
      %dma_wait3A_229 = arith.constant 0 : i32
      %dma_wait3A_230 = tpu.memref_slice %arg3[%add3A, %run_scoped3A, %dma_wait3A_228, %dma_wait3A_229] : memref<32x5x25x80xi32, #tpu.memory_space<hbm>> -> memref<1x1x25x80xi32, #tpu.memory_space<hbm>>
      %dma_wait3A_231 = tpu.memref_squeeze %dma_wait3A_230 : memref<1x1x25x80xi32, #tpu.memory_space<hbm>> -> memref<25x80xi32, #tpu.memory_space<hbm>>
      %dma_wait3A_232 = arith.constant 0 : i32
      %dma_wait3A_233 = arith.constant 0 : i32
      %dma_wait3A_234 = tpu.memref_slice %arg3[%add3A, %run_scoped3A, %dma_wait3A_232, %dma_wait3A_233] : memref<32x5x25x80xi32, #tpu.memory_space<hbm>> -> memref<1x1x25x80xi32, #tpu.memory_space<hbm>>
      %dma_wait3A_235 = tpu.memref_squeeze %dma_wait3A_234 : memref<1x1x25x80xi32, #tpu.memory_space<hbm>> -> memref<25x80xi32, #tpu.memory_space<hbm>>
      tpu.wait_dma2 semaphore(%run_scoped3A_219 : memref<!tpu.dma_semaphore, #tpu.memory_space<semaphore_mem>>) src(%dma_wait3A_235 : memref<25x80xi32, #tpu.memory_space<hbm>>) dst(%arg9 : memref<25x80xi32, #tpu.memory_space<vmem>>)
      tpu.yield
    }) : () -> ()
    %run_scoped3A_3 = arith.constant 0 : i32
    "tpu.region"() ({
      %run_scoped3A_219 = tpu.sem_alloc : memref<!tpu.dma_semaphore, #tpu.memory_space<semaphore_mem>>
      %dma_start3A_220 = arith.constant 0 : i32
      %dma_start3A_221 = arith.constant 0 : i32
      %dma_start3A_222 = tpu.memref_slice %arg4[%add3A, %run_scoped3A_3, %dma_start3A_220, %dma_start3A_221] : memref<32x5x25x80xi32, #tpu.memory_space<hbm>> -> memref<1x1x25x80xi32, #tpu.memory_space<hbm>>
      %dma_start3A_223 = tpu.memref_squeeze %dma_start3A_222 : memref<1x1x25x80xi32, #tpu.memory_space<hbm>> -> memref<25x80xi32, #tpu.memory_space<hbm>>
      %dma_start3A_224 = arith.constant 0 : i32
      %dma_start3A_225 = arith.constant 0 : i32
      %dma_start3A_226 = tpu.memref_slice %arg4[%add3A, %run_scoped3A_3, %dma_start3A_224, %dma_start3A_225] : memref<32x5x25x80xi32, #tpu.memory_space<hbm>> -> memref<1x1x25x80xi32, #tpu.memory_space<hbm>>
      %dma_start3A_227 = tpu.memref_squeeze %dma_start3A_226 : memref<1x1x25x80xi32, #tpu.memory_space<hbm>> -> memref<25x80xi32, #tpu.memory_space<hbm>>
      tpu.enqueue_dma source(%dma_start3A_227 : memref<25x80xi32, #tpu.memory_space<hbm>>) target(%arg10 : memref<25x80xi32, #tpu.memory_space<vmem>>) target_semaphore(%run_scoped3A_219 : memref<!tpu.dma_semaphore, #tpu.memory_space<semaphore_mem>>)
      %dma_wait3A_228 = arith.constant 0 : i32
      %dma_wait3A_229 = arith.constant 0 : i32
      %dma_wait3A_230 = tpu.memref_slice %arg4[%add3A, %run_scoped3A_3, %dma_wait3A_228, %dma_wait3A_229] : memref<32x5x25x80xi32, #tpu.memory_space<hbm>> -> memref<1x1x25x80xi32, #tpu.memory_space<hbm>>
      %dma_wait3A_231 = tpu.memref_squeeze %dma_wait3A_230 : memref<1x1x25x80xi32, #tpu.memory_space<hbm>> -> memref<25x80xi32, #tpu.memory_space<hbm>>
      %dma_wait3A_232 = arith.constant 0 : i32
      %dma_wait3A_233 = arith.constant 0 : i32
      %dma_wait3A_234 = tpu.memref_slice %arg4[%add3A, %run_scoped3A_3, %dma_wait3A_232, %dma_wait3A_233] : memref<32x5x25x80xi32, #tpu.memory_space<hbm>> -> memref<1x1x25x80xi32, #tpu.memory_space<hbm>>
      %dma_wait3A_235 = tpu.memref_squeeze %dma_wait3A_234 : memref<1x1x25x80xi32, #tpu.memory_space<hbm>> -> memref<25x80xi32, #tpu.memory_space<hbm>>
      tpu.wait_dma2 semaphore(%run_scoped3A_219 : memref<!tpu.dma_semaphore, #tpu.memory_space<semaphore_mem>>) src(%dma_wait3A_235 : memref<25x80xi32, #tpu.memory_space<hbm>>) dst(%arg10 : memref<25x80xi32, #tpu.memory_space<vmem>>)
      tpu.yield
    }) : () -> ()
    %dma_start3A = arith.constant 0 : i32
    %dma_start3A_4 = arith.constant 0 : i32
    %dma_start3A_5 = tpu.memref_slice %arg9[%dma_start3A, %dma_start3A_4] : memref<25x80xi32, #tpu.memory_space<vmem>> -> memref<1x80xi32, #tpu.memory_space<vmem>>
    %dma_start3A_6 = tpu.memref_squeeze %dma_start3A_5 : memref<1x80xi32, #tpu.memory_space<vmem>> -> memref<80xi32, #tpu.memory_space<vmem>>
    %dma_start3A_7 = arith.constant 0 : i32
    %dma_start3A_8 = arith.constant 0 : i32
    %dma_start3A_9 = tpu.memref_slice %arg2[%dma_start3A_7, %dma_start3A_8] : memref<10000x128xf32, #tpu.memory_space<hbm>> -> memref<10000x128xf32, #tpu.memory_space<hbm>>
    tpu.enqueue_indirect_dma source(%dma_start3A_9 : memref<10000x128xf32, #tpu.memory_space<hbm>>) target(%arg11 : memref<80x128xf32, #tpu.memory_space<vmem>>) offsets(%dma_start3A_6 : memref<80xi32, #tpu.memory_space<vmem>>) semaphore(%arg17 : memref<!tpu.dma_semaphore, #tpu.memory_space<semaphore_mem>>)
    %dma_start3A_10 = arith.constant 1 : i32
    %dma_start3A_11 = arith.constant 0 : i32
    %dma_start3A_12 = tpu.memref_slice %arg9[%dma_start3A_10, %dma_start3A_11] : memref<25x80xi32, #tpu.memory_space<vmem>> -> memref<1x80xi32, #tpu.memory_space<vmem>>
    %dma_start3A_13 = tpu.memref_squeeze %dma_start3A_12 : memref<1x80xi32, #tpu.memory_space<vmem>> -> memref<80xi32, #tpu.memory_space<vmem>>
    %dma_start3A_14 = arith.constant 0 : i32
    %dma_start3A_15 = arith.constant 0 : i32
    %dma_start3A_16 = tpu.memref_slice %arg2[%dma_start3A_14, %dma_start3A_15] : memref<10000x128xf32, #tpu.memory_space<hbm>> -> memref<10000x128xf32, #tpu.memory_space<hbm>>
    tpu.enqueue_indirect_dma source(%dma_start3A_16 : memref<10000x128xf32, #tpu.memory_space<hbm>>) target(%arg12 : memref<80x128xf32, #tpu.memory_space<vmem>>) offsets(%dma_start3A_13 : memref<80xi32, #tpu.memory_space<vmem>>) semaphore(%arg18 : memref<!tpu.dma_semaphore, #tpu.memory_space<semaphore_mem>>)
    "tpu.region"() ({
      %run_scoped3A_219 = tpu.sem_alloc : memref<!tpu.dma_semaphore, #tpu.memory_space<semaphore_mem>>
      %dma_start3A_220 = arith.constant 0 : i32
      %dma_start3A_221 = tpu.memref_slice %arg15[%mul3A_2, %dma_start3A_220] : memref<10000x128xf32, #tpu.memory_space<vmem_shared>> -> memref<624x128xf32, #tpu.memory_space<vmem_shared>>
      %dma_start3A_222 = arith.constant 0 : i32
      %dma_start3A_223 = tpu.memref_slice %arg5[%mul3A_2, %dma_start3A_222] : memref<10000x128xf32, #tpu.memory_space<hbm>> -> memref<624x128xf32, #tpu.memory_space<hbm>>
      tpu.enqueue_dma source(%dma_start3A_223 : memref<624x128xf32, #tpu.memory_space<hbm>>) target(%dma_start3A_221 : memref<624x128xf32, #tpu.memory_space<vmem_shared>>) target_semaphore(%run_scoped3A_219 : memref<!tpu.dma_semaphore, #tpu.memory_space<semaphore_mem>>)
      %dma_wait3A_224 = arith.constant 0 : i32
      %dma_wait3A_225 = tpu.memref_slice %arg15[%mul3A_2, %dma_wait3A_224] : memref<10000x128xf32, #tpu.memory_space<vmem_shared>> -> memref<624x128xf32, #tpu.memory_space<vmem_shared>>
      %dma_wait3A_226 = arith.constant 0 : i32
      %dma_wait3A_227 = tpu.memref_slice %arg5[%mul3A_2, %dma_wait3A_226] : memref<10000x128xf32, #tpu.memory_space<hbm>> -> memref<624x128xf32, #tpu.memory_space<hbm>>
      tpu.wait_dma2 semaphore(%run_scoped3A_219 : memref<!tpu.dma_semaphore, #tpu.memory_space<semaphore_mem>>) src(%dma_wait3A_227 : memref<624x128xf32, #tpu.memory_space<hbm>>) dst(%dma_wait3A_225 : memref<624x128xf32, #tpu.memory_space<vmem_shared>>)
      tpu.yield
    }) : () -> ()
    %eq3A = arith.constant 15 : i32
    %eq3A_17 = arith.cmpi eq, %arg1, %eq3A : i32
    %convert_element_type3A = arith.extui %eq3A_17 : i1 to i32
    %cond3A = arith.constant 0 : i32
    %cond3A_18 = arith.cmpi ne, %convert_element_type3A, %cond3A : i32
    scf.if %cond3A_18 {
      "tpu.region"() ({
        %run_scoped3A_219 = tpu.sem_alloc : memref<!tpu.dma_semaphore, #tpu.memory_space<semaphore_mem>>
        %dma_start3A_220 = arith.constant 9984 : i32
        %dma_start3A_221 = arith.constant 0 : i32
        %dma_start3A_222 = tpu.memref_slice %arg15[%dma_start3A_220, %dma_start3A_221] : memref<10000x128xf32, #tpu.memory_space<vmem_shared>> -> memref<16x128xf32, #tpu.memory_space<vmem_shared>>
        %dma_start3A_223 = arith.constant 9984 : i32
        %dma_start3A_224 = arith.constant 0 : i32
        %dma_start3A_225 = tpu.memref_slice %arg5[%dma_start3A_223, %dma_start3A_224] : memref<10000x128xf32, #tpu.memory_space<hbm>> -> memref<16x128xf32, #tpu.memory_space<hbm>>
        tpu.enqueue_dma source(%dma_start3A_225 : memref<16x128xf32, #tpu.memory_space<hbm>>) target(%dma_start3A_222 : memref<16x128xf32, #tpu.memory_space<vmem_shared>>) target_semaphore(%run_scoped3A_219 : memref<!tpu.dma_semaphore, #tpu.memory_space<semaphore_mem>>)
        %dma_wait3A_226 = arith.constant 9984 : i32
        %dma_wait3A_227 = arith.constant 0 : i32
        %dma_wait3A_228 = tpu.memref_slice %arg15[%dma_wait3A_226, %dma_wait3A_227] : memref<10000x128xf32, #tpu.memory_space<vmem_shared>> -> memref<16x128xf32, #tpu.memory_space<vmem_shared>>
        %dma_wait3A_229 = arith.constant 9984 : i32
        %dma_wait3A_230 = arith.constant 0 : i32
        %dma_wait3A_231 = tpu.memref_slice %arg5[%dma_wait3A_229, %dma_wait3A_230] : memref<10000x128xf32, #tpu.memory_space<hbm>> -> memref<16x128xf32, #tpu.memory_space<hbm>>
        tpu.wait_dma2 semaphore(%run_scoped3A_219 : memref<!tpu.dma_semaphore, #tpu.memory_space<semaphore_mem>>) src(%dma_wait3A_231 : memref<16x128xf32, #tpu.memory_space<hbm>>) dst(%dma_wait3A_228 : memref<16x128xf32, #tpu.memory_space<vmem_shared>>)
        tpu.yield
      }) : () -> ()
    } else {
    }
    %eq3A_19 = arith.constant 0 : i32
    %eq3A_20 = arith.cmpi eq, %arg1, %eq3A_19 : i32
    %convert_element_type3A_21 = arith.extui %eq3A_20 : i1 to i32
    %cond3A_22 = arith.constant 0 : i32
    %cond3A_23 = arith.cmpi ne, %convert_element_type3A_21, %cond3A_22 : i32
    scf.if %cond3A_23 {
      "tpu.region"() ({
        %run_scoped3A_219 = tpu.sem_alloc : memref<!tpu.dma_semaphore, #tpu.memory_space<semaphore_mem>>
        tpu.enqueue_dma source(%arg6 : memref<10000xf32, #tpu.memory_space<hbm>>) target(%arg16 : memref<10000xf32, #tpu.memory_space<vmem_shared>>) target_semaphore(%run_scoped3A_219 : memref<!tpu.dma_semaphore, #tpu.memory_space<semaphore_mem>>)
        tpu.wait_dma2 semaphore(%run_scoped3A_219 : memref<!tpu.dma_semaphore, #tpu.memory_space<semaphore_mem>>) src(%arg6 : memref<10000xf32, #tpu.memory_space<hbm>>) dst(%arg16 : memref<10000xf32, #tpu.memory_space<vmem_shared>>)
        tpu.yield
      }) : () -> ()
    } else {
    }
    %broadcast_in_dim3A = arith.constant 1.000000e+00 : f32
    %broadcast_in_dim3A_24 = vector.broadcast %broadcast_in_dim3A : f32 to vector<16xf32>
    %swap3A = arith.constant 0 : index
    %swap3A_25 = tpu.vector_load %arg14[%swap3A] {strides = array<i32>} : memref<80xf32, #tpu.memory_space<vmem>>, vector<16xf32>,
    %swap3A_26 = vector.shape_cast %swap3A_25 : vector<16xf32> to vector<16xf32>
    %swap3A_27 = vector.shape_cast %broadcast_in_dim3A_24 : vector<16xf32> to vector<16xf32>
    tpu.vector_store %arg14[%swap3A], %swap3A_27 {strides = array<i32>} : memref<80xf32, #tpu.memory_space<vmem>>, vector<16xf32>,
    %broadcast_in_dim3A_28 = arith.constant 1.000000e+00 : f32
    %broadcast_in_dim3A_29 = vector.broadcast %broadcast_in_dim3A_28 : f32 to vector<16xf32>
    %swap3A_30 = arith.constant 16 : index
    %swap3A_31 = tpu.vector_load %arg14[%swap3A_30] {strides = array<i32>} : memref<80xf32, #tpu.memory_space<vmem>>, vector<16xf32>,
    %swap3A_32 = vector.shape_cast %swap3A_31 : vector<16xf32> to vector<16xf32>
    %swap3A_33 = vector.shape_cast %broadcast_in_dim3A_29 : vector<16xf32> to vector<16xf32>
    tpu.vector_store %arg14[%swap3A_30], %swap3A_33 {strides = array<i32>} : memref<80xf32, #tpu.memory_space<vmem>>, vector<16xf32>,
    %broadcast_in_dim3A_34 = arith.constant 1.000000e+00 : f32
    %broadcast_in_dim3A_35 = vector.broadcast %broadcast_in_dim3A_34 : f32 to vector<16xf32>
    %swap3A_36 = arith.constant 32 : index
    %swap3A_37 = tpu.vector_load %arg14[%swap3A_36] {strides = array<i32>} : memref<80xf32, #tpu.memory_space<vmem>>, vector<16xf32>,
    %swap3A_38 = vector.shape_cast %swap3A_37 : vector<16xf32> to vector<16xf32>
    %swap3A_39 = vector.shape_cast %broadcast_in_dim3A_35 : vector<16xf32> to vector<16xf32>
    tpu.vector_store %arg14[%swap3A_36], %swap3A_39 {strides = array<i32>} : memref<80xf32, #tpu.memory_space<vmem>>, vector<16xf32>,
    %broadcast_in_dim3A_40 = arith.constant 1.000000e+00 : f32
    %broadcast_in_dim3A_41 = vector.broadcast %broadcast_in_dim3A_40 : f32 to vector<16xf32>
    %swap3A_42 = arith.constant 48 : index
    %swap3A_43 = tpu.vector_load %arg14[%swap3A_42] {strides = array<i32>} : memref<80xf32, #tpu.memory_space<vmem>>, vector<16xf32>,
    %swap3A_44 = vector.shape_cast %swap3A_43 : vector<16xf32> to vector<16xf32>
    %swap3A_45 = vector.shape_cast %broadcast_in_dim3A_41 : vector<16xf32> to vector<16xf32>
    tpu.vector_store %arg14[%swap3A_42], %swap3A_45 {strides = array<i32>} : memref<80xf32, #tpu.memory_space<vmem>>, vector<16xf32>,
    %broadcast_in_dim3A_46 = arith.constant 1.000000e+00 : f32
    %broadcast_in_dim3A_47 = vector.broadcast %broadcast_in_dim3A_46 : f32 to vector<16xf32>
    %swap3A_48 = arith.constant 64 : index
    %swap3A_49 = tpu.vector_load %arg14[%swap3A_48] {strides = array<i32>} : memref<80xf32, #tpu.memory_space<vmem>>, vector<16xf32>,
    %swap3A_50 = vector.shape_cast %swap3A_49 : vector<16xf32> to vector<16xf32>
    %swap3A_51 = vector.shape_cast %broadcast_in_dim3A_47 : vector<16xf32> to vector<16xf32>
    tpu.vector_store %arg14[%swap3A_48], %swap3A_51 {strides = array<i32>} : memref<80xf32, #tpu.memory_space<vmem>>, vector<16xf32>,
    %barrier3A = arith.constant 0 : index
    tpu.barrier barrier_id(%barrier3A)
    %dma_wait3A = arith.constant 0 : i32
    %dma_wait3A_52 = arith.constant 0 : i32
    %dma_wait3A_53 = tpu.memref_slice %arg9[%dma_wait3A, %dma_wait3A_52] : memref<25x80xi32, #tpu.memory_space<vmem>> -> memref<1x80xi32, #tpu.memory_space<vmem>>
    %dma_wait3A_54 = tpu.memref_squeeze %dma_wait3A_53 : memref<1x80xi32, #tpu.memory_space<vmem>> -> memref<80xi32, #tpu.memory_space<vmem>>
    %dma_wait3A_55 = arith.constant 0 : i32
    %dma_wait3A_56 = arith.constant 0 : i32
    %dma_wait3A_57 = tpu.memref_slice %arg2[%dma_wait3A_55, %dma_wait3A_56] : memref<10000x128xf32, #tpu.memory_space<hbm>> -> memref<10000x128xf32, #tpu.memory_space<hbm>>
    tpu.wait_indirect_dma semaphore(%arg17 : memref<!tpu.dma_semaphore, #tpu.memory_space<semaphore_mem>>) src(%dma_wait3A_57 : memref<10000x128xf32, #tpu.memory_space<hbm>>) dst(%arg11 : memref<80x128xf32, #tpu.memory_space<vmem>>)
    %dma_start3A_58 = arith.constant 0 : i32
    %dma_start3A_59 = arith.constant 0 : i32
    %dma_start3A_60 = tpu.memref_slice %arg10[%dma_start3A_58, %dma_start3A_59] : memref<25x80xi32, #tpu.memory_space<vmem>> -> memref<1x80xi32, #tpu.memory_space<vmem>>
    %dma_start3A_61 = tpu.memref_squeeze %dma_start3A_60 : memref<1x80xi32, #tpu.memory_space<vmem>> -> memref<80xi32, #tpu.memory_space<vmem>>
    %dma_start3A_62 = arith.constant 0 : i32
    %dma_start3A_63 = arith.constant 0 : i32
    %dma_start3A_64 = tpu.memref_slice %arg15[%dma_start3A_62, %dma_start3A_63] : memref<10000x128xf32, #tpu.memory_space<vmem_shared>> -> memref<10000x128xf32, #tpu.memory_space<vmem_shared>>
    tpu.enqueue_indirect_dma source(%arg11 : memref<80x128xf32, #tpu.memory_space<vmem>>) target(%dma_start3A_64 : memref<10000x128xf32, #tpu.memory_space<vmem_shared>>) offsets(%dma_start3A_61 : memref<80xi32, #tpu.memory_space<vmem>>) semaphore(%arg20 : memref<!tpu.dma_semaphore, #tpu.memory_space<semaphore_mem>>) {add = true}
    %dma_start3A_65 = arith.constant 0 : i32
    %dma_start3A_66 = arith.constant 0 : i32
    %dma_start3A_67 = tpu.memref_slice %arg10[%dma_start3A_65, %dma_start3A_66] : memref<25x80xi32, #tpu.memory_space<vmem>> -> memref<1x80xi32, #tpu.memory_space<vmem>>
    %dma_start3A_68 = tpu.memref_squeeze %dma_start3A_67 : memref<1x80xi32, #tpu.memory_space<vmem>> -> memref<80xi32, #tpu.memory_space<vmem>>
    %dma_start3A_69 = arith.constant 0 : i32
    %dma_start3A_70 = tpu.memref_slice %arg16[%dma_start3A_69] : memref<10000xf32, #tpu.memory_space<vmem_shared>> -> memref<10000xf32, #tpu.memory_space<vmem_shared>>
    tpu.enqueue_indirect_dma source(%arg14 : memref<80xf32, #tpu.memory_space<vmem>>) target(%dma_start3A_70 : memref<10000xf32, #tpu.memory_space<vmem_shared>>) offsets(%dma_start3A_68 : memref<80xi32, #tpu.memory_space<vmem>>) semaphore(%arg20 : memref<!tpu.dma_semaphore, #tpu.memory_space<semaphore_mem>>) {add = true}
    %dma_start3A_71 = arith.constant 2 : i32
    %dma_start3A_72 = arith.constant 0 : i32
    %dma_start3A_73 = tpu.memref_slice %arg9[%dma_start3A_71, %dma_start3A_72] : memref<25x80xi32, #tpu.memory_space<vmem>> -> memref<1x80xi32, #tpu.memory_space<vmem>>
    %dma_start3A_74 = tpu.memref_squeeze %dma_start3A_73 : memref<1x80xi32, #tpu.memory_space<vmem>> -> memref<80xi32, #tpu.memory_space<vmem>>
    %dma_start3A_75 = arith.constant 0 : i32
    %dma_start3A_76 = arith.constant 0 : i32
    %dma_start3A_77 = tpu.memref_slice %arg2[%dma_start3A_75, %dma_start3A_76] : memref<10000x128xf32, #tpu.memory_space<hbm>> -> memref<10000x128xf32, #tpu.memory_space<hbm>>
    tpu.enqueue_indirect_dma source(%dma_start3A_77 : memref<10000x128xf32, #tpu.memory_space<hbm>>) target(%arg13 : memref<80x128xf32, #tpu.memory_space<vmem>>) offsets(%dma_start3A_74 : memref<80xi32, #tpu.memory_space<vmem>>) semaphore(%arg19 : memref<!tpu.dma_semaphore, #tpu.memory_space<semaphore_mem>>)
    %dma_wait3A_78 = arith.constant 1 : i32
    %dma_wait3A_79 = arith.constant 0 : i32
    %dma_wait3A_80 = tpu.memref_slice %arg9[%dma_wait3A_78, %dma_wait3A_79] : memref<25x80xi32, #tpu.memory_space<vmem>> -> memref<1x80xi32, #tpu.memory_space<vmem>>
    %dma_wait3A_81 = tpu.memref_squeeze %dma_wait3A_80 : memref<1x80xi32, #tpu.memory_space<vmem>> -> memref<80xi32, #tpu.memory_space<vmem>>
    %dma_wait3A_82 = arith.constant 0 : i32
    %dma_wait3A_83 = arith.constant 0 : i32
    %dma_wait3A_84 = tpu.memref_slice %arg2[%dma_wait3A_82, %dma_wait3A_83] : memref<10000x128xf32, #tpu.memory_space<hbm>> -> memref<10000x128xf32, #tpu.memory_space<hbm>>
    tpu.wait_indirect_dma semaphore(%arg18 : memref<!tpu.dma_semaphore, #tpu.memory_space<semaphore_mem>>) src(%dma_wait3A_84 : memref<10000x128xf32, #tpu.memory_space<hbm>>) dst(%arg12 : memref<80x128xf32, #tpu.memory_space<vmem>>)
    %dma_start3A_85 = arith.constant 1 : i32
    %dma_start3A_86 = arith.constant 0 : i32
    %dma_start3A_87 = tpu.memref_slice %arg10[%dma_start3A_85, %dma_start3A_86] : memref<25x80xi32, #tpu.memory_space<vmem>> -> memref<1x80xi32, #tpu.memory_space<vmem>>
    %dma_start3A_88 = tpu.memref_squeeze %dma_start3A_87 : memref<1x80xi32, #tpu.memory_space<vmem>> -> memref<80xi32, #tpu.memory_space<vmem>>
    %dma_start3A_89 = arith.constant 0 : i32
    %dma_start3A_90 = arith.constant 0 : i32
    %dma_start3A_91 = tpu.memref_slice %arg15[%dma_start3A_89, %dma_start3A_90] : memref<10000x128xf32, #tpu.memory_space<vmem_shared>> -> memref<10000x128xf32, #tpu.memory_space<vmem_shared>>
    tpu.enqueue_indirect_dma source(%arg12 : memref<80x128xf32, #tpu.memory_space<vmem>>) target(%dma_start3A_91 : memref<10000x128xf32, #tpu.memory_space<vmem_shared>>) offsets(%dma_start3A_88 : memref<80xi32, #tpu.memory_space<vmem>>) semaphore(%arg21 : memref<!tpu.dma_semaphore, #tpu.memory_space<semaphore_mem>>) {add = true}
    %dma_start3A_92 = arith.constant 1 : i32
    %dma_start3A_93 = arith.constant 0 : i32
    %dma_start3A_94 = tpu.memref_slice %arg10[%dma_start3A_92, %dma_start3A_93] : memref<25x80xi32, #tpu.memory_space<vmem>> -> memref<1x80xi32, #tpu.memory_space<vmem>>
    %dma_start3A_95 = tpu.memref_squeeze %dma_start3A_94 : memref<1x80xi32, #tpu.memory_space<vmem>> -> memref<80xi32, #tpu.memory_space<vmem>>
    %dma_start3A_96 = arith.constant 0 : i32
    %dma_start3A_97 = tpu.memref_slice %arg16[%dma_start3A_96] : memref<10000xf32, #tpu.memory_space<vmem_shared>> -> memref<10000xf32, #tpu.memory_space<vmem_shared>>
    tpu.enqueue_indirect_dma source(%arg14 : memref<80xf32, #tpu.memory_space<vmem>>) target(%dma_start3A_97 : memref<10000xf32, #tpu.memory_space<vmem_shared>>) offsets(%dma_start3A_95 : memref<80xi32, #tpu.memory_space<vmem>>) semaphore(%arg21 : memref<!tpu.dma_semaphore, #tpu.memory_space<semaphore_mem>>) {add = true}
    %dma_wait3A_98 = arith.constant 0 : i32
    %dma_wait3A_99 = arith.constant 0 : i32
    %dma_wait3A_100 = tpu.memref_slice %arg9[%dma_wait3A_98, %dma_wait3A_99] : memref<25x80xi32, #tpu.memory_space<vmem>> -> memref<1x80xi32, #tpu.memory_space<vmem>>
    %dma_wait3A_101 = tpu.memref_squeeze %dma_wait3A_100 : memref<1x80xi32, #tpu.memory_space<vmem>> -> memref<80xi32, #tpu.memory_space<vmem>>
    %dma_wait3A_102 = arith.constant 0 : i32
    %dma_wait3A_103 = arith.constant 0 : i32
    %dma_wait3A_104 = tpu.memref_slice %arg2[%dma_wait3A_102, %dma_wait3A_103] : memref<10000x128xf32, #tpu.memory_space<hbm>> -> memref<10000x128xf32, #tpu.memory_space<hbm>>
    tpu.wait_indirect_dma semaphore(%arg20 : memref<!tpu.dma_semaphore, #tpu.memory_space<semaphore_mem>>) src(%dma_wait3A_104 : memref<10000x128xf32, #tpu.memory_space<hbm>>) dst(%arg11 : memref<80x128xf32, #tpu.memory_space<vmem>>)
    %dma_wait3A_105 = arith.constant 0 : i32
    %dma_wait3A_106 = arith.constant 0 : i32
    %dma_wait3A_107 = tpu.memref_slice %arg9[%dma_wait3A_105, %dma_wait3A_106] : memref<25x80xi32, #tpu.memory_space<vmem>> -> memref<1x80xi32, #tpu.memory_space<vmem>>
    %dma_wait3A_108 = tpu.memref_squeeze %dma_wait3A_107 : memref<1x80xi32, #tpu.memory_space<vmem>> -> memref<80xi32, #tpu.memory_space<vmem>>
    %dma_wait3A_109 = arith.constant 0 : i32
    %dma_wait3A_110 = tpu.memref_slice %arg6[%dma_wait3A_109] : memref<10000xf32, #tpu.memory_space<hbm>> -> memref<10000xf32, #tpu.memory_space<hbm>>
    tpu.wait_indirect_dma semaphore(%arg20 : memref<!tpu.dma_semaphore, #tpu.memory_space<semaphore_mem>>) src(%dma_wait3A_110 : memref<10000xf32, #tpu.memory_space<hbm>>) dst(%arg14 : memref<80xf32, #tpu.memory_space<vmem>>)
    %dma_start3A_111 = arith.constant 3 : i32
    %dma_start3A_112 = arith.constant 0 : i32
    %dma_start3A_113 = tpu.memref_slice %arg9[%dma_start3A_111, %dma_start3A_112] : memref<25x80xi32, #tpu.memory_space<vmem>> -> memref<1x80xi32, #tpu.memory_space<vmem>>
    %dma_start3A_114 = tpu.memref_squeeze %dma_start3A_113 : memref<1x80xi32, #tpu.memory_space<vmem>> -> memref<80xi32, #tpu.memory_space<vmem>>
    %dma_start3A_115 = arith.constant 0 : i32
    %dma_start3A_116 = arith.constant 0 : i32
    %dma_start3A_117 = tpu.memref_slice %arg2[%dma_start3A_115, %dma_start3A_116] : memref<10000x128xf32, #tpu.memory_space<hbm>> -> memref<10000x128xf32, #tpu.memory_space<hbm>>
    tpu.enqueue_indirect_dma source(%dma_start3A_117 : memref<10000x128xf32, #tpu.memory_space<hbm>>) target(%arg11 : memref<80x128xf32, #tpu.memory_space<vmem>>) offsets(%dma_start3A_114 : memref<80xi32, #tpu.memory_space<vmem>>) semaphore(%arg17 : memref<!tpu.dma_semaphore, #tpu.memory_space<semaphore_mem>>)
    %scan3A = arith.constant 0 : i32
    %scan3A_118 = arith.constant 0 : i32
    %scan3A_119 = arith.constant 7 : i32
    %scan3A_120 = arith.addi %scan3A_118, %scan3A_119 : i32
    %scan3A_121 = arith.constant 1 : i32
    scf.for %scan3A_219 = %scan3A_118 to %scan3A_120 step %scan3A_121  : i32 {
      %mul3A_220 = arith.constant 3 : i32
      %mul3A_221 = arith.muli %mul3A_220, %scan3A_219 : i32
      %add3A_222 = arith.constant 2 : i32
      %add3A_223 = arith.addi %mul3A_221, %add3A_222 : i32
      %add3A_224 = arith.constant 0 : i32
      %add3A_225 = arith.addi %add3A_223, %add3A_224 : i32
      %dma_wait3A_226 = arith.constant 0 : i32
      %dma_wait3A_227 = tpu.memref_slice %arg9[%add3A_225, %dma_wait3A_226] : memref<25x80xi32, #tpu.memory_space<vmem>> -> memref<1x80xi32, #tpu.memory_space<vmem>>
      %dma_wait3A_228 = tpu.memref_squeeze %dma_wait3A_227 : memref<1x80xi32, #tpu.memory_space<vmem>> -> memref<80xi32, #tpu.memory_space<vmem>>
      %dma_wait3A_229 = arith.constant 0 : i32
      %dma_wait3A_230 = arith.constant 0 : i32
      %dma_wait3A_231 = tpu.memref_slice %arg2[%dma_wait3A_229, %dma_wait3A_230] : memref<10000x128xf32, #tpu.memory_space<hbm>> -> memref<10000x128xf32, #tpu.memory_space<hbm>>
      tpu.wait_indirect_dma semaphore(%arg19 : memref<!tpu.dma_semaphore, #tpu.memory_space<semaphore_mem>>) src(%dma_wait3A_231 : memref<10000x128xf32, #tpu.memory_space<hbm>>) dst(%arg13 : memref<80x128xf32, #tpu.memory_space<vmem>>)
      %dma_start3A_232 = arith.constant 0 : i32
      %dma_start3A_233 = tpu.memref_slice %arg10[%add3A_225, %dma_start3A_232] : memref<25x80xi32, #tpu.memory_space<vmem>> -> memref<1x80xi32, #tpu.memory_space<vmem>>
      %dma_start3A_234 = tpu.memref_squeeze %dma_start3A_233 : memref<1x80xi32, #tpu.memory_space<vmem>> -> memref<80xi32, #tpu.memory_space<vmem>>
      %dma_start3A_235 = arith.constant 0 : i32
      %dma_start3A_236 = arith.constant 0 : i32
      %dma_start3A_237 = tpu.memref_slice %arg15[%dma_start3A_235, %dma_start3A_236] : memref<10000x128xf32, #tpu.memory_space<vmem_shared>> -> memref<10000x128xf32, #tpu.memory_space<vmem_shared>>
      tpu.enqueue_indirect_dma source(%arg13 : memref<80x128xf32, #tpu.memory_space<vmem>>) target(%dma_start3A_237 : memref<10000x128xf32, #tpu.memory_space<vmem_shared>>) offsets(%dma_start3A_234 : memref<80xi32, #tpu.memory_space<vmem>>) semaphore(%arg22 : memref<!tpu.dma_semaphore, #tpu.memory_space<semaphore_mem>>) {add = true}
      %dma_start3A_238 = arith.constant 0 : i32
      %dma_start3A_239 = tpu.memref_slice %arg10[%add3A_225, %dma_start3A_238] : memref<25x80xi32, #tpu.memory_space<vmem>> -> memref<1x80xi32, #tpu.memory_space<vmem>>
      %dma_start3A_240 = tpu.memref_squeeze %dma_start3A_239 : memref<1x80xi32, #tpu.memory_space<vmem>> -> memref<80xi32, #tpu.memory_space<vmem>>
      %dma_start3A_241 = arith.constant 0 : i32
      %dma_start3A_242 = tpu.memref_slice %arg16[%dma_start3A_241] : memref<10000xf32, #tpu.memory_space<vmem_shared>> -> memref<10000xf32, #tpu.memory_space<vmem_shared>>
      tpu.enqueue_indirect_dma source(%arg14 : memref<80xf32, #tpu.memory_space<vmem>>) target(%dma_start3A_242 : memref<10000xf32, #tpu.memory_space<vmem_shared>>) offsets(%dma_start3A_240 : memref<80xi32, #tpu.memory_space<vmem>>) semaphore(%arg22 : memref<!tpu.dma_semaphore, #tpu.memory_space<semaphore_mem>>) {add = true}
      %dma_wait3A_243 = arith.constant 0 : i32
      %dma_wait3A_244 = arith.constant 0 : i32
      %dma_wait3A_245 = tpu.memref_slice %arg9[%dma_wait3A_243, %dma_wait3A_244] : memref<25x80xi32, #tpu.memory_space<vmem>> -> memref<1x80xi32, #tpu.memory_space<vmem>>
      %dma_wait3A_246 = tpu.memref_squeeze %dma_wait3A_245 : memref<1x80xi32, #tpu.memory_space<vmem>> -> memref<80xi32, #tpu.memory_space<vmem>>
      %dma_wait3A_247 = arith.constant 0 : i32
      %dma_wait3A_248 = arith.constant 0 : i32
      %dma_wait3A_249 = tpu.memref_slice %arg2[%dma_wait3A_247, %dma_wait3A_248] : memref<10000x128xf32, #tpu.memory_space<hbm>> -> memref<10000x128xf32, #tpu.memory_space<hbm>>
      tpu.wait_indirect_dma semaphore(%arg21 : memref<!tpu.dma_semaphore, #tpu.memory_space<semaphore_mem>>) src(%dma_wait3A_249 : memref<10000x128xf32, #tpu.memory_space<hbm>>) dst(%arg12 : memref<80x128xf32, #tpu.memory_space<vmem>>)
      %dma_wait3A_250 = arith.constant 0 : i32
      %dma_wait3A_251 = arith.constant 0 : i32
      %dma_wait3A_252 = tpu.memref_slice %arg9[%dma_wait3A_250, %dma_wait3A_251] : memref<25x80xi32, #tpu.memory_space<vmem>> -> memref<1x80xi32, #tpu.memory_space<vmem>>
      %dma_wait3A_253 = tpu.memref_squeeze %dma_wait3A_252 : memref<1x80xi32, #tpu.memory_space<vmem>> -> memref<80xi32, #tpu.memory_space<vmem>>
      %dma_wait3A_254 = arith.constant 0 : i32
      %dma_wait3A_255 = tpu.memref_slice %arg6[%dma_wait3A_254] : memref<10000xf32, #tpu.memory_space<hbm>> -> memref<10000xf32, #tpu.memory_space<hbm>>
      tpu.wait_indirect_dma semaphore(%arg21 : memref<!tpu.dma_semaphore, #tpu.memory_space<semaphore_mem>>) src(%dma_wait3A_255 : memref<10000xf32, #tpu.memory_space<hbm>>) dst(%arg14 : memref<80xf32, #tpu.memory_space<vmem>>)
      %add3A_256 = arith.constant 2 : i32
      %add3A_257 = arith.addi %add3A_225, %add3A_256 : i32
      %lt3A = arith.constant 25 : i32
      %lt3A_258 = arith.cmpi slt, %add3A_257, %lt3A : i32
      %convert_element_type3A_259 = arith.extui %lt3A_258 : i1 to i32
      %cond3A_260 = arith.constant 0 : i32
      %cond3A_261 = arith.cmpi ne, %convert_element_type3A_259, %cond3A_260 : i32
      scf.if %cond3A_261 {
        %add3A_340 = arith.constant 2 : i32
        %add3A_341 = arith.addi %add3A_225, %add3A_340 : i32
        %dma_start3A_342 = arith.constant 0 : i32
        %dma_start3A_343 = tpu.memref_slice %arg9[%add3A_341, %dma_start3A_342] : memref<25x80xi32, #tpu.memory_space<vmem>> -> memref<1x80xi32, #tpu.memory_space<vmem>>
        %dma_start3A_344 = tpu.memref_squeeze %dma_start3A_343 : memref<1x80xi32, #tpu.memory_space<vmem>> -> memref<80xi32, #tpu.memory_space<vmem>>
        %dma_start3A_345 = arith.constant 0 : i32
        %dma_start3A_346 = arith.constant 0 : i32
        %dma_start3A_347 = tpu.memref_slice %arg2[%dma_start3A_345, %dma_start3A_346] : memref<10000x128xf32, #tpu.memory_space<hbm>> -> memref<10000x128xf32, #tpu.memory_space<hbm>>
        tpu.enqueue_indirect_dma source(%dma_start3A_347 : memref<10000x128xf32, #tpu.memory_space<hbm>>) target(%arg12 : memref<80x128xf32, #tpu.memory_space<vmem>>) offsets(%dma_start3A_344 : memref<80xi32, #tpu.memory_space<vmem>>) semaphore(%arg18 : memref<!tpu.dma_semaphore, #tpu.memory_space<semaphore_mem>>)
      } else {
      }
      %add3A_262 = arith.constant 1 : i32
      %add3A_263 = arith.addi %add3A_223, %add3A_262 : i32
      %dma_wait3A_264 = arith.constant 0 : i32
      %dma_wait3A_265 = tpu.memref_slice %arg9[%add3A_263, %dma_wait3A_264] : memref<25x80xi32, #tpu.memory_space<vmem>> -> memref<1x80xi32, #tpu.memory_space<vmem>>
      %dma_wait3A_266 = tpu.memref_squeeze %dma_wait3A_265 : memref<1x80xi32, #tpu.memory_space<vmem>> -> memref<80xi32, #tpu.memory_space<vmem>>
      %dma_wait3A_267 = arith.constant 0 : i32
      %dma_wait3A_268 = arith.constant 0 : i32
      %dma_wait3A_269 = tpu.memref_slice %arg2[%dma_wait3A_267, %dma_wait3A_268] : memref<10000x128xf32, #tpu.memory_space<hbm>> -> memref<10000x128xf32, #tpu.memory_space<hbm>>
      tpu.wait_indirect_dma semaphore(%arg17 : memref<!tpu.dma_semaphore, #tpu.memory_space<semaphore_mem>>) src(%dma_wait3A_269 : memref<10000x128xf32, #tpu.memory_space<hbm>>) dst(%arg11 : memref<80x128xf32, #tpu.memory_space<vmem>>)
      %dma_start3A_270 = arith.constant 0 : i32
      %dma_start3A_271 = tpu.memref_slice %arg10[%add3A_263, %dma_start3A_270] : memref<25x80xi32, #tpu.memory_space<vmem>> -> memref<1x80xi32, #tpu.memory_space<vmem>>
      %dma_start3A_272 = tpu.memref_squeeze %dma_start3A_271 : memref<1x80xi32, #tpu.memory_space<vmem>> -> memref<80xi32, #tpu.memory_space<vmem>>
      %dma_start3A_273 = arith.constant 0 : i32
      %dma_start3A_274 = arith.constant 0 : i32
      %dma_start3A_275 = tpu.memref_slice %arg15[%dma_start3A_273, %dma_start3A_274] : memref<10000x128xf32, #tpu.memory_space<vmem_shared>> -> memref<10000x128xf32, #tpu.memory_space<vmem_shared>>
      tpu.enqueue_indirect_dma source(%arg11 : memref<80x128xf32, #tpu.memory_space<vmem>>) target(%dma_start3A_275 : memref<10000x128xf32, #tpu.memory_space<vmem_shared>>) offsets(%dma_start3A_272 : memref<80xi32, #tpu.memory_space<vmem>>) semaphore(%arg20 : memref<!tpu.dma_semaphore, #tpu.memory_space<semaphore_mem>>) {add = true}
      %dma_start3A_276 = arith.constant 0 : i32
      %dma_start3A_277 = tpu.memref_slice %arg10[%add3A_263, %dma_start3A_276] : memref<25x80xi32, #tpu.memory_space<vmem>> -> memref<1x80xi32, #tpu.memory_space<vmem>>
      %dma_start3A_278 = tpu.memref_squeeze %dma_start3A_277 : memref<1x80xi32, #tpu.memory_space<vmem>> -> memref<80xi32, #tpu.memory_space<vmem>>
      %dma_start3A_279 = arith.constant 0 : i32
      %dma_start3A_280 = tpu.memref_slice %arg16[%dma_start3A_279] : memref<10000xf32, #tpu.memory_space<vmem_shared>> -> memref<10000xf32, #tpu.memory_space<vmem_shared>>
      tpu.enqueue_indirect_dma source(%arg14 : memref<80xf32, #tpu.memory_space<vmem>>) target(%dma_start3A_280 : memref<10000xf32, #tpu.memory_space<vmem_shared>>) offsets(%dma_start3A_278 : memref<80xi32, #tpu.memory_space<vmem>>) semaphore(%arg20 : memref<!tpu.dma_semaphore, #tpu.memory_space<semaphore_mem>>) {add = true}
      %dma_wait3A_281 = arith.constant 0 : i32
      %dma_wait3A_282 = arith.constant 0 : i32
      %dma_wait3A_283 = tpu.memref_slice %arg9[%dma_wait3A_281, %dma_wait3A_282] : memref<25x80xi32, #tpu.memory_space<vmem>> -> memref<1x80xi32, #tpu.memory_space<vmem>>
      %dma_wait3A_284 = tpu.memref_squeeze %dma_wait3A_283 : memref<1x80xi32, #tpu.memory_space<vmem>> -> memref<80xi32, #tpu.memory_space<vmem>>
      %dma_wait3A_285 = arith.constant 0 : i32
      %dma_wait3A_286 = arith.constant 0 : i32
      %dma_wait3A_287 = tpu.memref_slice %arg2[%dma_wait3A_285, %dma_wait3A_286] : memref<10000x128xf32, #tpu.memory_space<hbm>> -> memref<10000x128xf32, #tpu.memory_space<hbm>>
      tpu.wait_indirect_dma semaphore(%arg22 : memref<!tpu.dma_semaphore, #tpu.memory_space<semaphore_mem>>) src(%dma_wait3A_287 : memref<10000x128xf32, #tpu.memory_space<hbm>>) dst(%arg13 : memref<80x128xf32, #tpu.memory_space<vmem>>)
      %dma_wait3A_288 = arith.constant 0 : i32
      %dma_wait3A_289 = arith.constant 0 : i32
      %dma_wait3A_290 = tpu.memref_slice %arg9[%dma_wait3A_288, %dma_wait3A_289] : memref<25x80xi32, #tpu.memory_space<vmem>> -> memref<1x80xi32, #tpu.memory_space<vmem>>
      %dma_wait3A_291 = tpu.memref_squeeze %dma_wait3A_290 : memref<1x80xi32, #tpu.memory_space<vmem>> -> memref<80xi32, #tpu.memory_space<vmem>>
      %dma_wait3A_292 = arith.constant 0 : i32
      %dma_wait3A_293 = tpu.memref_slice %arg6[%dma_wait3A_292] : memref<10000xf32, #tpu.memory_space<hbm>> -> memref<10000xf32, #tpu.memory_space<hbm>>
      tpu.wait_indirect_dma semaphore(%arg22 : memref<!tpu.dma_semaphore, #tpu.memory_space<semaphore_mem>>) src(%dma_wait3A_293 : memref<10000xf32, #tpu.memory_space<hbm>>) dst(%arg14 : memref<80xf32, #tpu.memory_space<vmem>>)
      %add3A_294 = arith.constant 2 : i32
      %add3A_295 = arith.addi %add3A_263, %add3A_294 : i32
      %lt3A_296 = arith.constant 25 : i32
      %lt3A_297 = arith.cmpi slt, %add3A_295, %lt3A_296 : i32
      %convert_element_type3A_298 = arith.extui %lt3A_297 : i1 to i32
      %cond3A_299 = arith.constant 0 : i32
      %cond3A_300 = arith.cmpi ne, %convert_element_type3A_298, %cond3A_299 : i32
      scf.if %cond3A_300 {
        %add3A_340 = arith.constant 2 : i32
        %add3A_341 = arith.addi %add3A_263, %add3A_340 : i32
        %dma_start3A_342 = arith.constant 0 : i32
        %dma_start3A_343 = tpu.memref_slice %arg9[%add3A_341, %dma_start3A_342] : memref<25x80xi32, #tpu.memory_space<vmem>> -> memref<1x80xi32, #tpu.memory_space<vmem>>
        %dma_start3A_344 = tpu.memref_squeeze %dma_start3A_343 : memref<1x80xi32, #tpu.memory_space<vmem>> -> memref<80xi32, #tpu.memory_space<vmem>>
        %dma_start3A_345 = arith.constant 0 : i32
        %dma_start3A_346 = arith.constant 0 : i32
        %dma_start3A_347 = tpu.memref_slice %arg2[%dma_start3A_345, %dma_start3A_346] : memref<10000x128xf32, #tpu.memory_space<hbm>> -> memref<10000x128xf32, #tpu.memory_space<hbm>>
        tpu.enqueue_indirect_dma source(%dma_start3A_347 : memref<10000x128xf32, #tpu.memory_space<hbm>>) target(%arg13 : memref<80x128xf32, #tpu.memory_space<vmem>>) offsets(%dma_start3A_344 : memref<80xi32, #tpu.memory_space<vmem>>) semaphore(%arg19 : memref<!tpu.dma_semaphore, #tpu.memory_space<semaphore_mem>>)
      } else {
      }
      %add3A_301 = arith.constant 2 : i32
      %add3A_302 = arith.addi %add3A_223, %add3A_301 : i32
      %dma_wait3A_303 = arith.constant 0 : i32
      %dma_wait3A_304 = tpu.memref_slice %arg9[%add3A_302, %dma_wait3A_303] : memref<25x80xi32, #tpu.memory_space<vmem>> -> memref<1x80xi32, #tpu.memory_space<vmem>>
      %dma_wait3A_305 = tpu.memref_squeeze %dma_wait3A_304 : memref<1x80xi32, #tpu.memory_space<vmem>> -> memref<80xi32, #tpu.memory_space<vmem>>
      %dma_wait3A_306 = arith.constant 0 : i32
      %dma_wait3A_307 = arith.constant 0 : i32
      %dma_wait3A_308 = tpu.memref_slice %arg2[%dma_wait3A_306, %dma_wait3A_307] : memref<10000x128xf32, #tpu.memory_space<hbm>> -> memref<10000x128xf32, #tpu.memory_space<hbm>>
      tpu.wait_indirect_dma semaphore(%arg18 : memref<!tpu.dma_semaphore, #tpu.memory_space<semaphore_mem>>) src(%dma_wait3A_308 : memref<10000x128xf32, #tpu.memory_space<hbm>>) dst(%arg12 : memref<80x128xf32, #tpu.memory_space<vmem>>)
      %dma_start3A_309 = arith.constant 0 : i32
      %dma_start3A_310 = tpu.memref_slice %arg10[%add3A_302, %dma_start3A_309] : memref<25x80xi32, #tpu.memory_space<vmem>> -> memref<1x80xi32, #tpu.memory_space<vmem>>
      %dma_start3A_311 = tpu.memref_squeeze %dma_start3A_310 : memref<1x80xi32, #tpu.memory_space<vmem>> -> memref<80xi32, #tpu.memory_space<vmem>>
      %dma_start3A_312 = arith.constant 0 : i32
      %dma_start3A_313 = arith.constant 0 : i32
      %dma_start3A_314 = tpu.memref_slice %arg15[%dma_start3A_312, %dma_start3A_313] : memref<10000x128xf32, #tpu.memory_space<vmem_shared>> -> memref<10000x128xf32, #tpu.memory_space<vmem_shared>>
      tpu.enqueue_indirect_dma source(%arg12 : memref<80x128xf32, #tpu.memory_space<vmem>>) target(%dma_start3A_314 : memref<10000x128xf32, #tpu.memory_space<vmem_shared>>) offsets(%dma_start3A_311 : memref<80xi32, #tpu.memory_space<vmem>>) semaphore(%arg21 : memref<!tpu.dma_semaphore, #tpu.memory_space<semaphore_mem>>) {add = true}
      %dma_start3A_315 = arith.constant 0 : i32
      %dma_start3A_316 = tpu.memref_slice %arg10[%add3A_302, %dma_start3A_315] : memref<25x80xi32, #tpu.memory_space<vmem>> -> memref<1x80xi32, #tpu.memory_space<vmem>>
      %dma_start3A_317 = tpu.memref_squeeze %dma_start3A_316 : memref<1x80xi32, #tpu.memory_space<vmem>> -> memref<80xi32, #tpu.memory_space<vmem>>
      %dma_start3A_318 = arith.constant 0 : i32
      %dma_start3A_319 = tpu.memref_slice %arg16[%dma_start3A_318] : memref<10000xf32, #tpu.memory_space<vmem_shared>> -> memref<10000xf32, #tpu.memory_space<vmem_shared>>
      tpu.enqueue_indirect_dma source(%arg14 : memref<80xf32, #tpu.memory_space<vmem>>) target(%dma_start3A_319 : memref<10000xf32, #tpu.memory_space<vmem_shared>>) offsets(%dma_start3A_317 : memref<80xi32, #tpu.memory_space<vmem>>) semaphore(%arg21 : memref<!tpu.dma_semaphore, #tpu.memory_space<semaphore_mem>>) {add = true}
      %dma_wait3A_320 = arith.constant 0 : i32
      %dma_wait3A_321 = arith.constant 0 : i32
      %dma_wait3A_322 = tpu.memref_slice %arg9[%dma_wait3A_320, %dma_wait3A_321] : memref<25x80xi32, #tpu.memory_space<vmem>> -> memref<1x80xi32, #tpu.memory_space<vmem>>
      %dma_wait3A_323 = tpu.memref_squeeze %dma_wait3A_322 : memref<1x80xi32, #tpu.memory_space<vmem>> -> memref<80xi32, #tpu.memory_space<vmem>>
      %dma_wait3A_324 = arith.constant 0 : i32
      %dma_wait3A_325 = arith.constant 0 : i32
      %dma_wait3A_326 = tpu.memref_slice %arg2[%dma_wait3A_324, %dma_wait3A_325] : memref<10000x128xf32, #tpu.memory_space<hbm>> -> memref<10000x128xf32, #tpu.memory_space<hbm>>
      tpu.wait_indirect_dma semaphore(%arg20 : memref<!tpu.dma_semaphore, #tpu.memory_space<semaphore_mem>>) src(%dma_wait3A_326 : memref<10000x128xf32, #tpu.memory_space<hbm>>) dst(%arg11 : memref<80x128xf32, #tpu.memory_space<vmem>>)
      %dma_wait3A_327 = arith.constant 0 : i32
      %dma_wait3A_328 = arith.constant 0 : i32
      %dma_wait3A_329 = tpu.memref_slice %arg9[%dma_wait3A_327, %dma_wait3A_328] : memref<25x80xi32, #tpu.memory_space<vmem>> -> memref<1x80xi32, #tpu.memory_space<vmem>>
      %dma_wait3A_330 = tpu.memref_squeeze %dma_wait3A_329 : memref<1x80xi32, #tpu.memory_space<vmem>> -> memref<80xi32, #tpu.memory_space<vmem>>
      %dma_wait3A_331 = arith.constant 0 : i32
      %dma_wait3A_332 = tpu.memref_slice %arg6[%dma_wait3A_331] : memref<10000xf32, #tpu.memory_space<hbm>> -> memref<10000xf32, #tpu.memory_space<hbm>>
      tpu.wait_indirect_dma semaphore(%arg20 : memref<!tpu.dma_semaphore, #tpu.memory_space<semaphore_mem>>) src(%dma_wait3A_332 : memref<10000xf32, #tpu.memory_space<hbm>>) dst(%arg14 : memref<80xf32, #tpu.memory_space<vmem>>)
      %add3A_333 = arith.constant 2 : i32
      %add3A_334 = arith.addi %add3A_302, %add3A_333 : i32
      %lt3A_335 = arith.constant 25 : i32
      %lt3A_336 = arith.cmpi slt, %add3A_334, %lt3A_335 : i32
      %convert_element_type3A_337 = arith.extui %lt3A_336 : i1 to i32
      %cond3A_338 = arith.constant 0 : i32
      %cond3A_339 = arith.cmpi ne, %convert_element_type3A_337, %cond3A_338 : i32
      scf.if %cond3A_339 {
        %add3A_340 = arith.constant 2 : i32
        %add3A_341 = arith.addi %add3A_302, %add3A_340 : i32
        %dma_start3A_342 = arith.constant 0 : i32
        %dma_start3A_343 = tpu.memref_slice %arg9[%add3A_341, %dma_start3A_342] : memref<25x80xi32, #tpu.memory_space<vmem>> -> memref<1x80xi32, #tpu.memory_space<vmem>>
        %dma_start3A_344 = tpu.memref_squeeze %dma_start3A_343 : memref<1x80xi32, #tpu.memory_space<vmem>> -> memref<80xi32, #tpu.memory_space<vmem>>
        %dma_start3A_345 = arith.constant 0 : i32
        %dma_start3A_346 = arith.constant 0 : i32
        %dma_start3A_347 = tpu.memref_slice %arg2[%dma_start3A_345, %dma_start3A_346] : memref<10000x128xf32, #tpu.memory_space<hbm>> -> memref<10000x128xf32, #tpu.memory_space<hbm>>
        tpu.enqueue_indirect_dma source(%dma_start3A_347 : memref<10000x128xf32, #tpu.memory_space<hbm>>) target(%arg11 : memref<80x128xf32, #tpu.memory_space<vmem>>) offsets(%dma_start3A_344 : memref<80xi32, #tpu.memory_space<vmem>>) semaphore(%arg17 : memref<!tpu.dma_semaphore, #tpu.memory_space<semaphore_mem>>)
      } else {
      }
    }
    %scan3A_122 = arith.constant 7 : i32
    %dma_wait3A_123 = arith.constant 23 : i32
    %dma_wait3A_124 = arith.constant 0 : i32
    %dma_wait3A_125 = tpu.memref_slice %arg9[%dma_wait3A_123, %dma_wait3A_124] : memref<25x80xi32, #tpu.memory_space<vmem>> -> memref<1x80xi32, #tpu.memory_space<vmem>>
    %dma_wait3A_126 = tpu.memref_squeeze %dma_wait3A_125 : memref<1x80xi32, #tpu.memory_space<vmem>> -> memref<80xi32, #tpu.memory_space<vmem>>
    %dma_wait3A_127 = arith.constant 0 : i32
    %dma_wait3A_128 = arith.constant 0 : i32
    %dma_wait3A_129 = tpu.memref_slice %arg2[%dma_wait3A_127, %dma_wait3A_128] : memref<10000x128xf32, #tpu.memory_space<hbm>> -> memref<10000x128xf32, #tpu.memory_space<hbm>>
    tpu.wait_indirect_dma semaphore(%arg19 : memref<!tpu.dma_semaphore, #tpu.memory_space<semaphore_mem>>) src(%dma_wait3A_129 : memref<10000x128xf32, #tpu.memory_space<hbm>>) dst(%arg13 : memref<80x128xf32, #tpu.memory_space<vmem>>)
    %dma_start3A_130 = arith.constant 23 : i32
    %dma_start3A_131 = arith.constant 0 : i32
    %dma_start3A_132 = tpu.memref_slice %arg10[%dma_start3A_130, %dma_start3A_131] : memref<25x80xi32, #tpu.memory_space<vmem>> -> memref<1x80xi32, #tpu.memory_space<vmem>>
    %dma_start3A_133 = tpu.memref_squeeze %dma_start3A_132 : memref<1x80xi32, #tpu.memory_space<vmem>> -> memref<80xi32, #tpu.memory_space<vmem>>
    %dma_start3A_134 = arith.constant 0 : i32
    %dma_start3A_135 = arith.constant 0 : i32
    %dma_start3A_136 = tpu.memref_slice %arg15[%dma_start3A_134, %dma_start3A_135] : memref<10000x128xf32, #tpu.memory_space<vmem_shared>> -> memref<10000x128xf32, #tpu.memory_space<vmem_shared>>
    tpu.enqueue_indirect_dma source(%arg13 : memref<80x128xf32, #tpu.memory_space<vmem>>) target(%dma_start3A_136 : memref<10000x128xf32, #tpu.memory_space<vmem_shared>>) offsets(%dma_start3A_133 : memref<80xi32, #tpu.memory_space<vmem>>) semaphore(%arg22 : memref<!tpu.dma_semaphore, #tpu.memory_space<semaphore_mem>>) {add = true}
    %dma_start3A_137 = arith.constant 23 : i32
    %dma_start3A_138 = arith.constant 0 : i32
    %dma_start3A_139 = tpu.memref_slice %arg10[%dma_start3A_137, %dma_start3A_138] : memref<25x80xi32, #tpu.memory_space<vmem>> -> memref<1x80xi32, #tpu.memory_space<vmem>>
    %dma_start3A_140 = tpu.memref_squeeze %dma_start3A_139 : memref<1x80xi32, #tpu.memory_space<vmem>> -> memref<80xi32, #tpu.memory_space<vmem>>
    %dma_start3A_141 = arith.constant 0 : i32
    %dma_start3A_142 = tpu.memref_slice %arg16[%dma_start3A_141] : memref<10000xf32, #tpu.memory_space<vmem_shared>> -> memref<10000xf32, #tpu.memory_space<vmem_shared>>
    tpu.enqueue_indirect_dma source(%arg14 : memref<80xf32, #tpu.memory_space<vmem>>) target(%dma_start3A_142 : memref<10000xf32, #tpu.memory_space<vmem_shared>>) offsets(%dma_start3A_140 : memref<80xi32, #tpu.memory_space<vmem>>) semaphore(%arg22 : memref<!tpu.dma_semaphore, #tpu.memory_space<semaphore_mem>>) {add = true}
    %dma_wait3A_143 = arith.constant 0 : i32
    %dma_wait3A_144 = arith.constant 0 : i32
    %dma_wait3A_145 = tpu.memref_slice %arg9[%dma_wait3A_143, %dma_wait3A_144] : memref<25x80xi32, #tpu.memory_space<vmem>> -> memref<1x80xi32, #tpu.memory_space<vmem>>
    %dma_wait3A_146 = tpu.memref_squeeze %dma_wait3A_145 : memref<1x80xi32, #tpu.memory_space<vmem>> -> memref<80xi32, #tpu.memory_space<vmem>>
    %dma_wait3A_147 = arith.constant 0 : i32
    %dma_wait3A_148 = arith.constant 0 : i32
    %dma_wait3A_149 = tpu.memref_slice %arg2[%dma_wait3A_147, %dma_wait3A_148] : memref<10000x128xf32, #tpu.memory_space<hbm>> -> memref<10000x128xf32, #tpu.memory_space<hbm>>
    tpu.wait_indirect_dma semaphore(%arg21 : memref<!tpu.dma_semaphore, #tpu.memory_space<semaphore_mem>>) src(%dma_wait3A_149 : memref<10000x128xf32, #tpu.memory_space<hbm>>) dst(%arg12 : memref<80x128xf32, #tpu.memory_space<vmem>>)
    %dma_wait3A_150 = arith.constant 0 : i32
    %dma_wait3A_151 = arith.constant 0 : i32
    %dma_wait3A_152 = tpu.memref_slice %arg9[%dma_wait3A_150, %dma_wait3A_151] : memref<25x80xi32, #tpu.memory_space<vmem>> -> memref<1x80xi32, #tpu.memory_space<vmem>>
    %dma_wait3A_153 = tpu.memref_squeeze %dma_wait3A_152 : memref<1x80xi32, #tpu.memory_space<vmem>> -> memref<80xi32, #tpu.memory_space<vmem>>
    %dma_wait3A_154 = arith.constant 0 : i32
    %dma_wait3A_155 = tpu.memref_slice %arg6[%dma_wait3A_154] : memref<10000xf32, #tpu.memory_space<hbm>> -> memref<10000xf32, #tpu.memory_space<hbm>>
    tpu.wait_indirect_dma semaphore(%arg21 : memref<!tpu.dma_semaphore, #tpu.memory_space<semaphore_mem>>) src(%dma_wait3A_155 : memref<10000xf32, #tpu.memory_space<hbm>>) dst(%arg14 : memref<80xf32, #tpu.memory_space<vmem>>)
    %dma_wait3A_156 = arith.constant 24 : i32
    %dma_wait3A_157 = arith.constant 0 : i32
    %dma_wait3A_158 = tpu.memref_slice %arg9[%dma_wait3A_156, %dma_wait3A_157] : memref<25x80xi32, #tpu.memory_space<vmem>> -> memref<1x80xi32, #tpu.memory_space<vmem>>
    %dma_wait3A_159 = tpu.memref_squeeze %dma_wait3A_158 : memref<1x80xi32, #tpu.memory_space<vmem>> -> memref<80xi32, #tpu.memory_space<vmem>>
    %dma_wait3A_160 = arith.constant 0 : i32
    %dma_wait3A_161 = arith.constant 0 : i32
    %dma_wait3A_162 = tpu.memref_slice %arg2[%dma_wait3A_160, %dma_wait3A_161] : memref<10000x128xf32, #tpu.memory_space<hbm>> -> memref<10000x128xf32, #tpu.memory_space<hbm>>
    tpu.wait_indirect_dma semaphore(%arg17 : memref<!tpu.dma_semaphore, #tpu.memory_space<semaphore_mem>>) src(%dma_wait3A_162 : memref<10000x128xf32, #tpu.memory_space<hbm>>) dst(%arg11 : memref<80x128xf32, #tpu.memory_space<vmem>>)
    %dma_start3A_163 = arith.constant 24 : i32
    %dma_start3A_164 = arith.constant 0 : i32
    %dma_start3A_165 = tpu.memref_slice %arg10[%dma_start3A_163, %dma_start3A_164] : memref<25x80xi32, #tpu.memory_space<vmem>> -> memref<1x80xi32, #tpu.memory_space<vmem>>
    %dma_start3A_166 = tpu.memref_squeeze %dma_start3A_165 : memref<1x80xi32, #tpu.memory_space<vmem>> -> memref<80xi32, #tpu.memory_space<vmem>>
    %dma_start3A_167 = arith.constant 0 : i32
    %dma_start3A_168 = arith.constant 0 : i32
    %dma_start3A_169 = tpu.memref_slice %arg15[%dma_start3A_167, %dma_start3A_168] : memref<10000x128xf32, #tpu.memory_space<vmem_shared>> -> memref<10000x128xf32, #tpu.memory_space<vmem_shared>>
    tpu.enqueue_indirect_dma source(%arg11 : memref<80x128xf32, #tpu.memory_space<vmem>>) target(%dma_start3A_169 : memref<10000x128xf32, #tpu.memory_space<vmem_shared>>) offsets(%dma_start3A_166 : memref<80xi32, #tpu.memory_space<vmem>>) semaphore(%arg20 : memref<!tpu.dma_semaphore, #tpu.memory_space<semaphore_mem>>) {add = true}
    %dma_start3A_170 = arith.constant 24 : i32
    %dma_start3A_171 = arith.constant 0 : i32
    %dma_start3A_172 = tpu.memref_slice %arg10[%dma_start3A_170, %dma_start3A_171] : memref<25x80xi32, #tpu.memory_space<vmem>> -> memref<1x80xi32, #tpu.memory_space<vmem>>
    %dma_start3A_173 = tpu.memref_squeeze %dma_start3A_172 : memref<1x80xi32, #tpu.memory_space<vmem>> -> memref<80xi32, #tpu.memory_space<vmem>>
    %dma_start3A_174 = arith.constant 0 : i32
    %dma_start3A_175 = tpu.memref_slice %arg16[%dma_start3A_174] : memref<10000xf32, #tpu.memory_space<vmem_shared>> -> memref<10000xf32, #tpu.memory_space<vmem_shared>>
    tpu.enqueue_indirect_dma source(%arg14 : memref<80xf32, #tpu.memory_space<vmem>>) target(%dma_start3A_175 : memref<10000xf32, #tpu.memory_space<vmem_shared>>) offsets(%dma_start3A_173 : memref<80xi32, #tpu.memory_space<vmem>>) semaphore(%arg20 : memref<!tpu.dma_semaphore, #tpu.memory_space<semaphore_mem>>) {add = true}
    %dma_wait3A_176 = arith.constant 0 : i32
    %dma_wait3A_177 = arith.constant 0 : i32
    %dma_wait3A_178 = tpu.memref_slice %arg9[%dma_wait3A_176, %dma_wait3A_177] : memref<25x80xi32, #tpu.memory_space<vmem>> -> memref<1x80xi32, #tpu.memory_space<vmem>>
    %dma_wait3A_179 = tpu.memref_squeeze %dma_wait3A_178 : memref<1x80xi32, #tpu.memory_space<vmem>> -> memref<80xi32, #tpu.memory_space<vmem>>
    %dma_wait3A_180 = arith.constant 0 : i32
    %dma_wait3A_181 = arith.constant 0 : i32
    %dma_wait3A_182 = tpu.memref_slice %arg2[%dma_wait3A_180, %dma_wait3A_181] : memref<10000x128xf32, #tpu.memory_space<hbm>> -> memref<10000x128xf32, #tpu.memory_space<hbm>>
    tpu.wait_indirect_dma semaphore(%arg22 : memref<!tpu.dma_semaphore, #tpu.memory_space<semaphore_mem>>) src(%dma_wait3A_182 : memref<10000x128xf32, #tpu.memory_space<hbm>>) dst(%arg13 : memref<80x128xf32, #tpu.memory_space<vmem>>)
    %dma_wait3A_183 = arith.constant 0 : i32
    %dma_wait3A_184 = arith.constant 0 : i32
    %dma_wait3A_185 = tpu.memref_slice %arg9[%dma_wait3A_183, %dma_wait3A_184] : memref<25x80xi32, #tpu.memory_space<vmem>> -> memref<1x80xi32, #tpu.memory_space<vmem>>
    %dma_wait3A_186 = tpu.memref_squeeze %dma_wait3A_185 : memref<1x80xi32, #tpu.memory_space<vmem>> -> memref<80xi32, #tpu.memory_space<vmem>>
    %dma_wait3A_187 = arith.constant 0 : i32
    %dma_wait3A_188 = tpu.memref_slice %arg6[%dma_wait3A_187] : memref<10000xf32, #tpu.memory_space<hbm>> -> memref<10000xf32, #tpu.memory_space<hbm>>
    tpu.wait_indirect_dma semaphore(%arg22 : memref<!tpu.dma_semaphore, #tpu.memory_space<semaphore_mem>>) src(%dma_wait3A_188 : memref<10000xf32, #tpu.memory_space<hbm>>) dst(%arg14 : memref<80xf32, #tpu.memory_space<vmem>>)
    %dma_wait3A_189 = arith.constant 0 : i32
    %dma_wait3A_190 = arith.constant 0 : i32
    %dma_wait3A_191 = tpu.memref_slice %arg9[%dma_wait3A_189, %dma_wait3A_190] : memref<25x80xi32, #tpu.memory_space<vmem>> -> memref<1x80xi32, #tpu.memory_space<vmem>>
    %dma_wait3A_192 = tpu.memref_squeeze %dma_wait3A_191 : memref<1x80xi32, #tpu.memory_space<vmem>> -> memref<80xi32, #tpu.memory_space<vmem>>
    %dma_wait3A_193 = arith.constant 0 : i32
    %dma_wait3A_194 = arith.constant 0 : i32
    %dma_wait3A_195 = tpu.memref_slice %arg2[%dma_wait3A_193, %dma_wait3A_194] : memref<10000x128xf32, #tpu.memory_space<hbm>> -> memref<10000x128xf32, #tpu.memory_space<hbm>>
    tpu.wait_indirect_dma semaphore(%arg20 : memref<!tpu.dma_semaphore, #tpu.memory_space<semaphore_mem>>) src(%dma_wait3A_195 : memref<10000x128xf32, #tpu.memory_space<hbm>>) dst(%arg11 : memref<80x128xf32, #tpu.memory_space<vmem>>)
    %dma_wait3A_196 = arith.constant 0 : i32
    %dma_wait3A_197 = arith.constant 0 : i32
    %dma_wait3A_198 = tpu.memref_slice %arg9[%dma_wait3A_196, %dma_wait3A_197] : memref<25x80xi32, #tpu.memory_space<vmem>> -> memref<1x80xi32, #tpu.memory_space<vmem>>
    %dma_wait3A_199 = tpu.memref_squeeze %dma_wait3A_198 : memref<1x80xi32, #tpu.memory_space<vmem>> -> memref<80xi32, #tpu.memory_space<vmem>>
    %dma_wait3A_200 = arith.constant 0 : i32
    %dma_wait3A_201 = tpu.memref_slice %arg6[%dma_wait3A_200] : memref<10000xf32, #tpu.memory_space<hbm>> -> memref<10000xf32, #tpu.memory_space<hbm>>
    tpu.wait_indirect_dma semaphore(%arg20 : memref<!tpu.dma_semaphore, #tpu.memory_space<semaphore_mem>>) src(%dma_wait3A_201 : memref<10000xf32, #tpu.memory_space<hbm>>) dst(%arg14 : memref<80xf32, #tpu.memory_space<vmem>>)
    %scan3A_202 = arith.constant 0 : i32
    %scan3A_203 = arith.constant 1 : i32
    %scan3A_204 = arith.constant 4 : i32
    %scan3A_205 = arith.addi %scan3A_203, %scan3A_204 : i32
    %scan3A_206 = arith.constant 1 : i32
    scf.for %scan3A_219 = %scan3A_203 to %scan3A_205 step %scan3A_206  : i32 {
      "tpu.region"() ({
        %run_scoped3A_386 = tpu.sem_alloc : memref<!tpu.dma_semaphore, #tpu.memory_space<semaphore_mem>>
        %dma_start3A_387 = arith.constant 0 : i32
        %dma_start3A_388 = arith.constant 0 : i32
        %dma_start3A_389 = tpu.memref_slice %arg3[%add3A, %scan3A_219, %dma_start3A_387, %dma_start3A_388] : memref<32x5x25x80xi32, #tpu.memory_space<hbm>> -> memref<1x1x25x80xi32, #tpu.memory_space<hbm>>
        %dma_start3A_390 = tpu.memref_squeeze %dma_start3A_389 : memref<1x1x25x80xi32, #tpu.memory_space<hbm>> -> memref<25x80xi32, #tpu.memory_space<hbm>>
        %dma_start3A_391 = arith.constant 0 : i32
        %dma_start3A_392 = arith.constant 0 : i32
        %dma_start3A_393 = tpu.memref_slice %arg3[%add3A, %scan3A_219, %dma_start3A_391, %dma_start3A_392] : memref<32x5x25x80xi32, #tpu.memory_space<hbm>> -> memref<1x1x25x80xi32, #tpu.memory_space<hbm>>
        %dma_start3A_394 = tpu.memref_squeeze %dma_start3A_393 : memref<1x1x25x80xi32, #tpu.memory_space<hbm>> -> memref<25x80xi32, #tpu.memory_space<hbm>>
        tpu.enqueue_dma source(%dma_start3A_394 : memref<25x80xi32, #tpu.memory_space<hbm>>) target(%arg9 : memref<25x80xi32, #tpu.memory_space<vmem>>) target_semaphore(%run_scoped3A_386 : memref<!tpu.dma_semaphore, #tpu.memory_space<semaphore_mem>>)
        %dma_wait3A_395 = arith.constant 0 : i32
        %dma_wait3A_396 = arith.constant 0 : i32
        %dma_wait3A_397 = tpu.memref_slice %arg3[%add3A, %scan3A_219, %dma_wait3A_395, %dma_wait3A_396] : memref<32x5x25x80xi32, #tpu.memory_space<hbm>> -> memref<1x1x25x80xi32, #tpu.memory_space<hbm>>
        %dma_wait3A_398 = tpu.memref_squeeze %dma_wait3A_397 : memref<1x1x25x80xi32, #tpu.memory_space<hbm>> -> memref<25x80xi32, #tpu.memory_space<hbm>>
        %dma_wait3A_399 = arith.constant 0 : i32
        %dma_wait3A_400 = arith.constant 0 : i32
        %dma_wait3A_401 = tpu.memref_slice %arg3[%add3A, %scan3A_219, %dma_wait3A_399, %dma_wait3A_400] : memref<32x5x25x80xi32, #tpu.memory_space<hbm>> -> memref<1x1x25x80xi32, #tpu.memory_space<hbm>>
        %dma_wait3A_402 = tpu.memref_squeeze %dma_wait3A_401 : memref<1x1x25x80xi32, #tpu.memory_space<hbm>> -> memref<25x80xi32, #tpu.memory_space<hbm>>
        tpu.wait_dma2 semaphore(%run_scoped3A_386 : memref<!tpu.dma_semaphore, #tpu.memory_space<semaphore_mem>>) src(%dma_wait3A_402 : memref<25x80xi32, #tpu.memory_space<hbm>>) dst(%arg9 : memref<25x80xi32, #tpu.memory_space<vmem>>)
        tpu.yield
      }) : () -> ()
      "tpu.region"() ({
        %run_scoped3A_386 = tpu.sem_alloc : memref<!tpu.dma_semaphore, #tpu.memory_space<semaphore_mem>>
        %dma_start3A_387 = arith.constant 0 : i32
        %dma_start3A_388 = arith.constant 0 : i32
        %dma_start3A_389 = tpu.memref_slice %arg4[%add3A, %scan3A_219, %dma_start3A_387, %dma_start3A_388] : memref<32x5x25x80xi32, #tpu.memory_space<hbm>> -> memref<1x1x25x80xi32, #tpu.memory_space<hbm>>
        %dma_start3A_390 = tpu.memref_squeeze %dma_start3A_389 : memref<1x1x25x80xi32, #tpu.memory_space<hbm>> -> memref<25x80xi32, #tpu.memory_space<hbm>>
        %dma_start3A_391 = arith.constant 0 : i32
        %dma_start3A_392 = arith.constant 0 : i32
        %dma_start3A_393 = tpu.memref_slice %arg4[%add3A, %scan3A_219, %dma_start3A_391, %dma_start3A_392] : memref<32x5x25x80xi32, #tpu.memory_space<hbm>> -> memref<1x1x25x80xi32, #tpu.memory_space<hbm>>
        %dma_start3A_394 = tpu.memref_squeeze %dma_start3A_393 : memref<1x1x25x80xi32, #tpu.memory_space<hbm>> -> memref<25x80xi32, #tpu.memory_space<hbm>>
        tpu.enqueue_dma source(%dma_start3A_394 : memref<25x80xi32, #tpu.memory_space<hbm>>) target(%arg10 : memref<25x80xi32, #tpu.memory_space<vmem>>) target_semaphore(%run_scoped3A_386 : memref<!tpu.dma_semaphore, #tpu.memory_space<semaphore_mem>>)
        %dma_wait3A_395 = arith.constant 0 : i32
        %dma_wait3A_396 = arith.constant 0 : i32
        %dma_wait3A_397 = tpu.memref_slice %arg4[%add3A, %scan3A_219, %dma_wait3A_395, %dma_wait3A_396] : memref<32x5x25x80xi32, #tpu.memory_space<hbm>> -> memref<1x1x25x80xi32, #tpu.memory_space<hbm>>
        %dma_wait3A_398 = tpu.memref_squeeze %dma_wait3A_397 : memref<1x1x25x80xi32, #tpu.memory_space<hbm>> -> memref<25x80xi32, #tpu.memory_space<hbm>>
        %dma_wait3A_399 = arith.constant 0 : i32
        %dma_wait3A_400 = arith.constant 0 : i32
        %dma_wait3A_401 = tpu.memref_slice %arg4[%add3A, %scan3A_219, %dma_wait3A_399, %dma_wait3A_400] : memref<32x5x25x80xi32, #tpu.memory_space<hbm>> -> memref<1x1x25x80xi32, #tpu.memory_space<hbm>>
        %dma_wait3A_402 = tpu.memref_squeeze %dma_wait3A_401 : memref<1x1x25x80xi32, #tpu.memory_space<hbm>> -> memref<25x80xi32, #tpu.memory_space<hbm>>
        tpu.wait_dma2 semaphore(%run_scoped3A_386 : memref<!tpu.dma_semaphore, #tpu.memory_space<semaphore_mem>>) src(%dma_wait3A_402 : memref<25x80xi32, #tpu.memory_space<hbm>>) dst(%arg10 : memref<25x80xi32, #tpu.memory_space<vmem>>)
        tpu.yield
      }) : () -> ()
      %dma_start3A_220 = arith.constant 0 : i32
      %dma_start3A_221 = arith.constant 0 : i32
      %dma_start3A_222 = tpu.memref_slice %arg9[%dma_start3A_220, %dma_start3A_221] : memref<25x80xi32, #tpu.memory_space<vmem>> -> memref<1x80xi32, #tpu.memory_space<vmem>>
      %dma_start3A_223 = tpu.memref_squeeze %dma_start3A_222 : memref<1x80xi32, #tpu.memory_space<vmem>> -> memref<80xi32, #tpu.memory_space<vmem>>
      %dma_start3A_224 = arith.constant 0 : i32
      %dma_start3A_225 = arith.constant 0 : i32
      %dma_start3A_226 = tpu.memref_slice %arg2[%dma_start3A_224, %dma_start3A_225] : memref<10000x128xf32, #tpu.memory_space<hbm>> -> memref<10000x128xf32, #tpu.memory_space<hbm>>
      tpu.enqueue_indirect_dma source(%dma_start3A_226 : memref<10000x128xf32, #tpu.memory_space<hbm>>) target(%arg11 : memref<80x128xf32, #tpu.memory_space<vmem>>) offsets(%dma_start3A_223 : memref<80xi32, #tpu.memory_space<vmem>>) semaphore(%arg17 : memref<!tpu.dma_semaphore, #tpu.memory_space<semaphore_mem>>)
      %dma_start3A_227 = arith.constant 1 : i32
      %dma_start3A_228 = arith.constant 0 : i32
      %dma_start3A_229 = tpu.memref_slice %arg9[%dma_start3A_227, %dma_start3A_228] : memref<25x80xi32, #tpu.memory_space<vmem>> -> memref<1x80xi32, #tpu.memory_space<vmem>>
      %dma_start3A_230 = tpu.memref_squeeze %dma_start3A_229 : memref<1x80xi32, #tpu.memory_space<vmem>> -> memref<80xi32, #tpu.memory_space<vmem>>
      %dma_start3A_231 = arith.constant 0 : i32
      %dma_start3A_232 = arith.constant 0 : i32
      %dma_start3A_233 = tpu.memref_slice %arg2[%dma_start3A_231, %dma_start3A_232] : memref<10000x128xf32, #tpu.memory_space<hbm>> -> memref<10000x128xf32, #tpu.memory_space<hbm>>
      tpu.enqueue_indirect_dma source(%dma_start3A_233 : memref<10000x128xf32, #tpu.memory_space<hbm>>) target(%arg12 : memref<80x128xf32, #tpu.memory_space<vmem>>) offsets(%dma_start3A_230 : memref<80xi32, #tpu.memory_space<vmem>>) semaphore(%arg18 : memref<!tpu.dma_semaphore, #tpu.memory_space<semaphore_mem>>)
      %dma_wait3A_234 = arith.constant 0 : i32
      %dma_wait3A_235 = arith.constant 0 : i32
      %dma_wait3A_236 = tpu.memref_slice %arg9[%dma_wait3A_234, %dma_wait3A_235] : memref<25x80xi32, #tpu.memory_space<vmem>> -> memref<1x80xi32, #tpu.memory_space<vmem>>
      %dma_wait3A_237 = tpu.memref_squeeze %dma_wait3A_236 : memref<1x80xi32, #tpu.memory_space<vmem>> -> memref<80xi32, #tpu.memory_space<vmem>>
      %dma_wait3A_238 = arith.constant 0 : i32
      %dma_wait3A_239 = arith.constant 0 : i32
      %dma_wait3A_240 = tpu.memref_slice %arg2[%dma_wait3A_238, %dma_wait3A_239] : memref<10000x128xf32, #tpu.memory_space<hbm>> -> memref<10000x128xf32, #tpu.memory_space<hbm>>
      tpu.wait_indirect_dma semaphore(%arg17 : memref<!tpu.dma_semaphore, #tpu.memory_space<semaphore_mem>>) src(%dma_wait3A_240 : memref<10000x128xf32, #tpu.memory_space<hbm>>) dst(%arg11 : memref<80x128xf32, #tpu.memory_space<vmem>>)
      %dma_start3A_241 = arith.constant 0 : i32
      %dma_start3A_242 = arith.constant 0 : i32
      %dma_start3A_243 = tpu.memref_slice %arg10[%dma_start3A_241, %dma_start3A_242] : memref<25x80xi32, #tpu.memory_space<vmem>> -> memref<1x80xi32, #tpu.memory_space<vmem>>
      %dma_start3A_244 = tpu.memref_squeeze %dma_start3A_243 : memref<1x80xi32, #tpu.memory_space<vmem>> -> memref<80xi32, #tpu.memory_space<vmem>>
      %dma_start3A_245 = arith.constant 0 : i32
      %dma_start3A_246 = arith.constant 0 : i32
      %dma_start3A_247 = tpu.memref_slice %arg15[%dma_start3A_245, %dma_start3A_246] : memref<10000x128xf32, #tpu.memory_space<vmem_shared>> -> memref<10000x128xf32, #tpu.memory_space<vmem_shared>>
      tpu.enqueue_indirect_dma source(%arg11 : memref<80x128xf32, #tpu.memory_space<vmem>>) target(%dma_start3A_247 : memref<10000x128xf32, #tpu.memory_space<vmem_shared>>) offsets(%dma_start3A_244 : memref<80xi32, #tpu.memory_space<vmem>>) semaphore(%arg20 : memref<!tpu.dma_semaphore, #tpu.memory_space<semaphore_mem>>) {add = true}
      %dma_start3A_248 = arith.constant 0 : i32
      %dma_start3A_249 = arith.constant 0 : i32
      %dma_start3A_250 = tpu.memref_slice %arg10[%dma_start3A_248, %dma_start3A_249] : memref<25x80xi32, #tpu.memory_space<vmem>> -> memref<1x80xi32, #tpu.memory_space<vmem>>
      %dma_start3A_251 = tpu.memref_squeeze %dma_start3A_250 : memref<1x80xi32, #tpu.memory_space<vmem>> -> memref<80xi32, #tpu.memory_space<vmem>>
      %dma_start3A_252 = arith.constant 0 : i32
      %dma_start3A_253 = tpu.memref_slice %arg16[%dma_start3A_252] : memref<10000xf32, #tpu.memory_space<vmem_shared>> -> memref<10000xf32, #tpu.memory_space<vmem_shared>>
      tpu.enqueue_indirect_dma source(%arg14 : memref<80xf32, #tpu.memory_space<vmem>>) target(%dma_start3A_253 : memref<10000xf32, #tpu.memory_space<vmem_shared>>) offsets(%dma_start3A_251 : memref<80xi32, #tpu.memory_space<vmem>>) semaphore(%arg20 : memref<!tpu.dma_semaphore, #tpu.memory_space<semaphore_mem>>) {add = true}
      %dma_start3A_254 = arith.constant 2 : i32
      %dma_start3A_255 = arith.constant 0 : i32
      %dma_start3A_256 = tpu.memref_slice %arg9[%dma_start3A_254, %dma_start3A_255] : memref<25x80xi32, #tpu.memory_space<vmem>> -> memref<1x80xi32, #tpu.memory_space<vmem>>
      %dma_start3A_257 = tpu.memref_squeeze %dma_start3A_256 : memref<1x80xi32, #tpu.memory_space<vmem>> -> memref<80xi32, #tpu.memory_space<vmem>>
      %dma_start3A_258 = arith.constant 0 : i32
      %dma_start3A_259 = arith.constant 0 : i32
      %dma_start3A_260 = tpu.memref_slice %arg2[%dma_start3A_258, %dma_start3A_259] : memref<10000x128xf32, #tpu.memory_space<hbm>> -> memref<10000x128xf32, #tpu.memory_space<hbm>>
      tpu.enqueue_indirect_dma source(%dma_start3A_260 : memref<10000x128xf32, #tpu.memory_space<hbm>>) target(%arg13 : memref<80x128xf32, #tpu.memory_space<vmem>>) offsets(%dma_start3A_257 : memref<80xi32, #tpu.memory_space<vmem>>) semaphore(%arg19 : memref<!tpu.dma_semaphore, #tpu.memory_space<semaphore_mem>>)
      %dma_wait3A_261 = arith.constant 1 : i32
      %dma_wait3A_262 = arith.constant 0 : i32
      %dma_wait3A_263 = tpu.memref_slice %arg9[%dma_wait3A_261, %dma_wait3A_262] : memref<25x80xi32, #tpu.memory_space<vmem>> -> memref<1x80xi32, #tpu.memory_space<vmem>>
      %dma_wait3A_264 = tpu.memref_squeeze %dma_wait3A_263 : memref<1x80xi32, #tpu.memory_space<vmem>> -> memref<80xi32, #tpu.memory_space<vmem>>
      %dma_wait3A_265 = arith.constant 0 : i32
      %dma_wait3A_266 = arith.constant 0 : i32
      %dma_wait3A_267 = tpu.memref_slice %arg2[%dma_wait3A_265, %dma_wait3A_266] : memref<10000x128xf32, #tpu.memory_space<hbm>> -> memref<10000x128xf32, #tpu.memory_space<hbm>>
      tpu.wait_indirect_dma semaphore(%arg18 : memref<!tpu.dma_semaphore, #tpu.memory_space<semaphore_mem>>) src(%dma_wait3A_267 : memref<10000x128xf32, #tpu.memory_space<hbm>>) dst(%arg12 : memref<80x128xf32, #tpu.memory_space<vmem>>)
      %dma_start3A_268 = arith.constant 1 : i32
      %dma_start3A_269 = arith.constant 0 : i32
      %dma_start3A_270 = tpu.memref_slice %arg10[%dma_start3A_268, %dma_start3A_269] : memref<25x80xi32, #tpu.memory_space<vmem>> -> memref<1x80xi32, #tpu.memory_space<vmem>>
      %dma_start3A_271 = tpu.memref_squeeze %dma_start3A_270 : memref<1x80xi32, #tpu.memory_space<vmem>> -> memref<80xi32, #tpu.memory_space<vmem>>
      %dma_start3A_272 = arith.constant 0 : i32
      %dma_start3A_273 = arith.constant 0 : i32
      %dma_start3A_274 = tpu.memref_slice %arg15[%dma_start3A_272, %dma_start3A_273] : memref<10000x128xf32, #tpu.memory_space<vmem_shared>> -> memref<10000x128xf32, #tpu.memory_space<vmem_shared>>
      tpu.enqueue_indirect_dma source(%arg12 : memref<80x128xf32, #tpu.memory_space<vmem>>) target(%dma_start3A_274 : memref<10000x128xf32, #tpu.memory_space<vmem_shared>>) offsets(%dma_start3A_271 : memref<80xi32, #tpu.memory_space<vmem>>) semaphore(%arg21 : memref<!tpu.dma_semaphore, #tpu.memory_space<semaphore_mem>>) {add = true}
      %dma_start3A_275 = arith.constant 1 : i32
      %dma_start3A_276 = arith.constant 0 : i32
      %dma_start3A_277 = tpu.memref_slice %arg10[%dma_start3A_275, %dma_start3A_276] : memref<25x80xi32, #tpu.memory_space<vmem>> -> memref<1x80xi32, #tpu.memory_space<vmem>>
      %dma_start3A_278 = tpu.memref_squeeze %dma_start3A_277 : memref<1x80xi32, #tpu.memory_space<vmem>> -> memref<80xi32, #tpu.memory_space<vmem>>
      %dma_start3A_279 = arith.constant 0 : i32
      %dma_start3A_280 = tpu.memref_slice %arg16[%dma_start3A_279] : memref<10000xf32, #tpu.memory_space<vmem_shared>> -> memref<10000xf32, #tpu.memory_space<vmem_shared>>
      tpu.enqueue_indirect_dma source(%arg14 : memref<80xf32, #tpu.memory_space<vmem>>) target(%dma_start3A_280 : memref<10000xf32, #tpu.memory_space<vmem_shared>>) offsets(%dma_start3A_278 : memref<80xi32, #tpu.memory_space<vmem>>) semaphore(%arg21 : memref<!tpu.dma_semaphore, #tpu.memory_space<semaphore_mem>>) {add = true}
      %dma_wait3A_281 = arith.constant 0 : i32
      %dma_wait3A_282 = arith.constant 0 : i32
      %dma_wait3A_283 = tpu.memref_slice %arg9[%dma_wait3A_281, %dma_wait3A_282] : memref<25x80xi32, #tpu.memory_space<vmem>> -> memref<1x80xi32, #tpu.memory_space<vmem>>
      %dma_wait3A_284 = tpu.memref_squeeze %dma_wait3A_283 : memref<1x80xi32, #tpu.memory_space<vmem>> -> memref<80xi32, #tpu.memory_space<vmem>>
      %dma_wait3A_285 = arith.constant 0 : i32
      %dma_wait3A_286 = arith.constant 0 : i32
      %dma_wait3A_287 = tpu.memref_slice %arg2[%dma_wait3A_285, %dma_wait3A_286] : memref<10000x128xf32, #tpu.memory_space<hbm>> -> memref<10000x128xf32, #tpu.memory_space<hbm>>
      tpu.wait_indirect_dma semaphore(%arg20 : memref<!tpu.dma_semaphore, #tpu.memory_space<semaphore_mem>>) src(%dma_wait3A_287 : memref<10000x128xf32, #tpu.memory_space<hbm>>) dst(%arg11 : memref<80x128xf32, #tpu.memory_space<vmem>>)
      %dma_wait3A_288 = arith.constant 0 : i32
      %dma_wait3A_289 = arith.constant 0 : i32
      %dma_wait3A_290 = tpu.memref_slice %arg9[%dma_wait3A_288, %dma_wait3A_289] : memref<25x80xi32, #tpu.memory_space<vmem>> -> memref<1x80xi32, #tpu.memory_space<vmem>>
      %dma_wait3A_291 = tpu.memref_squeeze %dma_wait3A_290 : memref<1x80xi32, #tpu.memory_space<vmem>> -> memref<80xi32, #tpu.memory_space<vmem>>
      %dma_wait3A_292 = arith.constant 0 : i32
      %dma_wait3A_293 = tpu.memref_slice %arg6[%dma_wait3A_292] : memref<10000xf32, #tpu.memory_space<hbm>> -> memref<10000xf32, #tpu.memory_space<hbm>>
      tpu.wait_indirect_dma semaphore(%arg20 : memref<!tpu.dma_semaphore, #tpu.memory_space<semaphore_mem>>) src(%dma_wait3A_293 : memref<10000xf32, #tpu.memory_space<hbm>>) dst(%arg14 : memref<80xf32, #tpu.memory_space<vmem>>)
      %dma_start3A_294 = arith.constant 3 : i32
      %dma_start3A_295 = arith.constant 0 : i32
      %dma_start3A_296 = tpu.memref_slice %arg9[%dma_start3A_294, %dma_start3A_295] : memref<25x80xi32, #tpu.memory_space<vmem>> -> memref<1x80xi32, #tpu.memory_space<vmem>>
      %dma_start3A_297 = tpu.memref_squeeze %dma_start3A_296 : memref<1x80xi32, #tpu.memory_space<vmem>> -> memref<80xi32, #tpu.memory_space<vmem>>
      %dma_start3A_298 = arith.constant 0 : i32
      %dma_start3A_299 = arith.constant 0 : i32
      %dma_start3A_300 = tpu.memref_slice %arg2[%dma_start3A_298, %dma_start3A_299] : memref<10000x128xf32, #tpu.memory_space<hbm>> -> memref<10000x128xf32, #tpu.memory_space<hbm>>
      tpu.enqueue_indirect_dma source(%dma_start3A_300 : memref<10000x128xf32, #tpu.memory_space<hbm>>) target(%arg11 : memref<80x128xf32, #tpu.memory_space<vmem>>) offsets(%dma_start3A_297 : memref<80xi32, #tpu.memory_space<vmem>>) semaphore(%arg17 : memref<!tpu.dma_semaphore, #tpu.memory_space<semaphore_mem>>)
      %scan3A_301 = arith.constant 0 : i32
      %scan3A_302 = arith.constant 0 : i32
      %scan3A_303 = arith.constant 7 : i32
      %scan3A_304 = arith.addi %scan3A_302, %scan3A_303 : i32
      %scan3A_305 = arith.constant 1 : i32
      scf.for %scan3A_386 = %scan3A_302 to %scan3A_304 step %scan3A_305  : i32 {
        %mul3A_387 = arith.constant 3 : i32
        %mul3A_388 = arith.muli %mul3A_387, %scan3A_386 : i32
        %add3A_389 = arith.constant 2 : i32
        %add3A_390 = arith.addi %mul3A_388, %add3A_389 : i32
        %add3A_391 = arith.constant 0 : i32
        %add3A_392 = arith.addi %add3A_390, %add3A_391 : i32
        %dma_wait3A_393 = arith.constant 0 : i32
        %dma_wait3A_394 = tpu.memref_slice %arg9[%add3A_392, %dma_wait3A_393] : memref<25x80xi32, #tpu.memory_space<vmem>> -> memref<1x80xi32, #tpu.memory_space<vmem>>
        %dma_wait3A_395 = tpu.memref_squeeze %dma_wait3A_394 : memref<1x80xi32, #tpu.memory_space<vmem>> -> memref<80xi32, #tpu.memory_space<vmem>>
        %dma_wait3A_396 = arith.constant 0 : i32
        %dma_wait3A_397 = arith.constant 0 : i32
        %dma_wait3A_398 = tpu.memref_slice %arg2[%dma_wait3A_396, %dma_wait3A_397] : memref<10000x128xf32, #tpu.memory_space<hbm>> -> memref<10000x128xf32, #tpu.memory_space<hbm>>
        tpu.wait_indirect_dma semaphore(%arg19 : memref<!tpu.dma_semaphore, #tpu.memory_space<semaphore_mem>>) src(%dma_wait3A_398 : memref<10000x128xf32, #tpu.memory_space<hbm>>) dst(%arg13 : memref<80x128xf32, #tpu.memory_space<vmem>>)
        %dma_start3A_399 = arith.constant 0 : i32
        %dma_start3A_400 = tpu.memref_slice %arg10[%add3A_392, %dma_start3A_399] : memref<25x80xi32, #tpu.memory_space<vmem>> -> memref<1x80xi32, #tpu.memory_space<vmem>>
        %dma_start3A_401 = tpu.memref_squeeze %dma_start3A_400 : memref<1x80xi32, #tpu.memory_space<vmem>> -> memref<80xi32, #tpu.memory_space<vmem>>
        %dma_start3A_402 = arith.constant 0 : i32
        %dma_start3A_403 = arith.constant 0 : i32
        %dma_start3A_404 = tpu.memref_slice %arg15[%dma_start3A_402, %dma_start3A_403] : memref<10000x128xf32, #tpu.memory_space<vmem_shared>> -> memref<10000x128xf32, #tpu.memory_space<vmem_shared>>
        tpu.enqueue_indirect_dma source(%arg13 : memref<80x128xf32, #tpu.memory_space<vmem>>) target(%dma_start3A_404 : memref<10000x128xf32, #tpu.memory_space<vmem_shared>>) offsets(%dma_start3A_401 : memref<80xi32, #tpu.memory_space<vmem>>) semaphore(%arg22 : memref<!tpu.dma_semaphore, #tpu.memory_space<semaphore_mem>>) {add = true}
        %dma_start3A_405 = arith.constant 0 : i32
        %dma_start3A_406 = tpu.memref_slice %arg10[%add3A_392, %dma_start3A_405] : memref<25x80xi32, #tpu.memory_space<vmem>> -> memref<1x80xi32, #tpu.memory_space<vmem>>
        %dma_start3A_407 = tpu.memref_squeeze %dma_start3A_406 : memref<1x80xi32, #tpu.memory_space<vmem>> -> memref<80xi32, #tpu.memory_space<vmem>>
        %dma_start3A_408 = arith.constant 0 : i32
        %dma_start3A_409 = tpu.memref_slice %arg16[%dma_start3A_408] : memref<10000xf32, #tpu.memory_space<vmem_shared>> -> memref<10000xf32, #tpu.memory_space<vmem_shared>>
        tpu.enqueue_indirect_dma source(%arg14 : memref<80xf32, #tpu.memory_space<vmem>>) target(%dma_start3A_409 : memref<10000xf32, #tpu.memory_space<vmem_shared>>) offsets(%dma_start3A_407 : memref<80xi32, #tpu.memory_space<vmem>>) semaphore(%arg22 : memref<!tpu.dma_semaphore, #tpu.memory_space<semaphore_mem>>) {add = true}
        %dma_wait3A_410 = arith.constant 0 : i32
        %dma_wait3A_411 = arith.constant 0 : i32
        %dma_wait3A_412 = tpu.memref_slice %arg9[%dma_wait3A_410, %dma_wait3A_411] : memref<25x80xi32, #tpu.memory_space<vmem>> -> memref<1x80xi32, #tpu.memory_space<vmem>>
        %dma_wait3A_413 = tpu.memref_squeeze %dma_wait3A_412 : memref<1x80xi32, #tpu.memory_space<vmem>> -> memref<80xi32, #tpu.memory_space<vmem>>
        %dma_wait3A_414 = arith.constant 0 : i32
        %dma_wait3A_415 = arith.constant 0 : i32
        %dma_wait3A_416 = tpu.memref_slice %arg2[%dma_wait3A_414, %dma_wait3A_415] : memref<10000x128xf32, #tpu.memory_space<hbm>> -> memref<10000x128xf32, #tpu.memory_space<hbm>>
        tpu.wait_indirect_dma semaphore(%arg21 : memref<!tpu.dma_semaphore, #tpu.memory_space<semaphore_mem>>) src(%dma_wait3A_416 : memref<10000x128xf32, #tpu.memory_space<hbm>>) dst(%arg12 : memref<80x128xf32, #tpu.memory_space<vmem>>)
        %dma_wait3A_417 = arith.constant 0 : i32
        %dma_wait3A_418 = arith.constant 0 : i32
        %dma_wait3A_419 = tpu.memref_slice %arg9[%dma_wait3A_417, %dma_wait3A_418] : memref<25x80xi32, #tpu.memory_space<vmem>> -> memref<1x80xi32, #tpu.memory_space<vmem>>
        %dma_wait3A_420 = tpu.memref_squeeze %dma_wait3A_419 : memref<1x80xi32, #tpu.memory_space<vmem>> -> memref<80xi32, #tpu.memory_space<vmem>>
        %dma_wait3A_421 = arith.constant 0 : i32
        %dma_wait3A_422 = tpu.memref_slice %arg6[%dma_wait3A_421] : memref<10000xf32, #tpu.memory_space<hbm>> -> memref<10000xf32, #tpu.memory_space<hbm>>
        tpu.wait_indirect_dma semaphore(%arg21 : memref<!tpu.dma_semaphore, #tpu.memory_space<semaphore_mem>>) src(%dma_wait3A_422 : memref<10000xf32, #tpu.memory_space<hbm>>) dst(%arg14 : memref<80xf32, #tpu.memory_space<vmem>>)
        %add3A_423 = arith.constant 2 : i32
        %add3A_424 = arith.addi %add3A_392, %add3A_423 : i32
        %lt3A = arith.constant 25 : i32
        %lt3A_425 = arith.cmpi slt, %add3A_424, %lt3A : i32
        %convert_element_type3A_426 = arith.extui %lt3A_425 : i1 to i32
        %cond3A_427 = arith.constant 0 : i32
        %cond3A_428 = arith.cmpi ne, %convert_element_type3A_426, %cond3A_427 : i32
        scf.if %cond3A_428 {
          %add3A_507 = arith.constant 2 : i32
          %add3A_508 = arith.addi %add3A_392, %add3A_507 : i32
          %dma_start3A_509 = arith.constant 0 : i32
          %dma_start3A_510 = tpu.memref_slice %arg9[%add3A_508, %dma_start3A_509] : memref<25x80xi32, #tpu.memory_space<vmem>> -> memref<1x80xi32, #tpu.memory_space<vmem>>
          %dma_start3A_511 = tpu.memref_squeeze %dma_start3A_510 : memref<1x80xi32, #tpu.memory_space<vmem>> -> memref<80xi32, #tpu.memory_space<vmem>>
          %dma_start3A_512 = arith.constant 0 : i32
          %dma_start3A_513 = arith.constant 0 : i32
          %dma_start3A_514 = tpu.memref_slice %arg2[%dma_start3A_512, %dma_start3A_513] : memref<10000x128xf32, #tpu.memory_space<hbm>> -> memref<10000x128xf32, #tpu.memory_space<hbm>>
          tpu.enqueue_indirect_dma source(%dma_start3A_514 : memref<10000x128xf32, #tpu.memory_space<hbm>>) target(%arg12 : memref<80x128xf32, #tpu.memory_space<vmem>>) offsets(%dma_start3A_511 : memref<80xi32, #tpu.memory_space<vmem>>) semaphore(%arg18 : memref<!tpu.dma_semaphore, #tpu.memory_space<semaphore_mem>>)
        } else {
        }
        %add3A_429 = arith.constant 1 : i32
        %add3A_430 = arith.addi %add3A_390, %add3A_429 : i32
        %dma_wait3A_431 = arith.constant 0 : i32
        %dma_wait3A_432 = tpu.memref_slice %arg9[%add3A_430, %dma_wait3A_431] : memref<25x80xi32, #tpu.memory_space<vmem>> -> memref<1x80xi32, #tpu.memory_space<vmem>>
        %dma_wait3A_433 = tpu.memref_squeeze %dma_wait3A_432 : memref<1x80xi32, #tpu.memory_space<vmem>> -> memref<80xi32, #tpu.memory_space<vmem>>
        %dma_wait3A_434 = arith.constant 0 : i32
        %dma_wait3A_435 = arith.constant 0 : i32
        %dma_wait3A_436 = tpu.memref_slice %arg2[%dma_wait3A_434, %dma_wait3A_435] : memref<10000x128xf32, #tpu.memory_space<hbm>> -> memref<10000x128xf32, #tpu.memory_space<hbm>>
        tpu.wait_indirect_dma semaphore(%arg17 : memref<!tpu.dma_semaphore, #tpu.memory_space<semaphore_mem>>) src(%dma_wait3A_436 : memref<10000x128xf32, #tpu.memory_space<hbm>>) dst(%arg11 : memref<80x128xf32, #tpu.memory_space<vmem>>)
        %dma_start3A_437 = arith.constant 0 : i32
        %dma_start3A_438 = tpu.memref_slice %arg10[%add3A_430, %dma_start3A_437] : memref<25x80xi32, #tpu.memory_space<vmem>> -> memref<1x80xi32, #tpu.memory_space<vmem>>
        %dma_start3A_439 = tpu.memref_squeeze %dma_start3A_438 : memref<1x80xi32, #tpu.memory_space<vmem>> -> memref<80xi32, #tpu.memory_space<vmem>>
        %dma_start3A_440 = arith.constant 0 : i32
        %dma_start3A_441 = arith.constant 0 : i32
        %dma_start3A_442 = tpu.memref_slice %arg15[%dma_start3A_440, %dma_start3A_441] : memref<10000x128xf32, #tpu.memory_space<vmem_shared>> -> memref<10000x128xf32, #tpu.memory_space<vmem_shared>>
        tpu.enqueue_indirect_dma source(%arg11 : memref<80x128xf32, #tpu.memory_space<vmem>>) target(%dma_start3A_442 : memref<10000x128xf32, #tpu.memory_space<vmem_shared>>) offsets(%dma_start3A_439 : memref<80xi32, #tpu.memory_space<vmem>>) semaphore(%arg20 : memref<!tpu.dma_semaphore, #tpu.memory_space<semaphore_mem>>) {add = true}
        %dma_start3A_443 = arith.constant 0 : i32
        %dma_start3A_444 = tpu.memref_slice %arg10[%add3A_430, %dma_start3A_443] : memref<25x80xi32, #tpu.memory_space<vmem>> -> memref<1x80xi32, #tpu.memory_space<vmem>>
        %dma_start3A_445 = tpu.memref_squeeze %dma_start3A_444 : memref<1x80xi32, #tpu.memory_space<vmem>> -> memref<80xi32, #tpu.memory_space<vmem>>
        %dma_start3A_446 = arith.constant 0 : i32
        %dma_start3A_447 = tpu.memref_slice %arg16[%dma_start3A_446] : memref<10000xf32, #tpu.memory_space<vmem_shared>> -> memref<10000xf32, #tpu.memory_space<vmem_shared>>
        tpu.enqueue_indirect_dma source(%arg14 : memref<80xf32, #tpu.memory_space<vmem>>) target(%dma_start3A_447 : memref<10000xf32, #tpu.memory_space<vmem_shared>>) offsets(%dma_start3A_445 : memref<80xi32, #tpu.memory_space<vmem>>) semaphore(%arg20 : memref<!tpu.dma_semaphore, #tpu.memory_space<semaphore_mem>>) {add = true}
        %dma_wait3A_448 = arith.constant 0 : i32
        %dma_wait3A_449 = arith.constant 0 : i32
        %dma_wait3A_450 = tpu.memref_slice %arg9[%dma_wait3A_448, %dma_wait3A_449] : memref<25x80xi32, #tpu.memory_space<vmem>> -> memref<1x80xi32, #tpu.memory_space<vmem>>
        %dma_wait3A_451 = tpu.memref_squeeze %dma_wait3A_450 : memref<1x80xi32, #tpu.memory_space<vmem>> -> memref<80xi32, #tpu.memory_space<vmem>>
        %dma_wait3A_452 = arith.constant 0 : i32
        %dma_wait3A_453 = arith.constant 0 : i32
        %dma_wait3A_454 = tpu.memref_slice %arg2[%dma_wait3A_452, %dma_wait3A_453] : memref<10000x128xf32, #tpu.memory_space<hbm>> -> memref<10000x128xf32, #tpu.memory_space<hbm>>
        tpu.wait_indirect_dma semaphore(%arg22 : memref<!tpu.dma_semaphore, #tpu.memory_space<semaphore_mem>>) src(%dma_wait3A_454 : memref<10000x128xf32, #tpu.memory_space<hbm>>) dst(%arg13 : memref<80x128xf32, #tpu.memory_space<vmem>>)
        %dma_wait3A_455 = arith.constant 0 : i32
        %dma_wait3A_456 = arith.constant 0 : i32
        %dma_wait3A_457 = tpu.memref_slice %arg9[%dma_wait3A_455, %dma_wait3A_456] : memref<25x80xi32, #tpu.memory_space<vmem>> -> memref<1x80xi32, #tpu.memory_space<vmem>>
        %dma_wait3A_458 = tpu.memref_squeeze %dma_wait3A_457 : memref<1x80xi32, #tpu.memory_space<vmem>> -> memref<80xi32, #tpu.memory_space<vmem>>
        %dma_wait3A_459 = arith.constant 0 : i32
        %dma_wait3A_460 = tpu.memref_slice %arg6[%dma_wait3A_459] : memref<10000xf32, #tpu.memory_space<hbm>> -> memref<10000xf32, #tpu.memory_space<hbm>>
        tpu.wait_indirect_dma semaphore(%arg22 : memref<!tpu.dma_semaphore, #tpu.memory_space<semaphore_mem>>) src(%dma_wait3A_460 : memref<10000xf32, #tpu.memory_space<hbm>>) dst(%arg14 : memref<80xf32, #tpu.memory_space<vmem>>)
        %add3A_461 = arith.constant 2 : i32
        %add3A_462 = arith.addi %add3A_430, %add3A_461 : i32
        %lt3A_463 = arith.constant 25 : i32
        %lt3A_464 = arith.cmpi slt, %add3A_462, %lt3A_463 : i32
        %convert_element_type3A_465 = arith.extui %lt3A_464 : i1 to i32
        %cond3A_466 = arith.constant 0 : i32
        %cond3A_467 = arith.cmpi ne, %convert_element_type3A_465, %cond3A_466 : i32
        scf.if %cond3A_467 {
          %add3A_507 = arith.constant 2 : i32
          %add3A_508 = arith.addi %add3A_430, %add3A_507 : i32
          %dma_start3A_509 = arith.constant 0 : i32
          %dma_start3A_510 = tpu.memref_slice %arg9[%add3A_508, %dma_start3A_509] : memref<25x80xi32, #tpu.memory_space<vmem>> -> memref<1x80xi32, #tpu.memory_space<vmem>>
          %dma_start3A_511 = tpu.memref_squeeze %dma_start3A_510 : memref<1x80xi32, #tpu.memory_space<vmem>> -> memref<80xi32, #tpu.memory_space<vmem>>
          %dma_start3A_512 = arith.constant 0 : i32
          %dma_start3A_513 = arith.constant 0 : i32
          %dma_start3A_514 = tpu.memref_slice %arg2[%dma_start3A_512, %dma_start3A_513] : memref<10000x128xf32, #tpu.memory_space<hbm>> -> memref<10000x128xf32, #tpu.memory_space<hbm>>
          tpu.enqueue_indirect_dma source(%dma_start3A_514 : memref<10000x128xf32, #tpu.memory_space<hbm>>) target(%arg13 : memref<80x128xf32, #tpu.memory_space<vmem>>) offsets(%dma_start3A_511 : memref<80xi32, #tpu.memory_space<vmem>>) semaphore(%arg19 : memref<!tpu.dma_semaphore, #tpu.memory_space<semaphore_mem>>)
        } else {
        }
        %add3A_468 = arith.constant 2 : i32
        %add3A_469 = arith.addi %add3A_390, %add3A_468 : i32
        %dma_wait3A_470 = arith.constant 0 : i32
        %dma_wait3A_471 = tpu.memref_slice %arg9[%add3A_469, %dma_wait3A_470] : memref<25x80xi32, #tpu.memory_space<vmem>> -> memref<1x80xi32, #tpu.memory_space<vmem>>
        %dma_wait3A_472 = tpu.memref_squeeze %dma_wait3A_471 : memref<1x80xi32, #tpu.memory_space<vmem>> -> memref<80xi32, #tpu.memory_space<vmem>>
        %dma_wait3A_473 = arith.constant 0 : i32
        %dma_wait3A_474 = arith.constant 0 : i32
        %dma_wait3A_475 = tpu.memref_slice %arg2[%dma_wait3A_473, %dma_wait3A_474] : memref<10000x128xf32, #tpu.memory_space<hbm>> -> memref<10000x128xf32, #tpu.memory_space<hbm>>
        tpu.wait_indirect_dma semaphore(%arg18 : memref<!tpu.dma_semaphore, #tpu.memory_space<semaphore_mem>>) src(%dma_wait3A_475 : memref<10000x128xf32, #tpu.memory_space<hbm>>) dst(%arg12 : memref<80x128xf32, #tpu.memory_space<vmem>>)
        %dma_start3A_476 = arith.constant 0 : i32
        %dma_start3A_477 = tpu.memref_slice %arg10[%add3A_469, %dma_start3A_476] : memref<25x80xi32, #tpu.memory_space<vmem>> -> memref<1x80xi32, #tpu.memory_space<vmem>>
        %dma_start3A_478 = tpu.memref_squeeze %dma_start3A_477 : memref<1x80xi32, #tpu.memory_space<vmem>> -> memref<80xi32, #tpu.memory_space<vmem>>
        %dma_start3A_479 = arith.constant 0 : i32
        %dma_start3A_480 = arith.constant 0 : i32
        %dma_start3A_481 = tpu.memref_slice %arg15[%dma_start3A_479, %dma_start3A_480] : memref<10000x128xf32, #tpu.memory_space<vmem_shared>> -> memref<10000x128xf32, #tpu.memory_space<vmem_shared>>
        tpu.enqueue_indirect_dma source(%arg12 : memref<80x128xf32, #tpu.memory_space<vmem>>) target(%dma_start3A_481 : memref<10000x128xf32, #tpu.memory_space<vmem_shared>>) offsets(%dma_start3A_478 : memref<80xi32, #tpu.memory_space<vmem>>) semaphore(%arg21 : memref<!tpu.dma_semaphore, #tpu.memory_space<semaphore_mem>>) {add = true}
        %dma_start3A_482 = arith.constant 0 : i32
        %dma_start3A_483 = tpu.memref_slice %arg10[%add3A_469, %dma_start3A_482] : memref<25x80xi32, #tpu.memory_space<vmem>> -> memref<1x80xi32, #tpu.memory_space<vmem>>
        %dma_start3A_484 = tpu.memref_squeeze %dma_start3A_483 : memref<1x80xi32, #tpu.memory_space<vmem>> -> memref<80xi32, #tpu.memory_space<vmem>>
        %dma_start3A_485 = arith.constant 0 : i32
        %dma_start3A_486 = tpu.memref_slice %arg16[%dma_start3A_485] : memref<10000xf32, #tpu.memory_space<vmem_shared>> -> memref<10000xf32, #tpu.memory_space<vmem_shared>>
        tpu.enqueue_indirect_dma source(%arg14 : memref<80xf32, #tpu.memory_space<vmem>>) target(%dma_start3A_486 : memref<10000xf32, #tpu.memory_space<vmem_shared>>) offsets(%dma_start3A_484 : memref<80xi32, #tpu.memory_space<vmem>>) semaphore(%arg21 : memref<!tpu.dma_semaphore, #tpu.memory_space<semaphore_mem>>) {add = true}
        %dma_wait3A_487 = arith.constant 0 : i32
        %dma_wait3A_488 = arith.constant 0 : i32
        %dma_wait3A_489 = tpu.memref_slice %arg9[%dma_wait3A_487, %dma_wait3A_488] : memref<25x80xi32, #tpu.memory_space<vmem>> -> memref<1x80xi32, #tpu.memory_space<vmem>>
        %dma_wait3A_490 = tpu.memref_squeeze %dma_wait3A_489 : memref<1x80xi32, #tpu.memory_space<vmem>> -> memref<80xi32, #tpu.memory_space<vmem>>
        %dma_wait3A_491 = arith.constant 0 : i32
        %dma_wait3A_492 = arith.constant 0 : i32
        %dma_wait3A_493 = tpu.memref_slice %arg2[%dma_wait3A_491, %dma_wait3A_492] : memref<10000x128xf32, #tpu.memory_space<hbm>> -> memref<10000x128xf32, #tpu.memory_space<hbm>>
        tpu.wait_indirect_dma semaphore(%arg20 : memref<!tpu.dma_semaphore, #tpu.memory_space<semaphore_mem>>) src(%dma_wait3A_493 : memref<10000x128xf32, #tpu.memory_space<hbm>>) dst(%arg11 : memref<80x128xf32, #tpu.memory_space<vmem>>)
        %dma_wait3A_494 = arith.constant 0 : i32
        %dma_wait3A_495 = arith.constant 0 : i32
        %dma_wait3A_496 = tpu.memref_slice %arg9[%dma_wait3A_494, %dma_wait3A_495] : memref<25x80xi32, #tpu.memory_space<vmem>> -> memref<1x80xi32, #tpu.memory_space<vmem>>
        %dma_wait3A_497 = tpu.memref_squeeze %dma_wait3A_496 : memref<1x80xi32, #tpu.memory_space<vmem>> -> memref<80xi32, #tpu.memory_space<vmem>>
        %dma_wait3A_498 = arith.constant 0 : i32
        %dma_wait3A_499 = tpu.memref_slice %arg6[%dma_wait3A_498] : memref<10000xf32, #tpu.memory_space<hbm>> -> memref<10000xf32, #tpu.memory_space<hbm>>
        tpu.wait_indirect_dma semaphore(%arg20 : memref<!tpu.dma_semaphore, #tpu.memory_space<semaphore_mem>>) src(%dma_wait3A_499 : memref<10000xf32, #tpu.memory_space<hbm>>) dst(%arg14 : memref<80xf32, #tpu.memory_space<vmem>>)
        %add3A_500 = arith.constant 2 : i32
        %add3A_501 = arith.addi %add3A_469, %add3A_500 : i32
        %lt3A_502 = arith.constant 25 : i32
        %lt3A_503 = arith.cmpi slt, %add3A_501, %lt3A_502 : i32
        %convert_element_type3A_504 = arith.extui %lt3A_503 : i1 to i32
        %cond3A_505 = arith.constant 0 : i32
        %cond3A_506 = arith.cmpi ne, %convert_element_type3A_504, %cond3A_505 : i32
        scf.if %cond3A_506 {
          %add3A_507 = arith.constant 2 : i32
          %add3A_508 = arith.addi %add3A_469, %add3A_507 : i32
          %dma_start3A_509 = arith.constant 0 : i32
          %dma_start3A_510 = tpu.memref_slice %arg9[%add3A_508, %dma_start3A_509] : memref<25x80xi32, #tpu.memory_space<vmem>> -> memref<1x80xi32, #tpu.memory_space<vmem>>
          %dma_start3A_511 = tpu.memref_squeeze %dma_start3A_510 : memref<1x80xi32, #tpu.memory_space<vmem>> -> memref<80xi32, #tpu.memory_space<vmem>>
          %dma_start3A_512 = arith.constant 0 : i32
          %dma_start3A_513 = arith.constant 0 : i32
          %dma_start3A_514 = tpu.memref_slice %arg2[%dma_start3A_512, %dma_start3A_513] : memref<10000x128xf32, #tpu.memory_space<hbm>> -> memref<10000x128xf32, #tpu.memory_space<hbm>>
          tpu.enqueue_indirect_dma source(%dma_start3A_514 : memref<10000x128xf32, #tpu.memory_space<hbm>>) target(%arg11 : memref<80x128xf32, #tpu.memory_space<vmem>>) offsets(%dma_start3A_511 : memref<80xi32, #tpu.memory_space<vmem>>) semaphore(%arg17 : memref<!tpu.dma_semaphore, #tpu.memory_space<semaphore_mem>>)
        } else {
        }
      }
      %scan3A_306 = arith.constant 7 : i32
      %dma_wait3A_307 = arith.constant 23 : i32
      %dma_wait3A_308 = arith.constant 0 : i32
      %dma_wait3A_309 = tpu.memref_slice %arg9[%dma_wait3A_307, %dma_wait3A_308] : memref<25x80xi32, #tpu.memory_space<vmem>> -> memref<1x80xi32, #tpu.memory_space<vmem>>
      %dma_wait3A_310 = tpu.memref_squeeze %dma_wait3A_309 : memref<1x80xi32, #tpu.memory_space<vmem>> -> memref<80xi32, #tpu.memory_space<vmem>>
      %dma_wait3A_311 = arith.constant 0 : i32
      %dma_wait3A_312 = arith.constant 0 : i32
      %dma_wait3A_313 = tpu.memref_slice %arg2[%dma_wait3A_311, %dma_wait3A_312] : memref<10000x128xf32, #tpu.memory_space<hbm>> -> memref<10000x128xf32, #tpu.memory_space<hbm>>
      tpu.wait_indirect_dma semaphore(%arg19 : memref<!tpu.dma_semaphore, #tpu.memory_space<semaphore_mem>>) src(%dma_wait3A_313 : memref<10000x128xf32, #tpu.memory_space<hbm>>) dst(%arg13 : memref<80x128xf32, #tpu.memory_space<vmem>>)
      %dma_start3A_314 = arith.constant 23 : i32
      %dma_start3A_315 = arith.constant 0 : i32
      %dma_start3A_316 = tpu.memref_slice %arg10[%dma_start3A_314, %dma_start3A_315] : memref<25x80xi32, #tpu.memory_space<vmem>> -> memref<1x80xi32, #tpu.memory_space<vmem>>
      %dma_start3A_317 = tpu.memref_squeeze %dma_start3A_316 : memref<1x80xi32, #tpu.memory_space<vmem>> -> memref<80xi32, #tpu.memory_space<vmem>>
      %dma_start3A_318 = arith.constant 0 : i32
      %dma_start3A_319 = arith.constant 0 : i32
      %dma_start3A_320 = tpu.memref_slice %arg15[%dma_start3A_318, %dma_start3A_319] : memref<10000x128xf32, #tpu.memory_space<vmem_shared>> -> memref<10000x128xf32, #tpu.memory_space<vmem_shared>>
      tpu.enqueue_indirect_dma source(%arg13 : memref<80x128xf32, #tpu.memory_space<vmem>>) target(%dma_start3A_320 : memref<10000x128xf32, #tpu.memory_space<vmem_shared>>) offsets(%dma_start3A_317 : memref<80xi32, #tpu.memory_space<vmem>>) semaphore(%arg22 : memref<!tpu.dma_semaphore, #tpu.memory_space<semaphore_mem>>) {add = true}
      %dma_start3A_321 = arith.constant 23 : i32
      %dma_start3A_322 = arith.constant 0 : i32
      %dma_start3A_323 = tpu.memref_slice %arg10[%dma_start3A_321, %dma_start3A_322] : memref<25x80xi32, #tpu.memory_space<vmem>> -> memref<1x80xi32, #tpu.memory_space<vmem>>
      %dma_start3A_324 = tpu.memref_squeeze %dma_start3A_323 : memref<1x80xi32, #tpu.memory_space<vmem>> -> memref<80xi32, #tpu.memory_space<vmem>>
      %dma_start3A_325 = arith.constant 0 : i32
      %dma_start3A_326 = tpu.memref_slice %arg16[%dma_start3A_325] : memref<10000xf32, #tpu.memory_space<vmem_shared>> -> memref<10000xf32, #tpu.memory_space<vmem_shared>>
      tpu.enqueue_indirect_dma source(%arg14 : memref<80xf32, #tpu.memory_space<vmem>>) target(%dma_start3A_326 : memref<10000xf32, #tpu.memory_space<vmem_shared>>) offsets(%dma_start3A_324 : memref<80xi32, #tpu.memory_space<vmem>>) semaphore(%arg22 : memref<!tpu.dma_semaphore, #tpu.memory_space<semaphore_mem>>) {add = true}
      %dma_wait3A_327 = arith.constant 0 : i32
      %dma_wait3A_328 = arith.constant 0 : i32
      %dma_wait3A_329 = tpu.memref_slice %arg9[%dma_wait3A_327, %dma_wait3A_328] : memref<25x80xi32, #tpu.memory_space<vmem>> -> memref<1x80xi32, #tpu.memory_space<vmem>>
      %dma_wait3A_330 = tpu.memref_squeeze %dma_wait3A_329 : memref<1x80xi32, #tpu.memory_space<vmem>> -> memref<80xi32, #tpu.memory_space<vmem>>
      %dma_wait3A_331 = arith.constant 0 : i32
      %dma_wait3A_332 = arith.constant 0 : i32
      %dma_wait3A_333 = tpu.memref_slice %arg2[%dma_wait3A_331, %dma_wait3A_332] : memref<10000x128xf32, #tpu.memory_space<hbm>> -> memref<10000x128xf32, #tpu.memory_space<hbm>>
      tpu.wait_indirect_dma semaphore(%arg21 : memref<!tpu.dma_semaphore, #tpu.memory_space<semaphore_mem>>) src(%dma_wait3A_333 : memref<10000x128xf32, #tpu.memory_space<hbm>>) dst(%arg12 : memref<80x128xf32, #tpu.memory_space<vmem>>)
      %dma_wait3A_334 = arith.constant 0 : i32
      %dma_wait3A_335 = arith.constant 0 : i32
      %dma_wait3A_336 = tpu.memref_slice %arg9[%dma_wait3A_334, %dma_wait3A_335] : memref<25x80xi32, #tpu.memory_space<vmem>> -> memref<1x80xi32, #tpu.memory_space<vmem>>
      %dma_wait3A_337 = tpu.memref_squeeze %dma_wait3A_336 : memref<1x80xi32, #tpu.memory_space<vmem>> -> memref<80xi32, #tpu.memory_space<vmem>>
      %dma_wait3A_338 = arith.constant 0 : i32
      %dma_wait3A_339 = tpu.memref_slice %arg6[%dma_wait3A_338] : memref<10000xf32, #tpu.memory_space<hbm>> -> memref<10000xf32, #tpu.memory_space<hbm>>
      tpu.wait_indirect_dma semaphore(%arg21 : memref<!tpu.dma_semaphore, #tpu.memory_space<semaphore_mem>>) src(%dma_wait3A_339 : memref<10000xf32, #tpu.memory_space<hbm>>) dst(%arg14 : memref<80xf32, #tpu.memory_space<vmem>>)
      %dma_wait3A_340 = arith.constant 24 : i32
      %dma_wait3A_341 = arith.constant 0 : i32
      %dma_wait3A_342 = tpu.memref_slice %arg9[%dma_wait3A_340, %dma_wait3A_341] : memref<25x80xi32, #tpu.memory_space<vmem>> -> memref<1x80xi32, #tpu.memory_space<vmem>>
      %dma_wait3A_343 = tpu.memref_squeeze %dma_wait3A_342 : memref<1x80xi32, #tpu.memory_space<vmem>> -> memref<80xi32, #tpu.memory_space<vmem>>
      %dma_wait3A_344 = arith.constant 0 : i32
      %dma_wait3A_345 = arith.constant 0 : i32
      %dma_wait3A_346 = tpu.memref_slice %arg2[%dma_wait3A_344, %dma_wait3A_345] : memref<10000x128xf32, #tpu.memory_space<hbm>> -> memref<10000x128xf32, #tpu.memory_space<hbm>>
      tpu.wait_indirect_dma semaphore(%arg17 : memref<!tpu.dma_semaphore, #tpu.memory_space<semaphore_mem>>) src(%dma_wait3A_346 : memref<10000x128xf32, #tpu.memory_space<hbm>>) dst(%arg11 : memref<80x128xf32, #tpu.memory_space<vmem>>)
      %dma_start3A_347 = arith.constant 24 : i32
      %dma_start3A_348 = arith.constant 0 : i32
      %dma_start3A_349 = tpu.memref_slice %arg10[%dma_start3A_347, %dma_start3A_348] : memref<25x80xi32, #tpu.memory_space<vmem>> -> memref<1x80xi32, #tpu.memory_space<vmem>>
      %dma_start3A_350 = tpu.memref_squeeze %dma_start3A_349 : memref<1x80xi32, #tpu.memory_space<vmem>> -> memref<80xi32, #tpu.memory_space<vmem>>
      %dma_start3A_351 = arith.constant 0 : i32
      %dma_start3A_352 = arith.constant 0 : i32
      %dma_start3A_353 = tpu.memref_slice %arg15[%dma_start3A_351, %dma_start3A_352] : memref<10000x128xf32, #tpu.memory_space<vmem_shared>> -> memref<10000x128xf32, #tpu.memory_space<vmem_shared>>
      tpu.enqueue_indirect_dma source(%arg11 : memref<80x128xf32, #tpu.memory_space<vmem>>) target(%dma_start3A_353 : memref<10000x128xf32, #tpu.memory_space<vmem_shared>>) offsets(%dma_start3A_350 : memref<80xi32, #tpu.memory_space<vmem>>) semaphore(%arg20 : memref<!tpu.dma_semaphore, #tpu.memory_space<semaphore_mem>>) {add = true}
      %dma_start3A_354 = arith.constant 24 : i32
      %dma_start3A_355 = arith.constant 0 : i32
      %dma_start3A_356 = tpu.memref_slice %arg10[%dma_start3A_354, %dma_start3A_355] : memref<25x80xi32, #tpu.memory_space<vmem>> -> memref<1x80xi32, #tpu.memory_space<vmem>>
      %dma_start3A_357 = tpu.memref_squeeze %dma_start3A_356 : memref<1x80xi32, #tpu.memory_space<vmem>> -> memref<80xi32, #tpu.memory_space<vmem>>
      %dma_start3A_358 = arith.constant 0 : i32
      %dma_start3A_359 = tpu.memref_slice %arg16[%dma_start3A_358] : memref<10000xf32, #tpu.memory_space<vmem_shared>> -> memref<10000xf32, #tpu.memory_space<vmem_shared>>
      tpu.enqueue_indirect_dma source(%arg14 : memref<80xf32, #tpu.memory_space<vmem>>) target(%dma_start3A_359 : memref<10000xf32, #tpu.memory_space<vmem_shared>>) offsets(%dma_start3A_357 : memref<80xi32, #tpu.memory_space<vmem>>) semaphore(%arg20 : memref<!tpu.dma_semaphore, #tpu.memory_space<semaphore_mem>>) {add = true}
      %dma_wait3A_360 = arith.constant 0 : i32
      %dma_wait3A_361 = arith.constant 0 : i32
      %dma_wait3A_362 = tpu.memref_slice %arg9[%dma_wait3A_360, %dma_wait3A_361] : memref<25x80xi32, #tpu.memory_space<vmem>> -> memref<1x80xi32, #tpu.memory_space<vmem>>
      %dma_wait3A_363 = tpu.memref_squeeze %dma_wait3A_362 : memref<1x80xi32, #tpu.memory_space<vmem>> -> memref<80xi32, #tpu.memory_space<vmem>>
      %dma_wait3A_364 = arith.constant 0 : i32
      %dma_wait3A_365 = arith.constant 0 : i32
      %dma_wait3A_366 = tpu.memref_slice %arg2[%dma_wait3A_364, %dma_wait3A_365] : memref<10000x128xf32, #tpu.memory_space<hbm>> -> memref<10000x128xf32, #tpu.memory_space<hbm>>
      tpu.wait_indirect_dma semaphore(%arg22 : memref<!tpu.dma_semaphore, #tpu.memory_space<semaphore_mem>>) src(%dma_wait3A_366 : memref<10000x128xf32, #tpu.memory_space<hbm>>) dst(%arg13 : memref<80x128xf32, #tpu.memory_space<vmem>>)
      %dma_wait3A_367 = arith.constant 0 : i32
      %dma_wait3A_368 = arith.constant 0 : i32
      %dma_wait3A_369 = tpu.memref_slice %arg9[%dma_wait3A_367, %dma_wait3A_368] : memref<25x80xi32, #tpu.memory_space<vmem>> -> memref<1x80xi32, #tpu.memory_space<vmem>>
      %dma_wait3A_370 = tpu.memref_squeeze %dma_wait3A_369 : memref<1x80xi32, #tpu.memory_space<vmem>> -> memref<80xi32, #tpu.memory_space<vmem>>
      %dma_wait3A_371 = arith.constant 0 : i32
      %dma_wait3A_372 = tpu.memref_slice %arg6[%dma_wait3A_371] : memref<10000xf32, #tpu.memory_space<hbm>> -> memref<10000xf32, #tpu.memory_space<hbm>>
      tpu.wait_indirect_dma semaphore(%arg22 : memref<!tpu.dma_semaphore, #tpu.memory_space<semaphore_mem>>) src(%dma_wait3A_372 : memref<10000xf32, #tpu.memory_space<hbm>>) dst(%arg14 : memref<80xf32, #tpu.memory_space<vmem>>)
      %dma_wait3A_373 = arith.constant 0 : i32
      %dma_wait3A_374 = arith.constant 0 : i32
      %dma_wait3A_375 = tpu.memref_slice %arg9[%dma_wait3A_373, %dma_wait3A_374] : memref<25x80xi32, #tpu.memory_space<vmem>> -> memref<1x80xi32, #tpu.memory_space<vmem>>
      %dma_wait3A_376 = tpu.memref_squeeze %dma_wait3A_375 : memref<1x80xi32, #tpu.memory_space<vmem>> -> memref<80xi32, #tpu.memory_space<vmem>>
      %dma_wait3A_377 = arith.constant 0 : i32
      %dma_wait3A_378 = arith.constant 0 : i32
      %dma_wait3A_379 = tpu.memref_slice %arg2[%dma_wait3A_377, %dma_wait3A_378] : memref<10000x128xf32, #tpu.memory_space<hbm>> -> memref<10000x128xf32, #tpu.memory_space<hbm>>
      tpu.wait_indirect_dma semaphore(%arg20 : memref<!tpu.dma_semaphore, #tpu.memory_space<semaphore_mem>>) src(%dma_wait3A_379 : memref<10000x128xf32, #tpu.memory_space<hbm>>) dst(%arg11 : memref<80x128xf32, #tpu.memory_space<vmem>>)
      %dma_wait3A_380 = arith.constant 0 : i32
      %dma_wait3A_381 = arith.constant 0 : i32
      %dma_wait3A_382 = tpu.memref_slice %arg9[%dma_wait3A_380, %dma_wait3A_381] : memref<25x80xi32, #tpu.memory_space<vmem>> -> memref<1x80xi32, #tpu.memory_space<vmem>>
      %dma_wait3A_383 = tpu.memref_squeeze %dma_wait3A_382 : memref<1x80xi32, #tpu.memory_space<vmem>> -> memref<80xi32, #tpu.memory_space<vmem>>
      %dma_wait3A_384 = arith.constant 0 : i32
      %dma_wait3A_385 = tpu.memref_slice %arg6[%dma_wait3A_384] : memref<10000xf32, #tpu.memory_space<hbm>> -> memref<10000xf32, #tpu.memory_space<hbm>>
      tpu.wait_indirect_dma semaphore(%arg20 : memref<!tpu.dma_semaphore, #tpu.memory_space<semaphore_mem>>) src(%dma_wait3A_385 : memref<10000xf32, #tpu.memory_space<hbm>>) dst(%arg14 : memref<80xf32, #tpu.memory_space<vmem>>)
    }
    %scan3A_207 = arith.constant 4 : i32
    %barrier3A_208 = arith.constant 0 : index
    tpu.barrier barrier_id(%barrier3A_208)
    "tpu.region"() ({
      %run_scoped3A_219 = tpu.sem_alloc : memref<!tpu.dma_semaphore, #tpu.memory_space<semaphore_mem>>
      %dma_start3A_220 = arith.constant 0 : i32
      %dma_start3A_221 = tpu.memref_slice %arg7[%arg0, %mul3A_2, %dma_start3A_220] : memref<2x10000x128xf32, #tpu.memory_space<hbm>> -> memref<1x624x128xf32, #tpu.memory_space<hbm>>
      %dma_start3A_222 = tpu.memref_squeeze %dma_start3A_221 : memref<1x624x128xf32, #tpu.memory_space<hbm>> -> memref<624x128xf32, #tpu.memory_space<hbm>>
      %dma_start3A_223 = arith.constant 0 : i32
      %dma_start3A_224 = tpu.memref_slice %arg15[%mul3A_2, %dma_start3A_223] : memref<10000x128xf32, #tpu.memory_space<vmem_shared>> -> memref<624x128xf32, #tpu.memory_space<vmem_shared>>
      tpu.enqueue_dma source(%dma_start3A_224 : memref<624x128xf32, #tpu.memory_space<vmem_shared>>) target(%dma_start3A_222 : memref<624x128xf32, #tpu.memory_space<hbm>>) target_semaphore(%run_scoped3A_219 : memref<!tpu.dma_semaphore, #tpu.memory_space<semaphore_mem>>)
      %dma_wait3A_225 = arith.constant 0 : i32
      %dma_wait3A_226 = tpu.memref_slice %arg7[%arg0, %mul3A_2, %dma_wait3A_225] : memref<2x10000x128xf32, #tpu.memory_space<hbm>> -> memref<1x624x128xf32, #tpu.memory_space<hbm>>
      %dma_wait3A_227 = tpu.memref_squeeze %dma_wait3A_226 : memref<1x624x128xf32, #tpu.memory_space<hbm>> -> memref<624x128xf32, #tpu.memory_space<hbm>>
      %dma_wait3A_228 = arith.constant 0 : i32
      %dma_wait3A_229 = tpu.memref_slice %arg15[%mul3A_2, %dma_wait3A_228] : memref<10000x128xf32, #tpu.memory_space<vmem_shared>> -> memref<624x128xf32, #tpu.memory_space<vmem_shared>>
      tpu.wait_dma2 semaphore(%run_scoped3A_219 : memref<!tpu.dma_semaphore, #tpu.memory_space<semaphore_mem>>) src(%dma_wait3A_229 : memref<624x128xf32, #tpu.memory_space<vmem_shared>>) dst(%dma_wait3A_227 : memref<624x128xf32, #tpu.memory_space<hbm>>)
      tpu.yield
    }) : () -> ()
    %eq3A_209 = arith.constant 15 : i32
    %eq3A_210 = arith.cmpi eq, %arg1, %eq3A_209 : i32
    %convert_element_type3A_211 = arith.extui %eq3A_210 : i1 to i32
    %cond3A_212 = arith.constant 0 : i32
    %cond3A_213 = arith.cmpi ne, %convert_element_type3A_211, %cond3A_212 : i32
    scf.if %cond3A_213 {
      "tpu.region"() ({
        %run_scoped3A_219 = tpu.sem_alloc : memref<!tpu.dma_semaphore, #tpu.memory_space<semaphore_mem>>
        %dma_start3A_220 = arith.constant 9984 : i32
        %dma_start3A_221 = arith.constant 0 : i32
        %dma_start3A_222 = tpu.memref_slice %arg7[%arg0, %dma_start3A_220, %dma_start3A_221] : memref<2x10000x128xf32, #tpu.memory_space<hbm>> -> memref<1x16x128xf32, #tpu.memory_space<hbm>>
        %dma_start3A_223 = tpu.memref_squeeze %dma_start3A_222 : memref<1x16x128xf32, #tpu.memory_space<hbm>> -> memref<16x128xf32, #tpu.memory_space<hbm>>
        %dma_start3A_224 = arith.constant 9984 : i32
        %dma_start3A_225 = arith.constant 0 : i32
        %dma_start3A_226 = tpu.memref_slice %arg15[%dma_start3A_224, %dma_start3A_225] : memref<10000x128xf32, #tpu.memory_space<vmem_shared>> -> memref<16x128xf32, #tpu.memory_space<vmem_shared>>
        tpu.enqueue_dma source(%dma_start3A_226 : memref<16x128xf32, #tpu.memory_space<vmem_shared>>) target(%dma_start3A_223 : memref<16x128xf32, #tpu.memory_space<hbm>>) target_semaphore(%run_scoped3A_219 : memref<!tpu.dma_semaphore, #tpu.memory_space<semaphore_mem>>)
        %dma_wait3A_227 = arith.constant 9984 : i32
        %dma_wait3A_228 = arith.constant 0 : i32
        %dma_wait3A_229 = tpu.memref_slice %arg7[%arg0, %dma_wait3A_227, %dma_wait3A_228] : memref<2x10000x128xf32, #tpu.memory_space<hbm>> -> memref<1x16x128xf32, #tpu.memory_space<hbm>>
        %dma_wait3A_230 = tpu.memref_squeeze %dma_wait3A_229 : memref<1x16x128xf32, #tpu.memory_space<hbm>> -> memref<16x128xf32, #tpu.memory_space<hbm>>
        %dma_wait3A_231 = arith.constant 9984 : i32
        %dma_wait3A_232 = arith.constant 0 : i32
        %dma_wait3A_233 = tpu.memref_slice %arg15[%dma_wait3A_231, %dma_wait3A_232] : memref<10000x128xf32, #tpu.memory_space<vmem_shared>> -> memref<16x128xf32, #tpu.memory_space<vmem_shared>>
        tpu.wait_dma2 semaphore(%run_scoped3A_219 : memref<!tpu.dma_semaphore, #tpu.memory_space<semaphore_mem>>) src(%dma_wait3A_233 : memref<16x128xf32, #tpu.memory_space<vmem_shared>>) dst(%dma_wait3A_230 : memref<16x128xf32, #tpu.memory_space<hbm>>)
        tpu.yield
      }) : () -> ()
    } else {
    }
    %eq3A_214 = arith.constant 0 : i32
    %eq3A_215 = arith.cmpi eq, %arg1, %eq3A_214 : i32
    %convert_element_type3A_216 = arith.extui %eq3A_215 : i1 to i32
    %cond3A_217 = arith.constant 0 : i32
    %cond3A_218 = arith.cmpi ne, %convert_element_type3A_216, %cond3A_217 : i32
    scf.if %cond3A_218 {
      "tpu.region"() ({
        %run_scoped3A_219 = tpu.sem_alloc : memref<!tpu.dma_semaphore, #tpu.memory_space<semaphore_mem>>
        %dma_start3A_220 = arith.constant 0 : i32
        %dma_start3A_221 = tpu.memref_slice %arg8[%arg0, %dma_start3A_220] : memref<2x10000xf32, #tpu.memory_space<hbm>> -> memref<1x10000xf32, #tpu.memory_space<hbm>>
        %dma_start3A_222 = tpu.memref_squeeze %dma_start3A_221 : memref<1x10000xf32, #tpu.memory_space<hbm>> -> memref<10000xf32, #tpu.memory_space<hbm>>
        tpu.enqueue_dma source(%arg16 : memref<10000xf32, #tpu.memory_space<vmem_shared>>) target(%dma_start3A_222 : memref<10000xf32, #tpu.memory_space<hbm>>) target_semaphore(%run_scoped3A_219 : memref<!tpu.dma_semaphore, #tpu.memory_space<semaphore_mem>>)
        %dma_wait3A_223 = arith.constant 0 : i32
        %dma_wait3A_224 = tpu.memref_slice %arg8[%arg0, %dma_wait3A_223] : memref<2x10000xf32, #tpu.memory_space<hbm>> -> memref<1x10000xf32, #tpu.memory_space<hbm>>
        %dma_wait3A_225 = tpu.memref_squeeze %dma_wait3A_224 : memref<1x10000xf32, #tpu.memory_space<hbm>> -> memref<10000xf32, #tpu.memory_space<hbm>>
        tpu.wait_dma2 semaphore(%run_scoped3A_219 : memref<!tpu.dma_semaphore, #tpu.memory_space<semaphore_mem>>) src(%arg16 : memref<10000xf32, #tpu.memory_space<vmem_shared>>) dst(%dma_wait3A_225 : memref<10000xf32, #tpu.memory_space<hbm>>)
        tpu.yield
      }) : () -> ()
    } else {
    }
    return
  }
}

module attributes {stable_mosaic.version = 14 : i64} {
  func.func @_combine_body(%arg0: i32, %arg1: memref<2x2000x128xf32, #tpu.memory_space<vmem>>, %arg2: memref<2000x2xf32, #tpu.memory_space<vmem>>, %arg3: memref<2000x128xf32, #tpu.memory_space<vmem>>, %arg4: memref<128x128xf32, #tpu.memory_space<vmem>>, %arg5: memref<1x128xf32, #tpu.memory_space<vmem>>, %arg6: memref<128x128xf32, #tpu.memory_space<vmem>>, %arg7: memref<2000x128xf32, #tpu.memory_space<vmem>>) attributes {dimension_semantics = [#tpu.dimension_semantics<arbitrary>], iteration_bounds = array<i64: 5>, scalar_prefetch = 0 : i64, scratch_operands = 0 : i64, tpu.core_type = #tpu.core_type<tc>, window_params = [{transform_indices = @transform_0, window_bounds = array<i64: 2, 2000, 128>}, {transform_indices = @transform_1, window_bounds = array<i64: 2000, 2>}, {transform_indices = @transform_2, window_bounds = array<i64: 2000, 128>}, {pipeline_mode = #tpu.pipeline_mode<synchronous>, transform_indices = @transform_3, window_bounds = array<i64: 128, 128>}, {pipeline_mode = #tpu.pipeline_mode<synchronous>, transform_indices = @transform_4, window_bounds = array<i64: 1, 128>}, {pipeline_mode = #tpu.pipeline_mode<synchronous>, transform_indices = @transform_5, window_bounds = array<i64: 128, 128>}, {transform_indices = @transform_6, window_bounds = array<i64: 2000, 128>}]} {
    %get3A = arith.constant 0 : index
    %get3A_0 = arith.constant 0 : index
    %get3A_1 = vector.load %arg2[%get3A, %get3A_0] : memref<2000x2xf32, #tpu.memory_space<vmem>>, vector<2000x1xf32>
    %get3A_2 = vector.shape_cast %get3A_1 : vector<2000x1xf32> to vector<2000xf32>
    %get3A_3 = arith.constant 0 : index
    %get3A_4 = arith.constant 1 : index
    %get3A_5 = vector.load %arg2[%get3A_3, %get3A_4] : memref<2000x2xf32, #tpu.memory_space<vmem>>, vector<2000x1xf32>
    %get3A_6 = vector.shape_cast %get3A_5 : vector<2000x1xf32> to vector<2000xf32>
    %add3A = arith.addf %get3A_2, %get3A_6 : vector<2000xf32>
    %max3A = arith.constant 1.000000e+00 : f32
    %max3A_7 = vector.broadcast %max3A : f32 to vector<2000xf32>
    %max3A_8 = arith.maximumf %add3A, %max3A_7 : vector<2000xf32>
    %get3A_9 = arith.constant 0 : index
    %get3A_10 = arith.constant 0 : index
    %get3A_11 = arith.constant 0 : index
    %get3A_12 = vector.load %arg1[%get3A_9, %get3A_10, %get3A_11] : memref<2x2000x128xf32, #tpu.memory_space<vmem>>, vector<1x2000x128xf32>
    %get3A_13 = vector.shape_cast %get3A_12 : vector<1x2000x128xf32> to vector<2000x128xf32>
    %get3A_14 = arith.constant 1 : index
    %get3A_15 = arith.constant 0 : index
    %get3A_16 = arith.constant 0 : index
    %get3A_17 = vector.load %arg1[%get3A_14, %get3A_15, %get3A_16] : memref<2x2000x128xf32, #tpu.memory_space<vmem>>, vector<1x2000x128xf32>
    %get3A_18 = vector.shape_cast %get3A_17 : vector<1x2000x128xf32> to vector<2000x128xf32>
    %add3A_19 = arith.addf %get3A_13, %get3A_18 : vector<2000x128xf32>
    %broadcast_in_dim3A = vector.shape_cast %max3A_8 : vector<2000xf32> to vector<2000x1xf32>
    %div3A = vector.broadcast %broadcast_in_dim3A : vector<2000x1xf32> to vector<2000x128xf32>
    %div3A_20 = arith.divf %add3A_19, %div3A : vector<2000x128xf32>
    %get3A_21 = arith.constant 0 : index
    %get3A_22 = arith.constant 0 : index
    %get3A_23 = vector.load %arg4[%get3A_21, %get3A_22] : memref<128x128xf32, #tpu.memory_space<vmem>>, vector<128x128xf32>
    %dot_general3A = arith.constant dense<0.000000e+00> : vector<2000x128xf32>
    %dot_general3A_24 = tpu.matmul %div3A_20, %get3A_23, %dot_general3A {dimension_numbers = #tpu.dot_dimension_numbers<[1], [0], [0], [1], [0, 0, 1, 1], [], []>, transpose_lhs_hint = false} : vector<2000x128xf32>, vector<128x128xf32>, vector<2000x128xf32> -> vector<2000x128xf32>
    %get3A_25 = arith.constant 0 : index
    %get3A_26 = arith.constant 0 : index
    %get3A_27 = vector.load %arg3[%get3A_25, %get3A_26] : memref<2000x128xf32, #tpu.memory_space<vmem>>, vector<2000x128xf32>
    %get3A_28 = arith.constant 0 : index
    %get3A_29 = arith.constant 0 : index
    %get3A_30 = vector.load %arg6[%get3A_28, %get3A_29] : memref<128x128xf32, #tpu.memory_space<vmem>>, vector<128x128xf32>
    %dot_general3A_31 = arith.constant dense<0.000000e+00> : vector<2000x128xf32>
    %dot_general3A_32 = tpu.matmul %get3A_27, %get3A_30, %dot_general3A_31 {dimension_numbers = #tpu.dot_dimension_numbers<[1], [0], [0], [1], [0, 0, 1, 1], [], []>, transpose_lhs_hint = false} : vector<2000x128xf32>, vector<128x128xf32>, vector<2000x128xf32> -> vector<2000x128xf32>
    %add3A_33 = arith.addf %dot_general3A_24, %dot_general3A_32 : vector<2000x128xf32>
    %get3A_34 = arith.constant 0 : index
    %get3A_35 = arith.constant 0 : index
    %get3A_36 = vector.load %arg5[%get3A_34, %get3A_35] : memref<1x128xf32, #tpu.memory_space<vmem>>, vector<1x128xf32>
    %add3A_37 = vector.broadcast %get3A_36 : vector<1x128xf32> to vector<2000x128xf32>
    %add3A_38 = arith.addf %add3A_33, %add3A_37 : vector<2000x128xf32>
    %max3A_39 = arith.constant 0.000000e+00 : f32
    %max3A_40 = vector.broadcast %max3A_39 : f32 to vector<2000x128xf32>
    %max3A_41 = arith.maximumf %add3A_38, %max3A_40 : vector<2000x128xf32>
    %swap3A = arith.constant 0 : index
    %swap3A_42 = arith.constant 0 : index
    %swap3A_43 = vector.load %arg7[%swap3A, %swap3A_42] : memref<2000x128xf32, #tpu.memory_space<vmem>>, vector<2000x128xf32>
    tpu.vector_store %arg7[%swap3A, %swap3A_42], %max3A_41 {strides = array<i32>} : memref<2000x128xf32, #tpu.memory_space<vmem>>, vector<2000x128xf32>,
    return
  }
  func.func @transform_0(%arg0: i32) -> (i32, i32, i32) {
    %c0_i32 = arith.constant 0 : i32
    %c0_i32_0 = arith.constant 0 : i32
    %c0_i32_1 = arith.constant 0 : i32
    return %c0_i32, %arg0, %c0_i32_0 : i32, i32, i32
  }
  func.func @transform_1(%arg0: i32) -> (i32, i32) {
    %c0_i32 = arith.constant 0 : i32
    %c0_i32_0 = arith.constant 0 : i32
    return %arg0, %c0_i32 : i32, i32
  }
  func.func @transform_2(%arg0: i32) -> (i32, i32) {
    %c0_i32 = arith.constant 0 : i32
    %c0_i32_0 = arith.constant 0 : i32
    return %arg0, %c0_i32 : i32, i32
  }
  func.func @transform_3(%arg0: i32) -> (i32, i32) {
    %c0_i32 = arith.constant 0 : i32
    %c0_i32_0 = arith.constant 0 : i32
    %c0_i32_1 = arith.constant 0 : i32
    return %c0_i32, %c0_i32_0 : i32, i32
  }
  func.func @transform_4(%arg0: i32) -> (i32, i32) {
    %c0_i32 = arith.constant 0 : i32
    %c0_i32_0 = arith.constant 0 : i32
    %c0_i32_1 = arith.constant 0 : i32
    return %c0_i32, %c0_i32_0 : i32, i32
  }
  func.func @transform_5(%arg0: i32) -> (i32, i32) {
    %c0_i32 = arith.constant 0 : i32
    %c0_i32_0 = arith.constant 0 : i32
    %c0_i32_1 = arith.constant 0 : i32
    return %c0_i32, %c0_i32_0 : i32, i32
  }
  func.func @transform_6(%arg0: i32) -> (i32, i32) {
    %c0_i32 = arith.constant 0 : i32
    %c0_i32_0 = arith.constant 0 : i32
    return %arg0, %c0_i32 : i32, i32
  }
}

module attributes {stable_mosaic.version = 14 : i64} {
  func.func @_final_body(%arg0: i32, %arg1: memref<2x2000x128xf32, #tpu.memory_space<vmem>>, %arg2: memref<2000x2xf32, #tpu.memory_space<vmem>>, %arg3: memref<2000x128xf32, #tpu.memory_space<vmem>>, %arg4: memref<128x128xf32, #tpu.memory_space<vmem>>, %arg5: memref<1x128xf32, #tpu.memory_space<vmem>>, %arg6: memref<128x128xf32, #tpu.memory_space<vmem>>, %arg7: memref<128x128xf32, #tpu.memory_space<vmem>>, %arg8: memref<1x128xf32, #tpu.memory_space<vmem>>, %arg9: memref<128x128xf32, #tpu.memory_space<vmem>>, %arg10: memref<1x128xf32, #tpu.memory_space<vmem>>, %arg11: memref<2000x128xf32, #tpu.memory_space<vmem>>, %arg12: memref<2000x128xf32, #tpu.memory_space<vmem>>) attributes {dimension_semantics = [#tpu.dimension_semantics<arbitrary>], iteration_bounds = array<i64: 5>, scalar_prefetch = 0 : i64, scratch_operands = 0 : i64, tpu.core_type = #tpu.core_type<tc>, window_params = [{transform_indices = @transform_0, window_bounds = array<i64: 2, 2000, 128>}, {transform_indices = @transform_1, window_bounds = array<i64: 2000, 2>}, {transform_indices = @transform_2, window_bounds = array<i64: 2000, 128>}, {pipeline_mode = #tpu.pipeline_mode<synchronous>, transform_indices = @transform_3, window_bounds = array<i64: 128, 128>}, {pipeline_mode = #tpu.pipeline_mode<synchronous>, transform_indices = @transform_4, window_bounds = array<i64: 1, 128>}, {pipeline_mode = #tpu.pipeline_mode<synchronous>, transform_indices = @transform_5, window_bounds = array<i64: 128, 128>}, {pipeline_mode = #tpu.pipeline_mode<synchronous>, transform_indices = @transform_6, window_bounds = array<i64: 128, 128>}, {pipeline_mode = #tpu.pipeline_mode<synchronous>, transform_indices = @transform_7, window_bounds = array<i64: 1, 128>}, {pipeline_mode = #tpu.pipeline_mode<synchronous>, transform_indices = @transform_8, window_bounds = array<i64: 128, 128>}, {pipeline_mode = #tpu.pipeline_mode<synchronous>, transform_indices = @transform_9, window_bounds = array<i64: 1, 128>}, {transform_indices = @transform_10, window_bounds = array<i64: 2000, 128>}, {transform_indices = @transform_11, window_bounds = array<i64: 2000, 128>}]} {
    %get3A = arith.constant 0 : index
    %get3A_0 = arith.constant 0 : index
    %get3A_1 = vector.load %arg2[%get3A, %get3A_0] : memref<2000x2xf32, #tpu.memory_space<vmem>>, vector<2000x1xf32>
    %get3A_2 = vector.shape_cast %get3A_1 : vector<2000x1xf32> to vector<2000xf32>
    %get3A_3 = arith.constant 0 : index
    %get3A_4 = arith.constant 1 : index
    %get3A_5 = vector.load %arg2[%get3A_3, %get3A_4] : memref<2000x2xf32, #tpu.memory_space<vmem>>, vector<2000x1xf32>
    %get3A_6 = vector.shape_cast %get3A_5 : vector<2000x1xf32> to vector<2000xf32>
    %add3A = arith.addf %get3A_2, %get3A_6 : vector<2000xf32>
    %max3A = arith.constant 1.000000e+00 : f32
    %max3A_7 = vector.broadcast %max3A : f32 to vector<2000xf32>
    %max3A_8 = arith.maximumf %add3A, %max3A_7 : vector<2000xf32>
    %get3A_9 = arith.constant 0 : index
    %get3A_10 = arith.constant 0 : index
    %get3A_11 = arith.constant 0 : index
    %get3A_12 = vector.load %arg1[%get3A_9, %get3A_10, %get3A_11] : memref<2x2000x128xf32, #tpu.memory_space<vmem>>, vector<1x2000x128xf32>
    %get3A_13 = vector.shape_cast %get3A_12 : vector<1x2000x128xf32> to vector<2000x128xf32>
    %get3A_14 = arith.constant 1 : index
    %get3A_15 = arith.constant 0 : index
    %get3A_16 = arith.constant 0 : index
    %get3A_17 = vector.load %arg1[%get3A_14, %get3A_15, %get3A_16] : memref<2x2000x128xf32, #tpu.memory_space<vmem>>, vector<1x2000x128xf32>
    %get3A_18 = vector.shape_cast %get3A_17 : vector<1x2000x128xf32> to vector<2000x128xf32>
    %add3A_19 = arith.addf %get3A_13, %get3A_18 : vector<2000x128xf32>
    %broadcast_in_dim3A = vector.shape_cast %max3A_8 : vector<2000xf32> to vector<2000x1xf32>
    %div3A = vector.broadcast %broadcast_in_dim3A : vector<2000x1xf32> to vector<2000x128xf32>
    %div3A_20 = arith.divf %add3A_19, %div3A : vector<2000x128xf32>
    %get3A_21 = arith.constant 0 : index
    %get3A_22 = arith.constant 0 : index
    %get3A_23 = vector.load %arg4[%get3A_21, %get3A_22] : memref<128x128xf32, #tpu.memory_space<vmem>>, vector<128x128xf32>
    %dot_general3A = arith.constant dense<0.000000e+00> : vector<2000x128xf32>
    %dot_general3A_24 = tpu.matmul %div3A_20, %get3A_23, %dot_general3A {dimension_numbers = #tpu.dot_dimension_numbers<[1], [0], [0], [1], [0, 0, 1, 1], [], []>, transpose_lhs_hint = false} : vector<2000x128xf32>, vector<128x128xf32>, vector<2000x128xf32> -> vector<2000x128xf32>
    %get3A_25 = arith.constant 0 : index
    %get3A_26 = arith.constant 0 : index
    %get3A_27 = vector.load %arg3[%get3A_25, %get3A_26] : memref<2000x128xf32, #tpu.memory_space<vmem>>, vector<2000x128xf32>
    %get3A_28 = arith.constant 0 : index
    %get3A_29 = arith.constant 0 : index
    %get3A_30 = vector.load %arg6[%get3A_28, %get3A_29] : memref<128x128xf32, #tpu.memory_space<vmem>>, vector<128x128xf32>
    %dot_general3A_31 = arith.constant dense<0.000000e+00> : vector<2000x128xf32>
    %dot_general3A_32 = tpu.matmul %get3A_27, %get3A_30, %dot_general3A_31 {dimension_numbers = #tpu.dot_dimension_numbers<[1], [0], [0], [1], [0, 0, 1, 1], [], []>, transpose_lhs_hint = false} : vector<2000x128xf32>, vector<128x128xf32>, vector<2000x128xf32> -> vector<2000x128xf32>
    %add3A_33 = arith.addf %dot_general3A_24, %dot_general3A_32 : vector<2000x128xf32>
    %get3A_34 = arith.constant 0 : index
    %get3A_35 = arith.constant 0 : index
    %get3A_36 = vector.load %arg5[%get3A_34, %get3A_35] : memref<1x128xf32, #tpu.memory_space<vmem>>, vector<1x128xf32>
    %add3A_37 = vector.broadcast %get3A_36 : vector<1x128xf32> to vector<2000x128xf32>
    %add3A_38 = arith.addf %add3A_33, %add3A_37 : vector<2000x128xf32>
    %get3A_39 = arith.constant 0 : index
    %get3A_40 = arith.constant 0 : index
    %get3A_41 = vector.load %arg7[%get3A_39, %get3A_40] : memref<128x128xf32, #tpu.memory_space<vmem>>, vector<128x128xf32>
    %dot_general3A_42 = arith.constant dense<0.000000e+00> : vector<2000x128xf32>
    %dot_general3A_43 = tpu.matmul %add3A_38, %get3A_41, %dot_general3A_42 {dimension_numbers = #tpu.dot_dimension_numbers<[1], [0], [0], [1], [0, 0, 1, 1], [], []>, transpose_lhs_hint = false} : vector<2000x128xf32>, vector<128x128xf32>, vector<2000x128xf32> -> vector<2000x128xf32>
    %get3A_44 = arith.constant 0 : index
    %get3A_45 = arith.constant 0 : index
    %get3A_46 = vector.load %arg8[%get3A_44, %get3A_45] : memref<1x128xf32, #tpu.memory_space<vmem>>, vector<1x128xf32>
    %add3A_47 = vector.broadcast %get3A_46 : vector<1x128xf32> to vector<2000x128xf32>
    %add3A_48 = arith.addf %dot_general3A_43, %add3A_47 : vector<2000x128xf32>
    %max3A_49 = arith.constant 0.000000e+00 : f32
    %max3A_50 = vector.broadcast %max3A_49 : f32 to vector<2000x128xf32>
    %max3A_51 = arith.maximumf %add3A_48, %max3A_50 : vector<2000x128xf32>
    %get3A_52 = arith.constant 0 : index
    %get3A_53 = arith.constant 0 : index
    %get3A_54 = vector.load %arg9[%get3A_52, %get3A_53] : memref<128x128xf32, #tpu.memory_space<vmem>>, vector<128x128xf32>
    %dot_general3A_55 = arith.constant dense<0.000000e+00> : vector<2000x128xf32>
    %dot_general3A_56 = tpu.matmul %max3A_51, %get3A_54, %dot_general3A_55 {dimension_numbers = #tpu.dot_dimension_numbers<[1], [0], [0], [1], [0, 0, 1, 1], [], []>, transpose_lhs_hint = false} : vector<2000x128xf32>, vector<128x128xf32>, vector<2000x128xf32> -> vector<2000x128xf32>
    %get3A_57 = arith.constant 0 : index
    %get3A_58 = arith.constant 0 : index
    %get3A_59 = vector.load %arg10[%get3A_57, %get3A_58] : memref<1x128xf32, #tpu.memory_space<vmem>>, vector<1x128xf32>
    %add3A_60 = vector.broadcast %get3A_59 : vector<1x128xf32> to vector<2000x128xf32>
    %add3A_61 = arith.addf %dot_general3A_56, %add3A_60 : vector<2000x128xf32>
    %reduce_max3A = arith.constant dense<0xFF800000> : vector<2000xf32>
    %reduce_max3A_62 = vector.multi_reduction <maximumf>, %add3A_61, %reduce_max3A [1] : vector<2000x128xf32> to vector<2000xf32>
    %broadcast_in_dim3A_63 = vector.shape_cast %reduce_max3A_62 : vector<2000xf32> to vector<2000x1xf32>
    %sub3A = vector.broadcast %broadcast_in_dim3A_63 : vector<2000x1xf32> to vector<2000x128xf32>
    %sub3A_64 = arith.subf %add3A_61, %sub3A : vector<2000x128xf32>
    %exp3A = math.exp %sub3A_64 : vector<2000x128xf32>
    %reduce_sum3A = arith.constant dense<0.000000e+00> : vector<2000xf32>
    %reduce_sum3A_65 = vector.multi_reduction <add>, %exp3A, %reduce_sum3A [1] : vector<2000x128xf32> to vector<2000xf32>
    %broadcast_in_dim3A_66 = vector.shape_cast %reduce_sum3A_65 : vector<2000xf32> to vector<2000x1xf32>
    %log3A = math.log %broadcast_in_dim3A_66 : vector<2000x1xf32>
    %add3A_67 = arith.addf %broadcast_in_dim3A_63, %log3A : vector<2000x1xf32>
    %sub3A_68 = vector.broadcast %add3A_67 : vector<2000x1xf32> to vector<2000x128xf32>
    %sub3A_69 = arith.subf %add3A_61, %sub3A_68 : vector<2000x128xf32>
    %swap3A = arith.constant 0 : index
    %swap3A_70 = arith.constant 0 : index
    %swap3A_71 = vector.load %arg11[%swap3A, %swap3A_70] : memref<2000x128xf32, #tpu.memory_space<vmem>>, vector<2000x128xf32>
    tpu.vector_store %arg11[%swap3A, %swap3A_70], %sub3A_69 {strides = array<i32>} : memref<2000x128xf32, #tpu.memory_space<vmem>>, vector<2000x128xf32>,
    %swap3A_72 = arith.constant 0 : index
    %swap3A_73 = arith.constant 0 : index
    %swap3A_74 = vector.load %arg12[%swap3A_72, %swap3A_73] : memref<2000x128xf32, #tpu.memory_space<vmem>>, vector<2000x128xf32>
    tpu.vector_store %arg12[%swap3A_72, %swap3A_73], %add3A_38 {strides = array<i32>} : memref<2000x128xf32, #tpu.memory_space<vmem>>, vector<2000x128xf32>,
    return
  }
  func.func @transform_0(%arg0: i32) -> (i32, i32, i32) {
    %c0_i32 = arith.constant 0 : i32
    %c0_i32_0 = arith.constant 0 : i32
    %c0_i32_1 = arith.constant 0 : i32
    return %c0_i32, %arg0, %c0_i32_0 : i32, i32, i32
  }
  func.func @transform_1(%arg0: i32) -> (i32, i32) {
    %c0_i32 = arith.constant 0 : i32
    %c0_i32_0 = arith.constant 0 : i32
    return %arg0, %c0_i32 : i32, i32
  }
  func.func @transform_2(%arg0: i32) -> (i32, i32) {
    %c0_i32 = arith.constant 0 : i32
    %c0_i32_0 = arith.constant 0 : i32
    return %arg0, %c0_i32 : i32, i32
  }
  func.func @transform_3(%arg0: i32) -> (i32, i32) {
    %c0_i32 = arith.constant 0 : i32
    %c0_i32_0 = arith.constant 0 : i32
    %c0_i32_1 = arith.constant 0 : i32
    return %c0_i32, %c0_i32_0 : i32, i32
  }
  func.func @transform_4(%arg0: i32) -> (i32, i32) {
    %c0_i32 = arith.constant 0 : i32
    %c0_i32_0 = arith.constant 0 : i32
    %c0_i32_1 = arith.constant 0 : i32
    return %c0_i32, %c0_i32_0 : i32, i32
  }
  func.func @transform_5(%arg0: i32) -> (i32, i32) {
    %c0_i32 = arith.constant 0 : i32
    %c0_i32_0 = arith.constant 0 : i32
    %c0_i32_1 = arith.constant 0 : i32
    return %c0_i32, %c0_i32_0 : i32, i32
  }
  func.func @transform_6(%arg0: i32) -> (i32, i32) {
    %c0_i32 = arith.constant 0 : i32
    %c0_i32_0 = arith.constant 0 : i32
    %c0_i32_1 = arith.constant 0 : i32
    return %c0_i32, %c0_i32_0 : i32, i32
  }
  func.func @transform_7(%arg0: i32) -> (i32, i32) {
    %c0_i32 = arith.constant 0 : i32
    %c0_i32_0 = arith.constant 0 : i32
    %c0_i32_1 = arith.constant 0 : i32
    return %c0_i32, %c0_i32_0 : i32, i32
  }
  func.func @transform_8(%arg0: i32) -> (i32, i32) {
    %c0_i32 = arith.constant 0 : i32
    %c0_i32_0 = arith.constant 0 : i32
    %c0_i32_1 = arith.constant 0 : i32
    return %c0_i32, %c0_i32_0 : i32, i32
  }
  func.func @transform_9(%arg0: i32) -> (i32, i32) {
    %c0_i32 = arith.constant 0 : i32
    %c0_i32_0 = arith.constant 0 : i32
    %c0_i32_1 = arith.constant 0 : i32
    return %c0_i32, %c0_i32_0 : i32, i32
  }
  func.func @transform_10(%arg0: i32) -> (i32, i32) {
    %c0_i32 = arith.constant 0 : i32
    %c0_i32_0 = arith.constant 0 : i32
    return %arg0, %c0_i32 : i32, i32
  }
  func.func @transform_11(%arg0: i32) -> (i32, i32) {
    %c0_i32 = arith.constant 0 : i32
    %c0_i32_0 = arith.constant 0 : i32
    return %arg0, %c0_i32 : i32, i32
  }
}

</mosaic_0001>

<sc_bundles>
// kernel: kernel.11.cloned.1.call-start
scs
__scs_entry_jumppad:
0x0: {  	(pc) =	sbr.rel $0x88, $3  }
0x1: {  	(tag) =	ssettag $0x0;
	lr =	simm.s32 $0x1  }
0x2: {  	[smem:$0x3F92] =	sst lr;
	_ =	strace $0xD0000000  }
0x3: {  	_ = 	snop  }
0x4: {  	_ = 	snop  }
0x5: {  	_ = 	snop  }
0x6: {  	_ = 	snop  }
0x7: {  	_ = 	snop  }
__scs_overlays_trampoline_lowered:
0x8: {  	[smem:$0x3FA1] =	sst s0  }
0x9: {  	[smem:$0x3FA2] =	sst s1  }
0xa: {  	[smem:$0x3FA3] =	sst s2  }
0xb: {  	[smem:$0x3FA4] =	sst s3  }
0xc: {  	[smem:$0x3FA5] =	sst s4  }
0xd: {  	[smem:$0x3FA6] =	sst s5  }
0xe: {  	[smem:$0x3FA7] =	sst s6  }
0xf: {  	[smem:$0x3FA8] =	sst s7  }
0x10: {  	[smem:$0x3FA9] =	sst s8  }
0x11: {  	[smem:$0x3FAA] =	sst s9;
	s0 =	simm.s32 @!p0 $0x0  }
0x12: {  	s1 =	sld [smem:$0x3F90];
	s0 =	simm.s32 @p0 $0x1  }
0x13: {  	[smem:$0x3FAB] =	sst s0;
	s0 =	simm.s32 @!p1 $0x0  }
0x14: {  	s2 =	sld [smem:$0x3F8F];
	s0 =	simm.s32 @p1 $0x1  }
0x15: {  	[smem:$0x3FAC] =	sst s0;
	s0 =	simm.s32 @!p2 $0x0  }
0x16: {  	s3 =	sld [smem:$0x3FDB];
	s0 =	simm.s32 @p2 $0x1  }
0x17: {  	s4 =	simm.s32 $0x1BF5;
	[smem:$0x3FAE] =	sst s0  }
0x18: {  	s0 =	sld [smem:$0x3F91];
	_ =	swait.ge [sflag:s4], $0x0  }
0x19: {  	s7 =	sld [smem:$0x3F92]  }
0x1a: {  	s8 =	sadd.s32 $0xFFFFE003, lr  }
0x1b: {  	s9 =	sadd.s32 $0xFFFFFEF7, lr;
	s5 =	simm.s32 $0xFFFFFFFF;
	p2 =	slt.u32 s8, $0xFFFFF086  }
0x1c: {  	p1 =	slt.u32 s9, $0xF7A;
	s5 =	simm.s32 @!p2 $0x0  }
0x1d: {  	s5 =	simm.s32 @p1 $0x1;
	p0 =	seq.s32 s7, s2  }
0x1e: {  	s7 =	smul.u32 @!p0 $0xF7A, s2;
	p2 =	seq.s32 @!p0 s5, $0x0  }
0x1f: {  	s9 =	smul.u32 $0xF7A, s1;
	s8 =	simm.s32 @!p0 $0x1BF5;
	p2 =	por !p2, p0  }
0x20: {  	[sflag:s8] =	ssyncset.s32 @!p0 $0xFFFFF086;
	s6 =	sadd.s32 @!p0 s3, s7;
	s7 =	simm.s32 @!p0 $0x108  }
0x21: {  	s3 =	sadd.s32 s3, s9;
	s6 =	sadd.s32 @!p0 $0x88, s6;
	s7 =	simm.s32 @p2 $0x1082  }
0x22: {  	[simem:s7], [sflag:s8] =	dma.local @!p0 [hbm:s6], $0xF7A  }
0x23: {  	s9 =	sor.u32 $0xD0000000, s2;
	s6 =	simm.s32 $0x108;
	_ =	swait.ge @!p0 [sflag:s8], $0x0  }
0x24: {  	s3 =	sadd.s32 $0x88, s3;
	s6 =	simm.s32 @!p1 $0x1082;
	[sflag:s4] =	ssyncset.s32 $0xFFFFF086  }
0x25: {  	[simem:s6], [sflag:s4] =	dma.local [hbm:s3], $0xF7A  }
0x26: {  	[smem:$0x3F92] =	sst s1;
	(tag) =	ssettag s2;
	_ =	strace s9  }
0x27: {  	s1 =	sld [smem:$0x3FA2]  }
0x28: {  	s2 =	sld [smem:$0x3FA3]  }
0x29: {  	s4 =	sld [smem:$0x3FA5]  }
0x2a: {  	p0 =	seq.s32 s5, $0x0;
	s5 =	sld [smem:$0x3FA6]  }
0x2b: {  	s6 =	sld [smem:$0x3FA7]  }
0x2c: {  	s7 =	sld [smem:$0x3FA8]  }
0x2d: {  	s3 =	simm.s32 $0x108;
	s8 =	sld [smem:$0x3FA9]  }
0x2e: {  	s3 =	simm.s32 @!p0 $0x1082;
	s9 =	sld [smem:$0x3FAA]  }
0x2f: {  	lr =	sadd.s32 s0, s3;
	s0 =	sld [smem:$0x3FA1]  }
0x30: {  	s3 =	sld [smem:$0x3FA4]  }
0x31: {  	[smem:$0x3FAD] =	sst s10  }
0x32: {  	s10 =	sld [smem:$0x3FAB];
	_ =	sdelay $0x3  }
0x33: {  	p0 =	seq.s32 s10, $0x1;
	s10 =	sld [smem:$0x3FAD];
	_ =	sdelay $0x3  }
0x34: {  	[smem:$0x3FAD] =	sst s10  }
0x35: {  	s10 =	sld [smem:$0x3FAC];
	_ =	sdelay $0x3  }
0x36: {  	p1 =	seq.s32 s10, $0x1;
	s10 =	sld [smem:$0x3FAD];
	_ =	sdelay $0x3  }
0x37: {  	[smem:$0x3FAD] =	sst s10  }
0x38: {  	s10 =	sld [smem:$0x3FAE]  }
0x39: {  	_ = 	snop;
	(pc) =	sbr.ind lr, $3  }
0x3a: {  	_ = 	snop  }
0x3b: {  	_ = 	snop  }
0x3c: {  	p2 =	seq.s32 s10, $0x1;
	s10 =	sld [smem:$0x3FAD]  }
0x3d: {  	_ =	shalt  }
0x3e: {  	_ =	shalt  }
0x3f: {  	_ =	shalt  }
0x40: {  	_ =	shalt  }
0x41: {  	_ =	shalt  }
0x42: {  	_ =	shalt  }
0x43: {  	_ =	shalt  }
0x44: {  	_ =	shalt  }
0x45: {  	_ =	shalt  }
0x46: {  	_ =	shalt  }
0x47: {  	_ =	shalt  }
0x48: {  	_ =	shalt  }
0x49: {  	_ =	shalt  }
0x4a: {  	_ =	shalt  }
0x4b: {  	_ =	shalt  }
0x4c: {  	_ =	shalt  }
0x4d: {  	_ =	shalt  }
0x4e: {  	_ =	shalt  }
0x4f: {  	_ =	shalt  }
0x50: {  	_ =	shalt  }
0x51: {  	_ =	shalt  }
0x52: {  	_ =	shalt  }
0x53: {  	_ =	shalt  }
0x54: {  	_ =	shalt  }
0x55: {  	_ =	shalt  }
0x56: {  	_ =	shalt  }
0x57: {  	_ =	shalt  }
0x58: {  	_ =	shalt  }
0x59: {  	_ =	shalt  }
0x5a: {  	_ =	shalt  }
0x5b: {  	_ =	shalt  }
0x5c: {  	_ =	shalt  }
0x5d: {  	_ =	shalt  }
0x5e: {  	_ =	shalt  }
0x5f: {  	_ =	shalt  }
0x60: {  	_ =	shalt  }
0x61: {  	_ =	shalt  }
0x62: {  	_ =	shalt  }
0x63: {  	_ =	shalt  }
0x64: {  	_ =	shalt  }
0x65: {  	_ =	shalt  }
0x66: {  	_ =	shalt  }
0x67: {  	_ =	shalt  }
0x68: {  	_ =	shalt  }
0x69: {  	_ =	shalt  }
0x6a: {  	_ =	shalt  }
0x6b: {  	_ =	shalt  }
0x6c: {  	_ =	shalt  }
0x6d: {  	_ =	shalt  }
0x6e: {  	_ =	shalt  }
0x6f: {  	_ =	shalt  }
0x70: {  	_ =	shalt  }
0x71: {  	_ =	shalt  }
0x72: {  	_ =	shalt  }
0x73: {  	_ =	shalt  }
0x74: {  	_ =	shalt  }
0x75: {  	_ =	shalt  }
0x76: {  	_ =	shalt  }
0x77: {  	_ =	shalt  }
0x78: {  	_ =	shalt  }
0x79: {  	_ =	shalt  }
0x7a: {  	_ =	shalt  }
0x7b: {  	_ =	shalt  }
0x7c: {  	_ =	shalt  }
0x7d: {  	_ =	shalt  }
0x7e: {  	_ =	shalt  }
0x7f: {  	_ =	shalt  }
0x80: {  	_ =	shalt  }
0x81: {  	_ =	shalt  }
0x82: {  	_ =	shalt  }
0x83: {  	_ =	shalt  }
0x84: {  	_ =	shalt  }
0x85: {  	_ =	shalt  }
0x86: {  	_ =	shalt  }
0x87: {  	_ =	shalt  }
.Lfunc_end0:
.L_simem_size_0:
called_computation.1_lowered:
.L_overlay_start_0:
0x88: {  	s2 =	sld [smem:$0x3FD9]  }
0x89: {  	s3 =	sld [smem:$0x3FFE];
	_ =	sdelay $0x1  }
0x8a: {  	s1 =	srdreg.scid  }
0x8b: {  	s0 =	sand.u32 $0x1, s1  }
0x8c: {  	s14 =	sshll.u32 s0, $0xA;
	s2 =	sadd.s32 s3, s2  }
0x8d: {  	s2 =	sadd.s32 s2, s14  }
0x8e: {  	[smem:$0x3FB9] =	sst s2  }
0x8f: {  	_ = 	snop  }
0x90: {  	s2 =	sld [smem:$0x3FD0];
	_ =	sdelay $0x2  }
0x91: {  	s15 =	simm.s32 $0xA;
	s4 =	simm.s32 $0x10  }
0x92: {  	[smem:s4], [sflag:s15] =	dma.local [hbm:s2], $0x1  }
0x93: {  	_ =	swait.eq [sflag:s15], $0x1  }
0x94: {  	[sflag:s15] =	ssyncset.done $0x0  }
0x95: {  	s16 =	sld [smem:$0x10];
	[sflag:s15] =	ssyncadd.s32 $0xFFFFFFFF  }
0x96: {  	s17 =	sld [smem:$0x11];
	(tm) =	ssettm $0x1  }
0x97: {  	s18 =	sld [smem:$0x3FFB];
	_ =	sdelay $0x3  }
0x98: {  	_ =	strace s18  }
0x99: {  	s4 =	sld [smem:$0x3FFC];
	_ =	sdelay $0x3  }
0x9a: {  	_ =	strace s4  }
0x9b: {  	s4 =	sld [smem:$0x3FFD];
	_ =	sdelay $0x3  }
0x9c: {  	_ =	strace s4  }
0x9d: {  	_ =	strace $0x8FFFFFFF  }
0x9e: {  	s19 =	sld [smem:$0x3FDB];
	_ =	sdelay $0x1  }
0x9f: {  	s5 =	simm.s32 $_scs_section_size  }
0xa0: {  	s6 =	simm.s32 $_size__tile_overlayer_lowered;
	s7 =	simm.s32 $_tile_overlayer_lowered  }
0xa1: {  	s22 =	simm.s32 $0x1BFF;
	s21 =	sshll.u32 s7, $0x1;
	s4 =	sadd.s32 s5, s19  }
0xa2: {  	s8 =	simm.s32 $0x0;
	s20 =	sshll.u32 s6, $0x1;
	s6 =	sadd.s32 s21, s4  }
0xa3: {  	[timem:s8], [sflag:s22] =	dma.local [hbm:s6], s20  }
0xa4: {  	_ =	swait.ge [sflag:s22], s20  }
0xa5: {  	s5 =	ssub.s32 $0x0, s20;
	[sflag:s22] =	ssyncset.done $0x0  }
0xa6: {  	[sflag:s22] =	ssyncadd.s32 s5;
	_ =	sdelay $0x1  }
0xa7: {  	s23 =	simm.s32 $0x1B8B  }
0xa8: {  	_ =	swait.ge [sflag:s23], $0x1  }
0xa9: {  	[sflag:s23] =	ssyncset.done $0x0  }
0xaa: {  	s25 =	simm.s32 $0x1B8E;
	s24 =	sld [smem:$0x3FFE];
	[sflag:s23] =	ssyncadd.s32 $0xFFFFFFFF  }
0xab: {  	s26 =	simm.s32 $execute0_lowered;
	[smem:$0x3FD2] =	sst s25  }
0xac: {  	s6 =	sshll.u32 s26, $0x1;
	_ =	strace $0x80000049;
	[dreg:$0x1] =	wrdreg $0xFFFFFFFF  }
0xad: {  	s28 =	simm.s32 $_size_execute0_lowered;
	s4 =	sadd.s32 s4, s6;
	[dreg:$0x0] =	wrdreg $0x0  }
0xae: {  	s6 =	sshll.u32 s28, $0x1;
	[dreg:$0x2] =	wrdreg s4  }
0xaf: {  	[dreg:$0x3] =	wrdreg s6  }
0xb0: {  	[dreg:$0x4] =	wrdreg $0xC0  }
0xb1: {  	_ =	task [dreg:s8], $0x5FFFF  }
0xb2: {  	[dreg:$0x1] =	wrdreg $0xFFFFFFFF  }
0xb3: {  	[dreg:$0x0] =	wrdreg $0x60  }
0xb4: {  	[dreg:$0x2] =	wrdreg s16  }
0xb5: {  	[dreg:$0x3] =	wrdreg s24  }
0xb6: {  	[dreg:$0x4] =	wrdreg s17  }
0xb7: {  	[dreg:$0x5] =	wrdreg $0x98800  }
0xb8: {  	[dreg:$0x6] =	wrdreg $0x1D1000  }
0xb9: {  	[dreg:$0x7] =	wrdreg $0x9  }
0xba: {  	_ =	task.clear_ibuf [dreg:s8], $0x8FFFF;
	_ =	strace $0x90000049  }
0xbb: {  	s29 =	simm.s32 $0x9;
	_ =	strace $0x8000004B  }
0xbc: {  	_ =	swait.ge [sflag:s29], $0x1  }
0xbd: {  	[sflag:s29] =	ssyncadd.s32 $0xFFFFFFFF  }
0xbe: {  	_ =	strace $0x9000004B  }
0xbf: {  	_ =	sfence  }
0xc0: {  	s30 =	sld [smem:$0x0];
	_ =	sdelay $0x2  }
0xc1: {  	s31 =	sshll.u32 s1, $0xD;
	s1 =	sshrl.u32 s1, $0x2  }
0xc2: {  	s3 =	sand.u32 $0x4000, s31;
	s1 =	sadd.s32 s1, s30  }
0xc3: {  	s0 =	sor.u32 s3, s0;
	s1 =	sshll.u32 s1, $0x11  }
0xc4: {  	s0 =	sor.u32 s1, s0  }
0xc5: {  	s0 =	sadd.s32 $0x8F2B, s0  }
0xc6: {  	[sflag:s0] =	ssyncadd.remote.s32 $0x1  }
0xc7: {  	_ =	sfence.sel $0xFFFF  }
0xc8: {  	[dreg:$0x0] =	wrdreg $0xFFFFFFFF;
	(pc) =	sbr.abs _section_cstart, $3  }
0xc9: {  	[dreg:$0x1] =	wrdreg $0xFFFFFFFF  }
0xca: {  	_ =	task.clear_ibuf [dreg:s8], $0x2FFFF;
	_ =	strace $0x9FFFFFFF  }
0xcb: {  	(tm) =	ssettm $0x7FFFFFFF  }
tec
execute0_lowered:
.L_overlay_start_1:
0x0: {  	(tag) =	ssettag $0x1  }
0x1: {  	s1 =	rddreg [dreg:$0x0]  }
0x2: {  	s0 =	rddreg [dreg:$0x1]  }
0x3: {  	s4 =	rddreg [dreg:$0x2]  }
0x4: {  	s2 =	rddreg [dreg:$0x3]  }
0x5: {  	s3 =	rddreg [dreg:$0x4];
	s5 =	srdreg.scid;
	s6 =	simm.s32 $0x0  }
0x6: {  	s16 =	stileid.u32;
	p1 =	por $0x0, $0x0;
	s28 =	simm.s32 $0x9800  }
0x7: {  	s29 =	simm.s32 $0x100;
	s30 =	simm.s32 $0x7000;
	s31 =	simm.s32 $0x2  }
0x8: {  	s5 =	sand.u32 $0x1, s5;
	[smem:$0x7FF] =	sst s6;
	s6 =	sadd.s32 $0x3C00, s0  }
0x9: {  	s7 =	sadd.s32 $0x17C00, s0;
	s10 =	sadd.s32 $0x2BC00, s0;
	s12 =	smul.u32 $0x4E000, s16  }
0xa: {  	s26 =	sadd.s32 $0x2CC00, s0;
	s15 =	smul.u32 $0x13800, s16;
	p0 =	seq.s32 s16, $0x0  }
0xb: {  	p4 =	sne.s32 s16, $0xF;
	s8 =	sshll.u32 s5, $0x4;
	_ =	strace $0x8000004A  }
0xc: {  	[dreg:$0x6] =	wrdreg s10;
	s11 =	ssub.s32 $0x2, s5;
	s5 =	smul.u32 $0x138800, s5  }
0xd: {  	p3 =	sne.s32 @!p0 s16, $0xF;
	s10 =	simm.s32 $0x3;
	s9 =	sor.u32 s16, s8  }
0xe: {  	s13 =	sshrl.u32 s11, $0x1;
	s0 =	sadd.s32 s8, s0;
	s19 =	sshrl.u32 s12, $0x2  }
0xf: {  	s20 =	sshrl.u32 s15, $0x3;
	p2 =	por p3, p0;
	p3 =	por !p3, p0  }
0x10: {  	s8 =	simm.s32 $0x180;
	s12 =	simm.s32 $0x6;
	s16 =	simm.s32 $0x0  }
0x11: {  	s9 =	smul.u32 $0x5000, s9;
	s17 =	ssub.s32 s11, s13;
	s11 =	sadd.s32 s19, s2  }
0x12: {  	s22 =	sadd.s32 s4, s20;
	s23 =	sadd.s32 s15, s5;
	s5 =	sshrl.u32 s5, $0x3  }
0x13: {  	s4 =	sadd.s32 $0x27000, s4;
	s0 =	sadd.s32 $0x2C200, s0;
	[dreg:$0x9] =	wrdreg s11  }
0x14: {  	s20 =	simm.s32 $0x7;
	s13 =	simm.s32 $0x1B80;
	[dreg:$0xa] =	wrdreg s22  }
0x15: {  	s15 =	simm.s32 $0x1C00;
	[dreg:$0xc] =	wrdreg s4;
	s24 =	sshrl.u32 s23, $0x3  }
0x16: {  	s5 =	sadd.s32 s26, s5;
	[dreg:$0xf] =	wrdreg s0;
	s22 =	simm.s32 $0x50  }
0x17: {  	s23 =	simm.s32 $0x2000;
	s0 =	simm.s32 $0x1080;
	s4 =	sadd.s32 s26, s24  }
0x18: {  	s11 =	simm.s32 $0x5;
	s25 =	sadd.s32 $0x27000, s5;
	[dreg:$0xd] =	wrdreg s4  }
0x19: {  	s14 =	sshrl.u32 s9, $0x3;
	s26 =	smax.u32 s17, $0x1;
	[dreg:$0xe] =	wrdreg s25  }
0x1a: {  	s24 =	simm.s32 $0x80;
	s18 =	sadd.s32 s6, s14;
	[dreg:$0x10] =	wrdreg s26  }
0x1b: {  	s5 =	simm.s32 $0x4;
	s21 =	sadd.s32 s7, s14;
	[dreg:$0x7] =	wrdreg s18  }
0x1c: {  	s25 =	simm.s32 $0x4800;
	[dreg:$0x8] =	wrdreg s21;
	s18 =	sadd.s32 $0x138000, s2  }
0x1d: {  	v0 =	vimm.f32 $1.000000000e+00;
	s26 =	simm.s32 $0x1;
	s21 =	simm.s32 $0x1000;
	[dreg:$0xb] =	wrdreg s18  }
.LBB2_1:
0x1e: {  	s4 =	simm.s32 $0x0;
	s14 =	rddreg [dreg:$0x7]  }
0x1f: {  	[tilespmem:s4], [sflag:$0x7] =	stream.linear.gather [hbm4b:s14+s4], $0xC80, $0x38;
	[tilespmem:$0x1D378] =	vst v63  }
0x20: {  	_ =	swait.ge [sflag:s20], $0xC80  }
0x21: {  	[sflag:s20] =	ssyncset.done $0x0  }
0x22: {  	s19 =	rddreg [dreg:$0x8];
	[sflag:s20] =	ssyncadd.s32 $0xFFFFF380  }
0x23: {  	[tilespmem:s21], [sflag:$0x7] =	stream.linear.gather [hbm4b:s19+s4], $0xC80, $0x38;
	[tilespmem:$0x1D378] =	vst v63  }
0x24: {  	_ =	swait.ge [sflag:s20], $0xC80  }
0x25: {  	[sflag:s20] =	ssyncset.done $0x0  }
0x26: {  	s17 =	stileid.u32;
	[sflag:s20] =	ssyncadd.s32 $0xFFFFF380  }
0x27: {  	[tilespmem:s23], [sflag:$0x1] =	stream.indirect.gather [hbm4b:s1+s22], $0x80, s4, s22, $0xb8;
	[tilespmem:$0x1D378] =	vst v63  }
0x28: {  	s19 =	rddreg [dreg:$0x9];
	s4 =	sshll.u32 s17, $0x6  }
0x29: {  	s17 =	sor.u32 $0x1C07, s4;
	s4 =	sshrl.u32 s19, $0x3;
	s19 =	rddreg [dreg:$0xa]  }
0x2a: {  	[tilespmem:s25], [sflag:$0x2] =	stream.indirect.gather [hbm4b:s1+s22], $0x80, s24, s22, $0xb8;
	[tilespmem:$0x1D378] =	vst v63  }
0x2b: {  	[dreg:$0x12] =	wrdreg s4  }
0x2c: {  	[spmem:s4], [sflag:s17] =	dma.local [hbm:s19], $0x2700  }
0x2d: {  	_ =	swait.ge [sflag:s20], $0x2700  }
0x2e: {  	[sflag:s20] =	ssyncset.done $0x0  }
0x2f: {  	s4 =	sshrl.u32 @p0 s3, $0x3;
	s14 =	rddreg [dreg:$0x6];
	[sflag:s20] =	ssyncadd.s32 $0xFFFFD900  }
0x30: {  	[spmem:s4], [sflag:s17] =	dma.local @p0 [hbm:s14], $0x4F0  }
0x31: {  	s4 =	simm.s32 @p0 $0x7  }
0x32: {  	_ =	swait.ge @p0 [sflag:s4], $0x4F0  }
0x33: {  	[sflag:s4] =	ssyncset.done @p0 $0x0  }
0x34: {  	s14 =	rddreg [dreg:$0xc];
	[sflag:s4] =	ssyncadd.s32 @p0 $0xFFFFFB10;
	s4 =	sshrl.u32 @!p2 s18, $0x3  }
0x35: {  	[spmem:s4], [sflag:s17] =	dma.local @!p2 [hbm:s14], $0x100  }
0x36: {  	s4 =	simm.s32 @!p2 $0x7  }
0x37: {  	_ =	swait.ge @!p2 [sflag:s4], $0x100  }
0x38: {  	[sflag:s4] =	ssyncset.done @!p2 $0x0  }
0x39: {  	[sflag:s4] =	ssyncadd.s32 @!p2 $0xFFFFFF00  }
0x3a: {  	[tilespmem:$0x9800] =	vst v0  }
0x3b: {  	[tilespmem:$0x9810] =	vst v0  }
0x3c: {  	[tilespmem:$0x9820] =	vst v0  }
0x3d: {  	[tilespmem:$0x9830] =	vst v0  }
0x3e: {  	[tilespmem:$0x9840] =	vst v0  }
0x3f: {  	[bflag:$0x0] =	sbarrier.arrive $0xFFFF  }
0x40: {  	_ =	swait.ge [sflag:s26], $0x2800  }
0x41: {  	[sflag:s26] =	ssyncset.done $0x0  }
0x42: {  	[sflag:s26] =	ssyncadd.s32 $0xFFFFD800  }
0x43: {  	[spmem:s2] =	stream.indirect.scatter.add.f32 [tilespmem:s23], [sflag:$0x4], $0x80, s21, s22, $0xb8;
	[tilespmem:$0x1D378] =	vst v63  }
0x44: {  	_ = 	snop  }
0x45: {  	[spmem:s3] =	stream.indirect.scatter.add.f32 [tilespmem:s28], [sflag:$0x4], $0x1, s21, s22, $0xb8;
	[tilespmem:$0x1D378] =	vst v63  }
0x46: {  	_ = 	snop  }
0x47: {  	[tilespmem:s30], [sflag:$0x3] =	stream.indirect.gather [hbm4b:s1+s22], $0x80, s29, s22, $0xb8;
	[tilespmem:$0x1D378] =	vst v63  }
0x48: {  	_ =	swait.ge [sflag:s31], $0x2800  }
0x49: {  	[sflag:s31] =	ssyncset.done $0x0  }
0x4a: {  	[sflag:s31] =	ssyncadd.s32 $0xFFFFD800  }
0x4b: {  	[spmem:s2] =	stream.indirect.scatter.add.f32 [tilespmem:s25], [sflag:$0x5], $0x80, s0, s22, $0xb8;
	[tilespmem:$0x1D378] =	vst v63  }
0x4c: {  	_ = 	snop  }
0x4d: {  	[spmem:s3] =	stream.indirect.scatter.add.f32 [tilespmem:s28], [sflag:$0x5], $0x1, s0, s22, $0xb8;
	[tilespmem:$0x1D378] =	vst v63  }
0x4e: {  	_ =	swait.ge [sflag:s5], $0x2800  }
0x4f: {  	[sflag:s5] =	ssyncset.done $0x0  }
0x50: {  	[sflag:s5] =	ssyncadd.s32 $0xFFFFD800  }
0x51: {  	_ =	swait.ge [sflag:s5], $0x50  }
0x52: {  	[sflag:s5] =	ssyncset.done $0x0  }
0x53: {  	[sflag:s5] =	ssyncadd.s32 $0xFFFFFFB0  }
0x54: {  	[tilespmem:s23], [sflag:$0x1] =	stream.indirect.gather [hbm4b:s1+s22], $0x80, s8, s22, $0xb8;
	[tilespmem:$0x1D378] =	vst v63  }
0x55: {  	_ =	swait.ge [sflag:s10], $0x2800  }
0x56: {  	[sflag:s10] =	ssyncset.done $0x0  }
0x57: {  	s18 =	simm.s32 $0x1100;
	[sflag:s10] =	ssyncadd.s32 $0xFFFFD800  }
0x58: {  	[spmem:s2] =	stream.indirect.scatter.add.f32 [tilespmem:s30], [sflag:$0x6], $0x80, s18, s22, $0xb8;
	[tilespmem:$0x1D378] =	vst v63  }
0x59: {  	_ = 	snop  }
0x5a: {  	[spmem:s3] =	stream.indirect.scatter.add.f32 [tilespmem:s28], [sflag:$0x6], $0x1, s18, s22, $0xb8;
	[tilespmem:$0x1D378] =	vst v63  }
0x5b: {  	_ =	swait.ge [sflag:s11], $0x2800  }
0x5c: {  	[sflag:s11] =	ssyncset.done $0x0  }
0x5d: {  	[sflag:s11] =	ssyncadd.s32 $0xFFFFD800  }
0x5e: {  	_ =	swait.ge [sflag:s11], $0x50  }
0x5f: {  	[sflag:s11] =	ssyncset.done $0x0  }
0x60: {  	s19 =	simm.s32 $0x200;
	[sflag:s11] =	ssyncadd.s32 $0xFFFFFFB0  }
0x61: {  	[tilespmem:s25], [sflag:$0x2] =	stream.indirect.gather [hbm4b:s1+s22], $0x80, s19, s22, $0xb8;
	[tilespmem:$0x1D378] =	vst v63  }
0x62: {  	_ =	swait.ge [sflag:s26], $0x2800  }
0x63: {  	[sflag:s26] =	ssyncset.done $0x0  }
0x64: {  	s14 =	simm.s32 $0x1180;
	[sflag:s26] =	ssyncadd.s32 $0xFFFFD800  }
0x65: {  	[spmem:s2] =	stream.indirect.scatter.add.f32 [tilespmem:s23], [sflag:$0x4], $0x80, s14, s22, $0xb8;
	[tilespmem:$0x1D378] =	vst v63  }
0x66: {  	_ = 	snop  }
0x67: {  	[spmem:s3] =	stream.indirect.scatter.add.f32 [tilespmem:s28], [sflag:$0x4], $0x1, s14, s22, $0xb8;
	[tilespmem:$0x1D378] =	vst v63  }
0x68: {  	_ =	swait.ge [sflag:s12], $0x2800  }
0x69: {  	[sflag:s12] =	ssyncset.done $0x0  }
0x6a: {  	[sflag:s12] =	ssyncadd.s32 $0xFFFFD800  }
0x6b: {  	_ =	swait.ge [sflag:s12], $0x50  }
0x6c: {  	[sflag:s12] =	ssyncset.done $0x0  }
0x6d: {  	s18 =	simm.s32 $0x280;
	[sflag:s12] =	ssyncadd.s32 $0xFFFFFFB0  }
0x6e: {  	[tilespmem:s30], [sflag:$0x3] =	stream.indirect.gather [hbm4b:s1+s22], $0x80, s18, s22, $0xb8;
	[tilespmem:$0x1D378] =	vst v63  }
0x6f: {  	_ =	swait.ge [sflag:s31], $0x2800  }
0x70: {  	[sflag:s31] =	ssyncset.done $0x0  }
0x71: {  	s19 =	simm.s32 $0x1200;
	[sflag:s31] =	ssyncadd.s32 $0xFFFFD800  }
0x72: {  	[spmem:s2] =	stream.indirect.scatter.add.f32 [tilespmem:s25], [sflag:$0x5], $0x80, s19, s22, $0xb8;
	[tilespmem:$0x1D378] =	vst v63  }
0x73: {  	_ = 	snop  }
0x74: {  	[spmem:s3] =	stream.indirect.scatter.add.f32 [tilespmem:s28], [sflag:$0x5], $0x1, s19, s22, $0xb8;
	[tilespmem:$0x1D378] =	vst v63  }
0x75: {  	_ =	swait.ge [sflag:s5], $0x2800  }
0x76: {  	[sflag:s5] =	ssyncset.done $0x0  }
0x77: {  	p6 =	por @!p2 $0x0, $0x0;
	[sflag:s5] =	ssyncadd.s32 $0xFFFFD800  }
0x78: {  	p5 =	por @p0 $0x1, $0x1;
	p6 =	por @!p3 p1, p1;
	_ =	swait.ge [sflag:s5], $0x50  }
0x79: {  	p5 =	por @!p0 p6, p6;
	[sflag:s5] =	ssyncset.done $0x0  }
0x7a: {  	s4 =	simm.s32 $0x300;
	s19 =	simm.s32 $0x600;
	[sflag:s5] =	ssyncadd.s32 $0xFFFFFFB0  }
.LBB2_2:
0x7b: {  	[tilespmem:s23], [sflag:$0x1] =	stream.indirect.gather [hbm4b:s1+s22], $0x80, s4, s22, $0xb8;
	[tilespmem:$0x1D378] =	vst v63  }
0x7c: {  	s4 =	smov.u32 s19  }
0x7d: {  	p6 =	sne.s32 s19, $0x2400;
	s19 =	sadd.s32 $0x600, s19;
	_ =	swait.ge [sflag:s10], $0x2800  }
0x7e: {  	s4 =	sshra.s32 s4, $0x2;
	[sflag:s10] =	ssyncset.done $0x0  }
0x7f: {  	s14 =	sadd.s32 $0x1100, s4;
	[sflag:s10] =	ssyncadd.s32 $0xFFFFD800  }
0x80: {  	[spmem:s2] =	stream.indirect.scatter.add.f32 [tilespmem:s30], [sflag:$0x6], $0x80, s14, s22, $0xb8;
	[tilespmem:$0x1D378] =	vst v63  }
0x81: {  	_ = 	snop  }
0x82: {  	[spmem:s3] =	stream.indirect.scatter.add.f32 [tilespmem:s28], [sflag:$0x6], $0x1, s14, s22, $0xb8;
	[tilespmem:$0x1D378] =	vst v63  }
0x83: {  	_ =	swait.ge [sflag:s11], $0x2800  }
0x84: {  	[sflag:s11] =	ssyncset.done $0x0  }
0x85: {  	[sflag:s11] =	ssyncadd.s32 $0xFFFFD800  }
0x86: {  	_ =	swait.ge [sflag:s11], $0x50  }
0x87: {  	[sflag:s11] =	ssyncset.done $0x0  }
0x88: {  	s14 =	sadd.s32 $0x200, s4;
	[sflag:s11] =	ssyncadd.s32 $0xFFFFFFB0  }
0x89: {  	[tilespmem:s25], [sflag:$0x2] =	stream.indirect.gather [hbm4b:s1+s22], $0x80, s14, s22, $0xb8;
	[tilespmem:$0x1D378] =	vst v63  }
0x8a: {  	_ =	swait.ge [sflag:s26], $0x2800  }
0x8b: {  	[sflag:s26] =	ssyncset.done $0x0  }
0x8c: {  	s14 =	sadd.s32 $0x1180, s4;
	[sflag:s26] =	ssyncadd.s32 $0xFFFFD800  }
0x8d: {  	[spmem:s2] =	stream.indirect.scatter.add.f32 [tilespmem:s23], [sflag:$0x4], $0x80, s14, s22, $0xb8;
	[tilespmem:$0x1D378] =	vst v63  }
0x8e: {  	_ = 	snop  }
0x8f: {  	[spmem:s3] =	stream.indirect.scatter.add.f32 [tilespmem:s28], [sflag:$0x4], $0x1, s14, s22, $0xb8;
	[tilespmem:$0x1D378] =	vst v63  }
0x90: {  	_ =	swait.ge [sflag:s12], $0x2800  }
0x91: {  	[sflag:s12] =	ssyncset.done $0x0  }
0x92: {  	[sflag:s12] =	ssyncadd.s32 $0xFFFFD800  }
0x93: {  	_ =	swait.ge [sflag:s12], $0x50  }
0x94: {  	[sflag:s12] =	ssyncset.done $0x0  }
0x95: {  	s14 =	sadd.s32 $0x280, s4;
	[sflag:s12] =	ssyncadd.s32 $0xFFFFFFB0  }
0x96: {  	[tilespmem:s30], [sflag:$0x3] =	stream.indirect.gather [hbm4b:s1+s22], $0x80, s14, s22, $0xb8;
	[tilespmem:$0x1D378] =	vst v63  }
0x97: {  	_ =	swait.ge [sflag:s31], $0x2800  }
0x98: {  	[sflag:s31] =	ssyncset.done $0x0  }
0x99: {  	s14 =	sadd.s32 $0x1200, s4;
	[sflag:s31] =	ssyncadd.s32 $0xFFFFD800  }
0x9a: {  	[spmem:s2] =	stream.indirect.scatter.add.f32 [tilespmem:s25], [sflag:$0x5], $0x80, s14, s22, $0xb8;
	[tilespmem:$0x1D378] =	vst v63  }
0x9b: {  	_ = 	snop  }
0x9c: {  	[spmem:s3] =	stream.indirect.scatter.add.f32 [tilespmem:s28], [sflag:$0x5], $0x1, s14, s22, $0xb8;
	[tilespmem:$0x1D378] =	vst v63  }
0x9d: {  	_ =	swait.ge [sflag:s5], $0x2800  }
.Ltmp0:
0x9e: {  	[sflag:s5] =	ssyncset.done $0x0;
	(pc) =	sbr.rel @p6 .LBB2_2-.Ltmp0, $4  }
0x9f: {  	[sflag:s5] =	ssyncadd.s32 $0xFFFFD800  }
0xa0: {  	_ =	swait.ge [sflag:s5], $0x50  }
0xa1: {  	[sflag:s5] =	ssyncset.done $0x0  }
0xa2: {  	s4 =	sadd.s32 $0x300, s4;
	[sflag:s5] =	ssyncadd.s32 $0xFFFFFFB0  }
0xa3: {  	[dreg:$0x11] =	wrdreg s16  }
0xa4: {  	[tilespmem:s23], [sflag:$0x1] =	stream.indirect.gather [hbm4b:s1+s22], $0x80, s4, s22, $0xb8;
	[tilespmem:$0x1D378] =	vst v63  }
0xa5: {  	_ =	swait.ge [sflag:s10], $0x2800  }
0xa6: {  	[sflag:s10] =	ssyncset.done $0x0  }
0xa7: {  	[sflag:s10] =	ssyncadd.s32 $0xFFFFD800  }
0xa8: {  	[spmem:s2] =	stream.indirect.scatter.add.f32 [tilespmem:s30], [sflag:$0x6], $0x80, s13, s22, $0xb8;
	[tilespmem:$0x1D378] =	vst v63  }
0xa9: {  	_ = 	snop  }
0xaa: {  	[spmem:s3] =	stream.indirect.scatter.add.f32 [tilespmem:s28], [sflag:$0x6], $0x1, s13, s22, $0xb8;
	[tilespmem:$0x1D378] =	vst v63  }
0xab: {  	_ =	swait.ge [sflag:s11], $0x2800  }
0xac: {  	[sflag:s11] =	ssyncset.done $0x0  }
0xad: {  	[sflag:s11] =	ssyncadd.s32 $0xFFFFD800  }
0xae: {  	_ =	swait.ge [sflag:s11], $0x50  }
0xaf: {  	[sflag:s11] =	ssyncset.done $0x0  }
0xb0: {  	s19 =	simm.s32 $0x1;
	[sflag:s11] =	ssyncadd.s32 $0xFFFFFFB0  }
0xb1: {  	_ =	swait.ge [sflag:s19], $0x2800  }
0xb2: {  	[sflag:s19] =	ssyncset.done $0x0  }
0xb3: {  	[sflag:s19] =	ssyncadd.s32 $0xFFFFD800  }
0xb4: {  	[spmem:s2] =	stream.indirect.scatter.add.f32 [tilespmem:s23], [sflag:$0x4], $0x80, s15, s22, $0xb8;
	[tilespmem:$0x1D378] =	vst v63  }
0xb5: {  	_ = 	snop  }
0xb6: {  	[spmem:s3] =	stream.indirect.scatter.add.f32 [tilespmem:s28], [sflag:$0x4], $0x1, s15, s22, $0xb8;
	[tilespmem:$0x1D378] =	vst v63  }
0xb7: {  	_ =	swait.ge [sflag:s12], $0x2800  }
0xb8: {  	[sflag:s12] =	ssyncset.done $0x0  }
0xb9: {  	[sflag:s12] =	ssyncadd.s32 $0xFFFFD800  }
0xba: {  	_ =	swait.ge [sflag:s12], $0x50  }
0xbb: {  	[sflag:s12] =	ssyncset.done $0x0  }
0xbc: {  	[sflag:s12] =	ssyncadd.s32 $0xFFFFFFB0  }
0xbd: {  	_ =	swait.ge [sflag:s5], $0x2800  }
0xbe: {  	[sflag:s5] =	ssyncset.done $0x0  }
0xbf: {  	[sflag:s5] =	ssyncadd.s32 $0xFFFFD800  }
0xc0: {  	_ =	swait.ge [sflag:s5], $0x50  }
0xc1: {  	[sflag:s5] =	ssyncset.done $0x0  }
0xc2: {  	[sflag:s5] =	ssyncadd.s32 $0xFFFFFFB0  }
.LBB2_4:
0xc3: {  	s4 =	sshll.u32 s19, $0xC  }
0xc4: {  	s4 =	sadd.s32 s9, s4  }
0xc5: {  	s4 =	sshrl.u32 s4, $0x3  }
0xc6: {  	s18 =	simm.s32 $0x0;
	s14 =	sadd.s32 s6, s4  }
0xc7: {  	[tilespmem:s18], [sflag:$0x7] =	stream.linear.gather [hbm4b:s14+s18], $0xC80, $0x38;
	[tilespmem:$0x1D378] =	vst v63  }
0xc8: {  	_ =	swait.ge [sflag:s20], $0xC80  }
0xc9: {  	[sflag:s20] =	ssyncset.done $0x0  }
0xca: {  	s4 =	sadd.s32 s7, s4;
	[sflag:s20] =	ssyncadd.s32 $0xFFFFF380  }
0xcb: {  	[tilespmem:s21], [sflag:$0x7] =	stream.linear.gather [hbm4b:s4+s18], $0xC80, $0x38;
	[tilespmem:$0x1D378] =	vst v63  }
0xcc: {  	_ =	swait.ge [sflag:s20], $0xC80  }
0xcd: {  	[sflag:s20] =	ssyncset.done $0x0  }
0xce: {  	[sflag:s20] =	ssyncadd.s32 $0xFFFFF380  }
0xcf: {  	[tilespmem:s23], [sflag:$0x1] =	stream.indirect.gather [hbm4b:s1+s22], $0x80, s18, s22, $0xb8;
	[tilespmem:$0x1D378] =	vst v63  }
0xd0: {  	_ = 	snop  }
0xd1: {  	[tilespmem:s25], [sflag:$0x2] =	stream.indirect.gather [hbm4b:s1+s22], $0x80, s24, s22, $0xb8;
	[tilespmem:$0x1D378] =	vst v63  }
0xd2: {  	_ =	swait.ge [sflag:s26], $0x2800  }
0xd3: {  	[sflag:s26] =	ssyncset.done $0x0  }
0xd4: {  	[sflag:s26] =	ssyncadd.s32 $0xFFFFD800  }
0xd5: {  	[spmem:s2] =	stream.indirect.scatter.add.f32 [tilespmem:s23], [sflag:$0x4], $0x80, s21, s22, $0xb8;
	[tilespmem:$0x1D378] =	vst v63  }
0xd6: {  	_ = 	snop  }
0xd7: {  	[spmem:s3] =	stream.indirect.scatter.add.f32 [tilespmem:s28], [sflag:$0x4], $0x1, s21, s22, $0xb8;
	[tilespmem:$0x1D378] =	vst v63  }
0xd8: {  	_ = 	snop  }
0xd9: {  	[tilespmem:s30], [sflag:$0x3] =	stream.indirect.gather [hbm4b:s1+s22], $0x80, s29, s22, $0xb8;
	[tilespmem:$0x1D378] =	vst v63  }
0xda: {  	_ =	swait.ge [sflag:s31], $0x2800  }
0xdb: {  	[sflag:s31] =	ssyncset.done $0x0  }
0xdc: {  	[sflag:s31] =	ssyncadd.s32 $0xFFFFD800  }
0xdd: {  	[spmem:s2] =	stream.indirect.scatter.add.f32 [tilespmem:s25], [sflag:$0x5], $0x80, s0, s22, $0xb8;
	[tilespmem:$0x1D378] =	vst v63  }
0xde: {  	_ = 	snop  }
0xdf: {  	[spmem:s3] =	stream.indirect.scatter.add.f32 [tilespmem:s28], [sflag:$0x5], $0x1, s0, s22, $0xb8;
	[tilespmem:$0x1D378] =	vst v63  }
0xe0: {  	_ =	swait.ge [sflag:s5], $0x2800  }
0xe1: {  	[sflag:s5] =	ssyncset.done $0x0  }
0xe2: {  	[sflag:s5] =	ssyncadd.s32 $0xFFFFD800  }
0xe3: {  	_ =	swait.ge [sflag:s5], $0x50  }
0xe4: {  	[sflag:s5] =	ssyncset.done $0x0  }
0xe5: {  	[sflag:s5] =	ssyncadd.s32 $0xFFFFFFB0  }
0xe6: {  	[tilespmem:s23], [sflag:$0x1] =	stream.indirect.gather [hbm4b:s1+s22], $0x80, s8, s22, $0xb8;
	[tilespmem:$0x1D378] =	vst v63  }
0xe7: {  	_ =	swait.ge [sflag:s10], $0x2800  }
0xe8: {  	[sflag:s10] =	ssyncset.done $0x0  }
0xe9: {  	s16 =	simm.s32 $0x1100;
	[sflag:s10] =	ssyncadd.s32 $0xFFFFD800  }
0xea: {  	[spmem:s2] =	stream.indirect.scatter.add.f32 [tilespmem:s30], [sflag:$0x6], $0x80, s16, s22, $0xb8;
	[tilespmem:$0x1D378] =	vst v63  }
0xeb: {  	_ = 	snop  }
0xec: {  	[spmem:s3] =	stream.indirect.scatter.add.f32 [tilespmem:s28], [sflag:$0x6], $0x1, s16, s22, $0xb8;
	[tilespmem:$0x1D378] =	vst v63  }
0xed: {  	_ =	swait.ge [sflag:s11], $0x2800  }
0xee: {  	[sflag:s11] =	ssyncset.done $0x0  }
0xef: {  	[sflag:s11] =	ssyncadd.s32 $0xFFFFD800  }
0xf0: {  	_ =	swait.ge [sflag:s11], $0x50  }
0xf1: {  	[sflag:s11] =	ssyncset.done $0x0  }
0xf2: {  	s18 =	simm.s32 $0x200;
	[sflag:s11] =	ssyncadd.s32 $0xFFFFFFB0  }
0xf3: {  	[tilespmem:s25], [sflag:$0x2] =	stream.indirect.gather [hbm4b:s1+s22], $0x80, s18, s22, $0xb8;
	[tilespmem:$0x1D378] =	vst v63  }
0xf4: {  	_ =	swait.ge [sflag:s26], $0x2800  }
0xf5: {  	[sflag:s26] =	ssyncset.done $0x0  }
0xf6: {  	s14 =	simm.s32 $0x1180;
	[sflag:s26] =	ssyncadd.s32 $0xFFFFD800  }
0xf7: {  	[spmem:s2] =	stream.indirect.scatter.add.f32 [tilespmem:s23], [sflag:$0x4], $0x80, s14, s22, $0xb8;
	[tilespmem:$0x1D378] =	vst v63  }
0xf8: {  	_ = 	snop  }
0xf9: {  	[spmem:s3] =	stream.indirect.scatter.add.f32 [tilespmem:s28], [sflag:$0x4], $0x1, s14, s22, $0xb8;
	[tilespmem:$0x1D378] =	vst v63  }
0xfa: {  	_ =	swait.ge [sflag:s12], $0x2800  }
0xfb: {  	[sflag:s12] =	ssyncset.done $0x0  }
0xfc: {  	[sflag:s12] =	ssyncadd.s32 $0xFFFFD800  }
0xfd: {  	_ =	swait.ge [sflag:s12], $0x50  }
0xfe: {  	[sflag:s12] =	ssyncset.done $0x0  }
0xff: {  	s16 =	simm.s32 $0x280;
	[sflag:s12] =	ssyncadd.s32 $0xFFFFFFB0  }
0x100: {  	[tilespmem:s30], [sflag:$0x3] =	stream.indirect.gather [hbm4b:s1+s22], $0x80, s16, s22, $0xb8;
	[tilespmem:$0x1D378] =	vst v63  }
0x101: {  	_ =	swait.ge [sflag:s31], $0x2800  }
0x102: {  	[sflag:s31] =	ssyncset.done $0x0  }
0x103: {  	s18 =	simm.s32 $0x1200;
	[sflag:s31] =	ssyncadd.s32 $0xFFFFD800  }
0x104: {  	[spmem:s2] =	stream.indirect.scatter.add.f32 [tilespmem:s25], [sflag:$0x5], $0x80, s18, s22, $0xb8;
	[tilespmem:$0x1D378] =	vst v63  }
0x105: {  	_ = 	snop  }
0x106: {  	[spmem:s3] =	stream.indirect.scatter.add.f32 [tilespmem:s28], [sflag:$0x5], $0x1, s18, s22, $0xb8;
	[tilespmem:$0x1D378] =	vst v63  }
0x107: {  	_ =	swait.ge [sflag:s5], $0x2800  }
0x108: {  	[sflag:s5] =	ssyncset.done $0x0  }
0x109: {  	[sflag:s5] =	ssyncadd.s32 $0xFFFFD800  }
0x10a: {  	_ =	swait.ge [sflag:s5], $0x50  }
0x10b: {  	[sflag:s5] =	ssyncset.done $0x0  }
0x10c: {  	s4 =	simm.s32 $0x600;
	s14 =	simm.s32 $0x300;
	[sflag:s5] =	ssyncadd.s32 $0xFFFFFFB0  }
.LBB2_5:
0x10d: {  	[tilespmem:s23], [sflag:$0x1] =	stream.indirect.gather [hbm4b:s1+s22], $0x80, s14, s22, $0xb8;
	[tilespmem:$0x1D378] =	vst v63  }
0x10e: {  	s14 =	smov.u32 s4  }
0x10f: {  	p6 =	sne.s32 s4, $0x2400;
	s4 =	sadd.s32 $0x600, s4;
	_ =	swait.ge [sflag:s10], $0x2800  }
0x110: {  	s14 =	sshra.s32 s14, $0x2;
	[sflag:s10] =	ssyncset.done $0x0  }
0x111: {  	s18 =	sadd.s32 $0x1100, s14;
	[sflag:s10] =	ssyncadd.s32 $0xFFFFD800  }
0x112: {  	[spmem:s2] =	stream.indirect.scatter.add.f32 [tilespmem:s30], [sflag:$0x6], $0x80, s18, s22, $0xb8;
	[tilespmem:$0x1D378] =	vst v63  }
0x113: {  	_ = 	snop  }
0x114: {  	[spmem:s3] =	stream.indirect.scatter.add.f32 [tilespmem:s28], [sflag:$0x6], $0x1, s18, s22, $0xb8;
	[tilespmem:$0x1D378] =	vst v63  }
0x115: {  	_ =	swait.ge [sflag:s11], $0x2800  }
0x116: {  	[sflag:s11] =	ssyncset.done $0x0  }
0x117: {  	[sflag:s11] =	ssyncadd.s32 $0xFFFFD800  }
0x118: {  	_ =	swait.ge [sflag:s11], $0x50  }
0x119: {  	[sflag:s11] =	ssyncset.done $0x0  }
0x11a: {  	s18 =	sadd.s32 $0x200, s14;
	[sflag:s11] =	ssyncadd.s32 $0xFFFFFFB0  }
0x11b: {  	[tilespmem:s25], [sflag:$0x2] =	stream.indirect.gather [hbm4b:s1+s22], $0x80, s18, s22, $0xb8;
	[tilespmem:$0x1D378] =	vst v63  }
0x11c: {  	_ =	swait.ge [sflag:s26], $0x2800  }
0x11d: {  	[sflag:s26] =	ssyncset.done $0x0  }
0x11e: {  	s18 =	sadd.s32 $0x1180, s14;
	[sflag:s26] =	ssyncadd.s32 $0xFFFFD800  }
0x11f: {  	[spmem:s2] =	stream.indirect.scatter.add.f32 [tilespmem:s23], [sflag:$0x4], $0x80, s18, s22, $0xb8;
	[tilespmem:$0x1D378] =	vst v63  }
0x120: {  	_ = 	snop  }
0x121: {  	[spmem:s3] =	stream.indirect.scatter.add.f32 [tilespmem:s28], [sflag:$0x4], $0x1, s18, s22, $0xb8;
	[tilespmem:$0x1D378] =	vst v63  }
0x122: {  	_ =	swait.ge [sflag:s12], $0x2800  }
0x123: {  	[sflag:s12] =	ssyncset.done $0x0  }
0x124: {  	[sflag:s12] =	ssyncadd.s32 $0xFFFFD800  }
0x125: {  	_ =	swait.ge [sflag:s12], $0x50  }
0x126: {  	[sflag:s12] =	ssyncset.done $0x0  }
0x127: {  	s18 =	sadd.s32 $0x280, s14;
	[sflag:s12] =	ssyncadd.s32 $0xFFFFFFB0  }
0x128: {  	[tilespmem:s30], [sflag:$0x3] =	stream.indirect.gather [hbm4b:s1+s22], $0x80, s18, s22, $0xb8;
	[tilespmem:$0x1D378] =	vst v63  }
0x129: {  	_ =	swait.ge [sflag:s31], $0x2800  }
0x12a: {  	[sflag:s31] =	ssyncset.done $0x0  }
0x12b: {  	s18 =	sadd.s32 $0x1200, s14;
	[sflag:s31] =	ssyncadd.s32 $0xFFFFD800  }
0x12c: {  	[spmem:s2] =	stream.indirect.scatter.add.f32 [tilespmem:s25], [sflag:$0x5], $0x80, s18, s22, $0xb8;
	[tilespmem:$0x1D378] =	vst v63  }
0x12d: {  	_ = 	snop  }
0x12e: {  	[spmem:s3] =	stream.indirect.scatter.add.f32 [tilespmem:s28], [sflag:$0x5], $0x1, s18, s22, $0xb8;
	[tilespmem:$0x1D378] =	vst v63  }
0x12f: {  	_ =	swait.ge [sflag:s5], $0x2800  }
.Ltmp1:
0x130: {  	[sflag:s5] =	ssyncset.done $0x0;
	(pc) =	sbr.rel @p6 .LBB2_5-.Ltmp1, $4  }
0x131: {  	[sflag:s5] =	ssyncadd.s32 $0xFFFFD800  }
0x132: {  	_ =	swait.ge [sflag:s5], $0x50  }
0x133: {  	[sflag:s5] =	ssyncset.done $0x0  }
0x134: {  	s14 =	sadd.s32 $0x300, s14;
	[sflag:s5] =	ssyncadd.s32 $0xFFFFFFB0  }
0x135: {  	[tilespmem:s23], [sflag:$0x1] =	stream.indirect.gather [hbm4b:s1+s22], $0x80, s14, s22, $0xb8;
	[tilespmem:$0x1D378] =	vst v63  }
0x136: {  	_ =	swait.ge [sflag:s10], $0x2800  }
0x137: {  	[sflag:s10] =	ssyncset.done $0x0  }
0x138: {  	[sflag:s10] =	ssyncadd.s32 $0xFFFFD800  }
0x139: {  	[spmem:s2] =	stream.indirect.scatter.add.f32 [tilespmem:s30], [sflag:$0x6], $0x80, s13, s22, $0xb8;
	[tilespmem:$0x1D378] =	vst v63  }
0x13a: {  	_ = 	snop  }
0x13b: {  	[spmem:s3] =	stream.indirect.scatter.add.f32 [tilespmem:s28], [sflag:$0x6], $0x1, s13, s22, $0xb8;
	[tilespmem:$0x1D378] =	vst v63  }
0x13c: {  	_ =	swait.ge [sflag:s11], $0x2800  }
0x13d: {  	[sflag:s11] =	ssyncset.done $0x0  }
0x13e: {  	[sflag:s11] =	ssyncadd.s32 $0xFFFFD800  }
0x13f: {  	_ =	swait.ge [sflag:s11], $0x50  }
0x140: {  	[sflag:s11] =	ssyncset.done $0x0  }
0x141: {  	[sflag:s11] =	ssyncadd.s32 $0xFFFFFFB0  }
0x142: {  	_ =	swait.ge [sflag:s26], $0x2800  }
0x143: {  	[sflag:s26] =	ssyncset.done $0x0  }
0x144: {  	[sflag:s26] =	ssyncadd.s32 $0xFFFFD800  }
0x145: {  	[spmem:s2] =	stream.indirect.scatter.add.f32 [tilespmem:s23], [sflag:$0x4], $0x80, s15, s22, $0xb8;
	[tilespmem:$0x1D378] =	vst v63  }
0x146: {  	_ = 	snop  }
0x147: {  	[spmem:s3] =	stream.indirect.scatter.add.f32 [tilespmem:s28], [sflag:$0x4], $0x1, s15, s22, $0xb8;
	[tilespmem:$0x1D378] =	vst v63  }
0x148: {  	_ =	swait.ge [sflag:s12], $0x2800  }
0x149: {  	[sflag:s12] =	ssyncset.done $0x0  }
0x14a: {  	[sflag:s12] =	ssyncadd.s32 $0xFFFFD800  }
0x14b: {  	_ =	swait.ge [sflag:s12], $0x50  }
0x14c: {  	[sflag:s12] =	ssyncset.done $0x0  }
0x14d: {  	s19 =	sadd.s32 $0x1, s19;
	[sflag:s12] =	ssyncadd.s32 $0xFFFFFFB0  }
0x14e: {  	p6 =	sne.s32 s19, $0x5;
	_ =	swait.ge [sflag:s5], $0x2800  }
.Ltmp2:
0x14f: {  	[sflag:s5] =	ssyncset.done $0x0;
	(pc) =	sbr.rel @p6 .LBB2_4-.Ltmp2, $4  }
0x150: {  	[sflag:s5] =	ssyncadd.s32 $0xFFFFD800  }
0x151: {  	_ =	swait.ge [sflag:s5], $0x50  }
0x152: {  	[sflag:s5] =	ssyncset.done $0x0  }
0x153: {  	[sflag:s5] =	ssyncadd.s32 $0xFFFFFFB0  }
0x154: {  	[bflag:$0x0] =	sbarrier.arrive $0xFFFF  }
0x155: {  	s4 =	rddreg [dreg:$0xd]  }
0x156: {  	s14 =	rddreg [dreg:$0x12]  }
0x157: {  	[hbm:s4], [sflag:s17] =	dma.local [spmem:s14], $0x2700  }
0x158: {  	_ =	swait.ge [sflag:s20], $0x2700  }
0x159: {  	[sflag:s20] =	ssyncset.done $0x0;
	s18 =	rddreg [dreg:$0xb]  }
0x15a: {  	s14 =	rddreg [dreg:$0xe];
	[sflag:s20] =	ssyncadd.s32 $0xFFFFD900;
	s4 =	sshrl.u32 @!p4 s18, $0x3  }
0x15b: {  	[hbm:s14], [sflag:s17] =	dma.local @!p4 [spmem:s4], $0x100  }
0x15c: {  	s4 =	simm.s32 @!p4 $0x7  }
0x15d: {  	s16 =	simm.s32 @p5 $0x20;
	s19 =	simm.s32 @p5 $0x10;
	_ =	swait.ge @!p4 [sflag:s4], $0x100  }
0x15e: {  	s24 =	smov.u32 s17;
	s14 =	simm.s32 @p5 $0x1;
	[sflag:s4] =	ssyncset.done @!p4 $0x0  }
0x15f: {  	s17 =	rddreg [dreg:$0xf];
	[sflag:s4] =	ssyncadd.s32 @!p4 $0xFFFFFF00;
	s4 =	sshrl.u32 @p5 s3, $0x3  }
0x160: {  	[hbm:s17@s16], [sflag:s24] =	dma.strided @p5 [spmem:s4@s19], $0x4F0, s14, $0x10   }
0x161: {  	s4 =	simm.s32 @p5 $0x7  }
0x162: {  	_ =	swait.ge @p5 [sflag:s4], $0x4F0  }
0x163: {  	s17 =	rddreg [dreg:$0x11]  }
0x164: {  	s19 =	rddreg [dreg:$0x10];
	s16 =	sadd.s32 $0x1, s17  }
0x165: {  	p6 =	sne.s32 s16, s19  }
.Ltmp3:
0x166: {  	_ = 	snop;
	(pc) =	sbr.rel @p6 .LBB2_1-.Ltmp3, $3  }
0x167: {  	_ =	sdelay $0x1  }
0x168: {  	[sflag:s4] =	ssyncset.done @p5 $0x0  }
0x169: {  	s24 =	simm.s32 $0x80;
	[sflag:s4] =	ssyncadd.s32 @p5 $0xFFFFFB10  }
0x16a: {  	_ =	sfence.sel $0x180000  }
0x16b: {  	[bflag:$0x0] =	sbarrier.arrive $0xFFFF  }
0x16c: {  	_ =	strace $0x9000004A  }
0x16d: {  	s0 =	stileid.u32;
	[bflag:$0x2] =	sbarrier.arrive $0xFFFF  }
0x16e: {  	p0 =	sne.s32 s0, $0x0;
	s0 =	rddreg [dreg:$0x5]  }
0x16f: {  	s0 =	sadd.s32 @!p0 $0x100000, s0  }
0x170: {  	[sflag:s0] =	ssyncadd.tile.s32 @!p0 $0x1;
	_ =	shalt  }
.Lfunc_end2:
_tile_overlayer_lowered:
.L_overlay_start_2:
0x171: {  	(tag) =	ssettag $0x2  }
0x172: {  	s0 =	rddreg [dreg:$0x0];
	s2 =	stileid.u32  }
0x173: {  	s1 =	rddreg [dreg:$0x1];
	p0 =	sne.s32 s2, $0x0  }
0x174: {  	s3 =	rddreg [dreg:$0x2];
	[bflag:$0x3] =	sbarrier.arrive $0xFFFF;
	s2 =	simm.s32 @!p0 $0x1C07  }
0x175: {  	[timem:s3], [sflag:s2] =	dma.local @!p0 [hbm:s0], s1  }
0x176: {  	s0 =	simm.s32 @!p0 $0x7  }
0x177: {  	_ =	swait.ge @!p0 [sflag:s0], s1  }
0x178: {  	s1 =	ssub.s32 @!p0 $0x0, s1;
	[sflag:s0] =	ssyncset.done @!p0 $0x0  }
0x179: {  	[sflag:s0] =	ssyncadd.s32 @!p0 s1  }
0x17a: {  	[bflag:$0x3] =	sbarrier.arrive $0xFFFF  }
0x17b: {  	_ =	shalt  }

// kernel: kernel.14.cloned.1.call-start
scs
__scs_entry_jumppad:
0x0: {  	(pc) =	sbr.rel $0x88, $3  }
0x1: {  	(tag) =	ssettag $0x0;
	lr =	simm.s32 $0x1  }
0x2: {  	[smem:$0x3F92] =	sst lr;
	_ =	strace $0xD0000000  }
0x3: {  	_ = 	snop  }
0x4: {  	_ = 	snop  }
0x5: {  	_ = 	snop  }
0x6: {  	_ = 	snop  }
0x7: {  	_ = 	snop  }
__scs_overlays_trampoline_lowered:
0x8: {  	[smem:$0x3FA1] =	sst s0  }
0x9: {  	[smem:$0x3FA2] =	sst s1  }
0xa: {  	[smem:$0x3FA3] =	sst s2  }
0xb: {  	[smem:$0x3FA4] =	sst s3  }
0xc: {  	[smem:$0x3FA5] =	sst s4  }
0xd: {  	[smem:$0x3FA6] =	sst s5  }
0xe: {  	[smem:$0x3FA7] =	sst s6  }
0xf: {  	[smem:$0x3FA8] =	sst s7  }
0x10: {  	[smem:$0x3FA9] =	sst s8  }
0x11: {  	[smem:$0x3FAA] =	sst s9;
	s0 =	simm.s32 @!p0 $0x0  }
0x12: {  	s1 =	sld [smem:$0x3F90];
	s0 =	simm.s32 @p0 $0x1  }
0x13: {  	[smem:$0x3FAB] =	sst s0;
	s0 =	simm.s32 @!p1 $0x0  }
0x14: {  	s2 =	sld [smem:$0x3F8F];
	s0 =	simm.s32 @p1 $0x1  }
0x15: {  	[smem:$0x3FAC] =	sst s0;
	s0 =	simm.s32 @!p2 $0x0  }
0x16: {  	s3 =	sld [smem:$0x3FDB];
	s0 =	simm.s32 @p2 $0x1  }
0x17: {  	s4 =	simm.s32 $0x1BF5;
	[smem:$0x3FAE] =	sst s0  }
0x18: {  	s0 =	sld [smem:$0x3F91];
	_ =	swait.ge [sflag:s4], $0x0  }
0x19: {  	s7 =	sld [smem:$0x3F92]  }
0x1a: {  	s8 =	sadd.s32 $0xFFFFE003, lr  }
0x1b: {  	s9 =	sadd.s32 $0xFFFFFEF7, lr;
	s5 =	simm.s32 $0xFFFFFFFF;
	p2 =	slt.u32 s8, $0xFFFFF086  }
0x1c: {  	p1 =	slt.u32 s9, $0xF7A;
	s5 =	simm.s32 @!p2 $0x0  }
0x1d: {  	s5 =	simm.s32 @p1 $0x1;
	p0 =	seq.s32 s7, s2  }
0x1e: {  	s7 =	smul.u32 @!p0 $0xF7A, s2;
	p2 =	seq.s32 @!p0 s5, $0x0  }
0x1f: {  	s9 =	smul.u32 $0xF7A, s1;
	s8 =	simm.s32 @!p0 $0x1BF5;
	p2 =	por !p2, p0  }
0x20: {  	[sflag:s8] =	ssyncset.s32 @!p0 $0xFFFFF086;
	s6 =	sadd.s32 @!p0 s3, s7;
	s7 =	simm.s32 @!p0 $0x108  }
0x21: {  	s3 =	sadd.s32 s3, s9;
	s6 =	sadd.s32 @!p0 $0x88, s6;
	s7 =	simm.s32 @p2 $0x1082  }
0x22: {  	[simem:s7], [sflag:s8] =	dma.local @!p0 [hbm:s6], $0xF7A  }
0x23: {  	s9 =	sor.u32 $0xD0000000, s2;
	s6 =	simm.s32 $0x108;
	_ =	swait.ge @!p0 [sflag:s8], $0x0  }
0x24: {  	s3 =	sadd.s32 $0x88, s3;
	s6 =	simm.s32 @!p1 $0x1082;
	[sflag:s4] =	ssyncset.s32 $0xFFFFF086  }
0x25: {  	[simem:s6], [sflag:s4] =	dma.local [hbm:s3], $0xF7A  }
0x26: {  	[smem:$0x3F92] =	sst s1;
	(tag) =	ssettag s2;
	_ =	strace s9  }
0x27: {  	s1 =	sld [smem:$0x3FA2]  }
0x28: {  	s2 =	sld [smem:$0x3FA3]  }
0x29: {  	s4 =	sld [smem:$0x3FA5]  }
0x2a: {  	p0 =	seq.s32 s5, $0x0;
	s5 =	sld [smem:$0x3FA6]  }
0x2b: {  	s6 =	sld [smem:$0x3FA7]  }
0x2c: {  	s7 =	sld [smem:$0x3FA8]  }
0x2d: {  	s3 =	simm.s32 $0x108;
	s8 =	sld [smem:$0x3FA9]  }
0x2e: {  	s3 =	simm.s32 @!p0 $0x1082;
	s9 =	sld [smem:$0x3FAA]  }
0x2f: {  	lr =	sadd.s32 s0, s3;
	s0 =	sld [smem:$0x3FA1]  }
0x30: {  	s3 =	sld [smem:$0x3FA4]  }
0x31: {  	[smem:$0x3FAD] =	sst s10  }
0x32: {  	s10 =	sld [smem:$0x3FAB];
	_ =	sdelay $0x3  }
0x33: {  	p0 =	seq.s32 s10, $0x1;
	s10 =	sld [smem:$0x3FAD];
	_ =	sdelay $0x3  }
0x34: {  	[smem:$0x3FAD] =	sst s10  }
0x35: {  	s10 =	sld [smem:$0x3FAC];
	_ =	sdelay $0x3  }
0x36: {  	p1 =	seq.s32 s10, $0x1;
	s10 =	sld [smem:$0x3FAD];
	_ =	sdelay $0x3  }
0x37: {  	[smem:$0x3FAD] =	sst s10  }
0x38: {  	s10 =	sld [smem:$0x3FAE]  }
0x39: {  	_ = 	snop;
	(pc) =	sbr.ind lr, $3  }
0x3a: {  	_ = 	snop  }
0x3b: {  	_ = 	snop  }
0x3c: {  	p2 =	seq.s32 s10, $0x1;
	s10 =	sld [smem:$0x3FAD]  }
0x3d: {  	_ =	shalt  }
0x3e: {  	_ =	shalt  }
0x3f: {  	_ =	shalt  }
0x40: {  	_ =	shalt  }
0x41: {  	_ =	shalt  }
0x42: {  	_ =	shalt  }
0x43: {  	_ =	shalt  }
0x44: {  	_ =	shalt  }
0x45: {  	_ =	shalt  }
0x46: {  	_ =	shalt  }
0x47: {  	_ =	shalt  }
0x48: {  	_ =	shalt  }
0x49: {  	_ =	shalt  }
0x4a: {  	_ =	shalt  }
0x4b: {  	_ =	shalt  }
0x4c: {  	_ =	shalt  }
0x4d: {  	_ =	shalt  }
0x4e: {  	_ =	shalt  }
0x4f: {  	_ =	shalt  }
0x50: {  	_ =	shalt  }
0x51: {  	_ =	shalt  }
0x52: {  	_ =	shalt  }
0x53: {  	_ =	shalt  }
0x54: {  	_ =	shalt  }
0x55: {  	_ =	shalt  }
0x56: {  	_ =	shalt  }
0x57: {  	_ =	shalt  }
0x58: {  	_ =	shalt  }
0x59: {  	_ =	shalt  }
0x5a: {  	_ =	shalt  }
0x5b: {  	_ =	shalt  }
0x5c: {  	_ =	shalt  }
0x5d: {  	_ =	shalt  }
0x5e: {  	_ =	shalt  }
0x5f: {  	_ =	shalt  }
0x60: {  	_ =	shalt  }
0x61: {  	_ =	shalt  }
0x62: {  	_ =	shalt  }
0x63: {  	_ =	shalt  }
0x64: {  	_ =	shalt  }
0x65: {  	_ =	shalt  }
0x66: {  	_ =	shalt  }
0x67: {  	_ =	shalt  }
0x68: {  	_ =	shalt  }
0x69: {  	_ =	shalt  }
0x6a: {  	_ =	shalt  }
0x6b: {  	_ =	shalt  }
0x6c: {  	_ =	shalt  }
0x6d: {  	_ =	shalt  }
0x6e: {  	_ =	shalt  }
0x6f: {  	_ =	shalt  }
0x70: {  	_ =	shalt  }
0x71: {  	_ =	shalt  }
0x72: {  	_ =	shalt  }
0x73: {  	_ =	shalt  }
0x74: {  	_ =	shalt  }
0x75: {  	_ =	shalt  }
0x76: {  	_ =	shalt  }
0x77: {  	_ =	shalt  }
0x78: {  	_ =	shalt  }
0x79: {  	_ =	shalt  }
0x7a: {  	_ =	shalt  }
0x7b: {  	_ =	shalt  }
0x7c: {  	_ =	shalt  }
0x7d: {  	_ =	shalt  }
0x7e: {  	_ =	shalt  }
0x7f: {  	_ =	shalt  }
0x80: {  	_ =	shalt  }
0x81: {  	_ =	shalt  }
0x82: {  	_ =	shalt  }
0x83: {  	_ =	shalt  }
0x84: {  	_ =	shalt  }
0x85: {  	_ =	shalt  }
0x86: {  	_ =	shalt  }
0x87: {  	_ =	shalt  }
.Lfunc_end0:
.L_simem_size_0:
called_computation.2_lowered:
.L_overlay_start_0:
0x88: {  	s2 =	sld [smem:$0x3FD9]  }
0x89: {  	s3 =	sld [smem:$0x3FFE];
	_ =	sdelay $0x1  }
0x8a: {  	s1 =	srdreg.scid  }
0x8b: {  	s0 =	sand.u32 $0x1, s1  }
0x8c: {  	s14 =	sshll.u32 s0, $0xA;
	s2 =	sadd.s32 s3, s2  }
0x8d: {  	s2 =	sadd.s32 s2, s14  }
0x8e: {  	[smem:$0x3FB9] =	sst s2  }
0x8f: {  	_ = 	snop  }
0x90: {  	s2 =	sld [smem:$0x3FD0];
	_ =	sdelay $0x2  }
0x91: {  	s15 =	simm.s32 $0xA;
	s4 =	simm.s32 $0x10  }
0x92: {  	[smem:s4], [sflag:s15] =	dma.local [hbm:s2], $0x1  }
0x93: {  	_ =	swait.eq [sflag:s15], $0x1  }
0x94: {  	[sflag:s15] =	ssyncset.done $0x0  }
0x95: {  	s16 =	sld [smem:$0x10];
	[sflag:s15] =	ssyncadd.s32 $0xFFFFFFFF  }
0x96: {  	s17 =	sld [smem:$0x11];
	(tm) =	ssettm $0x1  }
0x97: {  	s18 =	sld [smem:$0x3FFB];
	_ =	sdelay $0x3  }
0x98: {  	_ =	strace s18  }
0x99: {  	s4 =	sld [smem:$0x3FFC];
	_ =	sdelay $0x3  }
0x9a: {  	_ =	strace s4  }
0x9b: {  	s4 =	sld [smem:$0x3FFD];
	_ =	sdelay $0x3  }
0x9c: {  	_ =	strace s4  }
0x9d: {  	_ =	strace $0x8FFFFFFF  }
0x9e: {  	s19 =	sld [smem:$0x3FDB];
	_ =	sdelay $0x1  }
0x9f: {  	s5 =	simm.s32 $_scs_section_size  }
0xa0: {  	s6 =	simm.s32 $_size__tile_overlayer_lowered;
	s7 =	simm.s32 $_tile_overlayer_lowered  }
0xa1: {  	s22 =	simm.s32 $0x1BFF;
	s21 =	sshll.u32 s7, $0x1;
	s4 =	sadd.s32 s5, s19  }
0xa2: {  	s8 =	simm.s32 $0x0;
	s20 =	sshll.u32 s6, $0x1;
	s6 =	sadd.s32 s21, s4  }
0xa3: {  	[timem:s8], [sflag:s22] =	dma.local [hbm:s6], s20  }
0xa4: {  	_ =	swait.ge [sflag:s22], s20  }
0xa5: {  	s5 =	ssub.s32 $0x0, s20;
	[sflag:s22] =	ssyncset.done $0x0  }
0xa6: {  	[sflag:s22] =	ssyncadd.s32 s5;
	_ =	sdelay $0x1  }
0xa7: {  	s23 =	simm.s32 $0x1B8B  }
0xa8: {  	_ =	swait.ge [sflag:s23], $0x1  }
0xa9: {  	[sflag:s23] =	ssyncset.done $0x0  }
0xaa: {  	s25 =	simm.s32 $0x1B8E;
	s24 =	sld [smem:$0x3FFE];
	[sflag:s23] =	ssyncadd.s32 $0xFFFFFFFF  }
0xab: {  	s26 =	simm.s32 $execute0_lowered;
	[smem:$0x3FD2] =	sst s25  }
0xac: {  	s6 =	sshll.u32 s26, $0x1;
	_ =	strace $0x8000004C;
	[dreg:$0x1] =	wrdreg $0xFFFFFFFF  }
0xad: {  	s28 =	simm.s32 $_size_execute0_lowered;
	s4 =	sadd.s32 s4, s6;
	[dreg:$0x0] =	wrdreg $0x0  }
0xae: {  	s6 =	sshll.u32 s28, $0x1;
	[dreg:$0x2] =	wrdreg s4  }
0xaf: {  	[dreg:$0x3] =	wrdreg s6  }
0xb0: {  	[dreg:$0x4] =	wrdreg $0xC0  }
0xb1: {  	_ =	task [dreg:s8], $0x5FFFF  }
0xb2: {  	[dreg:$0x1] =	wrdreg $0xFFFFFFFF  }
0xb3: {  	[dreg:$0x0] =	wrdreg $0x60  }
0xb4: {  	[dreg:$0x2] =	wrdreg s16  }
0xb5: {  	[dreg:$0x3] =	wrdreg s24  }
0xb6: {  	[dreg:$0x4] =	wrdreg s17  }
0xb7: {  	[dreg:$0x5] =	wrdreg $0x98800  }
0xb8: {  	[dreg:$0x6] =	wrdreg $0x1D1000  }
0xb9: {  	[dreg:$0x7] =	wrdreg $0x9  }
0xba: {  	_ =	task.clear_ibuf [dreg:s8], $0x8FFFF;
	_ =	strace $0x9000004C  }
0xbb: {  	s29 =	simm.s32 $0x9;
	_ =	strace $0x8000004E  }
0xbc: {  	_ =	swait.ge [sflag:s29], $0x1  }
0xbd: {  	[sflag:s29] =	ssyncadd.s32 $0xFFFFFFFF  }
0xbe: {  	_ =	strace $0x9000004E  }
0xbf: {  	_ =	sfence  }
0xc0: {  	s30 =	sld [smem:$0x0];
	_ =	sdelay $0x2  }
0xc1: {  	s31 =	sshll.u32 s1, $0xD;
	s1 =	sshrl.u32 s1, $0x2  }
0xc2: {  	s3 =	sand.u32 $0x4000, s31;
	s1 =	sadd.s32 s1, s30  }
0xc3: {  	s0 =	sor.u32 s3, s0;
	s1 =	sshll.u32 s1, $0x11  }
0xc4: {  	s0 =	sor.u32 s1, s0  }
0xc5: {  	s0 =	sadd.s32 $0x8F2B, s0  }
0xc6: {  	[sflag:s0] =	ssyncadd.remote.s32 $0x1  }
0xc7: {  	_ =	sfence.sel $0xFFFF  }
0xc8: {  	[dreg:$0x0] =	wrdreg $0xFFFFFFFF;
	(pc) =	sbr.abs _section_cstart, $3  }
0xc9: {  	[dreg:$0x1] =	wrdreg $0xFFFFFFFF  }
0xca: {  	_ =	task.clear_ibuf [dreg:s8], $0x2FFFF;
	_ =	strace $0x9FFFFFFF  }
0xcb: {  	(tm) =	ssettm $0x7FFFFFFF  }
tec
execute0_lowered:
.L_overlay_start_1:
0x0: {  	(tag) =	ssettag $0x1  }
0x1: {  	s1 =	rddreg [dreg:$0x0]  }
0x2: {  	s0 =	rddreg [dreg:$0x1]  }
0x3: {  	s4 =	rddreg [dreg:$0x2]  }
0x4: {  	s2 =	rddreg [dreg:$0x3]  }
0x5: {  	s3 =	rddreg [dreg:$0x4];
	s5 =	srdreg.scid;
	s6 =	simm.s32 $0x0  }
0x6: {  	s16 =	stileid.u32;
	p1 =	por $0x0, $0x0;
	s28 =	simm.s32 $0x9800  }
0x7: {  	s29 =	simm.s32 $0x100;
	s30 =	simm.s32 $0x7000;
	s31 =	simm.s32 $0x2  }
0x8: {  	s5 =	sand.u32 $0x1, s5;
	[smem:$0x7FF] =	sst s6;
	s6 =	sadd.s32 $0x3C00, s0  }
0x9: {  	s7 =	sadd.s32 $0x17C00, s0;
	s10 =	sadd.s32 $0x2BC00, s0;
	s12 =	smul.u32 $0x4E000, s16  }
0xa: {  	s26 =	sadd.s32 $0x2CC00, s0;
	s15 =	smul.u32 $0x13800, s16;
	p0 =	seq.s32 s16, $0x0  }
0xb: {  	p4 =	sne.s32 s16, $0xF;
	s8 =	sshll.u32 s5, $0x4;
	_ =	strace $0x8000004D  }
0xc: {  	[dreg:$0x6] =	wrdreg s10;
	s11 =	ssub.s32 $0x2, s5;
	s5 =	smul.u32 $0x138800, s5  }
0xd: {  	p3 =	sne.s32 @!p0 s16, $0xF;
	s10 =	simm.s32 $0x3;
	s9 =	sor.u32 s16, s8  }
0xe: {  	s13 =	sshrl.u32 s11, $0x1;
	s0 =	sadd.s32 s8, s0;
	s19 =	sshrl.u32 s12, $0x2  }
0xf: {  	s20 =	sshrl.u32 s15, $0x3;
	p2 =	por p3, p0;
	p3 =	por !p3, p0  }
0x10: {  	s8 =	simm.s32 $0x180;
	s12 =	simm.s32 $0x6;
	s16 =	simm.s32 $0x0  }
0x11: {  	s9 =	smul.u32 $0x5000, s9;
	s17 =	ssub.s32 s11, s13;
	s11 =	sadd.s32 s19, s2  }
0x12: {  	s22 =	sadd.s32 s4, s20;
	s23 =	sadd.s32 s15, s5;
	s5 =	sshrl.u32 s5, $0x3  }
0x13: {  	s4 =	sadd.s32 $0x27000, s4;
	s0 =	sadd.s32 $0x2C200, s0;
	[dreg:$0x9] =	wrdreg s11  }
0x14: {  	s20 =	simm.s32 $0x7;
	s13 =	simm.s32 $0x1B80;
	[dreg:$0xa] =	wrdreg s22  }
0x15: {  	s15 =	simm.s32 $0x1C00;
	[dreg:$0xc] =	wrdreg s4;
	s24 =	sshrl.u32 s23, $0x3  }
0x16: {  	s5 =	sadd.s32 s26, s5;
	[dreg:$0xf] =	wrdreg s0;
	s22 =	simm.s32 $0x50  }
0x17: {  	s23 =	simm.s32 $0x2000;
	s0 =	simm.s32 $0x1080;
	s4 =	sadd.s32 s26, s24  }
0x18: {  	s11 =	simm.s32 $0x5;
	s25 =	sadd.s32 $0x27000, s5;
	[dreg:$0xd] =	wrdreg s4  }
0x19: {  	s14 =	sshrl.u32 s9, $0x3;
	s26 =	smax.u32 s17, $0x1;
	[dreg:$0xe] =	wrdreg s25  }
0x1a: {  	s24 =	simm.s32 $0x80;
	s18 =	sadd.s32 s6, s14;
	[dreg:$0x10] =	wrdreg s26  }
0x1b: {  	s5 =	simm.s32 $0x4;
	s21 =	sadd.s32 s7, s14;
	[dreg:$0x7] =	wrdreg s18  }
0x1c: {  	s25 =	simm.s32 $0x4800;
	[dreg:$0x8] =	wrdreg s21;
	s18 =	sadd.s32 $0x138000, s2  }
0x1d: {  	v0 =	vimm.f32 $1.000000000e+00;
	s26 =	simm.s32 $0x1;
	s21 =	simm.s32 $0x1000;
	[dreg:$0xb] =	wrdreg s18  }
.LBB2_1:
0x1e: {  	s4 =	simm.s32 $0x0;
	s14 =	rddreg [dreg:$0x7]  }
0x1f: {  	[tilespmem:s4], [sflag:$0x7] =	stream.linear.gather [hbm4b:s14+s4], $0xC80, $0x38;
	[tilespmem:$0x1D378] =	vst v63  }
0x20: {  	_ =	swait.ge [sflag:s20], $0xC80  }
0x21: {  	[sflag:s20] =	ssyncset.done $0x0  }
0x22: {  	s19 =	rddreg [dreg:$0x8];
	[sflag:s20] =	ssyncadd.s32 $0xFFFFF380  }
0x23: {  	[tilespmem:s21], [sflag:$0x7] =	stream.linear.gather [hbm4b:s19+s4], $0xC80, $0x38;
	[tilespmem:$0x1D378] =	vst v63  }
0x24: {  	_ =	swait.ge [sflag:s20], $0xC80  }
0x25: {  	[sflag:s20] =	ssyncset.done $0x0  }
0x26: {  	s17 =	stileid.u32;
	[sflag:s20] =	ssyncadd.s32 $0xFFFFF380  }
0x27: {  	[tilespmem:s23], [sflag:$0x1] =	stream.indirect.gather [hbm4b:s1+s22], $0x80, s4, s22, $0xb8;
	[tilespmem:$0x1D378] =	vst v63  }
0x28: {  	s19 =	rddreg [dreg:$0x9];
	s4 =	sshll.u32 s17, $0x6  }
0x29: {  	s17 =	sor.u32 $0x1C07, s4;
	s4 =	sshrl.u32 s19, $0x3;
	s19 =	rddreg [dreg:$0xa]  }
0x2a: {  	[tilespmem:s25], [sflag:$0x2] =	stream.indirect.gather [hbm4b:s1+s22], $0x80, s24, s22, $0xb8;
	[tilespmem:$0x1D378] =	vst v63  }
0x2b: {  	[dreg:$0x12] =	wrdreg s4  }
0x2c: {  	[spmem:s4], [sflag:s17] =	dma.local [hbm:s19], $0x2700  }
0x2d: {  	_ =	swait.ge [sflag:s20], $0x2700  }
0x2e: {  	[sflag:s20] =	ssyncset.done $0x0  }
0x2f: {  	s4 =	sshrl.u32 @p0 s3, $0x3;
	s14 =	rddreg [dreg:$0x6];
	[sflag:s20] =	ssyncadd.s32 $0xFFFFD900  }
0x30: {  	[spmem:s4], [sflag:s17] =	dma.local @p0 [hbm:s14], $0x4F0  }
0x31: {  	s4 =	simm.s32 @p0 $0x7  }
0x32: {  	_ =	swait.ge @p0 [sflag:s4], $0x4F0  }
0x33: {  	[sflag:s4] =	ssyncset.done @p0 $0x0  }
0x34: {  	s14 =	rddreg [dreg:$0xc];
	[sflag:s4] =	ssyncadd.s32 @p0 $0xFFFFFB10;
	s4 =	sshrl.u32 @!p2 s18, $0x3  }
0x35: {  	[spmem:s4], [sflag:s17] =	dma.local @!p2 [hbm:s14], $0x100  }
0x36: {  	s4 =	simm.s32 @!p2 $0x7  }
0x37: {  	_ =	swait.ge @!p2 [sflag:s4], $0x100  }
0x38: {  	[sflag:s4] =	ssyncset.done @!p2 $0x0  }
0x39: {  	[sflag:s4] =	ssyncadd.s32 @!p2 $0xFFFFFF00  }
0x3a: {  	[tilespmem:$0x9800] =	vst v0  }
0x3b: {  	[tilespmem:$0x9810] =	vst v0  }
0x3c: {  	[tilespmem:$0x9820] =	vst v0  }
0x3d: {  	[tilespmem:$0x9830] =	vst v0  }
0x3e: {  	[tilespmem:$0x9840] =	vst v0  }
0x3f: {  	[bflag:$0x0] =	sbarrier.arrive $0xFFFF  }
0x40: {  	_ =	swait.ge [sflag:s26], $0x2800  }
0x41: {  	[sflag:s26] =	ssyncset.done $0x0  }
0x42: {  	[sflag:s26] =	ssyncadd.s32 $0xFFFFD800  }
0x43: {  	[spmem:s2] =	stream.indirect.scatter.add.f32 [tilespmem:s23], [sflag:$0x4], $0x80, s21, s22, $0xb8;
	[tilespmem:$0x1D378] =	vst v63  }
0x44: {  	_ = 	snop  }
0x45: {  	[spmem:s3] =	stream.indirect.scatter.add.f32 [tilespmem:s28], [sflag:$0x4], $0x1, s21, s22, $0xb8;
	[tilespmem:$0x1D378] =	vst v63  }
0x46: {  	_ = 	snop  }
0x47: {  	[tilespmem:s30], [sflag:$0x3] =	stream.indirect.gather [hbm4b:s1+s22], $0x80, s29, s22, $0xb8;
	[tilespmem:$0x1D378] =	vst v63  }
0x48: {  	_ =	swait.ge [sflag:s31], $0x2800  }
0x49: {  	[sflag:s31] =	ssyncset.done $0x0  }
0x4a: {  	[sflag:s31] =	ssyncadd.s32 $0xFFFFD800  }
0x4b: {  	[spmem:s2] =	stream.indirect.scatter.add.f32 [tilespmem:s25], [sflag:$0x5], $0x80, s0, s22, $0xb8;
	[tilespmem:$0x1D378] =	vst v63  }
0x4c: {  	_ = 	snop  }
0x4d: {  	[spmem:s3] =	stream.indirect.scatter.add.f32 [tilespmem:s28], [sflag:$0x5], $0x1, s0, s22, $0xb8;
	[tilespmem:$0x1D378] =	vst v63  }
0x4e: {  	_ =	swait.ge [sflag:s5], $0x2800  }
0x4f: {  	[sflag:s5] =	ssyncset.done $0x0  }
0x50: {  	[sflag:s5] =	ssyncadd.s32 $0xFFFFD800  }
0x51: {  	_ =	swait.ge [sflag:s5], $0x50  }
0x52: {  	[sflag:s5] =	ssyncset.done $0x0  }
0x53: {  	[sflag:s5] =	ssyncadd.s32 $0xFFFFFFB0  }
0x54: {  	[tilespmem:s23], [sflag:$0x1] =	stream.indirect.gather [hbm4b:s1+s22], $0x80, s8, s22, $0xb8;
	[tilespmem:$0x1D378] =	vst v63  }
0x55: {  	_ =	swait.ge [sflag:s10], $0x2800  }
0x56: {  	[sflag:s10] =	ssyncset.done $0x0  }
0x57: {  	s18 =	simm.s32 $0x1100;
	[sflag:s10] =	ssyncadd.s32 $0xFFFFD800  }
0x58: {  	[spmem:s2] =	stream.indirect.scatter.add.f32 [tilespmem:s30], [sflag:$0x6], $0x80, s18, s22, $0xb8;
	[tilespmem:$0x1D378] =	vst v63  }
0x59: {  	_ = 	snop  }
0x5a: {  	[spmem:s3] =	stream.indirect.scatter.add.f32 [tilespmem:s28], [sflag:$0x6], $0x1, s18, s22, $0xb8;
	[tilespmem:$0x1D378] =	vst v63  }
0x5b: {  	_ =	swait.ge [sflag:s11], $0x2800  }
0x5c: {  	[sflag:s11] =	ssyncset.done $0x0  }
0x5d: {  	[sflag:s11] =	ssyncadd.s32 $0xFFFFD800  }
0x5e: {  	_ =	swait.ge [sflag:s11], $0x50  }
0x5f: {  	[sflag:s11] =	ssyncset.done $0x0  }
0x60: {  	s19 =	simm.s32 $0x200;
	[sflag:s11] =	ssyncadd.s32 $0xFFFFFFB0  }
0x61: {  	[tilespmem:s25], [sflag:$0x2] =	stream.indirect.gather [hbm4b:s1+s22], $0x80, s19, s22, $0xb8;
	[tilespmem:$0x1D378] =	vst v63  }
0x62: {  	_ =	swait.ge [sflag:s26], $0x2800  }
0x63: {  	[sflag:s26] =	ssyncset.done $0x0  }
0x64: {  	s14 =	simm.s32 $0x1180;
	[sflag:s26] =	ssyncadd.s32 $0xFFFFD800  }
0x65: {  	[spmem:s2] =	stream.indirect.scatter.add.f32 [tilespmem:s23], [sflag:$0x4], $0x80, s14, s22, $0xb8;
	[tilespmem:$0x1D378] =	vst v63  }
0x66: {  	_ = 	snop  }
0x67: {  	[spmem:s3] =	stream.indirect.scatter.add.f32 [tilespmem:s28], [sflag:$0x4], $0x1, s14, s22, $0xb8;
	[tilespmem:$0x1D378] =	vst v63  }
0x68: {  	_ =	swait.ge [sflag:s12], $0x2800  }
0x69: {  	[sflag:s12] =	ssyncset.done $0x0  }
0x6a: {  	[sflag:s12] =	ssyncadd.s32 $0xFFFFD800  }
0x6b: {  	_ =	swait.ge [sflag:s12], $0x50  }
0x6c: {  	[sflag:s12] =	ssyncset.done $0x0  }
0x6d: {  	s18 =	simm.s32 $0x280;
	[sflag:s12] =	ssyncadd.s32 $0xFFFFFFB0  }
0x6e: {  	[tilespmem:s30], [sflag:$0x3] =	stream.indirect.gather [hbm4b:s1+s22], $0x80, s18, s22, $0xb8;
	[tilespmem:$0x1D378] =	vst v63  }
0x6f: {  	_ =	swait.ge [sflag:s31], $0x2800  }
0x70: {  	[sflag:s31] =	ssyncset.done $0x0  }
0x71: {  	s19 =	simm.s32 $0x1200;
	[sflag:s31] =	ssyncadd.s32 $0xFFFFD800  }
0x72: {  	[spmem:s2] =	stream.indirect.scatter.add.f32 [tilespmem:s25], [sflag:$0x5], $0x80, s19, s22, $0xb8;
	[tilespmem:$0x1D378] =	vst v63  }
0x73: {  	_ = 	snop  }
0x74: {  	[spmem:s3] =	stream.indirect.scatter.add.f32 [tilespmem:s28], [sflag:$0x5], $0x1, s19, s22, $0xb8;
	[tilespmem:$0x1D378] =	vst v63  }
0x75: {  	_ =	swait.ge [sflag:s5], $0x2800  }
0x76: {  	[sflag:s5] =	ssyncset.done $0x0  }
0x77: {  	p6 =	por @!p2 $0x0, $0x0;
	[sflag:s5] =	ssyncadd.s32 $0xFFFFD800  }
0x78: {  	p5 =	por @p0 $0x1, $0x1;
	p6 =	por @!p3 p1, p1;
	_ =	swait.ge [sflag:s5], $0x50  }
0x79: {  	p5 =	por @!p0 p6, p6;
	[sflag:s5] =	ssyncset.done $0x0  }
0x7a: {  	s4 =	simm.s32 $0x300;
	s19 =	simm.s32 $0x600;
	[sflag:s5] =	ssyncadd.s32 $0xFFFFFFB0  }
.LBB2_2:
0x7b: {  	[tilespmem:s23], [sflag:$0x1] =	stream.indirect.gather [hbm4b:s1+s22], $0x80, s4, s22, $0xb8;
	[tilespmem:$0x1D378] =	vst v63  }
0x7c: {  	s4 =	smov.u32 s19  }
0x7d: {  	p6 =	sne.s32 s19, $0x2400;
	s19 =	sadd.s32 $0x600, s19;
	_ =	swait.ge [sflag:s10], $0x2800  }
0x7e: {  	s4 =	sshra.s32 s4, $0x2;
	[sflag:s10] =	ssyncset.done $0x0  }
0x7f: {  	s14 =	sadd.s32 $0x1100, s4;
	[sflag:s10] =	ssyncadd.s32 $0xFFFFD800  }
0x80: {  	[spmem:s2] =	stream.indirect.scatter.add.f32 [tilespmem:s30], [sflag:$0x6], $0x80, s14, s22, $0xb8;
	[tilespmem:$0x1D378] =	vst v63  }
0x81: {  	_ = 	snop  }
0x82: {  	[spmem:s3] =	stream.indirect.scatter.add.f32 [tilespmem:s28], [sflag:$0x6], $0x1, s14, s22, $0xb8;
	[tilespmem:$0x1D378] =	vst v63  }
0x83: {  	_ =	swait.ge [sflag:s11], $0x2800  }
0x84: {  	[sflag:s11] =	ssyncset.done $0x0  }
0x85: {  	[sflag:s11] =	ssyncadd.s32 $0xFFFFD800  }
0x86: {  	_ =	swait.ge [sflag:s11], $0x50  }
0x87: {  	[sflag:s11] =	ssyncset.done $0x0  }
0x88: {  	s14 =	sadd.s32 $0x200, s4;
	[sflag:s11] =	ssyncadd.s32 $0xFFFFFFB0  }
0x89: {  	[tilespmem:s25], [sflag:$0x2] =	stream.indirect.gather [hbm4b:s1+s22], $0x80, s14, s22, $0xb8;
	[tilespmem:$0x1D378] =	vst v63  }
0x8a: {  	_ =	swait.ge [sflag:s26], $0x2800  }
0x8b: {  	[sflag:s26] =	ssyncset.done $0x0  }
0x8c: {  	s14 =	sadd.s32 $0x1180, s4;
	[sflag:s26] =	ssyncadd.s32 $0xFFFFD800  }
0x8d: {  	[spmem:s2] =	stream.indirect.scatter.add.f32 [tilespmem:s23], [sflag:$0x4], $0x80, s14, s22, $0xb8;
	[tilespmem:$0x1D378] =	vst v63  }
0x8e: {  	_ = 	snop  }
0x8f: {  	[spmem:s3] =	stream.indirect.scatter.add.f32 [tilespmem:s28], [sflag:$0x4], $0x1, s14, s22, $0xb8;
	[tilespmem:$0x1D378] =	vst v63  }
0x90: {  	_ =	swait.ge [sflag:s12], $0x2800  }
0x91: {  	[sflag:s12] =	ssyncset.done $0x0  }
0x92: {  	[sflag:s12] =	ssyncadd.s32 $0xFFFFD800  }
0x93: {  	_ =	swait.ge [sflag:s12], $0x50  }
0x94: {  	[sflag:s12] =	ssyncset.done $0x0  }
0x95: {  	s14 =	sadd.s32 $0x280, s4;
	[sflag:s12] =	ssyncadd.s32 $0xFFFFFFB0  }
0x96: {  	[tilespmem:s30], [sflag:$0x3] =	stream.indirect.gather [hbm4b:s1+s22], $0x80, s14, s22, $0xb8;
	[tilespmem:$0x1D378] =	vst v63  }
0x97: {  	_ =	swait.ge [sflag:s31], $0x2800  }
0x98: {  	[sflag:s31] =	ssyncset.done $0x0  }
0x99: {  	s14 =	sadd.s32 $0x1200, s4;
	[sflag:s31] =	ssyncadd.s32 $0xFFFFD800  }
0x9a: {  	[spmem:s2] =	stream.indirect.scatter.add.f32 [tilespmem:s25], [sflag:$0x5], $0x80, s14, s22, $0xb8;
	[tilespmem:$0x1D378] =	vst v63  }
0x9b: {  	_ = 	snop  }
0x9c: {  	[spmem:s3] =	stream.indirect.scatter.add.f32 [tilespmem:s28], [sflag:$0x5], $0x1, s14, s22, $0xb8;
	[tilespmem:$0x1D378] =	vst v63  }
0x9d: {  	_ =	swait.ge [sflag:s5], $0x2800  }
.Ltmp0:
0x9e: {  	[sflag:s5] =	ssyncset.done $0x0;
	(pc) =	sbr.rel @p6 .LBB2_2-.Ltmp0, $4  }
0x9f: {  	[sflag:s5] =	ssyncadd.s32 $0xFFFFD800  }
0xa0: {  	_ =	swait.ge [sflag:s5], $0x50  }
0xa1: {  	[sflag:s5] =	ssyncset.done $0x0  }
0xa2: {  	s4 =	sadd.s32 $0x300, s4;
	[sflag:s5] =	ssyncadd.s32 $0xFFFFFFB0  }
0xa3: {  	[dreg:$0x11] =	wrdreg s16  }
0xa4: {  	[tilespmem:s23], [sflag:$0x1] =	stream.indirect.gather [hbm4b:s1+s22], $0x80, s4, s22, $0xb8;
	[tilespmem:$0x1D378] =	vst v63  }
0xa5: {  	_ =	swait.ge [sflag:s10], $0x2800  }
0xa6: {  	[sflag:s10] =	ssyncset.done $0x0  }
0xa7: {  	[sflag:s10] =	ssyncadd.s32 $0xFFFFD800  }
0xa8: {  	[spmem:s2] =	stream.indirect.scatter.add.f32 [tilespmem:s30], [sflag:$0x6], $0x80, s13, s22, $0xb8;
	[tilespmem:$0x1D378] =	vst v63  }
0xa9: {  	_ = 	snop  }
0xaa: {  	[spmem:s3] =	stream.indirect.scatter.add.f32 [tilespmem:s28], [sflag:$0x6], $0x1, s13, s22, $0xb8;
	[tilespmem:$0x1D378] =	vst v63  }
0xab: {  	_ =	swait.ge [sflag:s11], $0x2800  }
0xac: {  	[sflag:s11] =	ssyncset.done $0x0  }
0xad: {  	[sflag:s11] =	ssyncadd.s32 $0xFFFFD800  }
0xae: {  	_ =	swait.ge [sflag:s11], $0x50  }
0xaf: {  	[sflag:s11] =	ssyncset.done $0x0  }
0xb0: {  	s19 =	simm.s32 $0x1;
	[sflag:s11] =	ssyncadd.s32 $0xFFFFFFB0  }
0xb1: {  	_ =	swait.ge [sflag:s19], $0x2800  }
0xb2: {  	[sflag:s19] =	ssyncset.done $0x0  }
0xb3: {  	[sflag:s19] =	ssyncadd.s32 $0xFFFFD800  }
0xb4: {  	[spmem:s2] =	stream.indirect.scatter.add.f32 [tilespmem:s23], [sflag:$0x4], $0x80, s15, s22, $0xb8;
	[tilespmem:$0x1D378] =	vst v63  }
0xb5: {  	_ = 	snop  }
0xb6: {  	[spmem:s3] =	stream.indirect.scatter.add.f32 [tilespmem:s28], [sflag:$0x4], $0x1, s15, s22, $0xb8;
	[tilespmem:$0x1D378] =	vst v63  }
0xb7: {  	_ =	swait.ge [sflag:s12], $0x2800  }
0xb8: {  	[sflag:s12] =	ssyncset.done $0x0  }
0xb9: {  	[sflag:s12] =	ssyncadd.s32 $0xFFFFD800  }
0xba: {  	_ =	swait.ge [sflag:s12], $0x50  }
0xbb: {  	[sflag:s12] =	ssyncset.done $0x0  }
0xbc: {  	[sflag:s12] =	ssyncadd.s32 $0xFFFFFFB0  }
0xbd: {  	_ =	swait.ge [sflag:s5], $0x2800  }
0xbe: {  	[sflag:s5] =	ssyncset.done $0x0  }
0xbf: {  	[sflag:s5] =	ssyncadd.s32 $0xFFFFD800  }
0xc0: {  	_ =	swait.ge [sflag:s5], $0x50  }
0xc1: {  	[sflag:s5] =	ssyncset.done $0x0  }
0xc2: {  	[sflag:s5] =	ssyncadd.s32 $0xFFFFFFB0  }
.LBB2_4:
0xc3: {  	s4 =	sshll.u32 s19, $0xC  }
0xc4: {  	s4 =	sadd.s32 s9, s4  }
0xc5: {  	s4 =	sshrl.u32 s4, $0x3  }
0xc6: {  	s18 =	simm.s32 $0x0;
	s14 =	sadd.s32 s6, s4  }
0xc7: {  	[tilespmem:s18], [sflag:$0x7] =	stream.linear.gather [hbm4b:s14+s18], $0xC80, $0x38;
	[tilespmem:$0x1D378] =	vst v63  }
0xc8: {  	_ =	swait.ge [sflag:s20], $0xC80  }
0xc9: {  	[sflag:s20] =	ssyncset.done $0x0  }
0xca: {  	s4 =	sadd.s32 s7, s4;
	[sflag:s20] =	ssyncadd.s32 $0xFFFFF380  }
0xcb: {  	[tilespmem:s21], [sflag:$0x7] =	stream.linear.gather [hbm4b:s4+s18], $0xC80, $0x38;
	[tilespmem:$0x1D378] =	vst v63  }
0xcc: {  	_ =	swait.ge [sflag:s20], $0xC80  }
0xcd: {  	[sflag:s20] =	ssyncset.done $0x0  }
0xce: {  	[sflag:s20] =	ssyncadd.s32 $0xFFFFF380  }
0xcf: {  	[tilespmem:s23], [sflag:$0x1] =	stream.indirect.gather [hbm4b:s1+s22], $0x80, s18, s22, $0xb8;
	[tilespmem:$0x1D378] =	vst v63  }
0xd0: {  	_ = 	snop  }
0xd1: {  	[tilespmem:s25], [sflag:$0x2] =	stream.indirect.gather [hbm4b:s1+s22], $0x80, s24, s22, $0xb8;
	[tilespmem:$0x1D378] =	vst v63  }
0xd2: {  	_ =	swait.ge [sflag:s26], $0x2800  }
0xd3: {  	[sflag:s26] =	ssyncset.done $0x0  }
0xd4: {  	[sflag:s26] =	ssyncadd.s32 $0xFFFFD800  }
0xd5: {  	[spmem:s2] =	stream.indirect.scatter.add.f32 [tilespmem:s23], [sflag:$0x4], $0x80, s21, s22, $0xb8;
	[tilespmem:$0x1D378] =	vst v63  }
0xd6: {  	_ = 	snop  }
0xd7: {  	[spmem:s3] =	stream.indirect.scatter.add.f32 [tilespmem:s28], [sflag:$0x4], $0x1, s21, s22, $0xb8;
	[tilespmem:$0x1D378] =	vst v63  }
0xd8: {  	_ = 	snop  }
0xd9: {  	[tilespmem:s30], [sflag:$0x3] =	stream.indirect.gather [hbm4b:s1+s22], $0x80, s29, s22, $0xb8;
	[tilespmem:$0x1D378] =	vst v63  }
0xda: {  	_ =	swait.ge [sflag:s31], $0x2800  }
0xdb: {  	[sflag:s31] =	ssyncset.done $0x0  }
0xdc: {  	[sflag:s31] =	ssyncadd.s32 $0xFFFFD800  }
0xdd: {  	[spmem:s2] =	stream.indirect.scatter.add.f32 [tilespmem:s25], [sflag:$0x5], $0x80, s0, s22, $0xb8;
	[tilespmem:$0x1D378] =	vst v63  }
0xde: {  	_ = 	snop  }
0xdf: {  	[spmem:s3] =	stream.indirect.scatter.add.f32 [tilespmem:s28], [sflag:$0x5], $0x1, s0, s22, $0xb8;
	[tilespmem:$0x1D378] =	vst v63  }
0xe0: {  	_ =	swait.ge [sflag:s5], $0x2800  }
0xe1: {  	[sflag:s5] =	ssyncset.done $0x0  }
0xe2: {  	[sflag:s5] =	ssyncadd.s32 $0xFFFFD800  }
0xe3: {  	_ =	swait.ge [sflag:s5], $0x50  }
0xe4: {  	[sflag:s5] =	ssyncset.done $0x0  }
0xe5: {  	[sflag:s5] =	ssyncadd.s32 $0xFFFFFFB0  }
0xe6: {  	[tilespmem:s23], [sflag:$0x1] =	stream.indirect.gather [hbm4b:s1+s22], $0x80, s8, s22, $0xb8;
	[tilespmem:$0x1D378] =	vst v63  }
0xe7: {  	_ =	swait.ge [sflag:s10], $0x2800  }
0xe8: {  	[sflag:s10] =	ssyncset.done $0x0  }
0xe9: {  	s16 =	simm.s32 $0x1100;
	[sflag:s10] =	ssyncadd.s32 $0xFFFFD800  }
0xea: {  	[spmem:s2] =	stream.indirect.scatter.add.f32 [tilespmem:s30], [sflag:$0x6], $0x80, s16, s22, $0xb8;
	[tilespmem:$0x1D378] =	vst v63  }
0xeb: {  	_ = 	snop  }
0xec: {  	[spmem:s3] =	stream.indirect.scatter.add.f32 [tilespmem:s28], [sflag:$0x6], $0x1, s16, s22, $0xb8;
	[tilespmem:$0x1D378] =	vst v63  }
0xed: {  	_ =	swait.ge [sflag:s11], $0x2800  }
0xee: {  	[sflag:s11] =	ssyncset.done $0x0  }
0xef: {  	[sflag:s11] =	ssyncadd.s32 $0xFFFFD800  }
0xf0: {  	_ =	swait.ge [sflag:s11], $0x50  }
0xf1: {  	[sflag:s11] =	ssyncset.done $0x0  }
0xf2: {  	s18 =	simm.s32 $0x200;
	[sflag:s11] =	ssyncadd.s32 $0xFFFFFFB0  }
0xf3: {  	[tilespmem:s25], [sflag:$0x2] =	stream.indirect.gather [hbm4b:s1+s22], $0x80, s18, s22, $0xb8;
	[tilespmem:$0x1D378] =	vst v63  }
0xf4: {  	_ =	swait.ge [sflag:s26], $0x2800  }
0xf5: {  	[sflag:s26] =	ssyncset.done $0x0  }
0xf6: {  	s14 =	simm.s32 $0x1180;
	[sflag:s26] =	ssyncadd.s32 $0xFFFFD800  }
0xf7: {  	[spmem:s2] =	stream.indirect.scatter.add.f32 [tilespmem:s23], [sflag:$0x4], $0x80, s14, s22, $0xb8;
	[tilespmem:$0x1D378] =	vst v63  }
0xf8: {  	_ = 	snop  }
0xf9: {  	[spmem:s3] =	stream.indirect.scatter.add.f32 [tilespmem:s28], [sflag:$0x4], $0x1, s14, s22, $0xb8;
	[tilespmem:$0x1D378] =	vst v63  }
0xfa: {  	_ =	swait.ge [sflag:s12], $0x2800  }
0xfb: {  	[sflag:s12] =	ssyncset.done $0x0  }
0xfc: {  	[sflag:s12] =	ssyncadd.s32 $0xFFFFD800  }
0xfd: {  	_ =	swait.ge [sflag:s12], $0x50  }
0xfe: {  	[sflag:s12] =	ssyncset.done $0x0  }
0xff: {  	s16 =	simm.s32 $0x280;
	[sflag:s12] =	ssyncadd.s32 $0xFFFFFFB0  }
0x100: {  	[tilespmem:s30], [sflag:$0x3] =	stream.indirect.gather [hbm4b:s1+s22], $0x80, s16, s22, $0xb8;
	[tilespmem:$0x1D378] =	vst v63  }
0x101: {  	_ =	swait.ge [sflag:s31], $0x2800  }
0x102: {  	[sflag:s31] =	ssyncset.done $0x0  }
0x103: {  	s18 =	simm.s32 $0x1200;
	[sflag:s31] =	ssyncadd.s32 $0xFFFFD800  }
0x104: {  	[spmem:s2] =	stream.indirect.scatter.add.f32 [tilespmem:s25], [sflag:$0x5], $0x80, s18, s22, $0xb8;
	[tilespmem:$0x1D378] =	vst v63  }
0x105: {  	_ = 	snop  }
0x106: {  	[spmem:s3] =	stream.indirect.scatter.add.f32 [tilespmem:s28], [sflag:$0x5], $0x1, s18, s22, $0xb8;
	[tilespmem:$0x1D378] =	vst v63  }
0x107: {  	_ =	swait.ge [sflag:s5], $0x2800  }
0x108: {  	[sflag:s5] =	ssyncset.done $0x0  }
0x109: {  	[sflag:s5] =	ssyncadd.s32 $0xFFFFD800  }
0x10a: {  	_ =	swait.ge [sflag:s5], $0x50  }
0x10b: {  	[sflag:s5] =	ssyncset.done $0x0  }
0x10c: {  	s4 =	simm.s32 $0x600;
	s14 =	simm.s32 $0x300;
	[sflag:s5] =	ssyncadd.s32 $0xFFFFFFB0  }
.LBB2_5:
0x10d: {  	[tilespmem:s23], [sflag:$0x1] =	stream.indirect.gather [hbm4b:s1+s22], $0x80, s14, s22, $0xb8;
	[tilespmem:$0x1D378] =	vst v63  }
0x10e: {  	s14 =	smov.u32 s4  }
0x10f: {  	p6 =	sne.s32 s4, $0x2400;
	s4 =	sadd.s32 $0x600, s4;
	_ =	swait.ge [sflag:s10], $0x2800  }
0x110: {  	s14 =	sshra.s32 s14, $0x2;
	[sflag:s10] =	ssyncset.done $0x0  }
0x111: {  	s18 =	sadd.s32 $0x1100, s14;
	[sflag:s10] =	ssyncadd.s32 $0xFFFFD800  }
0x112: {  	[spmem:s2] =	stream.indirect.scatter.add.f32 [tilespmem:s30], [sflag:$0x6], $0x80, s18, s22, $0xb8;
	[tilespmem:$0x1D378] =	vst v63  }
0x113: {  	_ = 	snop  }
0x114: {  	[spmem:s3] =	stream.indirect.scatter.add.f32 [tilespmem:s28], [sflag:$0x6], $0x1, s18, s22, $0xb8;
	[tilespmem:$0x1D378] =	vst v63  }
0x115: {  	_ =	swait.ge [sflag:s11], $0x2800  }
0x116: {  	[sflag:s11] =	ssyncset.done $0x0  }
0x117: {  	[sflag:s11] =	ssyncadd.s32 $0xFFFFD800  }
0x118: {  	_ =	swait.ge [sflag:s11], $0x50  }
0x119: {  	[sflag:s11] =	ssyncset.done $0x0  }
0x11a: {  	s18 =	sadd.s32 $0x200, s14;
	[sflag:s11] =	ssyncadd.s32 $0xFFFFFFB0  }
0x11b: {  	[tilespmem:s25], [sflag:$0x2] =	stream.indirect.gather [hbm4b:s1+s22], $0x80, s18, s22, $0xb8;
	[tilespmem:$0x1D378] =	vst v63  }
0x11c: {  	_ =	swait.ge [sflag:s26], $0x2800  }
0x11d: {  	[sflag:s26] =	ssyncset.done $0x0  }
0x11e: {  	s18 =	sadd.s32 $0x1180, s14;
	[sflag:s26] =	ssyncadd.s32 $0xFFFFD800  }
0x11f: {  	[spmem:s2] =	stream.indirect.scatter.add.f32 [tilespmem:s23], [sflag:$0x4], $0x80, s18, s22, $0xb8;
	[tilespmem:$0x1D378] =	vst v63  }
0x120: {  	_ = 	snop  }
0x121: {  	[spmem:s3] =	stream.indirect.scatter.add.f32 [tilespmem:s28], [sflag:$0x4], $0x1, s18, s22, $0xb8;
	[tilespmem:$0x1D378] =	vst v63  }
0x122: {  	_ =	swait.ge [sflag:s12], $0x2800  }
0x123: {  	[sflag:s12] =	ssyncset.done $0x0  }
0x124: {  	[sflag:s12] =	ssyncadd.s32 $0xFFFFD800  }
0x125: {  	_ =	swait.ge [sflag:s12], $0x50  }
0x126: {  	[sflag:s12] =	ssyncset.done $0x0  }
0x127: {  	s18 =	sadd.s32 $0x280, s14;
	[sflag:s12] =	ssyncadd.s32 $0xFFFFFFB0  }
0x128: {  	[tilespmem:s30], [sflag:$0x3] =	stream.indirect.gather [hbm4b:s1+s22], $0x80, s18, s22, $0xb8;
	[tilespmem:$0x1D378] =	vst v63  }
0x129: {  	_ =	swait.ge [sflag:s31], $0x2800  }
0x12a: {  	[sflag:s31] =	ssyncset.done $0x0  }
0x12b: {  	s18 =	sadd.s32 $0x1200, s14;
	[sflag:s31] =	ssyncadd.s32 $0xFFFFD800  }
0x12c: {  	[spmem:s2] =	stream.indirect.scatter.add.f32 [tilespmem:s25], [sflag:$0x5], $0x80, s18, s22, $0xb8;
	[tilespmem:$0x1D378] =	vst v63  }
0x12d: {  	_ = 	snop  }
0x12e: {  	[spmem:s3] =	stream.indirect.scatter.add.f32 [tilespmem:s28], [sflag:$0x5], $0x1, s18, s22, $0xb8;
	[tilespmem:$0x1D378] =	vst v63  }
0x12f: {  	_ =	swait.ge [sflag:s5], $0x2800  }
.Ltmp1:
0x130: {  	[sflag:s5] =	ssyncset.done $0x0;
	(pc) =	sbr.rel @p6 .LBB2_5-.Ltmp1, $4  }
0x131: {  	[sflag:s5] =	ssyncadd.s32 $0xFFFFD800  }
0x132: {  	_ =	swait.ge [sflag:s5], $0x50  }
0x133: {  	[sflag:s5] =	ssyncset.done $0x0  }
0x134: {  	s14 =	sadd.s32 $0x300, s14;
	[sflag:s5] =	ssyncadd.s32 $0xFFFFFFB0  }
0x135: {  	[tilespmem:s23], [sflag:$0x1] =	stream.indirect.gather [hbm4b:s1+s22], $0x80, s14, s22, $0xb8;
	[tilespmem:$0x1D378] =	vst v63  }
0x136: {  	_ =	swait.ge [sflag:s10], $0x2800  }
0x137: {  	[sflag:s10] =	ssyncset.done $0x0  }
0x138: {  	[sflag:s10] =	ssyncadd.s32 $0xFFFFD800  }
0x139: {  	[spmem:s2] =	stream.indirect.scatter.add.f32 [tilespmem:s30], [sflag:$0x6], $0x80, s13, s22, $0xb8;
	[tilespmem:$0x1D378] =	vst v63  }
0x13a: {  	_ = 	snop  }
0x13b: {  	[spmem:s3] =	stream.indirect.scatter.add.f32 [tilespmem:s28], [sflag:$0x6], $0x1, s13, s22, $0xb8;
	[tilespmem:$0x1D378] =	vst v63  }
0x13c: {  	_ =	swait.ge [sflag:s11], $0x2800  }
0x13d: {  	[sflag:s11] =	ssyncset.done $0x0  }
0x13e: {  	[sflag:s11] =	ssyncadd.s32 $0xFFFFD800  }
0x13f: {  	_ =	swait.ge [sflag:s11], $0x50  }
0x140: {  	[sflag:s11] =	ssyncset.done $0x0  }
0x141: {  	[sflag:s11] =	ssyncadd.s32 $0xFFFFFFB0  }
0x142: {  	_ =	swait.ge [sflag:s26], $0x2800  }
0x143: {  	[sflag:s26] =	ssyncset.done $0x0  }
0x144: {  	[sflag:s26] =	ssyncadd.s32 $0xFFFFD800  }
0x145: {  	[spmem:s2] =	stream.indirect.scatter.add.f32 [tilespmem:s23], [sflag:$0x4], $0x80, s15, s22, $0xb8;
	[tilespmem:$0x1D378] =	vst v63  }
0x146: {  	_ = 	snop  }
0x147: {  	[spmem:s3] =	stream.indirect.scatter.add.f32 [tilespmem:s28], [sflag:$0x4], $0x1, s15, s22, $0xb8;
	[tilespmem:$0x1D378] =	vst v63  }
0x148: {  	_ =	swait.ge [sflag:s12], $0x2800  }
0x149: {  	[sflag:s12] =	ssyncset.done $0x0  }
0x14a: {  	[sflag:s12] =	ssyncadd.s32 $0xFFFFD800  }
0x14b: {  	_ =	swait.ge [sflag:s12], $0x50  }
0x14c: {  	[sflag:s12] =	ssyncset.done $0x0  }
0x14d: {  	s19 =	sadd.s32 $0x1, s19;
	[sflag:s12] =	ssyncadd.s32 $0xFFFFFFB0  }
0x14e: {  	p6 =	sne.s32 s19, $0x5;
	_ =	swait.ge [sflag:s5], $0x2800  }
.Ltmp2:
0x14f: {  	[sflag:s5] =	ssyncset.done $0x0;
	(pc) =	sbr.rel @p6 .LBB2_4-.Ltmp2, $4  }
0x150: {  	[sflag:s5] =	ssyncadd.s32 $0xFFFFD800  }
0x151: {  	_ =	swait.ge [sflag:s5], $0x50  }
0x152: {  	[sflag:s5] =	ssyncset.done $0x0  }
0x153: {  	[sflag:s5] =	ssyncadd.s32 $0xFFFFFFB0  }
0x154: {  	[bflag:$0x0] =	sbarrier.arrive $0xFFFF  }
0x155: {  	s4 =	rddreg [dreg:$0xd]  }
0x156: {  	s14 =	rddreg [dreg:$0x12]  }
0x157: {  	[hbm:s4], [sflag:s17] =	dma.local [spmem:s14], $0x2700  }
0x158: {  	_ =	swait.ge [sflag:s20], $0x2700  }
0x159: {  	[sflag:s20] =	ssyncset.done $0x0;
	s18 =	rddreg [dreg:$0xb]  }
0x15a: {  	s14 =	rddreg [dreg:$0xe];
	[sflag:s20] =	ssyncadd.s32 $0xFFFFD900;
	s4 =	sshrl.u32 @!p4 s18, $0x3  }
0x15b: {  	[hbm:s14], [sflag:s17] =	dma.local @!p4 [spmem:s4], $0x100  }
0x15c: {  	s4 =	simm.s32 @!p4 $0x7  }
0x15d: {  	s16 =	simm.s32 @p5 $0x20;
	s19 =	simm.s32 @p5 $0x10;
	_ =	swait.ge @!p4 [sflag:s4], $0x100  }
0x15e: {  	s24 =	smov.u32 s17;
	s14 =	simm.s32 @p5 $0x1;
	[sflag:s4] =	ssyncset.done @!p4 $0x0  }
0x15f: {  	s17 =	rddreg [dreg:$0xf];
	[sflag:s4] =	ssyncadd.s32 @!p4 $0xFFFFFF00;
	s4 =	sshrl.u32 @p5 s3, $0x3  }
0x160: {  	[hbm:s17@s16], [sflag:s24] =	dma.strided @p5 [spmem:s4@s19], $0x4F0, s14, $0x10   }
0x161: {  	s4 =	simm.s32 @p5 $0x7  }
0x162: {  	_ =	swait.ge @p5 [sflag:s4], $0x4F0  }
0x163: {  	s17 =	rddreg [dreg:$0x11]  }
0x164: {  	s19 =	rddreg [dreg:$0x10];
	s16 =	sadd.s32 $0x1, s17  }
0x165: {  	p6 =	sne.s32 s16, s19  }
.Ltmp3:
0x166: {  	_ = 	snop;
	(pc) =	sbr.rel @p6 .LBB2_1-.Ltmp3, $3  }
0x167: {  	_ =	sdelay $0x1  }
0x168: {  	[sflag:s4] =	ssyncset.done @p5 $0x0  }
0x169: {  	s24 =	simm.s32 $0x80;
	[sflag:s4] =	ssyncadd.s32 @p5 $0xFFFFFB10  }
0x16a: {  	_ =	sfence.sel $0x180000  }
0x16b: {  	[bflag:$0x0] =	sbarrier.arrive $0xFFFF  }
0x16c: {  	_ =	strace $0x9000004D  }
0x16d: {  	s0 =	stileid.u32;
	[bflag:$0x2] =	sbarrier.arrive $0xFFFF  }
0x16e: {  	p0 =	sne.s32 s0, $0x0;
	s0 =	rddreg [dreg:$0x5]  }
0x16f: {  	s0 =	sadd.s32 @!p0 $0x100000, s0  }
0x170: {  	[sflag:s0] =	ssyncadd.tile.s32 @!p0 $0x1;
	_ =	shalt  }
.Lfunc_end2:
_tile_overlayer_lowered:
.L_overlay_start_2:
0x171: {  	(tag) =	ssettag $0x2  }
0x172: {  	s0 =	rddreg [dreg:$0x0];
	s2 =	stileid.u32  }
0x173: {  	s1 =	rddreg [dreg:$0x1];
	p0 =	sne.s32 s2, $0x0  }
0x174: {  	s3 =	rddreg [dreg:$0x2];
	[bflag:$0x3] =	sbarrier.arrive $0xFFFF;
	s2 =	simm.s32 @!p0 $0x1C07  }
0x175: {  	[timem:s3], [sflag:s2] =	dma.local @!p0 [hbm:s0], s1  }
0x176: {  	s0 =	simm.s32 @!p0 $0x7  }
0x177: {  	_ =	swait.ge @!p0 [sflag:s0], s1  }
0x178: {  	s1 =	ssub.s32 @!p0 $0x0, s1;
	[sflag:s0] =	ssyncset.done @!p0 $0x0  }
0x179: {  	[sflag:s0] =	ssyncadd.s32 @!p0 s1  }
0x17a: {  	[bflag:$0x3] =	sbarrier.arrive $0xFFFF  }
0x17b: {  	_ =	shalt  }

// kernel: kernel.8.cloned.1.call-start
scs
__scs_entry_jumppad:
0x0: {  	(pc) =	sbr.rel $0x88, $3  }
0x1: {  	(tag) =	ssettag $0x0;
	lr =	simm.s32 $0x1  }
0x2: {  	[smem:$0x3F92] =	sst lr;
	_ =	strace $0xD0000000  }
0x3: {  	_ = 	snop  }
0x4: {  	_ = 	snop  }
0x5: {  	_ = 	snop  }
0x6: {  	_ = 	snop  }
0x7: {  	_ = 	snop  }
__scs_overlays_trampoline_lowered:
0x8: {  	[smem:$0x3FA1] =	sst s0  }
0x9: {  	[smem:$0x3FA2] =	sst s1  }
0xa: {  	[smem:$0x3FA3] =	sst s2  }
0xb: {  	[smem:$0x3FA4] =	sst s3  }
0xc: {  	[smem:$0x3FA5] =	sst s4  }
0xd: {  	[smem:$0x3FA6] =	sst s5  }
0xe: {  	[smem:$0x3FA7] =	sst s6  }
0xf: {  	[smem:$0x3FA8] =	sst s7  }
0x10: {  	[smem:$0x3FA9] =	sst s8  }
0x11: {  	[smem:$0x3FAA] =	sst s9;
	s0 =	simm.s32 @!p0 $0x0  }
0x12: {  	s1 =	sld [smem:$0x3F90];
	s0 =	simm.s32 @p0 $0x1  }
0x13: {  	[smem:$0x3FAB] =	sst s0;
	s0 =	simm.s32 @!p1 $0x0  }
0x14: {  	s2 =	sld [smem:$0x3F8F];
	s0 =	simm.s32 @p1 $0x1  }
0x15: {  	[smem:$0x3FAC] =	sst s0;
	s0 =	simm.s32 @!p2 $0x0  }
0x16: {  	s3 =	sld [smem:$0x3FDB];
	s0 =	simm.s32 @p2 $0x1  }
0x17: {  	s4 =	simm.s32 $0x1BF5;
	[smem:$0x3FAE] =	sst s0  }
0x18: {  	s0 =	sld [smem:$0x3F91];
	_ =	swait.ge [sflag:s4], $0x0  }
0x19: {  	s7 =	sld [smem:$0x3F92]  }
0x1a: {  	s8 =	sadd.s32 $0xFFFFE003, lr  }
0x1b: {  	s9 =	sadd.s32 $0xFFFFFEF7, lr;
	s5 =	simm.s32 $0xFFFFFFFF;
	p2 =	slt.u32 s8, $0xFFFFF086  }
0x1c: {  	p1 =	slt.u32 s9, $0xF7A;
	s5 =	simm.s32 @!p2 $0x0  }
0x1d: {  	s5 =	simm.s32 @p1 $0x1;
	p0 =	seq.s32 s7, s2  }
0x1e: {  	s7 =	smul.u32 @!p0 $0xF7A, s2;
	p2 =	seq.s32 @!p0 s5, $0x0  }
0x1f: {  	s9 =	smul.u32 $0xF7A, s1;
	s8 =	simm.s32 @!p0 $0x1BF5;
	p2 =	por !p2, p0  }
0x20: {  	[sflag:s8] =	ssyncset.s32 @!p0 $0xFFFFF086;
	s6 =	sadd.s32 @!p0 s3, s7;
	s7 =	simm.s32 @!p0 $0x108  }
0x21: {  	s3 =	sadd.s32 s3, s9;
	s6 =	sadd.s32 @!p0 $0x88, s6;
	s7 =	simm.s32 @p2 $0x1082  }
0x22: {  	[simem:s7], [sflag:s8] =	dma.local @!p0 [hbm:s6], $0xF7A  }
0x23: {  	s9 =	sor.u32 $0xD0000000, s2;
	s6 =	simm.s32 $0x108;
	_ =	swait.ge @!p0 [sflag:s8], $0x0  }
0x24: {  	s3 =	sadd.s32 $0x88, s3;
	s6 =	simm.s32 @!p1 $0x1082;
	[sflag:s4] =	ssyncset.s32 $0xFFFFF086  }
0x25: {  	[simem:s6], [sflag:s4] =	dma.local [hbm:s3], $0xF7A  }
0x26: {  	[smem:$0x3F92] =	sst s1;
	(tag) =	ssettag s2;
	_ =	strace s9  }
0x27: {  	s1 =	sld [smem:$0x3FA2]  }
0x28: {  	s2 =	sld [smem:$0x3FA3]  }
0x29: {  	s4 =	sld [smem:$0x3FA5]  }
0x2a: {  	p0 =	seq.s32 s5, $0x0;
	s5 =	sld [smem:$0x3FA6]  }
0x2b: {  	s6 =	sld [smem:$0x3FA7]  }
0x2c: {  	s7 =	sld [smem:$0x3FA8]  }
0x2d: {  	s3 =	simm.s32 $0x108;
	s8 =	sld [smem:$0x3FA9]  }
0x2e: {  	s3 =	simm.s32 @!p0 $0x1082;
	s9 =	sld [smem:$0x3FAA]  }
0x2f: {  	lr =	sadd.s32 s0, s3;
	s0 =	sld [smem:$0x3FA1]  }
0x30: {  	s3 =	sld [smem:$0x3FA4]  }
0x31: {  	[smem:$0x3FAD] =	sst s10  }
0x32: {  	s10 =	sld [smem:$0x3FAB];
	_ =	sdelay $0x3  }
0x33: {  	p0 =	seq.s32 s10, $0x1;
	s10 =	sld [smem:$0x3FAD];
	_ =	sdelay $0x3  }
0x34: {  	[smem:$0x3FAD] =	sst s10  }
0x35: {  	s10 =	sld [smem:$0x3FAC];
	_ =	sdelay $0x3  }
0x36: {  	p1 =	seq.s32 s10, $0x1;
	s10 =	sld [smem:$0x3FAD];
	_ =	sdelay $0x3  }
0x37: {  	[smem:$0x3FAD] =	sst s10  }
0x38: {  	s10 =	sld [smem:$0x3FAE]  }
0x39: {  	_ = 	snop;
	(pc) =	sbr.ind lr, $3  }
0x3a: {  	_ = 	snop  }
0x3b: {  	_ = 	snop  }
0x3c: {  	p2 =	seq.s32 s10, $0x1;
	s10 =	sld [smem:$0x3FAD]  }
0x3d: {  	_ =	shalt  }
0x3e: {  	_ =	shalt  }
0x3f: {  	_ =	shalt  }
0x40: {  	_ =	shalt  }
0x41: {  	_ =	shalt  }
0x42: {  	_ =	shalt  }
0x43: {  	_ =	shalt  }
0x44: {  	_ =	shalt  }
0x45: {  	_ =	shalt  }
0x46: {  	_ =	shalt  }
0x47: {  	_ =	shalt  }
0x48: {  	_ =	shalt  }
0x49: {  	_ =	shalt  }
0x4a: {  	_ =	shalt  }
0x4b: {  	_ =	shalt  }
0x4c: {  	_ =	shalt  }
0x4d: {  	_ =	shalt  }
0x4e: {  	_ =	shalt  }
0x4f: {  	_ =	shalt  }
0x50: {  	_ =	shalt  }
0x51: {  	_ =	shalt  }
0x52: {  	_ =	shalt  }
0x53: {  	_ =	shalt  }
0x54: {  	_ =	shalt  }
0x55: {  	_ =	shalt  }
0x56: {  	_ =	shalt  }
0x57: {  	_ =	shalt  }
0x58: {  	_ =	shalt  }
0x59: {  	_ =	shalt  }
0x5a: {  	_ =	shalt  }
0x5b: {  	_ =	shalt  }
0x5c: {  	_ =	shalt  }
0x5d: {  	_ =	shalt  }
0x5e: {  	_ =	shalt  }
0x5f: {  	_ =	shalt  }
0x60: {  	_ =	shalt  }
0x61: {  	_ =	shalt  }
0x62: {  	_ =	shalt  }
0x63: {  	_ =	shalt  }
0x64: {  	_ =	shalt  }
0x65: {  	_ =	shalt  }
0x66: {  	_ =	shalt  }
0x67: {  	_ =	shalt  }
0x68: {  	_ =	shalt  }
0x69: {  	_ =	shalt  }
0x6a: {  	_ =	shalt  }
0x6b: {  	_ =	shalt  }
0x6c: {  	_ =	shalt  }
0x6d: {  	_ =	shalt  }
0x6e: {  	_ =	shalt  }
0x6f: {  	_ =	shalt  }
0x70: {  	_ =	shalt  }
0x71: {  	_ =	shalt  }
0x72: {  	_ =	shalt  }
0x73: {  	_ =	shalt  }
0x74: {  	_ =	shalt  }
0x75: {  	_ =	shalt  }
0x76: {  	_ =	shalt  }
0x77: {  	_ =	shalt  }
0x78: {  	_ =	shalt  }
0x79: {  	_ =	shalt  }
0x7a: {  	_ =	shalt  }
0x7b: {  	_ =	shalt  }
0x7c: {  	_ =	shalt  }
0x7d: {  	_ =	shalt  }
0x7e: {  	_ =	shalt  }
0x7f: {  	_ =	shalt  }
0x80: {  	_ =	shalt  }
0x81: {  	_ =	shalt  }
0x82: {  	_ =	shalt  }
0x83: {  	_ =	shalt  }
0x84: {  	_ =	shalt  }
0x85: {  	_ =	shalt  }
0x86: {  	_ =	shalt  }
0x87: {  	_ =	shalt  }
.Lfunc_end0:
.L_simem_size_0:
called_computation_lowered:
.L_overlay_start_0:
0x88: {  	s2 =	sld [smem:$0x3FD9]  }
0x89: {  	s3 =	sld [smem:$0x3FFE];
	_ =	sdelay $0x1  }
0x8a: {  	s1 =	srdreg.scid  }
0x8b: {  	s0 =	sand.u32 $0x1, s1  }
0x8c: {  	s14 =	sshll.u32 s0, $0xA;
	s2 =	sadd.s32 s3, s2  }
0x8d: {  	s2 =	sadd.s32 s2, s14  }
0x8e: {  	[smem:$0x3FB9] =	sst s2  }
0x8f: {  	_ = 	snop  }
0x90: {  	s2 =	sld [smem:$0x3FD0];
	_ =	sdelay $0x2  }
0x91: {  	s4 =	simm.s32 $0xA;
	s5 =	simm.s32 $0x10;
	s15 =	sld [smem:$0x3FC9]  }
0x92: {  	[smem:s5], [sflag:s4] =	dma.local [hbm:s2], $0x1  }
0x93: {  	_ =	swait.eq [sflag:s4], $0x1  }
0x94: {  	[sflag:s4] =	ssyncset.done $0x0  }
0x95: {  	s16 =	sld [smem:$0x10];
	[sflag:s4] =	ssyncadd.s32 $0xFFFFFFFF  }
0x96: {  	s17 =	sld [smem:$0x11];
	(tm) =	ssettm $0x1  }
0x97: {  	s18 =	sld [smem:$0x3FFB];
	_ =	sdelay $0x3  }
0x98: {  	_ =	strace s18  }
0x99: {  	s5 =	sld [smem:$0x3FFC];
	_ =	sdelay $0x3  }
0x9a: {  	_ =	strace s5  }
0x9b: {  	s5 =	sld [smem:$0x3FFD];
	_ =	sdelay $0x3  }
0x9c: {  	_ =	strace s5  }
0x9d: {  	_ =	strace $0x8FFFFFFF  }
0x9e: {  	s19 =	sld [smem:$0x3FDB];
	_ =	sdelay $0x1  }
0x9f: {  	s6 =	simm.s32 $_scs_section_size  }
0xa0: {  	s7 =	simm.s32 $_size__tile_overlayer_lowered;
	s8 =	simm.s32 $_tile_overlayer_lowered  }
0xa1: {  	s22 =	simm.s32 $0x1BFF;
	s21 =	sshll.u32 s8, $0x1;
	s5 =	sadd.s32 s6, s19  }
0xa2: {  	s9 =	simm.s32 $0x0;
	s20 =	sshll.u32 s7, $0x1;
	s7 =	sadd.s32 s21, s5  }
0xa3: {  	[timem:s9], [sflag:s22] =	dma.local [hbm:s7], s20  }
0xa4: {  	_ =	swait.ge [sflag:s22], s20  }
0xa5: {  	s6 =	ssub.s32 $0x0, s20;
	[sflag:s22] =	ssyncset.done $0x0  }
0xa6: {  	[sflag:s22] =	ssyncadd.s32 s6;
	_ =	sdelay $0x1  }
0xa7: {  	s23 =	simm.s32 $0x1B8B  }
0xa8: {  	_ =	swait.ge [sflag:s23], $0x1  }
0xa9: {  	[sflag:s23] =	ssyncset.done $0x0  }
0xaa: {  	s25 =	simm.s32 $0x1B8E;
	s24 =	sld [smem:$0x3FFE];
	[sflag:s23] =	ssyncadd.s32 $0xFFFFFFFF  }
0xab: {  	s26 =	simm.s32 $execute0_lowered;
	[smem:$0x3FD2] =	sst s25  }
0xac: {  	s7 =	sshll.u32 s26, $0x1;
	_ =	strace $0x80000046;
	[dreg:$0x1] =	wrdreg $0xFFFFFFFF  }
0xad: {  	s28 =	simm.s32 $_size_execute0_lowered;
	s5 =	sadd.s32 s5, s7;
	[dreg:$0x0] =	wrdreg $0x0  }
0xae: {  	s7 =	sshll.u32 s28, $0x1;
	[dreg:$0x2] =	wrdreg s5  }
0xaf: {  	[dreg:$0x3] =	wrdreg s7  }
0xb0: {  	[dreg:$0x4] =	wrdreg $0xC0  }
0xb1: {  	_ =	task [dreg:s9], $0x5FFFF  }
0xb2: {  	[dreg:$0x1] =	wrdreg $0xFFFFFFFF  }
0xb3: {  	[dreg:$0x0] =	wrdreg $0x60  }
0xb4: {  	[dreg:$0x2] =	wrdreg s15  }
0xb5: {  	[dreg:$0x3] =	wrdreg s24  }
0xb6: {  	[dreg:$0x4] =	wrdreg s17  }
0xb7: {  	[dreg:$0x5] =	wrdreg s16  }
0xb8: {  	[dreg:$0x6] =	wrdreg $0x98800  }
0xb9: {  	[dreg:$0x7] =	wrdreg $0x1D1000  }
0xba: {  	[dreg:$0x8] =	wrdreg $0x9  }
0xbb: {  	_ =	task.clear_ibuf [dreg:s9], $0x9FFFF;
	_ =	strace $0x90000046  }
0xbc: {  	s29 =	simm.s32 $0x9;
	_ =	strace $0x80000048  }
0xbd: {  	_ =	swait.ge [sflag:s29], $0x1  }
0xbe: {  	[sflag:s29] =	ssyncadd.s32 $0xFFFFFFFF  }
0xbf: {  	_ =	strace $0x90000048  }
0xc0: {  	_ =	sfence  }
0xc1: {  	s30 =	sld [smem:$0x0];
	_ =	sdelay $0x2  }
0xc2: {  	s31 =	sshll.u32 s1, $0xD;
	s1 =	sshrl.u32 s1, $0x2  }
0xc3: {  	s3 =	sand.u32 $0x4000, s31;
	s1 =	sadd.s32 s1, s30  }
0xc4: {  	s0 =	sor.u32 s3, s0;
	s1 =	sshll.u32 s1, $0x11  }
0xc5: {  	s0 =	sor.u32 s1, s0  }
0xc6: {  	s0 =	sadd.s32 $0x8F2B, s0  }
0xc7: {  	[sflag:s0] =	ssyncadd.remote.s32 $0x1  }
0xc8: {  	_ =	sfence.sel $0xFFFF  }
0xc9: {  	[dreg:$0x0] =	wrdreg $0xFFFFFFFF;
	(pc) =	sbr.abs _section_cstart, $3  }
0xca: {  	[dreg:$0x1] =	wrdreg $0xFFFFFFFF  }
0xcb: {  	_ =	task.clear_ibuf [dreg:s9], $0x2FFFF;
	_ =	strace $0x9FFFFFFF  }
0xcc: {  	(tm) =	ssettm $0x7FFFFFFF  }
0xcd: {  	_ =	shalt  }
tec
execute0_lowered:
.L_overlay_start_1:
0x0: {  	(tag) =	ssettag $0x1  }
0x1: {  	s0 =	rddreg [dreg:$0x0]  }
0x2: {  	s1 =	rddreg [dreg:$0x1]  }
0x3: {  	s4 =	rddreg [dreg:$0x2]  }
0x4: {  	s5 =	rddreg [dreg:$0x3]  }
0x5: {  	s2 =	rddreg [dreg:$0x4]  }
0x6: {  	s3 =	rddreg [dreg:$0x5];
	s6 =	srdreg.scid  }
0x7: {  	s7 =	simm.s32 $0x0;
	s16 =	stileid.u32;
	p1 =	por $0x0, $0x0  }
0x8: {  	s28 =	simm.s32 $0x9800;
	s29 =	simm.s32 $0x100;
	s30 =	simm.s32 $0x7000  }
0x9: {  	s31 =	simm.s32 $0x2;
	s9 =	sand.u32 $0x1, s6;
	[smem:$0x7FF] =	sst s7  }
0xa: {  	s6 =	sadd.s32 $0x3C00, s1;
	s7 =	sadd.s32 $0x17C00, s1;
	s12 =	smul.u32 $0x4E000, s16  }
0xb: {  	s11 =	sadd.s32 $0x2BC00, s1;
	s15 =	smul.u32 $0x13800, s16;
	s1 =	sadd.s32 $0x2C200, s1  }
0xc: {  	p0 =	seq.s32 s16, $0x0;
	p4 =	sne.s32 s16, $0xF;
	s10 =	sshll.u32 s9, $0x4  }
0xd: {  	_ =	strace $0x80000047;
	[dreg:$0x7] =	wrdreg s11;
	s18 =	ssub.s32 $0x2, s9  }
0xe: {  	s9 =	smul.u32 $0x138800, s9;
	p3 =	sne.s32 @!p0 s16, $0xF;
	s8 =	sor.u32 s16, s10  }
0xf: {  	s13 =	sshrl.u32 s18, $0x1;
	s12 =	sshrl.u32 s12, $0x2;
	s20 =	sshrl.u32 s15, $0x3  }
0x10: {  	s25 =	sadd.s32 s5, s10;
	p2 =	por p3, p0;
	p3 =	por !p3, p0  }
0x11: {  	s10 =	simm.s32 $0x3;
	s16 =	simm.s32 $0x0;
	s8 =	smul.u32 $0x5000, s8  }
0x12: {  	s11 =	ssub.s32 s18, s13;
	s12 =	sadd.s32 s12, s2;
	s21 =	sadd.s32 s4, s20  }
0x13: {  	s18 =	sadd.s32 $0x138000, s2;
	s22 =	sadd.s32 s15, s9;
	[dreg:$0x10] =	wrdreg s25  }
0x14: {  	s9 =	sshrl.u32 s9, $0x3;
	s4 =	sadd.s32 $0x27000, s4;
	[dreg:$0xa] =	wrdreg s12  }
0x15: {  	s20 =	simm.s32 $0x7;
	s25 =	simm.s32 $0x4800;
	[dreg:$0xb] =	wrdreg s21  }
0x16: {  	s13 =	simm.s32 $0x1B80;
	s15 =	simm.s32 $0x1C00;
	[dreg:$0xd] =	wrdreg s4  }
0x17: {  	s23 =	sshrl.u32 s22, $0x3;
	s9 =	sadd.s32 s1, s9;
	s26 =	smax.u32 s11, $0x1  }
0x18: {  	s21 =	simm.s32 $0x1000;
	s22 =	simm.s32 $0x50;
	s4 =	simm.s32 $0x4  }
0x19: {  	s11 =	simm.s32 $0x5;
	s12 =	simm.s32 $0x6;
	[dreg:$0xc] =	wrdreg s18  }
0x1a: {  	s14 =	sshrl.u32 s8, $0x3;
	s1 =	sadd.s32 s1, s23;
	[dreg:$0x11] =	wrdreg s26  }
0x1b: {  	s24 =	sadd.s32 $0x27000, s9;
	s23 =	simm.s32 $0x2000;
	[dreg:$0xe] =	wrdreg s1  }
0x1c: {  	s26 =	simm.s32 $0x1;
	s19 =	sadd.s32 s6, s14;
	[dreg:$0xf] =	wrdreg s24  }
0x1d: {  	s9 =	simm.s32 $0x180;
	s14 =	sadd.s32 s7, s14;
	[dreg:$0x8] =	wrdreg s19  }
0x1e: {  	v0 =	vimm.f32 $1.000000000e+00;
	s24 =	simm.s32 $0x80;
	s1 =	simm.s32 $0x1080;
	[dreg:$0x9] =	wrdreg s14  }
.LBB2_1:
0x1f: {  	s5 =	simm.s32 $0x0;
	s14 =	rddreg [dreg:$0x8]  }
0x20: {  	[tilespmem:s5], [sflag:$0x7] =	stream.linear.gather [hbm4b:s14+s5], $0xC80, $0x38;
	[tilespmem:$0x1D378] =	vst v63  }
0x21: {  	_ =	swait.ge [sflag:s20], $0xC80  }
0x22: {  	[sflag:s20] =	ssyncset.done $0x0  }
0x23: {  	s19 =	rddreg [dreg:$0x9];
	[sflag:s20] =	ssyncadd.s32 $0xFFFFF380  }
0x24: {  	[tilespmem:s21], [sflag:$0x7] =	stream.linear.gather [hbm4b:s19+s5], $0xC80, $0x38;
	[tilespmem:$0x1D378] =	vst v63  }
0x25: {  	_ =	swait.ge [sflag:s20], $0xC80  }
0x26: {  	[sflag:s20] =	ssyncset.done $0x0  }
0x27: {  	s17 =	stileid.u32;
	[sflag:s20] =	ssyncadd.s32 $0xFFFFF380  }
0x28: {  	[tilespmem:s23], [sflag:$0x1] =	stream.indirect.gather [hbm4b:s0+s22], $0x80, s5, s22, $0xb8;
	[tilespmem:$0x1D378] =	vst v63  }
0x29: {  	s19 =	rddreg [dreg:$0xa];
	s5 =	sshll.u32 s17, $0x6  }
0x2a: {  	s17 =	sor.u32 $0x1C07, s5;
	s5 =	sshrl.u32 s19, $0x3;
	s19 =	rddreg [dreg:$0xb]  }
0x2b: {  	[tilespmem:s25], [sflag:$0x2] =	stream.indirect.gather [hbm4b:s0+s22], $0x80, s24, s22, $0xb8;
	[tilespmem:$0x1D378] =	vst v63  }
0x2c: {  	[dreg:$0x13] =	wrdreg s5  }
0x2d: {  	[spmem:s5], [sflag:s17] =	dma.local [hbm:s19], $0x2700  }
0x2e: {  	_ =	swait.ge [sflag:s20], $0x2700  }
0x2f: {  	[sflag:s20] =	ssyncset.done $0x0  }
0x30: {  	s5 =	sshrl.u32 @p0 s3, $0x3;
	s14 =	rddreg [dreg:$0x7];
	[sflag:s20] =	ssyncadd.s32 $0xFFFFD900  }
0x31: {  	[spmem:s5], [sflag:s17] =	dma.local @p0 [hbm:s14], $0x4F0  }
0x32: {  	s5 =	simm.s32 @p0 $0x7  }
0x33: {  	_ =	swait.ge @p0 [sflag:s5], $0x4F0  }
0x34: {  	[sflag:s5] =	ssyncset.done @p0 $0x0  }
0x35: {  	s14 =	rddreg [dreg:$0xd];
	[sflag:s5] =	ssyncadd.s32 @p0 $0xFFFFFB10;
	s5 =	sshrl.u32 @!p2 s18, $0x3  }
0x36: {  	[spmem:s5], [sflag:s17] =	dma.local @!p2 [hbm:s14], $0x100  }
0x37: {  	s5 =	simm.s32 @!p2 $0x7  }
0x38: {  	_ =	swait.ge @!p2 [sflag:s5], $0x100  }
0x39: {  	[sflag:s5] =	ssyncset.done @!p2 $0x0  }
0x3a: {  	[sflag:s5] =	ssyncadd.s32 @!p2 $0xFFFFFF00  }
0x3b: {  	[tilespmem:$0x9800] =	vst v0  }
0x3c: {  	[tilespmem:$0x9810] =	vst v0  }
0x3d: {  	[tilespmem:$0x9820] =	vst v0  }
0x3e: {  	[tilespmem:$0x9830] =	vst v0  }
0x3f: {  	[tilespmem:$0x9840] =	vst v0  }
0x40: {  	[bflag:$0x0] =	sbarrier.arrive $0xFFFF  }
0x41: {  	_ =	swait.ge [sflag:s26], $0x2800  }
0x42: {  	[sflag:s26] =	ssyncset.done $0x0  }
0x43: {  	[sflag:s26] =	ssyncadd.s32 $0xFFFFD800  }
0x44: {  	[spmem:s2] =	stream.indirect.scatter.add.f32 [tilespmem:s23], [sflag:$0x4], $0x80, s21, s22, $0xb8;
	[tilespmem:$0x1D378] =	vst v63  }
0x45: {  	_ = 	snop  }
0x46: {  	[spmem:s3] =	stream.indirect.scatter.add.f32 [tilespmem:s28], [sflag:$0x4], $0x1, s21, s22, $0xb8;
	[tilespmem:$0x1D378] =	vst v63  }
0x47: {  	_ = 	snop  }
0x48: {  	[tilespmem:s30], [sflag:$0x3] =	stream.indirect.gather [hbm4b:s0+s22], $0x80, s29, s22, $0xb8;
	[tilespmem:$0x1D378] =	vst v63  }
0x49: {  	_ =	swait.ge [sflag:s31], $0x2800  }
0x4a: {  	[sflag:s31] =	ssyncset.done $0x0  }
0x4b: {  	[sflag:s31] =	ssyncadd.s32 $0xFFFFD800  }
0x4c: {  	[spmem:s2] =	stream.indirect.scatter.add.f32 [tilespmem:s25], [sflag:$0x5], $0x80, s1, s22, $0xb8;
	[tilespmem:$0x1D378] =	vst v63  }
0x4d: {  	_ = 	snop  }
0x4e: {  	[spmem:s3] =	stream.indirect.scatter.add.f32 [tilespmem:s28], [sflag:$0x5], $0x1, s1, s22, $0xb8;
	[tilespmem:$0x1D378] =	vst v63  }
0x4f: {  	_ =	swait.ge [sflag:s4], $0x2800  }
0x50: {  	[sflag:s4] =	ssyncset.done $0x0  }
0x51: {  	[sflag:s4] =	ssyncadd.s32 $0xFFFFD800  }
0x52: {  	_ =	swait.ge [sflag:s4], $0x50  }
0x53: {  	[sflag:s4] =	ssyncset.done $0x0  }
0x54: {  	[sflag:s4] =	ssyncadd.s32 $0xFFFFFFB0  }
0x55: {  	[tilespmem:s23], [sflag:$0x1] =	stream.indirect.gather [hbm4b:s0+s22], $0x80, s9, s22, $0xb8;
	[tilespmem:$0x1D378] =	vst v63  }
0x56: {  	_ =	swait.ge [sflag:s10], $0x2800  }
0x57: {  	[sflag:s10] =	ssyncset.done $0x0  }
0x58: {  	s18 =	simm.s32 $0x1100;
	[sflag:s10] =	ssyncadd.s32 $0xFFFFD800  }
0x59: {  	[spmem:s2] =	stream.indirect.scatter.add.f32 [tilespmem:s30], [sflag:$0x6], $0x80, s18, s22, $0xb8;
	[tilespmem:$0x1D378] =	vst v63  }
0x5a: {  	_ = 	snop  }
0x5b: {  	[spmem:s3] =	stream.indirect.scatter.add.f32 [tilespmem:s28], [sflag:$0x6], $0x1, s18, s22, $0xb8;
	[tilespmem:$0x1D378] =	vst v63  }
0x5c: {  	_ =	swait.ge [sflag:s11], $0x2800  }
0x5d: {  	[sflag:s11] =	ssyncset.done $0x0  }
0x5e: {  	[sflag:s11] =	ssyncadd.s32 $0xFFFFD800  }
0x5f: {  	_ =	swait.ge [sflag:s11], $0x50  }
0x60: {  	[sflag:s11] =	ssyncset.done $0x0  }
0x61: {  	s19 =	simm.s32 $0x200;
	[sflag:s11] =	ssyncadd.s32 $0xFFFFFFB0  }
0x62: {  	[tilespmem:s25], [sflag:$0x2] =	stream.indirect.gather [hbm4b:s0+s22], $0x80, s19, s22, $0xb8;
	[tilespmem:$0x1D378] =	vst v63  }
0x63: {  	_ =	swait.ge [sflag:s26], $0x2800  }
0x64: {  	[sflag:s26] =	ssyncset.done $0x0  }
0x65: {  	s14 =	simm.s32 $0x1180;
	[sflag:s26] =	ssyncadd.s32 $0xFFFFD800  }
0x66: {  	[spmem:s2] =	stream.indirect.scatter.add.f32 [tilespmem:s23], [sflag:$0x4], $0x80, s14, s22, $0xb8;
	[tilespmem:$0x1D378] =	vst v63  }
0x67: {  	_ = 	snop  }
0x68: {  	[spmem:s3] =	stream.indirect.scatter.add.f32 [tilespmem:s28], [sflag:$0x4], $0x1, s14, s22, $0xb8;
	[tilespmem:$0x1D378] =	vst v63  }
0x69: {  	_ =	swait.ge [sflag:s12], $0x2800  }
0x6a: {  	[sflag:s12] =	ssyncset.done $0x0  }
0x6b: {  	[sflag:s12] =	ssyncadd.s32 $0xFFFFD800  }
0x6c: {  	_ =	swait.ge [sflag:s12], $0x50  }
0x6d: {  	[sflag:s12] =	ssyncset.done $0x0  }
0x6e: {  	s18 =	simm.s32 $0x280;
	[sflag:s12] =	ssyncadd.s32 $0xFFFFFFB0  }
0x6f: {  	[tilespmem:s30], [sflag:$0x3] =	stream.indirect.gather [hbm4b:s0+s22], $0x80, s18, s22, $0xb8;
	[tilespmem:$0x1D378] =	vst v63  }
0x70: {  	_ =	swait.ge [sflag:s31], $0x2800  }
0x71: {  	[sflag:s31] =	ssyncset.done $0x0  }
0x72: {  	s19 =	simm.s32 $0x1200;
	[sflag:s31] =	ssyncadd.s32 $0xFFFFD800  }
0x73: {  	[spmem:s2] =	stream.indirect.scatter.add.f32 [tilespmem:s25], [sflag:$0x5], $0x80, s19, s22, $0xb8;
	[tilespmem:$0x1D378] =	vst v63  }
0x74: {  	_ = 	snop  }
0x75: {  	[spmem:s3] =	stream.indirect.scatter.add.f32 [tilespmem:s28], [sflag:$0x5], $0x1, s19, s22, $0xb8;
	[tilespmem:$0x1D378] =	vst v63  }
0x76: {  	_ =	swait.ge [sflag:s4], $0x2800  }
0x77: {  	[sflag:s4] =	ssyncset.done $0x0  }
0x78: {  	p6 =	por @!p2 $0x0, $0x0;
	[sflag:s4] =	ssyncadd.s32 $0xFFFFD800  }
0x79: {  	p5 =	por @p0 $0x1, $0x1;
	p6 =	por @!p3 p1, p1;
	_ =	swait.ge [sflag:s4], $0x50  }
0x7a: {  	p5 =	por @!p0 p6, p6;
	[sflag:s4] =	ssyncset.done $0x0  }
0x7b: {  	s5 =	simm.s32 $0x300;
	s19 =	simm.s32 $0x600;
	[sflag:s4] =	ssyncadd.s32 $0xFFFFFFB0  }
.LBB2_2:
0x7c: {  	[tilespmem:s23], [sflag:$0x1] =	stream.indirect.gather [hbm4b:s0+s22], $0x80, s5, s22, $0xb8;
	[tilespmem:$0x1D378] =	vst v63  }
0x7d: {  	s5 =	smov.u32 s19  }
0x7e: {  	p6 =	sne.s32 s19, $0x2400;
	s19 =	sadd.s32 $0x600, s19;
	_ =	swait.ge [sflag:s10], $0x2800  }
0x7f: {  	s5 =	sshra.s32 s5, $0x2;
	[sflag:s10] =	ssyncset.done $0x0  }
0x80: {  	s14 =	sadd.s32 $0x1100, s5;
	[sflag:s10] =	ssyncadd.s32 $0xFFFFD800  }
0x81: {  	[spmem:s2] =	stream.indirect.scatter.add.f32 [tilespmem:s30], [sflag:$0x6], $0x80, s14, s22, $0xb8;
	[tilespmem:$0x1D378] =	vst v63  }
0x82: {  	_ = 	snop  }
0x83: {  	[spmem:s3] =	stream.indirect.scatter.add.f32 [tilespmem:s28], [sflag:$0x6], $0x1, s14, s22, $0xb8;
	[tilespmem:$0x1D378] =	vst v63  }
0x84: {  	_ =	swait.ge [sflag:s11], $0x2800  }
0x85: {  	[sflag:s11] =	ssyncset.done $0x0  }
0x86: {  	[sflag:s11] =	ssyncadd.s32 $0xFFFFD800  }
0x87: {  	_ =	swait.ge [sflag:s11], $0x50  }
0x88: {  	[sflag:s11] =	ssyncset.done $0x0  }
0x89: {  	s14 =	sadd.s32 $0x200, s5;
	[sflag:s11] =	ssyncadd.s32 $0xFFFFFFB0  }
0x8a: {  	[tilespmem:s25], [sflag:$0x2] =	stream.indirect.gather [hbm4b:s0+s22], $0x80, s14, s22, $0xb8;
	[tilespmem:$0x1D378] =	vst v63  }
0x8b: {  	_ =	swait.ge [sflag:s26], $0x2800  }
0x8c: {  	[sflag:s26] =	ssyncset.done $0x0  }
0x8d: {  	s14 =	sadd.s32 $0x1180, s5;
	[sflag:s26] =	ssyncadd.s32 $0xFFFFD800  }
0x8e: {  	[spmem:s2] =	stream.indirect.scatter.add.f32 [tilespmem:s23], [sflag:$0x4], $0x80, s14, s22, $0xb8;
	[tilespmem:$0x1D378] =	vst v63  }
0x8f: {  	_ = 	snop  }
0x90: {  	[spmem:s3] =	stream.indirect.scatter.add.f32 [tilespmem:s28], [sflag:$0x4], $0x1, s14, s22, $0xb8;
	[tilespmem:$0x1D378] =	vst v63  }
0x91: {  	_ =	swait.ge [sflag:s12], $0x2800  }
0x92: {  	[sflag:s12] =	ssyncset.done $0x0  }
0x93: {  	[sflag:s12] =	ssyncadd.s32 $0xFFFFD800  }
0x94: {  	_ =	swait.ge [sflag:s12], $0x50  }
0x95: {  	[sflag:s12] =	ssyncset.done $0x0  }
0x96: {  	s14 =	sadd.s32 $0x280, s5;
	[sflag:s12] =	ssyncadd.s32 $0xFFFFFFB0  }
0x97: {  	[tilespmem:s30], [sflag:$0x3] =	stream.indirect.gather [hbm4b:s0+s22], $0x80, s14, s22, $0xb8;
	[tilespmem:$0x1D378] =	vst v63  }
0x98: {  	_ =	swait.ge [sflag:s31], $0x2800  }
0x99: {  	[sflag:s31] =	ssyncset.done $0x0  }
0x9a: {  	s14 =	sadd.s32 $0x1200, s5;
	[sflag:s31] =	ssyncadd.s32 $0xFFFFD800  }
0x9b: {  	[spmem:s2] =	stream.indirect.scatter.add.f32 [tilespmem:s25], [sflag:$0x5], $0x80, s14, s22, $0xb8;
	[tilespmem:$0x1D378] =	vst v63  }
0x9c: {  	_ = 	snop  }
0x9d: {  	[spmem:s3] =	stream.indirect.scatter.add.f32 [tilespmem:s28], [sflag:$0x5], $0x1, s14, s22, $0xb8;
	[tilespmem:$0x1D378] =	vst v63  }
0x9e: {  	_ =	swait.ge [sflag:s4], $0x2800  }
.Ltmp0:
0x9f: {  	[sflag:s4] =	ssyncset.done $0x0;
	(pc) =	sbr.rel @p6 .LBB2_2-.Ltmp0, $4  }
0xa0: {  	[sflag:s4] =	ssyncadd.s32 $0xFFFFD800  }
0xa1: {  	_ =	swait.ge [sflag:s4], $0x50  }
0xa2: {  	[sflag:s4] =	ssyncset.done $0x0  }
0xa3: {  	s5 =	sadd.s32 $0x300, s5;
	[sflag:s4] =	ssyncadd.s32 $0xFFFFFFB0  }
0xa4: {  	[dreg:$0x12] =	wrdreg s16  }
0xa5: {  	[tilespmem:s23], [sflag:$0x1] =	stream.indirect.gather [hbm4b:s0+s22], $0x80, s5, s22, $0xb8;
	[tilespmem:$0x1D378] =	vst v63  }
0xa6: {  	_ =	swait.ge [sflag:s10], $0x2800  }
0xa7: {  	[sflag:s10] =	ssyncset.done $0x0  }
0xa8: {  	[sflag:s10] =	ssyncadd.s32 $0xFFFFD800  }
0xa9: {  	[spmem:s2] =	stream.indirect.scatter.add.f32 [tilespmem:s30], [sflag:$0x6], $0x80, s13, s22, $0xb8;
	[tilespmem:$0x1D378] =	vst v63  }
0xaa: {  	_ = 	snop  }
0xab: {  	[spmem:s3] =	stream.indirect.scatter.add.f32 [tilespmem:s28], [sflag:$0x6], $0x1, s13, s22, $0xb8;
	[tilespmem:$0x1D378] =	vst v63  }
0xac: {  	_ =	swait.ge [sflag:s11], $0x2800  }
0xad: {  	[sflag:s11] =	ssyncset.done $0x0  }
0xae: {  	[sflag:s11] =	ssyncadd.s32 $0xFFFFD800  }
0xaf: {  	_ =	swait.ge [sflag:s11], $0x50  }
0xb0: {  	[sflag:s11] =	ssyncset.done $0x0  }
0xb1: {  	s19 =	simm.s32 $0x1;
	[sflag:s11] =	ssyncadd.s32 $0xFFFFFFB0  }
0xb2: {  	_ =	swait.ge [sflag:s19], $0x2800  }
0xb3: {  	[sflag:s19] =	ssyncset.done $0x0  }
0xb4: {  	[sflag:s19] =	ssyncadd.s32 $0xFFFFD800  }
0xb5: {  	[spmem:s2] =	stream.indirect.scatter.add.f32 [tilespmem:s23], [sflag:$0x4], $0x80, s15, s22, $0xb8;
	[tilespmem:$0x1D378] =	vst v63  }
0xb6: {  	_ = 	snop  }
0xb7: {  	[spmem:s3] =	stream.indirect.scatter.add.f32 [tilespmem:s28], [sflag:$0x4], $0x1, s15, s22, $0xb8;
	[tilespmem:$0x1D378] =	vst v63  }
0xb8: {  	_ =	swait.ge [sflag:s12], $0x2800  }
0xb9: {  	[sflag:s12] =	ssyncset.done $0x0  }
0xba: {  	[sflag:s12] =	ssyncadd.s32 $0xFFFFD800  }
0xbb: {  	_ =	swait.ge [sflag:s12], $0x50  }
0xbc: {  	[sflag:s12] =	ssyncset.done $0x0  }
0xbd: {  	[sflag:s12] =	ssyncadd.s32 $0xFFFFFFB0  }
0xbe: {  	_ =	swait.ge [sflag:s4], $0x2800  }
0xbf: {  	[sflag:s4] =	ssyncset.done $0x0  }
0xc0: {  	[sflag:s4] =	ssyncadd.s32 $0xFFFFD800  }
0xc1: {  	_ =	swait.ge [sflag:s4], $0x50  }
0xc2: {  	[sflag:s4] =	ssyncset.done $0x0  }
0xc3: {  	[sflag:s4] =	ssyncadd.s32 $0xFFFFFFB0  }
.LBB2_4:
0xc4: {  	s5 =	sshll.u32 s19, $0xC  }
0xc5: {  	s5 =	sadd.s32 s8, s5  }
0xc6: {  	s5 =	sshrl.u32 s5, $0x3  }
0xc7: {  	s18 =	simm.s32 $0x0;
	s14 =	sadd.s32 s6, s5  }
0xc8: {  	[tilespmem:s18], [sflag:$0x7] =	stream.linear.gather [hbm4b:s14+s18], $0xC80, $0x38;
	[tilespmem:$0x1D378] =	vst v63  }
0xc9: {  	_ =	swait.ge [sflag:s20], $0xC80  }
0xca: {  	[sflag:s20] =	ssyncset.done $0x0  }
0xcb: {  	s5 =	sadd.s32 s7, s5;
	[sflag:s20] =	ssyncadd.s32 $0xFFFFF380  }
0xcc: {  	[tilespmem:s21], [sflag:$0x7] =	stream.linear.gather [hbm4b:s5+s18], $0xC80, $0x38;
	[tilespmem:$0x1D378] =	vst v63  }
0xcd: {  	_ =	swait.ge [sflag:s20], $0xC80  }
0xce: {  	[sflag:s20] =	ssyncset.done $0x0  }
0xcf: {  	[sflag:s20] =	ssyncadd.s32 $0xFFFFF380  }
0xd0: {  	[tilespmem:s23], [sflag:$0x1] =	stream.indirect.gather [hbm4b:s0+s22], $0x80, s18, s22, $0xb8;
	[tilespmem:$0x1D378] =	vst v63  }
0xd1: {  	_ = 	snop  }
0xd2: {  	[tilespmem:s25], [sflag:$0x2] =	stream.indirect.gather [hbm4b:s0+s22], $0x80, s24, s22, $0xb8;
	[tilespmem:$0x1D378] =	vst v63  }
0xd3: {  	_ =	swait.ge [sflag:s26], $0x2800  }
0xd4: {  	[sflag:s26] =	ssyncset.done $0x0  }
0xd5: {  	[sflag:s26] =	ssyncadd.s32 $0xFFFFD800  }
0xd6: {  	[spmem:s2] =	stream.indirect.scatter.add.f32 [tilespmem:s23], [sflag:$0x4], $0x80, s21, s22, $0xb8;
	[tilespmem:$0x1D378] =	vst v63  }
0xd7: {  	_ = 	snop  }
0xd8: {  	[spmem:s3] =	stream.indirect.scatter.add.f32 [tilespmem:s28], [sflag:$0x4], $0x1, s21, s22, $0xb8;
	[tilespmem:$0x1D378] =	vst v63  }
0xd9: {  	_ = 	snop  }
0xda: {  	[tilespmem:s30], [sflag:$0x3] =	stream.indirect.gather [hbm4b:s0+s22], $0x80, s29, s22, $0xb8;
	[tilespmem:$0x1D378] =	vst v63  }
0xdb: {  	_ =	swait.ge [sflag:s31], $0x2800  }
0xdc: {  	[sflag:s31] =	ssyncset.done $0x0  }
0xdd: {  	[sflag:s31] =	ssyncadd.s32 $0xFFFFD800  }
0xde: {  	[spmem:s2] =	stream.indirect.scatter.add.f32 [tilespmem:s25], [sflag:$0x5], $0x80, s1, s22, $0xb8;
	[tilespmem:$0x1D378] =	vst v63  }
0xdf: {  	_ = 	snop  }
0xe0: {  	[spmem:s3] =	stream.indirect.scatter.add.f32 [tilespmem:s28], [sflag:$0x5], $0x1, s1, s22, $0xb8;
	[tilespmem:$0x1D378] =	vst v63  }
0xe1: {  	_ =	swait.ge [sflag:s4], $0x2800  }
0xe2: {  	[sflag:s4] =	ssyncset.done $0x0  }
0xe3: {  	[sflag:s4] =	ssyncadd.s32 $0xFFFFD800  }
0xe4: {  	_ =	swait.ge [sflag:s4], $0x50  }
0xe5: {  	[sflag:s4] =	ssyncset.done $0x0  }
0xe6: {  	[sflag:s4] =	ssyncadd.s32 $0xFFFFFFB0  }
0xe7: {  	[tilespmem:s23], [sflag:$0x1] =	stream.indirect.gather [hbm4b:s0+s22], $0x80, s9, s22, $0xb8;
	[tilespmem:$0x1D378] =	vst v63  }
0xe8: {  	_ =	swait.ge [sflag:s10], $0x2800  }
0xe9: {  	[sflag:s10] =	ssyncset.done $0x0  }
0xea: {  	s16 =	simm.s32 $0x1100;
	[sflag:s10] =	ssyncadd.s32 $0xFFFFD800  }
0xeb: {  	[spmem:s2] =	stream.indirect.scatter.add.f32 [tilespmem:s30], [sflag:$0x6], $0x80, s16, s22, $0xb8;
	[tilespmem:$0x1D378] =	vst v63  }
0xec: {  	_ = 	snop  }
0xed: {  	[spmem:s3] =	stream.indirect.scatter.add.f32 [tilespmem:s28], [sflag:$0x6], $0x1, s16, s22, $0xb8;
	[tilespmem:$0x1D378] =	vst v63  }
0xee: {  	_ =	swait.ge [sflag:s11], $0x2800  }
0xef: {  	[sflag:s11] =	ssyncset.done $0x0  }
0xf0: {  	[sflag:s11] =	ssyncadd.s32 $0xFFFFD800  }
0xf1: {  	_ =	swait.ge [sflag:s11], $0x50  }
0xf2: {  	[sflag:s11] =	ssyncset.done $0x0  }
0xf3: {  	s18 =	simm.s32 $0x200;
	[sflag:s11] =	ssyncadd.s32 $0xFFFFFFB0  }
0xf4: {  	[tilespmem:s25], [sflag:$0x2] =	stream.indirect.gather [hbm4b:s0+s22], $0x80, s18, s22, $0xb8;
	[tilespmem:$0x1D378] =	vst v63  }
0xf5: {  	_ =	swait.ge [sflag:s26], $0x2800  }
0xf6: {  	[sflag:s26] =	ssyncset.done $0x0  }
0xf7: {  	s14 =	simm.s32 $0x1180;
	[sflag:s26] =	ssyncadd.s32 $0xFFFFD800  }
0xf8: {  	[spmem:s2] =	stream.indirect.scatter.add.f32 [tilespmem:s23], [sflag:$0x4], $0x80, s14, s22, $0xb8;
	[tilespmem:$0x1D378] =	vst v63  }
0xf9: {  	_ = 	snop  }
0xfa: {  	[spmem:s3] =	stream.indirect.scatter.add.f32 [tilespmem:s28], [sflag:$0x4], $0x1, s14, s22, $0xb8;
	[tilespmem:$0x1D378] =	vst v63  }
0xfb: {  	_ =	swait.ge [sflag:s12], $0x2800  }
0xfc: {  	[sflag:s12] =	ssyncset.done $0x0  }
0xfd: {  	[sflag:s12] =	ssyncadd.s32 $0xFFFFD800  }
0xfe: {  	_ =	swait.ge [sflag:s12], $0x50  }
0xff: {  	[sflag:s12] =	ssyncset.done $0x0  }
0x100: {  	s16 =	simm.s32 $0x280;
	[sflag:s12] =	ssyncadd.s32 $0xFFFFFFB0  }
0x101: {  	[tilespmem:s30], [sflag:$0x3] =	stream.indirect.gather [hbm4b:s0+s22], $0x80, s16, s22, $0xb8;
	[tilespmem:$0x1D378] =	vst v63  }
0x102: {  	_ =	swait.ge [sflag:s31], $0x2800  }
0x103: {  	[sflag:s31] =	ssyncset.done $0x0  }
0x104: {  	s18 =	simm.s32 $0x1200;
	[sflag:s31] =	ssyncadd.s32 $0xFFFFD800  }
0x105: {  	[spmem:s2] =	stream.indirect.scatter.add.f32 [tilespmem:s25], [sflag:$0x5], $0x80, s18, s22, $0xb8;
	[tilespmem:$0x1D378] =	vst v63  }
0x106: {  	_ = 	snop  }
0x107: {  	[spmem:s3] =	stream.indirect.scatter.add.f32 [tilespmem:s28], [sflag:$0x5], $0x1, s18, s22, $0xb8;
	[tilespmem:$0x1D378] =	vst v63  }
0x108: {  	_ =	swait.ge [sflag:s4], $0x2800  }
0x109: {  	[sflag:s4] =	ssyncset.done $0x0  }
0x10a: {  	[sflag:s4] =	ssyncadd.s32 $0xFFFFD800  }
0x10b: {  	_ =	swait.ge [sflag:s4], $0x50  }
0x10c: {  	[sflag:s4] =	ssyncset.done $0x0  }
0x10d: {  	s5 =	simm.s32 $0x600;
	s14 =	simm.s32 $0x300;
	[sflag:s4] =	ssyncadd.s32 $0xFFFFFFB0  }
.LBB2_5:
0x10e: {  	[tilespmem:s23], [sflag:$0x1] =	stream.indirect.gather [hbm4b:s0+s22], $0x80, s14, s22, $0xb8;
	[tilespmem:$0x1D378] =	vst v63  }
0x10f: {  	s14 =	smov.u32 s5  }
0x110: {  	p6 =	sne.s32 s5, $0x2400;
	s5 =	sadd.s32 $0x600, s5;
	_ =	swait.ge [sflag:s10], $0x2800  }
0x111: {  	s14 =	sshra.s32 s14, $0x2;
	[sflag:s10] =	ssyncset.done $0x0  }
0x112: {  	s18 =	sadd.s32 $0x1100, s14;
	[sflag:s10] =	ssyncadd.s32 $0xFFFFD800  }
0x113: {  	[spmem:s2] =	stream.indirect.scatter.add.f32 [tilespmem:s30], [sflag:$0x6], $0x80, s18, s22, $0xb8;
	[tilespmem:$0x1D378] =	vst v63  }
0x114: {  	_ = 	snop  }
0x115: {  	[spmem:s3] =	stream.indirect.scatter.add.f32 [tilespmem:s28], [sflag:$0x6], $0x1, s18, s22, $0xb8;
	[tilespmem:$0x1D378] =	vst v63  }
0x116: {  	_ =	swait.ge [sflag:s11], $0x2800  }
0x117: {  	[sflag:s11] =	ssyncset.done $0x0  }
0x118: {  	[sflag:s11] =	ssyncadd.s32 $0xFFFFD800  }
0x119: {  	_ =	swait.ge [sflag:s11], $0x50  }
0x11a: {  	[sflag:s11] =	ssyncset.done $0x0  }
0x11b: {  	s18 =	sadd.s32 $0x200, s14;
	[sflag:s11] =	ssyncadd.s32 $0xFFFFFFB0  }
0x11c: {  	[tilespmem:s25], [sflag:$0x2] =	stream.indirect.gather [hbm4b:s0+s22], $0x80, s18, s22, $0xb8;
	[tilespmem:$0x1D378] =	vst v63  }
0x11d: {  	_ =	swait.ge [sflag:s26], $0x2800  }
0x11e: {  	[sflag:s26] =	ssyncset.done $0x0  }
0x11f: {  	s18 =	sadd.s32 $0x1180, s14;
	[sflag:s26] =	ssyncadd.s32 $0xFFFFD800  }
0x120: {  	[spmem:s2] =	stream.indirect.scatter.add.f32 [tilespmem:s23], [sflag:$0x4], $0x80, s18, s22, $0xb8;
	[tilespmem:$0x1D378] =	vst v63  }
0x121: {  	_ = 	snop  }
0x122: {  	[spmem:s3] =	stream.indirect.scatter.add.f32 [tilespmem:s28], [sflag:$0x4], $0x1, s18, s22, $0xb8;
	[tilespmem:$0x1D378] =	vst v63  }
0x123: {  	_ =	swait.ge [sflag:s12], $0x2800  }
0x124: {  	[sflag:s12] =	ssyncset.done $0x0  }
0x125: {  	[sflag:s12] =	ssyncadd.s32 $0xFFFFD800  }
0x126: {  	_ =	swait.ge [sflag:s12], $0x50  }
0x127: {  	[sflag:s12] =	ssyncset.done $0x0  }
0x128: {  	s18 =	sadd.s32 $0x280, s14;
	[sflag:s12] =	ssyncadd.s32 $0xFFFFFFB0  }
0x129: {  	[tilespmem:s30], [sflag:$0x3] =	stream.indirect.gather [hbm4b:s0+s22], $0x80, s18, s22, $0xb8;
	[tilespmem:$0x1D378] =	vst v63  }
0x12a: {  	_ =	swait.ge [sflag:s31], $0x2800  }
0x12b: {  	[sflag:s31] =	ssyncset.done $0x0  }
0x12c: {  	s18 =	sadd.s32 $0x1200, s14;
	[sflag:s31] =	ssyncadd.s32 $0xFFFFD800  }
0x12d: {  	[spmem:s2] =	stream.indirect.scatter.add.f32 [tilespmem:s25], [sflag:$0x5], $0x80, s18, s22, $0xb8;
	[tilespmem:$0x1D378] =	vst v63  }
0x12e: {  	_ = 	snop  }
0x12f: {  	[spmem:s3] =	stream.indirect.scatter.add.f32 [tilespmem:s28], [sflag:$0x5], $0x1, s18, s22, $0xb8;
	[tilespmem:$0x1D378] =	vst v63  }
0x130: {  	_ =	swait.ge [sflag:s4], $0x2800  }
.Ltmp1:
0x131: {  	[sflag:s4] =	ssyncset.done $0x0;
	(pc) =	sbr.rel @p6 .LBB2_5-.Ltmp1, $4  }
0x132: {  	[sflag:s4] =	ssyncadd.s32 $0xFFFFD800  }
0x133: {  	_ =	swait.ge [sflag:s4], $0x50  }
0x134: {  	[sflag:s4] =	ssyncset.done $0x0  }
0x135: {  	s14 =	sadd.s32 $0x300, s14;
	[sflag:s4] =	ssyncadd.s32 $0xFFFFFFB0  }
0x136: {  	[tilespmem:s23], [sflag:$0x1] =	stream.indirect.gather [hbm4b:s0+s22], $0x80, s14, s22, $0xb8;
	[tilespmem:$0x1D378] =	vst v63  }
0x137: {  	_ =	swait.ge [sflag:s10], $0x2800  }
0x138: {  	[sflag:s10] =	ssyncset.done $0x0  }
0x139: {  	[sflag:s10] =	ssyncadd.s32 $0xFFFFD800  }
0x13a: {  	[spmem:s2] =	stream.indirect.scatter.add.f32 [tilespmem:s30], [sflag:$0x6], $0x80, s13, s22, $0xb8;
	[tilespmem:$0x1D378] =	vst v63  }
0x13b: {  	_ = 	snop  }
0x13c: {  	[spmem:s3] =	stream.indirect.scatter.add.f32 [tilespmem:s28], [sflag:$0x6], $0x1, s13, s22, $0xb8;
	[tilespmem:$0x1D378] =	vst v63  }
0x13d: {  	_ =	swait.ge [sflag:s11], $0x2800  }
0x13e: {  	[sflag:s11] =	ssyncset.done $0x0  }
0x13f: {  	[sflag:s11] =	ssyncadd.s32 $0xFFFFD800  }
0x140: {  	_ =	swait.ge [sflag:s11], $0x50  }
0x141: {  	[sflag:s11] =	ssyncset.done $0x0  }
0x142: {  	[sflag:s11] =	ssyncadd.s32 $0xFFFFFFB0  }
0x143: {  	_ =	swait.ge [sflag:s26], $0x2800  }
0x144: {  	[sflag:s26] =	ssyncset.done $0x0  }
0x145: {  	[sflag:s26] =	ssyncadd.s32 $0xFFFFD800  }
0x146: {  	[spmem:s2] =	stream.indirect.scatter.add.f32 [tilespmem:s23], [sflag:$0x4], $0x80, s15, s22, $0xb8;
	[tilespmem:$0x1D378] =	vst v63  }
0x147: {  	_ = 	snop  }
0x148: {  	[spmem:s3] =	stream.indirect.scatter.add.f32 [tilespmem:s28], [sflag:$0x4], $0x1, s15, s22, $0xb8;
	[tilespmem:$0x1D378] =	vst v63  }
0x149: {  	_ =	swait.ge [sflag:s12], $0x2800  }
0x14a: {  	[sflag:s12] =	ssyncset.done $0x0  }
0x14b: {  	[sflag:s12] =	ssyncadd.s32 $0xFFFFD800  }
0x14c: {  	_ =	swait.ge [sflag:s12], $0x50  }
0x14d: {  	[sflag:s12] =	ssyncset.done $0x0  }
0x14e: {  	s19 =	sadd.s32 $0x1, s19;
	[sflag:s12] =	ssyncadd.s32 $0xFFFFFFB0  }
0x14f: {  	p6 =	sne.s32 s19, $0x5;
	_ =	swait.ge [sflag:s4], $0x2800  }
.Ltmp2:
0x150: {  	[sflag:s4] =	ssyncset.done $0x0;
	(pc) =	sbr.rel @p6 .LBB2_4-.Ltmp2, $4  }
0x151: {  	[sflag:s4] =	ssyncadd.s32 $0xFFFFD800  }
0x152: {  	_ =	swait.ge [sflag:s4], $0x50  }
0x153: {  	[sflag:s4] =	ssyncset.done $0x0  }
0x154: {  	[sflag:s4] =	ssyncadd.s32 $0xFFFFFFB0  }
0x155: {  	[bflag:$0x0] =	sbarrier.arrive $0xFFFF  }
0x156: {  	s5 =	rddreg [dreg:$0xe]  }
0x157: {  	s14 =	rddreg [dreg:$0x13]  }
0x158: {  	[hbm:s5], [sflag:s17] =	dma.local [spmem:s14], $0x2700  }
0x159: {  	_ =	swait.ge [sflag:s20], $0x2700  }
0x15a: {  	[sflag:s20] =	ssyncset.done $0x0;
	s18 =	rddreg [dreg:$0xc]  }
0x15b: {  	s14 =	rddreg [dreg:$0xf];
	[sflag:s20] =	ssyncadd.s32 $0xFFFFD900;
	s5 =	sshrl.u32 @!p4 s18, $0x3  }
0x15c: {  	[hbm:s14], [sflag:s17] =	dma.local @!p4 [spmem:s5], $0x100  }
0x15d: {  	s5 =	simm.s32 @!p4 $0x7  }
0x15e: {  	s16 =	simm.s32 @p5 $0x20;
	s19 =	simm.s32 @p5 $0x10;
	_ =	swait.ge @!p4 [sflag:s5], $0x100  }
0x15f: {  	s24 =	smov.u32 s17;
	s14 =	simm.s32 @p5 $0x1;
	[sflag:s5] =	ssyncset.done @!p4 $0x0  }
0x160: {  	s17 =	rddreg [dreg:$0x10];
	[sflag:s5] =	ssyncadd.s32 @!p4 $0xFFFFFF00;
	s5 =	sshrl.u32 @p5 s3, $0x3  }
0x161: {  	[hbm:s17@s16], [sflag:s24] =	dma.strided @p5 [spmem:s5@s19], $0x4F0, s14, $0x10   }
0x162: {  	s5 =	simm.s32 @p5 $0x7  }
0x163: {  	_ =	swait.ge @p5 [sflag:s5], $0x4F0  }
0x164: {  	s17 =	rddreg [dreg:$0x12]  }
0x165: {  	s19 =	rddreg [dreg:$0x11];
	s16 =	sadd.s32 $0x1, s17  }
0x166: {  	p6 =	sne.s32 s16, s19  }
.Ltmp3:
0x167: {  	_ = 	snop;
	(pc) =	sbr.rel @p6 .LBB2_1-.Ltmp3, $3  }
0x168: {  	_ =	sdelay $0x1  }
0x169: {  	[sflag:s5] =	ssyncset.done @p5 $0x0  }
0x16a: {  	s24 =	simm.s32 $0x80;
	[sflag:s5] =	ssyncadd.s32 @p5 $0xFFFFFB10  }
0x16b: {  	_ =	sfence.sel $0x180000  }
0x16c: {  	[bflag:$0x0] =	sbarrier.arrive $0xFFFF  }
0x16d: {  	_ =	strace $0x90000047  }
0x16e: {  	s0 =	stileid.u32;
	[bflag:$0x2] =	sbarrier.arrive $0xFFFF  }
0x16f: {  	p0 =	sne.s32 s0, $0x0;
	s0 =	rddreg [dreg:$0x6]  }
0x170: {  	s0 =	sadd.s32 @!p0 $0x100000, s0  }
0x171: {  	[sflag:s0] =	ssyncadd.tile.s32 @!p0 $0x1;
	_ =	shalt  }
.Lfunc_end2:
_tile_overlayer_lowered:
.L_overlay_start_2:
0x172: {  	(tag) =	ssettag $0x2  }
0x173: {  	s0 =	rddreg [dreg:$0x0];
	s2 =	stileid.u32  }
0x174: {  	s1 =	rddreg [dreg:$0x1];
	p0 =	sne.s32 s2, $0x0  }
0x175: {  	s3 =	rddreg [dreg:$0x2];
	[bflag:$0x3] =	sbarrier.arrive $0xFFFF;
	s2 =	simm.s32 @!p0 $0x1C07  }
0x176: {  	[timem:s3], [sflag:s2] =	dma.local @!p0 [hbm:s0], s1  }
0x177: {  	s0 =	simm.s32 @!p0 $0x7  }
0x178: {  	_ =	swait.ge @!p0 [sflag:s0], s1  }
0x179: {  	s1 =	ssub.s32 @!p0 $0x0, s1;
	[sflag:s0] =	ssyncset.done @!p0 $0x0  }
0x17a: {  	[sflag:s0] =	ssyncadd.s32 @!p0 s1  }
0x17b: {  	[bflag:$0x3] =	sbarrier.arrive $0xFFFF  }
0x17c: {  	_ =	shalt  }

</sc_bundles>
